<compile_context>
chip_gen: v7x
topology: tpu7x:2x2x1
jax: 0.10.2.dev20260603
libtpu: 0.0.44.dev20260713+nightly
codegen_flags: <defaults>
</compile_context>

<pallas_src>
import functools

import jax
import jax.numpy as jnp
from jax import lax
from jax.experimental import pallas as pl
from jax.experimental.pallas import tpu as pltpu
from jax.experimental.pallas import tpu_sc as plsc

N = 10000
D = 128
E = 320000
NLAYERS = 3

NC = 2
NS = 16
NW = NC * NS
CH = 128
CPT = 80
NH = 2
CPH = CPT // NH
EPT = CPT * CH
EPAD = EPT * NW
NROWS2D = EPAD // CH
DCPT = NROWS2D // NS

NPAD = 10240
RPT = NPAD // NS

_mesh = plsc.VectorSubcoreMesh(core_axis_name="c", subcore_axis_name="s")


def _sc_pass_body(g_hbm, src_hbm, dst_hbm, z_hbm, out_hbm,
                  src_v, dst_v, rows_a, rows_b, acc, sema, semb):
    c = lax.axis_index("c")
    s = lax.axis_index("s")
    wid = c * NS + s

    def wait_gather(buf, sem):
        pltpu.make_async_copy(g_hbm.at[src_v.at[0]], buf, sem).wait()

    pltpu.sync_copy(src_hbm.at[wid, 0], src_v)
    pltpu.sync_copy(dst_hbm.at[wid, 0], dst_v)
    pltpu.async_copy(g_hbm.at[src_v.at[1]], rows_b, semb)
    pltpu.sync_copy(z_hbm, rows_a)
    for k in range(RPT // CH):
        pltpu.sync_copy(rows_a, acc.at[pl.ds(s * RPT + k * CH, CH)])
    pltpu.async_copy(g_hbm.at[src_v.at[0]], rows_a, sema)
    plsc.subcore_barrier()

    for h in range(NH):
        if h > 0:
            pltpu.sync_copy(src_hbm.at[wid, h], src_v)
            pltpu.sync_copy(dst_hbm.at[wid, h], dst_v)
            pltpu.async_copy(g_hbm.at[src_v.at[0]], rows_a, sema)
            pltpu.async_copy(g_hbm.at[src_v.at[1]], rows_b, semb)

        def body(j, t):
            a = 2 * j
            wait_gather(rows_a, sema)
            pltpu.sync_copy(rows_a, acc.at[dst_v.at[a]], add=True)
            pltpu.async_copy(g_hbm.at[src_v.at[jnp.minimum(a + 2, CPH - 1)]],
                             rows_a, sema)
            b = a + 1
            wait_gather(rows_b, semb)
            pltpu.sync_copy(rows_b, acc.at[dst_v.at[b]], add=True)
            pltpu.async_copy(g_hbm.at[src_v.at[jnp.minimum(b + 2, CPH - 1)]],
                             rows_b, semb)
            return t

        lax.fori_loop(0, CPH // 2, body, 0)
        wait_gather(rows_a, sema)
        wait_gather(rows_b, semb)
    plsc.subcore_barrier()
    for k in range(RPT // CH):
        r0 = s * RPT + k * CH
        pltpu.sync_copy(acc.at[pl.ds(r0, CH)], rows_a)
        pltpu.sync_copy(rows_a, out_hbm.at[c, pl.ds(r0, CH)])


_sc_pass = pl.kernel(
    _sc_pass_body, mesh=_mesh,
    out_type=jax.ShapeDtypeStruct((NC, NPAD, D), jnp.float32),
    scratch_types=[
        pltpu.VMEM((CPH, CH), jnp.int32),
        pltpu.VMEM((CPH, CH), jnp.int32),
        pltpu.VMEM((CH, D), jnp.float32),
        pltpu.VMEM((CH, D), jnp.float32),
        pltpu.VMEM_SHARED((NPAD, D), jnp.float32),
        pltpu.SemaphoreType.DMA,
        pltpu.SemaphoreType.DMA,
    ],
)


def _sc_deg_body(uq_hbm, z1_hbm, o1_hbm, out_hbm,
                 idx_v, ones_v, zb1, acc1):
    c = lax.axis_index("c")
    s = lax.axis_index("s")
    pltpu.sync_copy(uq_hbm.at[c, s], idx_v)
    pltpu.sync_copy(o1_hbm, ones_v)
    pltpu.sync_copy(z1_hbm, zb1)
    pltpu.sync_copy(zb1, acc1.at[pl.ds(s * RPT, RPT)])
    plsc.subcore_barrier()

    def body(j, t):
        pltpu.sync_copy(ones_v, acc1.at[idx_v.at[j]], add=True)
        return t

    lax.fori_loop(0, DCPT, body, 0)
    plsc.subcore_barrier()
    pltpu.sync_copy(acc1.at[pl.ds(s * RPT, RPT)], zb1)
    pltpu.sync_copy(zb1, out_hbm.at[pl.ds(c * NPAD + s * RPT, RPT)])


_sc_deg = pl.kernel(
    _sc_deg_body, mesh=_mesh,
    out_type=jax.ShapeDtypeStruct((NC * NPAD,), jnp.float32),
    scratch_types=[
        pltpu.VMEM((DCPT, CH), jnp.int32),
        pltpu.VMEM((CH,), jnp.float32),
        pltpu.VMEM((RPT,), jnp.float32),
        pltpu.VMEM_SHARED((NPAD,), jnp.float32),
    ],
)

BR = 512


def _prep_body(du_ref, dq_ref, hq_ref, ue_ref, gq_ref, gu_ref):
    ru = lax.rsqrt(jnp.maximum(du_ref[...], 1.0))
    rq = lax.rsqrt(jnp.maximum(dq_ref[...], 1.0))
    gq_ref[...] = rq * hq_ref[...]
    gu_ref[...] = ru * ue_ref[...]


_prep = pl.pallas_call(
    _prep_body,
    grid=(NPAD // BR,),
    in_specs=[pl.BlockSpec((BR, D), lambda i: (i, 0))] * 4,
    out_specs=[pl.BlockSpec((BR, D), lambda i: (i, 0))] * 2,
    out_shape=[jax.ShapeDtypeStruct((NPAD, D), jnp.float32)] * 2,
)


def _layer_mid_body(p_ref, deg_ref, w_ref, b_ref, g_ref):
    r = lax.rsqrt(jnp.maximum(deg_ref[...], 1.0))
    h = jnp.dot((p_ref[0] + p_ref[1]) * r, w_ref[...],
                preferred_element_type=jnp.float32) + b_ref[...]
    g_ref[...] = r * jnp.maximum(h, 0.0)


_layer_mid = pl.pallas_call(
    _layer_mid_body,
    grid=(NPAD // BR,),
    in_specs=[
        pl.BlockSpec((NC, BR, D), lambda i: (0, i, 0)),
        pl.BlockSpec((BR, D), lambda i: (i, 0)),
        pl.BlockSpec((D, D), lambda i: (0, 0)),
        pl.BlockSpec((1, D), lambda i: (0, 0)),
    ],
    out_specs=pl.BlockSpec((BR, D), lambda i: (i, 0)),
    out_shape=jax.ShapeDtypeStruct((NPAD, D), jnp.float32),
)


def _layer_last_body(p_ref, dq_ref, w_ref, b_ref, o_ref):
    rq = lax.rsqrt(jnp.maximum(dq_ref[...], 1.0))
    m = (p_ref[0] + p_ref[1]) * rq
    o_ref[...] = jnp.dot(m, w_ref[...],
                         preferred_element_type=jnp.float32) + b_ref[...]


_layer_last = pl.pallas_call(
    _layer_last_body,
    grid=(NPAD // BR,),
    in_specs=[
        pl.BlockSpec((NC, BR, D), lambda i: (0, i, 0)),
        pl.BlockSpec((BR, D), lambda i: (i, 0)),
        pl.BlockSpec((D, D), lambda i: (0, 0)),
        pl.BlockSpec((1, D), lambda i: (0, 0)),
    ],
    out_specs=pl.BlockSpec((BR, D), lambda i: (i, 0)),
    out_shape=jax.ShapeDtypeStruct((NPAD, D), jnp.float32),
)


def kernel(h_qa, A_uq, u_embed, Wu, Wq, bu, bq):
    ii = A_uq.astype(jnp.int32)
    pad = N + jnp.arange(EPAD - E, dtype=jnp.int32) % (NPAD - N)
    u_pad = jnp.concatenate([ii[0], pad])
    q_pad = jnp.concatenate([ii[1], pad])
    u2s = u_pad.reshape(NW, NH, CPH, CH)
    q2s = q_pad.reshape(NW, NH, CPH, CH)
    uq = jnp.stack([u_pad, q_pad]).reshape(NC, NS, DCPT, CH)
    z2 = jnp.zeros((CH, D), jnp.float32)
    z1 = jnp.zeros((RPT,), jnp.float32)
    o1 = jnp.ones((CH,), jnp.float32)

    deg = _sc_deg(uq, z1, o1).reshape(NC, NPAD)
    DEGu = jnp.broadcast_to(deg[0][:, None], (NPAD, D))
    DEGq = jnp.broadcast_to(deg[1][:, None], (NPAD, D))
    hq_p = jnp.pad(h_qa, ((0, NPAD - N), (0, 0)))
    ue_p = jnp.pad(u_embed, ((0, NPAD - N), (0, 0)))
    gq, gu = _prep(DEGu, DEGq, hq_p, ue_p)

    for l in range(NLAYERS - 1):
        pu = _sc_pass(gq, q2s, u2s, z2)
        pq = _sc_pass(gu, u2s, q2s, z2)
        gu_new = _layer_mid(pu, DEGu, Wu[l], bu[l].reshape(1, D))
        gq = _layer_mid(pq, DEGq, Wq[l], bq[l].reshape(1, D))
        gu = gu_new

    lastq = _sc_pass(gu, u2s, q2s, z2)
    hq_out = _layer_last(lastq, DEGq, Wq[NLAYERS - 1],
                         bq[NLAYERS - 1].reshape(1, D))
    return hq_out[:N]

# --- scband reference (transcript-rebuilt; emitter-appended) ---
"""Pipeline reference for scband-student-gcnstage-28063316312878 (READ-ONLY COPY).

The authoritative reference and input builder live on the scoring server;
editing this copy changes nothing except your own understanding.
"""

import jax, jax.numpy as jnp
import numpy as np

N_STUDENTS = 10000
N_QUESTIONS = 10000
D = 128
E = 320000
N_LAYERS = 3


def setup_inputs(seed: int = 0) -> dict:
    key = jax.random.key(seed)
    ks = jax.random.split(key, 8)
    h_qa = jax.random.normal(ks[0], (N_QUESTIONS, D), dtype=jnp.float32)
    # edge list: row 0 = student index, row 1 = question index
    A_uq = jax.random.randint(ks[1], (2, E), 0, N_STUDENTS, dtype=jnp.int64)
    # nn.Embedding weight with xavier_uniform init
    lim_e = float(np.sqrt(6.0 / (N_STUDENTS + D)))
    u_embed = jax.random.uniform(ks[2], (N_STUDENTS, D), minval=-lim_e, maxval=lim_e, dtype=jnp.float32)
    lim_w = float(np.sqrt(6.0 / (D + D)))
    Wu = jax.random.uniform(ks[3], (N_LAYERS, D, D), minval=-lim_w, maxval=lim_w, dtype=jnp.float32)
    Wq = jax.random.uniform(ks[4], (N_LAYERS, D, D), minval=-lim_w, maxval=lim_w, dtype=jnp.float32)
    bu = jnp.zeros((N_LAYERS, D), dtype=jnp.float32)
    bq = jnp.zeros((N_LAYERS, D), dtype=jnp.float32)
    return {"h_qa": h_qa, "A_uq": A_uq, "u_embed": u_embed, "Wu": Wu, "Wq": Wq, "bu": bu, "bq": bq}


def reference(h_qa, A_uq, u_embed, Wu, Wq, bu, bq):
    # Eval mode: dropout is identity.
    u_idx = A_uq[0]
    q_idx = A_uq[1]
    # symmetric degree normalization over the bipartite graph
    deg_u = jnp.zeros((N_STUDENTS,), dtype=jnp.float32).at[u_idx].add(1.0)
    deg_q = jnp.zeros((N_QUESTIONS,), dtype=jnp.float32).at[q_idx].add(1.0)
    norm = jax.lax.rsqrt(jnp.maximum(deg_u[u_idx], 1.0) * jnp.maximum(deg_q[q_idx], 1.0))  # [E]
    h_u = u_embed
    h_q = h_qa
    for l in range(N_LAYERS):
        # message passing q -> u and u -> q (gather + scatter-add)
        m_u = jax.ops.segment_sum(norm[:, None] * h_q[q_idx], u_idx, num_segments=N_STUDENTS)
        m_q = jax.ops.segment_sum(norm[:, None] * h_u[u_idx], q_idx, num_segments=N_QUESTIONS)
        h_u_new = m_u @ Wu[l] + bu[l]
        h_q_new = m_q @ Wq[l] + bq[l]
        if l < N_LAYERS - 1:
            h_u_new = jax.nn.relu(h_u_new)
            h_q_new = jax.nn.relu(h_q_new)
        h_u, h_q = h_u_new, h_q_new
    return h_q

if __name__ == "__main__":
    import jax
    _d = setup_inputs()
    print(jax.jit(kernel)(*tuple(_d.values())))

</pallas_src>

<mosaic_0001>
#map = affine_map<(d0, d1) -> (0, 0, 0, 0)>
#map1 = affine_map<(d0, d1) -> (0)>
module attributes {stable_mosaic.version = 14 : i64} {
  func.func @_sc_deg_body(%arg0: i32, %arg1: i32, %arg2: memref<2x16x160x128xi32, #tpu.memory_space<hbm>>, %arg3: memref<640xf32, #tpu.memory_space<hbm>>, %arg4: memref<128xf32, #tpu.memory_space<hbm>>, %arg5: memref<20480xf32, #tpu.memory_space<hbm>>, %arg6: memref<160x128xi32, #tpu.memory_space<vmem>>, %arg7: memref<128xf32, #tpu.memory_space<vmem>>, %arg8: memref<640xf32, #tpu.memory_space<vmem>>, %arg9: memref<10240xf32, #tpu.memory_space<vmem_shared>>) attributes {dimension_semantics = [#tpu.dimension_semantics<core_parallel>, #tpu.dimension_semantics<subcore_parallel>], iteration_bounds = array<i64: 2, 16>, scalar_prefetch = 0 : i64, scratch_operands = 4 : i64, tpu.core_type = #tpu.core_type<sc_vector_subcore>, window_params = [{transform_indices = #map}, {transform_indices = #map1}, {transform_indices = #map1}, {transform_indices = #map1}]} {
    "tpu.region"() ({
      %run_scoped3A = tpu.sem_alloc : memref<!tpu.dma_semaphore, #tpu.memory_space<semaphore_mem>>
      %dma_start3A = arith.constant 0 : i32
      %dma_start3A_13 = arith.constant 0 : i32
      %dma_start3A_14 = tpu.memref_slice %arg2[%arg0, %arg1, %dma_start3A, %dma_start3A_13] : memref<2x16x160x128xi32, #tpu.memory_space<hbm>> -> memref<1x1x160x128xi32, #tpu.memory_space<hbm>>
      %dma_start3A_15 = tpu.memref_squeeze %dma_start3A_14 : memref<1x1x160x128xi32, #tpu.memory_space<hbm>> -> memref<160x128xi32, #tpu.memory_space<hbm>>
      %dma_start3A_16 = arith.constant 0 : i32
      %dma_start3A_17 = arith.constant 0 : i32
      %dma_start3A_18 = tpu.memref_slice %arg2[%arg0, %arg1, %dma_start3A_16, %dma_start3A_17] : memref<2x16x160x128xi32, #tpu.memory_space<hbm>> -> memref<1x1x160x128xi32, #tpu.memory_space<hbm>>
      %dma_start3A_19 = tpu.memref_squeeze %dma_start3A_18 : memref<1x1x160x128xi32, #tpu.memory_space<hbm>> -> memref<160x128xi32, #tpu.memory_space<hbm>>
      tpu.enqueue_dma source(%dma_start3A_19 : memref<160x128xi32, #tpu.memory_space<hbm>>) target(%arg6 : memref<160x128xi32, #tpu.memory_space<vmem>>) target_semaphore(%run_scoped3A : memref<!tpu.dma_semaphore, #tpu.memory_space<semaphore_mem>>)
      %dma_wait3A = arith.constant 0 : i32
      %dma_wait3A_20 = arith.constant 0 : i32
      %dma_wait3A_21 = tpu.memref_slice %arg2[%arg0, %arg1, %dma_wait3A, %dma_wait3A_20] : memref<2x16x160x128xi32, #tpu.memory_space<hbm>> -> memref<1x1x160x128xi32, #tpu.memory_space<hbm>>
      %dma_wait3A_22 = tpu.memref_squeeze %dma_wait3A_21 : memref<1x1x160x128xi32, #tpu.memory_space<hbm>> -> memref<160x128xi32, #tpu.memory_space<hbm>>
      %dma_wait3A_23 = arith.constant 0 : i32
      %dma_wait3A_24 = arith.constant 0 : i32
      %dma_wait3A_25 = tpu.memref_slice %arg2[%arg0, %arg1, %dma_wait3A_23, %dma_wait3A_24] : memref<2x16x160x128xi32, #tpu.memory_space<hbm>> -> memref<1x1x160x128xi32, #tpu.memory_space<hbm>>
      %dma_wait3A_26 = tpu.memref_squeeze %dma_wait3A_25 : memref<1x1x160x128xi32, #tpu.memory_space<hbm>> -> memref<160x128xi32, #tpu.memory_space<hbm>>
      tpu.wait_dma2 semaphore(%run_scoped3A : memref<!tpu.dma_semaphore, #tpu.memory_space<semaphore_mem>>) src(%dma_wait3A_26 : memref<160x128xi32, #tpu.memory_space<hbm>>) dst(%arg6 : memref<160x128xi32, #tpu.memory_space<vmem>>)
      tpu.yield
    }) : () -> ()
    "tpu.region"() ({
      %run_scoped3A = tpu.sem_alloc : memref<!tpu.dma_semaphore, #tpu.memory_space<semaphore_mem>>
      tpu.enqueue_dma source(%arg4 : memref<128xf32, #tpu.memory_space<hbm>>) target(%arg7 : memref<128xf32, #tpu.memory_space<vmem>>) target_semaphore(%run_scoped3A : memref<!tpu.dma_semaphore, #tpu.memory_space<semaphore_mem>>)
      tpu.wait_dma2 semaphore(%run_scoped3A : memref<!tpu.dma_semaphore, #tpu.memory_space<semaphore_mem>>) src(%arg4 : memref<128xf32, #tpu.memory_space<hbm>>) dst(%arg7 : memref<128xf32, #tpu.memory_space<vmem>>)
      tpu.yield
    }) : () -> ()
    "tpu.region"() ({
      %run_scoped3A = tpu.sem_alloc : memref<!tpu.dma_semaphore, #tpu.memory_space<semaphore_mem>>
      tpu.enqueue_dma source(%arg3 : memref<640xf32, #tpu.memory_space<hbm>>) target(%arg8 : memref<640xf32, #tpu.memory_space<vmem>>) target_semaphore(%run_scoped3A : memref<!tpu.dma_semaphore, #tpu.memory_space<semaphore_mem>>)
      tpu.wait_dma2 semaphore(%run_scoped3A : memref<!tpu.dma_semaphore, #tpu.memory_space<semaphore_mem>>) src(%arg3 : memref<640xf32, #tpu.memory_space<hbm>>) dst(%arg8 : memref<640xf32, #tpu.memory_space<vmem>>)
      tpu.yield
    }) : () -> ()
    %mul3A = arith.constant 640 : i32
    %mul3A_0 = arith.muli %arg1, %mul3A : i32
    "tpu.region"() ({
      %run_scoped3A = tpu.sem_alloc : memref<!tpu.dma_semaphore, #tpu.memory_space<semaphore_mem>>
      %dma_start3A = tpu.memref_slice %arg9[%mul3A_0] : memref<10240xf32, #tpu.memory_space<vmem_shared>> -> memref<640xf32, #tpu.memory_space<vmem_shared>>
      %dma_start3A_13 = tpu.memref_slice %arg9[%mul3A_0] : memref<10240xf32, #tpu.memory_space<vmem_shared>> -> memref<640xf32, #tpu.memory_space<vmem_shared>>
      tpu.enqueue_dma source(%arg8 : memref<640xf32, #tpu.memory_space<vmem>>) target(%dma_start3A_13 : memref<640xf32, #tpu.memory_space<vmem_shared>>) target_semaphore(%run_scoped3A : memref<!tpu.dma_semaphore, #tpu.memory_space<semaphore_mem>>)
      %dma_wait3A = tpu.memref_slice %arg9[%mul3A_0] : memref<10240xf32, #tpu.memory_space<vmem_shared>> -> memref<640xf32, #tpu.memory_space<vmem_shared>>
      %dma_wait3A_14 = tpu.memref_slice %arg9[%mul3A_0] : memref<10240xf32, #tpu.memory_space<vmem_shared>> -> memref<640xf32, #tpu.memory_space<vmem_shared>>
      tpu.wait_dma2 semaphore(%run_scoped3A : memref<!tpu.dma_semaphore, #tpu.memory_space<semaphore_mem>>) src(%arg8 : memref<640xf32, #tpu.memory_space<vmem>>) dst(%dma_wait3A_14 : memref<640xf32, #tpu.memory_space<vmem_shared>>)
      tpu.yield
    }) : () -> ()
    %barrier3A = arith.constant 0 : index
    tpu.barrier barrier_id(%barrier3A)
    %scan3A = arith.constant 0 : i32
    %scan3A_1 = arith.constant 0 : i32
    %scan3A_2 = arith.constant 160 : i32
    %scan3A_3 = arith.addi %scan3A_1, %scan3A_2 : i32
    %scan3A_4 = arith.constant 1 : i32
    scf.for %scan3A_13 = %scan3A_1 to %scan3A_3 step %scan3A_4  : i32 {
      "tpu.region"() ({
        %run_scoped3A = tpu.sem_alloc : memref<!tpu.dma_semaphore, #tpu.memory_space<semaphore_mem>>
        %dma_start3A = arith.constant 0 : i32
        %dma_start3A_14 = tpu.memref_slice %arg6[%scan3A_13, %dma_start3A] : memref<160x128xi32, #tpu.memory_space<vmem>> -> memref<1x128xi32, #tpu.memory_space<vmem>>
        %dma_start3A_15 = tpu.memref_squeeze %dma_start3A_14 : memref<1x128xi32, #tpu.memory_space<vmem>> -> memref<128xi32, #tpu.memory_space<vmem>>
        %dma_start3A_16 = arith.constant 0 : i32
        %dma_start3A_17 = tpu.memref_slice %arg9[%dma_start3A_16] : memref<10240xf32, #tpu.memory_space<vmem_shared>> -> memref<10240xf32, #tpu.memory_space<vmem_shared>>
        tpu.enqueue_indirect_dma source(%arg7 : memref<128xf32, #tpu.memory_space<vmem>>) target(%dma_start3A_17 : memref<10240xf32, #tpu.memory_space<vmem_shared>>) offsets(%dma_start3A_15 : memref<128xi32, #tpu.memory_space<vmem>>) semaphore(%run_scoped3A : memref<!tpu.dma_semaphore, #tpu.memory_space<semaphore_mem>>) {add = true}
        %dma_wait3A = arith.constant 0 : i32
        %dma_wait3A_18 = tpu.memref_slice %arg6[%scan3A_13, %dma_wait3A] : memref<160x128xi32, #tpu.memory_space<vmem>> -> memref<1x128xi32, #tpu.memory_space<vmem>>
        %dma_wait3A_19 = tpu.memref_squeeze %dma_wait3A_18 : memref<1x128xi32, #tpu.memory_space<vmem>> -> memref<128xi32, #tpu.memory_space<vmem>>
        %dma_wait3A_20 = arith.constant 0 : i32
        %dma_wait3A_21 = tpu.memref_slice %arg9[%dma_wait3A_20] : memref<10240xf32, #tpu.memory_space<vmem_shared>> -> memref<10240xf32, #tpu.memory_space<vmem_shared>>
        tpu.wait_indirect_dma semaphore(%run_scoped3A : memref<!tpu.dma_semaphore, #tpu.memory_space<semaphore_mem>>) src(%arg7 : memref<128xf32, #tpu.memory_space<vmem>>) dst(%dma_wait3A_21 : memref<10240xf32, #tpu.memory_space<vmem_shared>>)
        tpu.yield
      }) : () -> ()
    }
    %scan3A_5 = arith.constant 160 : i32
    %barrier3A_6 = arith.constant 0 : index
    tpu.barrier barrier_id(%barrier3A_6)
    %mul3A_7 = arith.constant 640 : i32
    %mul3A_8 = arith.muli %arg1, %mul3A_7 : i32
    "tpu.region"() ({
      %run_scoped3A = tpu.sem_alloc : memref<!tpu.dma_semaphore, #tpu.memory_space<semaphore_mem>>
      %dma_start3A = tpu.memref_slice %arg9[%mul3A_8] : memref<10240xf32, #tpu.memory_space<vmem_shared>> -> memref<640xf32, #tpu.memory_space<vmem_shared>>
      %dma_start3A_13 = tpu.memref_slice %arg9[%mul3A_8] : memref<10240xf32, #tpu.memory_space<vmem_shared>> -> memref<640xf32, #tpu.memory_space<vmem_shared>>
      tpu.enqueue_dma source(%dma_start3A_13 : memref<640xf32, #tpu.memory_space<vmem_shared>>) target(%arg8 : memref<640xf32, #tpu.memory_space<vmem>>) target_semaphore(%run_scoped3A : memref<!tpu.dma_semaphore, #tpu.memory_space<semaphore_mem>>)
      %dma_wait3A = tpu.memref_slice %arg9[%mul3A_8] : memref<10240xf32, #tpu.memory_space<vmem_shared>> -> memref<640xf32, #tpu.memory_space<vmem_shared>>
      %dma_wait3A_14 = tpu.memref_slice %arg9[%mul3A_8] : memref<10240xf32, #tpu.memory_space<vmem_shared>> -> memref<640xf32, #tpu.memory_space<vmem_shared>>
      tpu.wait_dma2 semaphore(%run_scoped3A : memref<!tpu.dma_semaphore, #tpu.memory_space<semaphore_mem>>) src(%dma_wait3A_14 : memref<640xf32, #tpu.memory_space<vmem_shared>>) dst(%arg8 : memref<640xf32, #tpu.memory_space<vmem>>)
      tpu.yield
    }) : () -> ()
    %mul3A_9 = arith.constant 10240 : i32
    %mul3A_10 = arith.muli %arg0, %mul3A_9 : i32
    %mul3A_11 = arith.constant 640 : i32
    %mul3A_12 = arith.muli %arg1, %mul3A_11 : i32
    %add3A = arith.addi %mul3A_10, %mul3A_12 : i32
    "tpu.region"() ({
      %run_scoped3A = tpu.sem_alloc : memref<!tpu.dma_semaphore, #tpu.memory_space<semaphore_mem>>
      %dma_start3A = tpu.memref_slice %arg5[%add3A] : memref<20480xf32, #tpu.memory_space<hbm>> -> memref<640xf32, #tpu.memory_space<hbm>>
      %dma_start3A_13 = tpu.memref_slice %arg5[%add3A] : memref<20480xf32, #tpu.memory_space<hbm>> -> memref<640xf32, #tpu.memory_space<hbm>>
      tpu.enqueue_dma source(%arg8 : memref<640xf32, #tpu.memory_space<vmem>>) target(%dma_start3A_13 : memref<640xf32, #tpu.memory_space<hbm>>) target_semaphore(%run_scoped3A : memref<!tpu.dma_semaphore, #tpu.memory_space<semaphore_mem>>)
      %dma_wait3A = tpu.memref_slice %arg5[%add3A] : memref<20480xf32, #tpu.memory_space<hbm>> -> memref<640xf32, #tpu.memory_space<hbm>>
      %dma_wait3A_14 = tpu.memref_slice %arg5[%add3A] : memref<20480xf32, #tpu.memory_space<hbm>> -> memref<640xf32, #tpu.memory_space<hbm>>
      tpu.wait_dma2 semaphore(%run_scoped3A : memref<!tpu.dma_semaphore, #tpu.memory_space<semaphore_mem>>) src(%arg8 : memref<640xf32, #tpu.memory_space<vmem>>) dst(%dma_wait3A_14 : memref<640xf32, #tpu.memory_space<hbm>>)
      tpu.yield
    }) : () -> ()
    return
  }
}

#map = affine_map<(d0, d1) -> (0, 0)>
#map1 = affine_map<(d0, d1) -> (0, 0, 0, 0)>
#map2 = affine_map<(d0, d1) -> (0, 0, 0)>
module attributes {stable_mosaic.version = 14 : i64} {
  func.func @_sc_pass_body(%arg0: i32, %arg1: i32, %arg2: memref<10240x128xf32, #tpu.memory_space<hbm>>, %arg3: memref<32x2x40x128xi32, #tpu.memory_space<hbm>>, %arg4: memref<32x2x40x128xi32, #tpu.memory_space<hbm>>, %arg5: memref<128x128xf32, #tpu.memory_space<hbm>>, %arg6: memref<2x10240x128xf32, #tpu.memory_space<hbm>>, %arg7: memref<40x128xi32, #tpu.memory_space<vmem>>, %arg8: memref<40x128xi32, #tpu.memory_space<vmem>>, %arg9: memref<128x128xf32, #tpu.memory_space<vmem>>, %arg10: memref<128x128xf32, #tpu.memory_space<vmem>>, %arg11: memref<10240x128xf32, #tpu.memory_space<vmem_shared>>, %arg12: memref<!tpu.dma_semaphore, #tpu.memory_space<semaphore_mem>>, %arg13: memref<!tpu.dma_semaphore, #tpu.memory_space<semaphore_mem>>) attributes {dimension_semantics = [#tpu.dimension_semantics<core_parallel>, #tpu.dimension_semantics<subcore_parallel>], iteration_bounds = array<i64: 2, 16>, scalar_prefetch = 0 : i64, scratch_operands = 7 : i64, tpu.core_type = #tpu.core_type<sc_vector_subcore>, window_params = [{transform_indices = #map}, {transform_indices = #map1}, {transform_indices = #map1}, {transform_indices = #map}, {transform_indices = #map2}]} {
    %mul3A = arith.constant 16 : i32
    %mul3A_0 = arith.muli %arg0, %mul3A : i32
    %add3A = arith.addi %mul3A_0, %arg1 : i32
    %run_scoped3A = arith.constant 0 : i32
    "tpu.region"() ({
      %run_scoped3A_110 = tpu.sem_alloc : memref<!tpu.dma_semaphore, #tpu.memory_space<semaphore_mem>>
      %dma_start3A_111 = arith.constant 0 : i32
      %dma_start3A_112 = arith.constant 0 : i32
      %dma_start3A_113 = tpu.memref_slice %arg3[%add3A, %run_scoped3A, %dma_start3A_111, %dma_start3A_112] : memref<32x2x40x128xi32, #tpu.memory_space<hbm>> -> memref<1x1x40x128xi32, #tpu.memory_space<hbm>>
      %dma_start3A_114 = tpu.memref_squeeze %dma_start3A_113 : memref<1x1x40x128xi32, #tpu.memory_space<hbm>> -> memref<40x128xi32, #tpu.memory_space<hbm>>
      %dma_start3A_115 = arith.constant 0 : i32
      %dma_start3A_116 = arith.constant 0 : i32
      %dma_start3A_117 = tpu.memref_slice %arg3[%add3A, %run_scoped3A, %dma_start3A_115, %dma_start3A_116] : memref<32x2x40x128xi32, #tpu.memory_space<hbm>> -> memref<1x1x40x128xi32, #tpu.memory_space<hbm>>
      %dma_start3A_118 = tpu.memref_squeeze %dma_start3A_117 : memref<1x1x40x128xi32, #tpu.memory_space<hbm>> -> memref<40x128xi32, #tpu.memory_space<hbm>>
      tpu.enqueue_dma source(%dma_start3A_118 : memref<40x128xi32, #tpu.memory_space<hbm>>) target(%arg7 : memref<40x128xi32, #tpu.memory_space<vmem>>) target_semaphore(%run_scoped3A_110 : memref<!tpu.dma_semaphore, #tpu.memory_space<semaphore_mem>>)
      %dma_wait3A_119 = arith.constant 0 : i32
      %dma_wait3A_120 = arith.constant 0 : i32
      %dma_wait3A_121 = tpu.memref_slice %arg3[%add3A, %run_scoped3A, %dma_wait3A_119, %dma_wait3A_120] : memref<32x2x40x128xi32, #tpu.memory_space<hbm>> -> memref<1x1x40x128xi32, #tpu.memory_space<hbm>>
      %dma_wait3A_122 = tpu.memref_squeeze %dma_wait3A_121 : memref<1x1x40x128xi32, #tpu.memory_space<hbm>> -> memref<40x128xi32, #tpu.memory_space<hbm>>
      %dma_wait3A_123 = arith.constant 0 : i32
      %dma_wait3A_124 = arith.constant 0 : i32
      %dma_wait3A_125 = tpu.memref_slice %arg3[%add3A, %run_scoped3A, %dma_wait3A_123, %dma_wait3A_124] : memref<32x2x40x128xi32, #tpu.memory_space<hbm>> -> memref<1x1x40x128xi32, #tpu.memory_space<hbm>>
      %dma_wait3A_126 = tpu.memref_squeeze %dma_wait3A_125 : memref<1x1x40x128xi32, #tpu.memory_space<hbm>> -> memref<40x128xi32, #tpu.memory_space<hbm>>
      tpu.wait_dma2 semaphore(%run_scoped3A_110 : memref<!tpu.dma_semaphore, #tpu.memory_space<semaphore_mem>>) src(%dma_wait3A_126 : memref<40x128xi32, #tpu.memory_space<hbm>>) dst(%arg7 : memref<40x128xi32, #tpu.memory_space<vmem>>)
      tpu.yield
    }) : () -> ()
    %run_scoped3A_1 = arith.constant 0 : i32
    "tpu.region"() ({
      %run_scoped3A_110 = tpu.sem_alloc : memref<!tpu.dma_semaphore, #tpu.memory_space<semaphore_mem>>
      %dma_start3A_111 = arith.constant 0 : i32
      %dma_start3A_112 = arith.constant 0 : i32
      %dma_start3A_113 = tpu.memref_slice %arg4[%add3A, %run_scoped3A_1, %dma_start3A_111, %dma_start3A_112] : memref<32x2x40x128xi32, #tpu.memory_space<hbm>> -> memref<1x1x40x128xi32, #tpu.memory_space<hbm>>
      %dma_start3A_114 = tpu.memref_squeeze %dma_start3A_113 : memref<1x1x40x128xi32, #tpu.memory_space<hbm>> -> memref<40x128xi32, #tpu.memory_space<hbm>>
      %dma_start3A_115 = arith.constant 0 : i32
      %dma_start3A_116 = arith.constant 0 : i32
      %dma_start3A_117 = tpu.memref_slice %arg4[%add3A, %run_scoped3A_1, %dma_start3A_115, %dma_start3A_116] : memref<32x2x40x128xi32, #tpu.memory_space<hbm>> -> memref<1x1x40x128xi32, #tpu.memory_space<hbm>>
      %dma_start3A_118 = tpu.memref_squeeze %dma_start3A_117 : memref<1x1x40x128xi32, #tpu.memory_space<hbm>> -> memref<40x128xi32, #tpu.memory_space<hbm>>
      tpu.enqueue_dma source(%dma_start3A_118 : memref<40x128xi32, #tpu.memory_space<hbm>>) target(%arg8 : memref<40x128xi32, #tpu.memory_space<vmem>>) target_semaphore(%run_scoped3A_110 : memref<!tpu.dma_semaphore, #tpu.memory_space<semaphore_mem>>)
      %dma_wait3A_119 = arith.constant 0 : i32
      %dma_wait3A_120 = arith.constant 0 : i32
      %dma_wait3A_121 = tpu.memref_slice %arg4[%add3A, %run_scoped3A_1, %dma_wait3A_119, %dma_wait3A_120] : memref<32x2x40x128xi32, #tpu.memory_space<hbm>> -> memref<1x1x40x128xi32, #tpu.memory_space<hbm>>
      %dma_wait3A_122 = tpu.memref_squeeze %dma_wait3A_121 : memref<1x1x40x128xi32, #tpu.memory_space<hbm>> -> memref<40x128xi32, #tpu.memory_space<hbm>>
      %dma_wait3A_123 = arith.constant 0 : i32
      %dma_wait3A_124 = arith.constant 0 : i32
      %dma_wait3A_125 = tpu.memref_slice %arg4[%add3A, %run_scoped3A_1, %dma_wait3A_123, %dma_wait3A_124] : memref<32x2x40x128xi32, #tpu.memory_space<hbm>> -> memref<1x1x40x128xi32, #tpu.memory_space<hbm>>
      %dma_wait3A_126 = tpu.memref_squeeze %dma_wait3A_125 : memref<1x1x40x128xi32, #tpu.memory_space<hbm>> -> memref<40x128xi32, #tpu.memory_space<hbm>>
      tpu.wait_dma2 semaphore(%run_scoped3A_110 : memref<!tpu.dma_semaphore, #tpu.memory_space<semaphore_mem>>) src(%dma_wait3A_126 : memref<40x128xi32, #tpu.memory_space<hbm>>) dst(%arg8 : memref<40x128xi32, #tpu.memory_space<vmem>>)
      tpu.yield
    }) : () -> ()
    %dma_start3A = arith.constant 1 : i32
    %dma_start3A_2 = arith.constant 0 : i32
    %dma_start3A_3 = tpu.memref_slice %arg7[%dma_start3A, %dma_start3A_2] : memref<40x128xi32, #tpu.memory_space<vmem>> -> memref<1x128xi32, #tpu.memory_space<vmem>>
    %dma_start3A_4 = tpu.memref_squeeze %dma_start3A_3 : memref<1x128xi32, #tpu.memory_space<vmem>> -> memref<128xi32, #tpu.memory_space<vmem>>
    %dma_start3A_5 = arith.constant 0 : i32
    %dma_start3A_6 = arith.constant 0 : i32
    %dma_start3A_7 = tpu.memref_slice %arg2[%dma_start3A_5, %dma_start3A_6] : memref<10240x128xf32, #tpu.memory_space<hbm>> -> memref<10240x128xf32, #tpu.memory_space<hbm>>
    tpu.enqueue_indirect_dma source(%dma_start3A_7 : memref<10240x128xf32, #tpu.memory_space<hbm>>) target(%arg10 : memref<128x128xf32, #tpu.memory_space<vmem>>) offsets(%dma_start3A_4 : memref<128xi32, #tpu.memory_space<vmem>>) semaphore(%arg13 : memref<!tpu.dma_semaphore, #tpu.memory_space<semaphore_mem>>)
    "tpu.region"() ({
      %run_scoped3A_110 = tpu.sem_alloc : memref<!tpu.dma_semaphore, #tpu.memory_space<semaphore_mem>>
      tpu.enqueue_dma source(%arg5 : memref<128x128xf32, #tpu.memory_space<hbm>>) target(%arg9 : memref<128x128xf32, #tpu.memory_space<vmem>>) target_semaphore(%run_scoped3A_110 : memref<!tpu.dma_semaphore, #tpu.memory_space<semaphore_mem>>)
      tpu.wait_dma2 semaphore(%run_scoped3A_110 : memref<!tpu.dma_semaphore, #tpu.memory_space<semaphore_mem>>) src(%arg5 : memref<128x128xf32, #tpu.memory_space<hbm>>) dst(%arg9 : memref<128x128xf32, #tpu.memory_space<vmem>>)
      tpu.yield
    }) : () -> ()
    %mul3A_8 = arith.constant 640 : i32
    %mul3A_9 = arith.muli %arg1, %mul3A_8 : i32
    %add3A_10 = arith.constant 0 : i32
    %add3A_11 = arith.addi %mul3A_9, %add3A_10 : i32
    "tpu.region"() ({
      %run_scoped3A_110 = tpu.sem_alloc : memref<!tpu.dma_semaphore, #tpu.memory_space<semaphore_mem>>
      %dma_start3A_111 = arith.constant 0 : i32
      %dma_start3A_112 = tpu.memref_slice %arg11[%add3A_11, %dma_start3A_111] : memref<10240x128xf32, #tpu.memory_space<vmem_shared>> -> memref<128x128xf32, #tpu.memory_space<vmem_shared>>
      %dma_start3A_113 = arith.constant 0 : i32
      %dma_start3A_114 = tpu.memref_slice %arg11[%add3A_11, %dma_start3A_113] : memref<10240x128xf32, #tpu.memory_space<vmem_shared>> -> memref<128x128xf32, #tpu.memory_space<vmem_shared>>
      tpu.enqueue_dma source(%arg9 : memref<128x128xf32, #tpu.memory_space<vmem>>) target(%dma_start3A_114 : memref<128x128xf32, #tpu.memory_space<vmem_shared>>) target_semaphore(%run_scoped3A_110 : memref<!tpu.dma_semaphore, #tpu.memory_space<semaphore_mem>>)
      %dma_wait3A_115 = arith.constant 0 : i32
      %dma_wait3A_116 = tpu.memref_slice %arg11[%add3A_11, %dma_wait3A_115] : memref<10240x128xf32, #tpu.memory_space<vmem_shared>> -> memref<128x128xf32, #tpu.memory_space<vmem_shared>>
      %dma_wait3A_117 = arith.constant 0 : i32
      %dma_wait3A_118 = tpu.memref_slice %arg11[%add3A_11, %dma_wait3A_117] : memref<10240x128xf32, #tpu.memory_space<vmem_shared>> -> memref<128x128xf32, #tpu.memory_space<vmem_shared>>
      tpu.wait_dma2 semaphore(%run_scoped3A_110 : memref<!tpu.dma_semaphore, #tpu.memory_space<semaphore_mem>>) src(%arg9 : memref<128x128xf32, #tpu.memory_space<vmem>>) dst(%dma_wait3A_118 : memref<128x128xf32, #tpu.memory_space<vmem_shared>>)
      tpu.yield
    }) : () -> ()
    %mul3A_12 = arith.constant 640 : i32
    %mul3A_13 = arith.muli %arg1, %mul3A_12 : i32
    %add3A_14 = arith.constant 128 : i32
    %add3A_15 = arith.addi %mul3A_13, %add3A_14 : i32
    "tpu.region"() ({
      %run_scoped3A_110 = tpu.sem_alloc : memref<!tpu.dma_semaphore, #tpu.memory_space<semaphore_mem>>
      %dma_start3A_111 = arith.constant 0 : i32
      %dma_start3A_112 = tpu.memref_slice %arg11[%add3A_15, %dma_start3A_111] : memref<10240x128xf32, #tpu.memory_space<vmem_shared>> -> memref<128x128xf32, #tpu.memory_space<vmem_shared>>
      %dma_start3A_113 = arith.constant 0 : i32
      %dma_start3A_114 = tpu.memref_slice %arg11[%add3A_15, %dma_start3A_113] : memref<10240x128xf32, #tpu.memory_space<vmem_shared>> -> memref<128x128xf32, #tpu.memory_space<vmem_shared>>
      tpu.enqueue_dma source(%arg9 : memref<128x128xf32, #tpu.memory_space<vmem>>) target(%dma_start3A_114 : memref<128x128xf32, #tpu.memory_space<vmem_shared>>) target_semaphore(%run_scoped3A_110 : memref<!tpu.dma_semaphore, #tpu.memory_space<semaphore_mem>>)
      %dma_wait3A_115 = arith.constant 0 : i32
      %dma_wait3A_116 = tpu.memref_slice %arg11[%add3A_15, %dma_wait3A_115] : memref<10240x128xf32, #tpu.memory_space<vmem_shared>> -> memref<128x128xf32, #tpu.memory_space<vmem_shared>>
      %dma_wait3A_117 = arith.constant 0 : i32
      %dma_wait3A_118 = tpu.memref_slice %arg11[%add3A_15, %dma_wait3A_117] : memref<10240x128xf32, #tpu.memory_space<vmem_shared>> -> memref<128x128xf32, #tpu.memory_space<vmem_shared>>
      tpu.wait_dma2 semaphore(%run_scoped3A_110 : memref<!tpu.dma_semaphore, #tpu.memory_space<semaphore_mem>>) src(%arg9 : memref<128x128xf32, #tpu.memory_space<vmem>>) dst(%dma_wait3A_118 : memref<128x128xf32, #tpu.memory_space<vmem_shared>>)
      tpu.yield
    }) : () -> ()
    %mul3A_16 = arith.constant 640 : i32
    %mul3A_17 = arith.muli %arg1, %mul3A_16 : i32
    %add3A_18 = arith.constant 256 : i32
    %add3A_19 = arith.addi %mul3A_17, %add3A_18 : i32
    "tpu.region"() ({
      %run_scoped3A_110 = tpu.sem_alloc : memref<!tpu.dma_semaphore, #tpu.memory_space<semaphore_mem>>
      %dma_start3A_111 = arith.constant 0 : i32
      %dma_start3A_112 = tpu.memref_slice %arg11[%add3A_19, %dma_start3A_111] : memref<10240x128xf32, #tpu.memory_space<vmem_shared>> -> memref<128x128xf32, #tpu.memory_space<vmem_shared>>
      %dma_start3A_113 = arith.constant 0 : i32
      %dma_start3A_114 = tpu.memref_slice %arg11[%add3A_19, %dma_start3A_113] : memref<10240x128xf32, #tpu.memory_space<vmem_shared>> -> memref<128x128xf32, #tpu.memory_space<vmem_shared>>
      tpu.enqueue_dma source(%arg9 : memref<128x128xf32, #tpu.memory_space<vmem>>) target(%dma_start3A_114 : memref<128x128xf32, #tpu.memory_space<vmem_shared>>) target_semaphore(%run_scoped3A_110 : memref<!tpu.dma_semaphore, #tpu.memory_space<semaphore_mem>>)
      %dma_wait3A_115 = arith.constant 0 : i32
      %dma_wait3A_116 = tpu.memref_slice %arg11[%add3A_19, %dma_wait3A_115] : memref<10240x128xf32, #tpu.memory_space<vmem_shared>> -> memref<128x128xf32, #tpu.memory_space<vmem_shared>>
      %dma_wait3A_117 = arith.constant 0 : i32
      %dma_wait3A_118 = tpu.memref_slice %arg11[%add3A_19, %dma_wait3A_117] : memref<10240x128xf32, #tpu.memory_space<vmem_shared>> -> memref<128x128xf32, #tpu.memory_space<vmem_shared>>
      tpu.wait_dma2 semaphore(%run_scoped3A_110 : memref<!tpu.dma_semaphore, #tpu.memory_space<semaphore_mem>>) src(%arg9 : memref<128x128xf32, #tpu.memory_space<vmem>>) dst(%dma_wait3A_118 : memref<128x128xf32, #tpu.memory_space<vmem_shared>>)
      tpu.yield
    }) : () -> ()
    %mul3A_20 = arith.constant 640 : i32
    %mul3A_21 = arith.muli %arg1, %mul3A_20 : i32
    %add3A_22 = arith.constant 384 : i32
    %add3A_23 = arith.addi %mul3A_21, %add3A_22 : i32
    "tpu.region"() ({
      %run_scoped3A_110 = tpu.sem_alloc : memref<!tpu.dma_semaphore, #tpu.memory_space<semaphore_mem>>
      %dma_start3A_111 = arith.constant 0 : i32
      %dma_start3A_112 = tpu.memref_slice %arg11[%add3A_23, %dma_start3A_111] : memref<10240x128xf32, #tpu.memory_space<vmem_shared>> -> memref<128x128xf32, #tpu.memory_space<vmem_shared>>
      %dma_start3A_113 = arith.constant 0 : i32
      %dma_start3A_114 = tpu.memref_slice %arg11[%add3A_23, %dma_start3A_113] : memref<10240x128xf32, #tpu.memory_space<vmem_shared>> -> memref<128x128xf32, #tpu.memory_space<vmem_shared>>
      tpu.enqueue_dma source(%arg9 : memref<128x128xf32, #tpu.memory_space<vmem>>) target(%dma_start3A_114 : memref<128x128xf32, #tpu.memory_space<vmem_shared>>) target_semaphore(%run_scoped3A_110 : memref<!tpu.dma_semaphore, #tpu.memory_space<semaphore_mem>>)
      %dma_wait3A_115 = arith.constant 0 : i32
      %dma_wait3A_116 = tpu.memref_slice %arg11[%add3A_23, %dma_wait3A_115] : memref<10240x128xf32, #tpu.memory_space<vmem_shared>> -> memref<128x128xf32, #tpu.memory_space<vmem_shared>>
      %dma_wait3A_117 = arith.constant 0 : i32
      %dma_wait3A_118 = tpu.memref_slice %arg11[%add3A_23, %dma_wait3A_117] : memref<10240x128xf32, #tpu.memory_space<vmem_shared>> -> memref<128x128xf32, #tpu.memory_space<vmem_shared>>
      tpu.wait_dma2 semaphore(%run_scoped3A_110 : memref<!tpu.dma_semaphore, #tpu.memory_space<semaphore_mem>>) src(%arg9 : memref<128x128xf32, #tpu.memory_space<vmem>>) dst(%dma_wait3A_118 : memref<128x128xf32, #tpu.memory_space<vmem_shared>>)
      tpu.yield
    }) : () -> ()
    %mul3A_24 = arith.constant 640 : i32
    %mul3A_25 = arith.muli %arg1, %mul3A_24 : i32
    %add3A_26 = arith.constant 512 : i32
    %add3A_27 = arith.addi %mul3A_25, %add3A_26 : i32
    "tpu.region"() ({
      %run_scoped3A_110 = tpu.sem_alloc : memref<!tpu.dma_semaphore, #tpu.memory_space<semaphore_mem>>
      %dma_start3A_111 = arith.constant 0 : i32
      %dma_start3A_112 = tpu.memref_slice %arg11[%add3A_27, %dma_start3A_111] : memref<10240x128xf32, #tpu.memory_space<vmem_shared>> -> memref<128x128xf32, #tpu.memory_space<vmem_shared>>
      %dma_start3A_113 = arith.constant 0 : i32
      %dma_start3A_114 = tpu.memref_slice %arg11[%add3A_27, %dma_start3A_113] : memref<10240x128xf32, #tpu.memory_space<vmem_shared>> -> memref<128x128xf32, #tpu.memory_space<vmem_shared>>
      tpu.enqueue_dma source(%arg9 : memref<128x128xf32, #tpu.memory_space<vmem>>) target(%dma_start3A_114 : memref<128x128xf32, #tpu.memory_space<vmem_shared>>) target_semaphore(%run_scoped3A_110 : memref<!tpu.dma_semaphore, #tpu.memory_space<semaphore_mem>>)
      %dma_wait3A_115 = arith.constant 0 : i32
      %dma_wait3A_116 = tpu.memref_slice %arg11[%add3A_27, %dma_wait3A_115] : memref<10240x128xf32, #tpu.memory_space<vmem_shared>> -> memref<128x128xf32, #tpu.memory_space<vmem_shared>>
      %dma_wait3A_117 = arith.constant 0 : i32
      %dma_wait3A_118 = tpu.memref_slice %arg11[%add3A_27, %dma_wait3A_117] : memref<10240x128xf32, #tpu.memory_space<vmem_shared>> -> memref<128x128xf32, #tpu.memory_space<vmem_shared>>
      tpu.wait_dma2 semaphore(%run_scoped3A_110 : memref<!tpu.dma_semaphore, #tpu.memory_space<semaphore_mem>>) src(%arg9 : memref<128x128xf32, #tpu.memory_space<vmem>>) dst(%dma_wait3A_118 : memref<128x128xf32, #tpu.memory_space<vmem_shared>>)
      tpu.yield
    }) : () -> ()
    %dma_start3A_28 = arith.constant 0 : i32
    %dma_start3A_29 = arith.constant 0 : i32
    %dma_start3A_30 = tpu.memref_slice %arg7[%dma_start3A_28, %dma_start3A_29] : memref<40x128xi32, #tpu.memory_space<vmem>> -> memref<1x128xi32, #tpu.memory_space<vmem>>
    %dma_start3A_31 = tpu.memref_squeeze %dma_start3A_30 : memref<1x128xi32, #tpu.memory_space<vmem>> -> memref<128xi32, #tpu.memory_space<vmem>>
    %dma_start3A_32 = arith.constant 0 : i32
    %dma_start3A_33 = arith.constant 0 : i32
    %dma_start3A_34 = tpu.memref_slice %arg2[%dma_start3A_32, %dma_start3A_33] : memref<10240x128xf32, #tpu.memory_space<hbm>> -> memref<10240x128xf32, #tpu.memory_space<hbm>>
    tpu.enqueue_indirect_dma source(%dma_start3A_34 : memref<10240x128xf32, #tpu.memory_space<hbm>>) target(%arg9 : memref<128x128xf32, #tpu.memory_space<vmem>>) offsets(%dma_start3A_31 : memref<128xi32, #tpu.memory_space<vmem>>) semaphore(%arg12 : memref<!tpu.dma_semaphore, #tpu.memory_space<semaphore_mem>>)
    %barrier3A = arith.constant 0 : index
    tpu.barrier barrier_id(%barrier3A)
    %scan3A = arith.constant 0 : i32
    %scan3A_35 = arith.constant 0 : i32
    %scan3A_36 = arith.constant 20 : i32
    %scan3A_37 = arith.addi %scan3A_35, %scan3A_36 : i32
    %scan3A_38 = arith.constant 1 : i32
    scf.for %scan3A_110 = %scan3A_35 to %scan3A_37 step %scan3A_38  : i32 {
      %mul3A_111 = arith.constant 2 : i32
      %mul3A_112 = arith.muli %mul3A_111, %scan3A_110 : i32
      %dma_wait3A_113 = arith.constant 0 : i32
      %dma_wait3A_114 = arith.constant 0 : i32
      %dma_wait3A_115 = tpu.memref_slice %arg7[%dma_wait3A_113, %dma_wait3A_114] : memref<40x128xi32, #tpu.memory_space<vmem>> -> memref<1x128xi32, #tpu.memory_space<vmem>>
      %dma_wait3A_116 = tpu.memref_squeeze %dma_wait3A_115 : memref<1x128xi32, #tpu.memory_space<vmem>> -> memref<128xi32, #tpu.memory_space<vmem>>
      %dma_wait3A_117 = arith.constant 0 : i32
      %dma_wait3A_118 = arith.constant 0 : i32
      %dma_wait3A_119 = tpu.memref_slice %arg2[%dma_wait3A_117, %dma_wait3A_118] : memref<10240x128xf32, #tpu.memory_space<hbm>> -> memref<10240x128xf32, #tpu.memory_space<hbm>>
      tpu.wait_indirect_dma semaphore(%arg12 : memref<!tpu.dma_semaphore, #tpu.memory_space<semaphore_mem>>) src(%dma_wait3A_119 : memref<10240x128xf32, #tpu.memory_space<hbm>>) dst(%arg9 : memref<128x128xf32, #tpu.memory_space<vmem>>)
      "tpu.region"() ({
        %run_scoped3A_148 = tpu.sem_alloc : memref<!tpu.dma_semaphore, #tpu.memory_space<semaphore_mem>>
        %dma_start3A_149 = arith.constant 0 : i32
        %dma_start3A_150 = tpu.memref_slice %arg8[%mul3A_112, %dma_start3A_149] : memref<40x128xi32, #tpu.memory_space<vmem>> -> memref<1x128xi32, #tpu.memory_space<vmem>>
        %dma_start3A_151 = tpu.memref_squeeze %dma_start3A_150 : memref<1x128xi32, #tpu.memory_space<vmem>> -> memref<128xi32, #tpu.memory_space<vmem>>
        %dma_start3A_152 = arith.constant 0 : i32
        %dma_start3A_153 = arith.constant 0 : i32
        %dma_start3A_154 = tpu.memref_slice %arg11[%dma_start3A_152, %dma_start3A_153] : memref<10240x128xf32, #tpu.memory_space<vmem_shared>> -> memref<10240x128xf32, #tpu.memory_space<vmem_shared>>
        tpu.enqueue_indirect_dma source(%arg9 : memref<128x128xf32, #tpu.memory_space<vmem>>) target(%dma_start3A_154 : memref<10240x128xf32, #tpu.memory_space<vmem_shared>>) offsets(%dma_start3A_151 : memref<128xi32, #tpu.memory_space<vmem>>) semaphore(%run_scoped3A_148 : memref<!tpu.dma_semaphore, #tpu.memory_space<semaphore_mem>>) {add = true}
        %dma_wait3A_155 = arith.constant 0 : i32
        %dma_wait3A_156 = tpu.memref_slice %arg8[%mul3A_112, %dma_wait3A_155] : memref<40x128xi32, #tpu.memory_space<vmem>> -> memref<1x128xi32, #tpu.memory_space<vmem>>
        %dma_wait3A_157 = tpu.memref_squeeze %dma_wait3A_156 : memref<1x128xi32, #tpu.memory_space<vmem>> -> memref<128xi32, #tpu.memory_space<vmem>>
        %dma_wait3A_158 = arith.constant 0 : i32
        %dma_wait3A_159 = arith.constant 0 : i32
        %dma_wait3A_160 = tpu.memref_slice %arg11[%dma_wait3A_158, %dma_wait3A_159] : memref<10240x128xf32, #tpu.memory_space<vmem_shared>> -> memref<10240x128xf32, #tpu.memory_space<vmem_shared>>
        tpu.wait_indirect_dma semaphore(%run_scoped3A_148 : memref<!tpu.dma_semaphore, #tpu.memory_space<semaphore_mem>>) src(%arg9 : memref<128x128xf32, #tpu.memory_space<vmem>>) dst(%dma_wait3A_160 : memref<10240x128xf32, #tpu.memory_space<vmem_shared>>)
        tpu.yield
      }) : () -> ()
      %add3A_120 = arith.constant 2 : i32
      %add3A_121 = arith.addi %mul3A_112, %add3A_120 : i32
      %min3A = arith.constant 39 : i32
      %min3A_122 = arith.minsi %add3A_121, %min3A : i32
      %dma_start3A_123 = arith.constant 0 : i32
      %dma_start3A_124 = tpu.memref_slice %arg7[%min3A_122, %dma_start3A_123] : memref<40x128xi32, #tpu.memory_space<vmem>> -> memref<1x128xi32, #tpu.memory_space<vmem>>
      %dma_start3A_125 = tpu.memref_squeeze %dma_start3A_124 : memref<1x128xi32, #tpu.memory_space<vmem>> -> memref<128xi32, #tpu.memory_space<vmem>>
      %dma_start3A_126 = arith.constant 0 : i32
      %dma_start3A_127 = arith.constant 0 : i32
      %dma_start3A_128 = tpu.memref_slice %arg2[%dma_start3A_126, %dma_start3A_127] : memref<10240x128xf32, #tpu.memory_space<hbm>> -> memref<10240x128xf32, #tpu.memory_space<hbm>>
      tpu.enqueue_indirect_dma source(%dma_start3A_128 : memref<10240x128xf32, #tpu.memory_space<hbm>>) target(%arg9 : memref<128x128xf32, #tpu.memory_space<vmem>>) offsets(%dma_start3A_125 : memref<128xi32, #tpu.memory_space<vmem>>) semaphore(%arg12 : memref<!tpu.dma_semaphore, #tpu.memory_space<semaphore_mem>>)
      %add3A_129 = arith.constant 1 : i32
      %add3A_130 = arith.addi %mul3A_112, %add3A_129 : i32
      %dma_wait3A_131 = arith.constant 0 : i32
      %dma_wait3A_132 = arith.constant 0 : i32
      %dma_wait3A_133 = tpu.memref_slice %arg7[%dma_wait3A_131, %dma_wait3A_132] : memref<40x128xi32, #tpu.memory_space<vmem>> -> memref<1x128xi32, #tpu.memory_space<vmem>>
      %dma_wait3A_134 = tpu.memref_squeeze %dma_wait3A_133 : memref<1x128xi32, #tpu.memory_space<vmem>> -> memref<128xi32, #tpu.memory_space<vmem>>
      %dma_wait3A_135 = arith.constant 0 : i32
      %dma_wait3A_136 = arith.constant 0 : i32
      %dma_wait3A_137 = tpu.memref_slice %arg2[%dma_wait3A_135, %dma_wait3A_136] : memref<10240x128xf32, #tpu.memory_space<hbm>> -> memref<10240x128xf32, #tpu.memory_space<hbm>>
      tpu.wait_indirect_dma semaphore(%arg13 : memref<!tpu.dma_semaphore, #tpu.memory_space<semaphore_mem>>) src(%dma_wait3A_137 : memref<10240x128xf32, #tpu.memory_space<hbm>>) dst(%arg10 : memref<128x128xf32, #tpu.memory_space<vmem>>)
      "tpu.region"() ({
        %run_scoped3A_148 = tpu.sem_alloc : memref<!tpu.dma_semaphore, #tpu.memory_space<semaphore_mem>>
        %dma_start3A_149 = arith.constant 0 : i32
        %dma_start3A_150 = tpu.memref_slice %arg8[%add3A_130, %dma_start3A_149] : memref<40x128xi32, #tpu.memory_space<vmem>> -> memref<1x128xi32, #tpu.memory_space<vmem>>
        %dma_start3A_151 = tpu.memref_squeeze %dma_start3A_150 : memref<1x128xi32, #tpu.memory_space<vmem>> -> memref<128xi32, #tpu.memory_space<vmem>>
        %dma_start3A_152 = arith.constant 0 : i32
        %dma_start3A_153 = arith.constant 0 : i32
        %dma_start3A_154 = tpu.memref_slice %arg11[%dma_start3A_152, %dma_start3A_153] : memref<10240x128xf32, #tpu.memory_space<vmem_shared>> -> memref<10240x128xf32, #tpu.memory_space<vmem_shared>>
        tpu.enqueue_indirect_dma source(%arg10 : memref<128x128xf32, #tpu.memory_space<vmem>>) target(%dma_start3A_154 : memref<10240x128xf32, #tpu.memory_space<vmem_shared>>) offsets(%dma_start3A_151 : memref<128xi32, #tpu.memory_space<vmem>>) semaphore(%run_scoped3A_148 : memref<!tpu.dma_semaphore, #tpu.memory_space<semaphore_mem>>) {add = true}
        %dma_wait3A_155 = arith.constant 0 : i32
        %dma_wait3A_156 = tpu.memref_slice %arg8[%add3A_130, %dma_wait3A_155] : memref<40x128xi32, #tpu.memory_space<vmem>> -> memref<1x128xi32, #tpu.memory_space<vmem>>
        %dma_wait3A_157 = tpu.memref_squeeze %dma_wait3A_156 : memref<1x128xi32, #tpu.memory_space<vmem>> -> memref<128xi32, #tpu.memory_space<vmem>>
        %dma_wait3A_158 = arith.constant 0 : i32
        %dma_wait3A_159 = arith.constant 0 : i32
        %dma_wait3A_160 = tpu.memref_slice %arg11[%dma_wait3A_158, %dma_wait3A_159] : memref<10240x128xf32, #tpu.memory_space<vmem_shared>> -> memref<10240x128xf32, #tpu.memory_space<vmem_shared>>
        tpu.wait_indirect_dma semaphore(%run_scoped3A_148 : memref<!tpu.dma_semaphore, #tpu.memory_space<semaphore_mem>>) src(%arg10 : memref<128x128xf32, #tpu.memory_space<vmem>>) dst(%dma_wait3A_160 : memref<10240x128xf32, #tpu.memory_space<vmem_shared>>)
        tpu.yield
      }) : () -> ()
      %add3A_138 = arith.constant 2 : i32
      %add3A_139 = arith.addi %add3A_130, %add3A_138 : i32
      %min3A_140 = arith.constant 39 : i32
      %min3A_141 = arith.minsi %add3A_139, %min3A_140 : i32
      %dma_start3A_142 = arith.constant 0 : i32
      %dma_start3A_143 = tpu.memref_slice %arg7[%min3A_141, %dma_start3A_142] : memref<40x128xi32, #tpu.memory_space<vmem>> -> memref<1x128xi32, #tpu.memory_space<vmem>>
      %dma_start3A_144 = tpu.memref_squeeze %dma_start3A_143 : memref<1x128xi32, #tpu.memory_space<vmem>> -> memref<128xi32, #tpu.memory_space<vmem>>
      %dma_start3A_145 = arith.constant 0 : i32
      %dma_start3A_146 = arith.constant 0 : i32
      %dma_start3A_147 = tpu.memref_slice %arg2[%dma_start3A_145, %dma_start3A_146] : memref<10240x128xf32, #tpu.memory_space<hbm>> -> memref<10240x128xf32, #tpu.memory_space<hbm>>
      tpu.enqueue_indirect_dma source(%dma_start3A_147 : memref<10240x128xf32, #tpu.memory_space<hbm>>) target(%arg10 : memref<128x128xf32, #tpu.memory_space<vmem>>) offsets(%dma_start3A_144 : memref<128xi32, #tpu.memory_space<vmem>>) semaphore(%arg13 : memref<!tpu.dma_semaphore, #tpu.memory_space<semaphore_mem>>)
    }
    %scan3A_39 = arith.constant 20 : i32
    %dma_wait3A = arith.constant 0 : i32
    %dma_wait3A_40 = arith.constant 0 : i32
    %dma_wait3A_41 = tpu.memref_slice %arg7[%dma_wait3A, %dma_wait3A_40] : memref<40x128xi32, #tpu.memory_space<vmem>> -> memref<1x128xi32, #tpu.memory_space<vmem>>
    %dma_wait3A_42 = tpu.memref_squeeze %dma_wait3A_41 : memref<1x128xi32, #tpu.memory_space<vmem>> -> memref<128xi32, #tpu.memory_space<vmem>>
    %dma_wait3A_43 = arith.constant 0 : i32
    %dma_wait3A_44 = arith.constant 0 : i32
    %dma_wait3A_45 = tpu.memref_slice %arg2[%dma_wait3A_43, %dma_wait3A_44] : memref<10240x128xf32, #tpu.memory_space<hbm>> -> memref<10240x128xf32, #tpu.memory_space<hbm>>
    tpu.wait_indirect_dma semaphore(%arg12 : memref<!tpu.dma_semaphore, #tpu.memory_space<semaphore_mem>>) src(%dma_wait3A_45 : memref<10240x128xf32, #tpu.memory_space<hbm>>) dst(%arg9 : memref<128x128xf32, #tpu.memory_space<vmem>>)
    %dma_wait3A_46 = arith.constant 0 : i32
    %dma_wait3A_47 = arith.constant 0 : i32
    %dma_wait3A_48 = tpu.memref_slice %arg7[%dma_wait3A_46, %dma_wait3A_47] : memref<40x128xi32, #tpu.memory_space<vmem>> -> memref<1x128xi32, #tpu.memory_space<vmem>>
    %dma_wait3A_49 = tpu.memref_squeeze %dma_wait3A_48 : memref<1x128xi32, #tpu.memory_space<vmem>> -> memref<128xi32, #tpu.memory_space<vmem>>
    %dma_wait3A_50 = arith.constant 0 : i32
    %dma_wait3A_51 = arith.constant 0 : i32
    %dma_wait3A_52 = tpu.memref_slice %arg2[%dma_wait3A_50, %dma_wait3A_51] : memref<10240x128xf32, #tpu.memory_space<hbm>> -> memref<10240x128xf32, #tpu.memory_space<hbm>>
    tpu.wait_indirect_dma semaphore(%arg13 : memref<!tpu.dma_semaphore, #tpu.memory_space<semaphore_mem>>) src(%dma_wait3A_52 : memref<10240x128xf32, #tpu.memory_space<hbm>>) dst(%arg10 : memref<128x128xf32, #tpu.memory_space<vmem>>)
    %run_scoped3A_53 = arith.constant 1 : i32
    "tpu.region"() ({
      %run_scoped3A_110 = tpu.sem_alloc : memref<!tpu.dma_semaphore, #tpu.memory_space<semaphore_mem>>
      %dma_start3A_111 = arith.constant 0 : i32
      %dma_start3A_112 = arith.constant 0 : i32
      %dma_start3A_113 = tpu.memref_slice %arg3[%add3A, %run_scoped3A_53, %dma_start3A_111, %dma_start3A_112] : memref<32x2x40x128xi32, #tpu.memory_space<hbm>> -> memref<1x1x40x128xi32, #tpu.memory_space<hbm>>
      %dma_start3A_114 = tpu.memref_squeeze %dma_start3A_113 : memref<1x1x40x128xi32, #tpu.memory_space<hbm>> -> memref<40x128xi32, #tpu.memory_space<hbm>>
      %dma_start3A_115 = arith.constant 0 : i32
      %dma_start3A_116 = arith.constant 0 : i32
      %dma_start3A_117 = tpu.memref_slice %arg3[%add3A, %run_scoped3A_53, %dma_start3A_115, %dma_start3A_116] : memref<32x2x40x128xi32, #tpu.memory_space<hbm>> -> memref<1x1x40x128xi32, #tpu.memory_space<hbm>>
      %dma_start3A_118 = tpu.memref_squeeze %dma_start3A_117 : memref<1x1x40x128xi32, #tpu.memory_space<hbm>> -> memref<40x128xi32, #tpu.memory_space<hbm>>
      tpu.enqueue_dma source(%dma_start3A_118 : memref<40x128xi32, #tpu.memory_space<hbm>>) target(%arg7 : memref<40x128xi32, #tpu.memory_space<vmem>>) target_semaphore(%run_scoped3A_110 : memref<!tpu.dma_semaphore, #tpu.memory_space<semaphore_mem>>)
      %dma_wait3A_119 = arith.constant 0 : i32
      %dma_wait3A_120 = arith.constant 0 : i32
      %dma_wait3A_121 = tpu.memref_slice %arg3[%add3A, %run_scoped3A_53, %dma_wait3A_119, %dma_wait3A_120] : memref<32x2x40x128xi32, #tpu.memory_space<hbm>> -> memref<1x1x40x128xi32, #tpu.memory_space<hbm>>
      %dma_wait3A_122 = tpu.memref_squeeze %dma_wait3A_121 : memref<1x1x40x128xi32, #tpu.memory_space<hbm>> -> memref<40x128xi32, #tpu.memory_space<hbm>>
      %dma_wait3A_123 = arith.constant 0 : i32
      %dma_wait3A_124 = arith.constant 0 : i32
      %dma_wait3A_125 = tpu.memref_slice %arg3[%add3A, %run_scoped3A_53, %dma_wait3A_123, %dma_wait3A_124] : memref<32x2x40x128xi32, #tpu.memory_space<hbm>> -> memref<1x1x40x128xi32, #tpu.memory_space<hbm>>
      %dma_wait3A_126 = tpu.memref_squeeze %dma_wait3A_125 : memref<1x1x40x128xi32, #tpu.memory_space<hbm>> -> memref<40x128xi32, #tpu.memory_space<hbm>>
      tpu.wait_dma2 semaphore(%run_scoped3A_110 : memref<!tpu.dma_semaphore, #tpu.memory_space<semaphore_mem>>) src(%dma_wait3A_126 : memref<40x128xi32, #tpu.memory_space<hbm>>) dst(%arg7 : memref<40x128xi32, #tpu.memory_space<vmem>>)
      tpu.yield
    }) : () -> ()
    %run_scoped3A_54 = arith.constant 1 : i32
    "tpu.region"() ({
      %run_scoped3A_110 = tpu.sem_alloc : memref<!tpu.dma_semaphore, #tpu.memory_space<semaphore_mem>>
      %dma_start3A_111 = arith.constant 0 : i32
      %dma_start3A_112 = arith.constant 0 : i32
      %dma_start3A_113 = tpu.memref_slice %arg4[%add3A, %run_scoped3A_54, %dma_start3A_111, %dma_start3A_112] : memref<32x2x40x128xi32, #tpu.memory_space<hbm>> -> memref<1x1x40x128xi32, #tpu.memory_space<hbm>>
      %dma_start3A_114 = tpu.memref_squeeze %dma_start3A_113 : memref<1x1x40x128xi32, #tpu.memory_space<hbm>> -> memref<40x128xi32, #tpu.memory_space<hbm>>
      %dma_start3A_115 = arith.constant 0 : i32
      %dma_start3A_116 = arith.constant 0 : i32
      %dma_start3A_117 = tpu.memref_slice %arg4[%add3A, %run_scoped3A_54, %dma_start3A_115, %dma_start3A_116] : memref<32x2x40x128xi32, #tpu.memory_space<hbm>> -> memref<1x1x40x128xi32, #tpu.memory_space<hbm>>
      %dma_start3A_118 = tpu.memref_squeeze %dma_start3A_117 : memref<1x1x40x128xi32, #tpu.memory_space<hbm>> -> memref<40x128xi32, #tpu.memory_space<hbm>>
      tpu.enqueue_dma source(%dma_start3A_118 : memref<40x128xi32, #tpu.memory_space<hbm>>) target(%arg8 : memref<40x128xi32, #tpu.memory_space<vmem>>) target_semaphore(%run_scoped3A_110 : memref<!tpu.dma_semaphore, #tpu.memory_space<semaphore_mem>>)
      %dma_wait3A_119 = arith.constant 0 : i32
      %dma_wait3A_120 = arith.constant 0 : i32
      %dma_wait3A_121 = tpu.memref_slice %arg4[%add3A, %run_scoped3A_54, %dma_wait3A_119, %dma_wait3A_120] : memref<32x2x40x128xi32, #tpu.memory_space<hbm>> -> memref<1x1x40x128xi32, #tpu.memory_space<hbm>>
      %dma_wait3A_122 = tpu.memref_squeeze %dma_wait3A_121 : memref<1x1x40x128xi32, #tpu.memory_space<hbm>> -> memref<40x128xi32, #tpu.memory_space<hbm>>
      %dma_wait3A_123 = arith.constant 0 : i32
      %dma_wait3A_124 = arith.constant 0 : i32
      %dma_wait3A_125 = tpu.memref_slice %arg4[%add3A, %run_scoped3A_54, %dma_wait3A_123, %dma_wait3A_124] : memref<32x2x40x128xi32, #tpu.memory_space<hbm>> -> memref<1x1x40x128xi32, #tpu.memory_space<hbm>>
      %dma_wait3A_126 = tpu.memref_squeeze %dma_wait3A_125 : memref<1x1x40x128xi32, #tpu.memory_space<hbm>> -> memref<40x128xi32, #tpu.memory_space<hbm>>
      tpu.wait_dma2 semaphore(%run_scoped3A_110 : memref<!tpu.dma_semaphore, #tpu.memory_space<semaphore_mem>>) src(%dma_wait3A_126 : memref<40x128xi32, #tpu.memory_space<hbm>>) dst(%arg8 : memref<40x128xi32, #tpu.memory_space<vmem>>)
      tpu.yield
    }) : () -> ()
    %dma_start3A_55 = arith.constant 0 : i32
    %dma_start3A_56 = arith.constant 0 : i32
    %dma_start3A_57 = tpu.memref_slice %arg7[%dma_start3A_55, %dma_start3A_56] : memref<40x128xi32, #tpu.memory_space<vmem>> -> memref<1x128xi32, #tpu.memory_space<vmem>>
    %dma_start3A_58 = tpu.memref_squeeze %dma_start3A_57 : memref<1x128xi32, #tpu.memory_space<vmem>> -> memref<128xi32, #tpu.memory_space<vmem>>
    %dma_start3A_59 = arith.constant 0 : i32
    %dma_start3A_60 = arith.constant 0 : i32
    %dma_start3A_61 = tpu.memref_slice %arg2[%dma_start3A_59, %dma_start3A_60] : memref<10240x128xf32, #tpu.memory_space<hbm>> -> memref<10240x128xf32, #tpu.memory_space<hbm>>
    tpu.enqueue_indirect_dma source(%dma_start3A_61 : memref<10240x128xf32, #tpu.memory_space<hbm>>) target(%arg9 : memref<128x128xf32, #tpu.memory_space<vmem>>) offsets(%dma_start3A_58 : memref<128xi32, #tpu.memory_space<vmem>>) semaphore(%arg12 : memref<!tpu.dma_semaphore, #tpu.memory_space<semaphore_mem>>)
    %dma_start3A_62 = arith.constant 1 : i32
    %dma_start3A_63 = arith.constant 0 : i32
    %dma_start3A_64 = tpu.memref_slice %arg7[%dma_start3A_62, %dma_start3A_63] : memref<40x128xi32, #tpu.memory_space<vmem>> -> memref<1x128xi32, #tpu.memory_space<vmem>>
    %dma_start3A_65 = tpu.memref_squeeze %dma_start3A_64 : memref<1x128xi32, #tpu.memory_space<vmem>> -> memref<128xi32, #tpu.memory_space<vmem>>
    %dma_start3A_66 = arith.constant 0 : i32
    %dma_start3A_67 = arith.constant 0 : i32
    %dma_start3A_68 = tpu.memref_slice %arg2[%dma_start3A_66, %dma_start3A_67] : memref<10240x128xf32, #tpu.memory_space<hbm>> -> memref<10240x128xf32, #tpu.memory_space<hbm>>
    tpu.enqueue_indirect_dma source(%dma_start3A_68 : memref<10240x128xf32, #tpu.memory_space<hbm>>) target(%arg10 : memref<128x128xf32, #tpu.memory_space<vmem>>) offsets(%dma_start3A_65 : memref<128xi32, #tpu.memory_space<vmem>>) semaphore(%arg13 : memref<!tpu.dma_semaphore, #tpu.memory_space<semaphore_mem>>)
    %scan3A_69 = arith.constant 0 : i32
    %scan3A_70 = arith.constant 0 : i32
    %scan3A_71 = arith.constant 20 : i32
    %scan3A_72 = arith.addi %scan3A_70, %scan3A_71 : i32
    %scan3A_73 = arith.constant 1 : i32
    scf.for %scan3A_110 = %scan3A_70 to %scan3A_72 step %scan3A_73  : i32 {
      %mul3A_111 = arith.constant 2 : i32
      %mul3A_112 = arith.muli %mul3A_111, %scan3A_110 : i32
      %dma_wait3A_113 = arith.constant 0 : i32
      %dma_wait3A_114 = arith.constant 0 : i32
      %dma_wait3A_115 = tpu.memref_slice %arg7[%dma_wait3A_113, %dma_wait3A_114] : memref<40x128xi32, #tpu.memory_space<vmem>> -> memref<1x128xi32, #tpu.memory_space<vmem>>
      %dma_wait3A_116 = tpu.memref_squeeze %dma_wait3A_115 : memref<1x128xi32, #tpu.memory_space<vmem>> -> memref<128xi32, #tpu.memory_space<vmem>>
      %dma_wait3A_117 = arith.constant 0 : i32
      %dma_wait3A_118 = arith.constant 0 : i32
      %dma_wait3A_119 = tpu.memref_slice %arg2[%dma_wait3A_117, %dma_wait3A_118] : memref<10240x128xf32, #tpu.memory_space<hbm>> -> memref<10240x128xf32, #tpu.memory_space<hbm>>
      tpu.wait_indirect_dma semaphore(%arg12 : memref<!tpu.dma_semaphore, #tpu.memory_space<semaphore_mem>>) src(%dma_wait3A_119 : memref<10240x128xf32, #tpu.memory_space<hbm>>) dst(%arg9 : memref<128x128xf32, #tpu.memory_space<vmem>>)
      "tpu.region"() ({
        %run_scoped3A_148 = tpu.sem_alloc : memref<!tpu.dma_semaphore, #tpu.memory_space<semaphore_mem>>
        %dma_start3A_149 = arith.constant 0 : i32
        %dma_start3A_150 = tpu.memref_slice %arg8[%mul3A_112, %dma_start3A_149] : memref<40x128xi32, #tpu.memory_space<vmem>> -> memref<1x128xi32, #tpu.memory_space<vmem>>
        %dma_start3A_151 = tpu.memref_squeeze %dma_start3A_150 : memref<1x128xi32, #tpu.memory_space<vmem>> -> memref<128xi32, #tpu.memory_space<vmem>>
        %dma_start3A_152 = arith.constant 0 : i32
        %dma_start3A_153 = arith.constant 0 : i32
        %dma_start3A_154 = tpu.memref_slice %arg11[%dma_start3A_152, %dma_start3A_153] : memref<10240x128xf32, #tpu.memory_space<vmem_shared>> -> memref<10240x128xf32, #tpu.memory_space<vmem_shared>>
        tpu.enqueue_indirect_dma source(%arg9 : memref<128x128xf32, #tpu.memory_space<vmem>>) target(%dma_start3A_154 : memref<10240x128xf32, #tpu.memory_space<vmem_shared>>) offsets(%dma_start3A_151 : memref<128xi32, #tpu.memory_space<vmem>>) semaphore(%run_scoped3A_148 : memref<!tpu.dma_semaphore, #tpu.memory_space<semaphore_mem>>) {add = true}
        %dma_wait3A_155 = arith.constant 0 : i32
        %dma_wait3A_156 = tpu.memref_slice %arg8[%mul3A_112, %dma_wait3A_155] : memref<40x128xi32, #tpu.memory_space<vmem>> -> memref<1x128xi32, #tpu.memory_space<vmem>>
        %dma_wait3A_157 = tpu.memref_squeeze %dma_wait3A_156 : memref<1x128xi32, #tpu.memory_space<vmem>> -> memref<128xi32, #tpu.memory_space<vmem>>
        %dma_wait3A_158 = arith.constant 0 : i32
        %dma_wait3A_159 = arith.constant 0 : i32
        %dma_wait3A_160 = tpu.memref_slice %arg11[%dma_wait3A_158, %dma_wait3A_159] : memref<10240x128xf32, #tpu.memory_space<vmem_shared>> -> memref<10240x128xf32, #tpu.memory_space<vmem_shared>>
        tpu.wait_indirect_dma semaphore(%run_scoped3A_148 : memref<!tpu.dma_semaphore, #tpu.memory_space<semaphore_mem>>) src(%arg9 : memref<128x128xf32, #tpu.memory_space<vmem>>) dst(%dma_wait3A_160 : memref<10240x128xf32, #tpu.memory_space<vmem_shared>>)
        tpu.yield
      }) : () -> ()
      %add3A_120 = arith.constant 2 : i32
      %add3A_121 = arith.addi %mul3A_112, %add3A_120 : i32
      %min3A = arith.constant 39 : i32
      %min3A_122 = arith.minsi %add3A_121, %min3A : i32
      %dma_start3A_123 = arith.constant 0 : i32
      %dma_start3A_124 = tpu.memref_slice %arg7[%min3A_122, %dma_start3A_123] : memref<40x128xi32, #tpu.memory_space<vmem>> -> memref<1x128xi32, #tpu.memory_space<vmem>>
      %dma_start3A_125 = tpu.memref_squeeze %dma_start3A_124 : memref<1x128xi32, #tpu.memory_space<vmem>> -> memref<128xi32, #tpu.memory_space<vmem>>
      %dma_start3A_126 = arith.constant 0 : i32
      %dma_start3A_127 = arith.constant 0 : i32
      %dma_start3A_128 = tpu.memref_slice %arg2[%dma_start3A_126, %dma_start3A_127] : memref<10240x128xf32, #tpu.memory_space<hbm>> -> memref<10240x128xf32, #tpu.memory_space<hbm>>
      tpu.enqueue_indirect_dma source(%dma_start3A_128 : memref<10240x128xf32, #tpu.memory_space<hbm>>) target(%arg9 : memref<128x128xf32, #tpu.memory_space<vmem>>) offsets(%dma_start3A_125 : memref<128xi32, #tpu.memory_space<vmem>>) semaphore(%arg12 : memref<!tpu.dma_semaphore, #tpu.memory_space<semaphore_mem>>)
      %add3A_129 = arith.constant 1 : i32
      %add3A_130 = arith.addi %mul3A_112, %add3A_129 : i32
      %dma_wait3A_131 = arith.constant 0 : i32
      %dma_wait3A_132 = arith.constant 0 : i32
      %dma_wait3A_133 = tpu.memref_slice %arg7[%dma_wait3A_131, %dma_wait3A_132] : memref<40x128xi32, #tpu.memory_space<vmem>> -> memref<1x128xi32, #tpu.memory_space<vmem>>
      %dma_wait3A_134 = tpu.memref_squeeze %dma_wait3A_133 : memref<1x128xi32, #tpu.memory_space<vmem>> -> memref<128xi32, #tpu.memory_space<vmem>>
      %dma_wait3A_135 = arith.constant 0 : i32
      %dma_wait3A_136 = arith.constant 0 : i32
      %dma_wait3A_137 = tpu.memref_slice %arg2[%dma_wait3A_135, %dma_wait3A_136] : memref<10240x128xf32, #tpu.memory_space<hbm>> -> memref<10240x128xf32, #tpu.memory_space<hbm>>
      tpu.wait_indirect_dma semaphore(%arg13 : memref<!tpu.dma_semaphore, #tpu.memory_space<semaphore_mem>>) src(%dma_wait3A_137 : memref<10240x128xf32, #tpu.memory_space<hbm>>) dst(%arg10 : memref<128x128xf32, #tpu.memory_space<vmem>>)
      "tpu.region"() ({
        %run_scoped3A_148 = tpu.sem_alloc : memref<!tpu.dma_semaphore, #tpu.memory_space<semaphore_mem>>
        %dma_start3A_149 = arith.constant 0 : i32
        %dma_start3A_150 = tpu.memref_slice %arg8[%add3A_130, %dma_start3A_149] : memref<40x128xi32, #tpu.memory_space<vmem>> -> memref<1x128xi32, #tpu.memory_space<vmem>>
        %dma_start3A_151 = tpu.memref_squeeze %dma_start3A_150 : memref<1x128xi32, #tpu.memory_space<vmem>> -> memref<128xi32, #tpu.memory_space<vmem>>
        %dma_start3A_152 = arith.constant 0 : i32
        %dma_start3A_153 = arith.constant 0 : i32
        %dma_start3A_154 = tpu.memref_slice %arg11[%dma_start3A_152, %dma_start3A_153] : memref<10240x128xf32, #tpu.memory_space<vmem_shared>> -> memref<10240x128xf32, #tpu.memory_space<vmem_shared>>
        tpu.enqueue_indirect_dma source(%arg10 : memref<128x128xf32, #tpu.memory_space<vmem>>) target(%dma_start3A_154 : memref<10240x128xf32, #tpu.memory_space<vmem_shared>>) offsets(%dma_start3A_151 : memref<128xi32, #tpu.memory_space<vmem>>) semaphore(%run_scoped3A_148 : memref<!tpu.dma_semaphore, #tpu.memory_space<semaphore_mem>>) {add = true}
        %dma_wait3A_155 = arith.constant 0 : i32
        %dma_wait3A_156 = tpu.memref_slice %arg8[%add3A_130, %dma_wait3A_155] : memref<40x128xi32, #tpu.memory_space<vmem>> -> memref<1x128xi32, #tpu.memory_space<vmem>>
        %dma_wait3A_157 = tpu.memref_squeeze %dma_wait3A_156 : memref<1x128xi32, #tpu.memory_space<vmem>> -> memref<128xi32, #tpu.memory_space<vmem>>
        %dma_wait3A_158 = arith.constant 0 : i32
        %dma_wait3A_159 = arith.constant 0 : i32
        %dma_wait3A_160 = tpu.memref_slice %arg11[%dma_wait3A_158, %dma_wait3A_159] : memref<10240x128xf32, #tpu.memory_space<vmem_shared>> -> memref<10240x128xf32, #tpu.memory_space<vmem_shared>>
        tpu.wait_indirect_dma semaphore(%run_scoped3A_148 : memref<!tpu.dma_semaphore, #tpu.memory_space<semaphore_mem>>) src(%arg10 : memref<128x128xf32, #tpu.memory_space<vmem>>) dst(%dma_wait3A_160 : memref<10240x128xf32, #tpu.memory_space<vmem_shared>>)
        tpu.yield
      }) : () -> ()
      %add3A_138 = arith.constant 2 : i32
      %add3A_139 = arith.addi %add3A_130, %add3A_138 : i32
      %min3A_140 = arith.constant 39 : i32
      %min3A_141 = arith.minsi %add3A_139, %min3A_140 : i32
      %dma_start3A_142 = arith.constant 0 : i32
      %dma_start3A_143 = tpu.memref_slice %arg7[%min3A_141, %dma_start3A_142] : memref<40x128xi32, #tpu.memory_space<vmem>> -> memref<1x128xi32, #tpu.memory_space<vmem>>
      %dma_start3A_144 = tpu.memref_squeeze %dma_start3A_143 : memref<1x128xi32, #tpu.memory_space<vmem>> -> memref<128xi32, #tpu.memory_space<vmem>>
      %dma_start3A_145 = arith.constant 0 : i32
      %dma_start3A_146 = arith.constant 0 : i32
      %dma_start3A_147 = tpu.memref_slice %arg2[%dma_start3A_145, %dma_start3A_146] : memref<10240x128xf32, #tpu.memory_space<hbm>> -> memref<10240x128xf32, #tpu.memory_space<hbm>>
      tpu.enqueue_indirect_dma source(%dma_start3A_147 : memref<10240x128xf32, #tpu.memory_space<hbm>>) target(%arg10 : memref<128x128xf32, #tpu.memory_space<vmem>>) offsets(%dma_start3A_144 : memref<128xi32, #tpu.memory_space<vmem>>) semaphore(%arg13 : memref<!tpu.dma_semaphore, #tpu.memory_space<semaphore_mem>>)
    }
    %scan3A_74 = arith.constant 20 : i32
    %dma_wait3A_75 = arith.constant 0 : i32
    %dma_wait3A_76 = arith.constant 0 : i32
    %dma_wait3A_77 = tpu.memref_slice %arg7[%dma_wait3A_75, %dma_wait3A_76] : memref<40x128xi32, #tpu.memory_space<vmem>> -> memref<1x128xi32, #tpu.memory_space<vmem>>
    %dma_wait3A_78 = tpu.memref_squeeze %dma_wait3A_77 : memref<1x128xi32, #tpu.memory_space<vmem>> -> memref<128xi32, #tpu.memory_space<vmem>>
    %dma_wait3A_79 = arith.constant 0 : i32
    %dma_wait3A_80 = arith.constant 0 : i32
    %dma_wait3A_81 = tpu.memref_slice %arg2[%dma_wait3A_79, %dma_wait3A_80] : memref<10240x128xf32, #tpu.memory_space<hbm>> -> memref<10240x128xf32, #tpu.memory_space<hbm>>
    tpu.wait_indirect_dma semaphore(%arg12 : memref<!tpu.dma_semaphore, #tpu.memory_space<semaphore_mem>>) src(%dma_wait3A_81 : memref<10240x128xf32, #tpu.memory_space<hbm>>) dst(%arg9 : memref<128x128xf32, #tpu.memory_space<vmem>>)
    %dma_wait3A_82 = arith.constant 0 : i32
    %dma_wait3A_83 = arith.constant 0 : i32
    %dma_wait3A_84 = tpu.memref_slice %arg7[%dma_wait3A_82, %dma_wait3A_83] : memref<40x128xi32, #tpu.memory_space<vmem>> -> memref<1x128xi32, #tpu.memory_space<vmem>>
    %dma_wait3A_85 = tpu.memref_squeeze %dma_wait3A_84 : memref<1x128xi32, #tpu.memory_space<vmem>> -> memref<128xi32, #tpu.memory_space<vmem>>
    %dma_wait3A_86 = arith.constant 0 : i32
    %dma_wait3A_87 = arith.constant 0 : i32
    %dma_wait3A_88 = tpu.memref_slice %arg2[%dma_wait3A_86, %dma_wait3A_87] : memref<10240x128xf32, #tpu.memory_space<hbm>> -> memref<10240x128xf32, #tpu.memory_space<hbm>>
    tpu.wait_indirect_dma semaphore(%arg13 : memref<!tpu.dma_semaphore, #tpu.memory_space<semaphore_mem>>) src(%dma_wait3A_88 : memref<10240x128xf32, #tpu.memory_space<hbm>>) dst(%arg10 : memref<128x128xf32, #tpu.memory_space<vmem>>)
    %barrier3A_89 = arith.constant 0 : index
    tpu.barrier barrier_id(%barrier3A_89)
    %mul3A_90 = arith.constant 640 : i32
    %mul3A_91 = arith.muli %arg1, %mul3A_90 : i32
    %add3A_92 = arith.constant 0 : i32
    %add3A_93 = arith.addi %mul3A_91, %add3A_92 : i32
    "tpu.region"() ({
      %run_scoped3A_110 = tpu.sem_alloc : memref<!tpu.dma_semaphore, #tpu.memory_space<semaphore_mem>>
      %dma_start3A_111 = arith.constant 0 : i32
      %dma_start3A_112 = tpu.memref_slice %arg11[%add3A_93, %dma_start3A_111] : memref<10240x128xf32, #tpu.memory_space<vmem_shared>> -> memref<128x128xf32, #tpu.memory_space<vmem_shared>>
      %dma_start3A_113 = arith.constant 0 : i32
      %dma_start3A_114 = tpu.memref_slice %arg11[%add3A_93, %dma_start3A_113] : memref<10240x128xf32, #tpu.memory_space<vmem_shared>> -> memref<128x128xf32, #tpu.memory_space<vmem_shared>>
      tpu.enqueue_dma source(%dma_start3A_114 : memref<128x128xf32, #tpu.memory_space<vmem_shared>>) target(%arg9 : memref<128x128xf32, #tpu.memory_space<vmem>>) target_semaphore(%run_scoped3A_110 : memref<!tpu.dma_semaphore, #tpu.memory_space<semaphore_mem>>)
      %dma_wait3A_115 = arith.constant 0 : i32
      %dma_wait3A_116 = tpu.memref_slice %arg11[%add3A_93, %dma_wait3A_115] : memref<10240x128xf32, #tpu.memory_space<vmem_shared>> -> memref<128x128xf32, #tpu.memory_space<vmem_shared>>
      %dma_wait3A_117 = arith.constant 0 : i32
      %dma_wait3A_118 = tpu.memref_slice %arg11[%add3A_93, %dma_wait3A_117] : memref<10240x128xf32, #tpu.memory_space<vmem_shared>> -> memref<128x128xf32, #tpu.memory_space<vmem_shared>>
      tpu.wait_dma2 semaphore(%run_scoped3A_110 : memref<!tpu.dma_semaphore, #tpu.memory_space<semaphore_mem>>) src(%dma_wait3A_118 : memref<128x128xf32, #tpu.memory_space<vmem_shared>>) dst(%arg9 : memref<128x128xf32, #tpu.memory_space<vmem>>)
      tpu.yield
    }) : () -> ()
    "tpu.region"() ({
      %run_scoped3A_110 = tpu.sem_alloc : memref<!tpu.dma_semaphore, #tpu.memory_space<semaphore_mem>>
      %dma_start3A_111 = arith.constant 0 : i32
      %dma_start3A_112 = tpu.memref_slice %arg6[%arg0, %add3A_93, %dma_start3A_111] : memref<2x10240x128xf32, #tpu.memory_space<hbm>> -> memref<1x128x128xf32, #tpu.memory_space<hbm>>
      %dma_start3A_113 = tpu.memref_squeeze %dma_start3A_112 : memref<1x128x128xf32, #tpu.memory_space<hbm>> -> memref<128x128xf32, #tpu.memory_space<hbm>>
      %dma_start3A_114 = arith.constant 0 : i32
      %dma_start3A_115 = tpu.memref_slice %arg6[%arg0, %add3A_93, %dma_start3A_114] : memref<2x10240x128xf32, #tpu.memory_space<hbm>> -> memref<1x128x128xf32, #tpu.memory_space<hbm>>
      %dma_start3A_116 = tpu.memref_squeeze %dma_start3A_115 : memref<1x128x128xf32, #tpu.memory_space<hbm>> -> memref<128x128xf32, #tpu.memory_space<hbm>>
      tpu.enqueue_dma source(%arg9 : memref<128x128xf32, #tpu.memory_space<vmem>>) target(%dma_start3A_116 : memref<128x128xf32, #tpu.memory_space<hbm>>) target_semaphore(%run_scoped3A_110 : memref<!tpu.dma_semaphore, #tpu.memory_space<semaphore_mem>>)
      %dma_wait3A_117 = arith.constant 0 : i32
      %dma_wait3A_118 = tpu.memref_slice %arg6[%arg0, %add3A_93, %dma_wait3A_117] : memref<2x10240x128xf32, #tpu.memory_space<hbm>> -> memref<1x128x128xf32, #tpu.memory_space<hbm>>
      %dma_wait3A_119 = tpu.memref_squeeze %dma_wait3A_118 : memref<1x128x128xf32, #tpu.memory_space<hbm>> -> memref<128x128xf32, #tpu.memory_space<hbm>>
      %dma_wait3A_120 = arith.constant 0 : i32
      %dma_wait3A_121 = tpu.memref_slice %arg6[%arg0, %add3A_93, %dma_wait3A_120] : memref<2x10240x128xf32, #tpu.memory_space<hbm>> -> memref<1x128x128xf32, #tpu.memory_space<hbm>>
      %dma_wait3A_122 = tpu.memref_squeeze %dma_wait3A_121 : memref<1x128x128xf32, #tpu.memory_space<hbm>> -> memref<128x128xf32, #tpu.memory_space<hbm>>
      tpu.wait_dma2 semaphore(%run_scoped3A_110 : memref<!tpu.dma_semaphore, #tpu.memory_space<semaphore_mem>>) src(%arg9 : memref<128x128xf32, #tpu.memory_space<vmem>>) dst(%dma_wait3A_122 : memref<128x128xf32, #tpu.memory_space<hbm>>)
      tpu.yield
    }) : () -> ()
    %mul3A_94 = arith.constant 640 : i32
    %mul3A_95 = arith.muli %arg1, %mul3A_94 : i32
    %add3A_96 = arith.constant 128 : i32
    %add3A_97 = arith.addi %mul3A_95, %add3A_96 : i32
    "tpu.region"() ({
      %run_scoped3A_110 = tpu.sem_alloc : memref<!tpu.dma_semaphore, #tpu.memory_space<semaphore_mem>>
      %dma_start3A_111 = arith.constant 0 : i32
      %dma_start3A_112 = tpu.memref_slice %arg11[%add3A_97, %dma_start3A_111] : memref<10240x128xf32, #tpu.memory_space<vmem_shared>> -> memref<128x128xf32, #tpu.memory_space<vmem_shared>>
      %dma_start3A_113 = arith.constant 0 : i32
      %dma_start3A_114 = tpu.memref_slice %arg11[%add3A_97, %dma_start3A_113] : memref<10240x128xf32, #tpu.memory_space<vmem_shared>> -> memref<128x128xf32, #tpu.memory_space<vmem_shared>>
      tpu.enqueue_dma source(%dma_start3A_114 : memref<128x128xf32, #tpu.memory_space<vmem_shared>>) target(%arg9 : memref<128x128xf32, #tpu.memory_space<vmem>>) target_semaphore(%run_scoped3A_110 : memref<!tpu.dma_semaphore, #tpu.memory_space<semaphore_mem>>)
      %dma_wait3A_115 = arith.constant 0 : i32
      %dma_wait3A_116 = tpu.memref_slice %arg11[%add3A_97, %dma_wait3A_115] : memref<10240x128xf32, #tpu.memory_space<vmem_shared>> -> memref<128x128xf32, #tpu.memory_space<vmem_shared>>
      %dma_wait3A_117 = arith.constant 0 : i32
      %dma_wait3A_118 = tpu.memref_slice %arg11[%add3A_97, %dma_wait3A_117] : memref<10240x128xf32, #tpu.memory_space<vmem_shared>> -> memref<128x128xf32, #tpu.memory_space<vmem_shared>>
      tpu.wait_dma2 semaphore(%run_scoped3A_110 : memref<!tpu.dma_semaphore, #tpu.memory_space<semaphore_mem>>) src(%dma_wait3A_118 : memref<128x128xf32, #tpu.memory_space<vmem_shared>>) dst(%arg9 : memref<128x128xf32, #tpu.memory_space<vmem>>)
      tpu.yield
    }) : () -> ()
    "tpu.region"() ({
      %run_scoped3A_110 = tpu.sem_alloc : memref<!tpu.dma_semaphore, #tpu.memory_space<semaphore_mem>>
      %dma_start3A_111 = arith.constant 0 : i32
      %dma_start3A_112 = tpu.memref_slice %arg6[%arg0, %add3A_97, %dma_start3A_111] : memref<2x10240x128xf32, #tpu.memory_space<hbm>> -> memref<1x128x128xf32, #tpu.memory_space<hbm>>
      %dma_start3A_113 = tpu.memref_squeeze %dma_start3A_112 : memref<1x128x128xf32, #tpu.memory_space<hbm>> -> memref<128x128xf32, #tpu.memory_space<hbm>>
      %dma_start3A_114 = arith.constant 0 : i32
      %dma_start3A_115 = tpu.memref_slice %arg6[%arg0, %add3A_97, %dma_start3A_114] : memref<2x10240x128xf32, #tpu.memory_space<hbm>> -> memref<1x128x128xf32, #tpu.memory_space<hbm>>
      %dma_start3A_116 = tpu.memref_squeeze %dma_start3A_115 : memref<1x128x128xf32, #tpu.memory_space<hbm>> -> memref<128x128xf32, #tpu.memory_space<hbm>>
      tpu.enqueue_dma source(%arg9 : memref<128x128xf32, #tpu.memory_space<vmem>>) target(%dma_start3A_116 : memref<128x128xf32, #tpu.memory_space<hbm>>) target_semaphore(%run_scoped3A_110 : memref<!tpu.dma_semaphore, #tpu.memory_space<semaphore_mem>>)
      %dma_wait3A_117 = arith.constant 0 : i32
      %dma_wait3A_118 = tpu.memref_slice %arg6[%arg0, %add3A_97, %dma_wait3A_117] : memref<2x10240x128xf32, #tpu.memory_space<hbm>> -> memref<1x128x128xf32, #tpu.memory_space<hbm>>
      %dma_wait3A_119 = tpu.memref_squeeze %dma_wait3A_118 : memref<1x128x128xf32, #tpu.memory_space<hbm>> -> memref<128x128xf32, #tpu.memory_space<hbm>>
      %dma_wait3A_120 = arith.constant 0 : i32
      %dma_wait3A_121 = tpu.memref_slice %arg6[%arg0, %add3A_97, %dma_wait3A_120] : memref<2x10240x128xf32, #tpu.memory_space<hbm>> -> memref<1x128x128xf32, #tpu.memory_space<hbm>>
      %dma_wait3A_122 = tpu.memref_squeeze %dma_wait3A_121 : memref<1x128x128xf32, #tpu.memory_space<hbm>> -> memref<128x128xf32, #tpu.memory_space<hbm>>
      tpu.wait_dma2 semaphore(%run_scoped3A_110 : memref<!tpu.dma_semaphore, #tpu.memory_space<semaphore_mem>>) src(%arg9 : memref<128x128xf32, #tpu.memory_space<vmem>>) dst(%dma_wait3A_122 : memref<128x128xf32, #tpu.memory_space<hbm>>)
      tpu.yield
    }) : () -> ()
    %mul3A_98 = arith.constant 640 : i32
    %mul3A_99 = arith.muli %arg1, %mul3A_98 : i32
    %add3A_100 = arith.constant 256 : i32
    %add3A_101 = arith.addi %mul3A_99, %add3A_100 : i32
    "tpu.region"() ({
      %run_scoped3A_110 = tpu.sem_alloc : memref<!tpu.dma_semaphore, #tpu.memory_space<semaphore_mem>>
      %dma_start3A_111 = arith.constant 0 : i32
      %dma_start3A_112 = tpu.memref_slice %arg11[%add3A_101, %dma_start3A_111] : memref<10240x128xf32, #tpu.memory_space<vmem_shared>> -> memref<128x128xf32, #tpu.memory_space<vmem_shared>>
      %dma_start3A_113 = arith.constant 0 : i32
      %dma_start3A_114 = tpu.memref_slice %arg11[%add3A_101, %dma_start3A_113] : memref<10240x128xf32, #tpu.memory_space<vmem_shared>> -> memref<128x128xf32, #tpu.memory_space<vmem_shared>>
      tpu.enqueue_dma source(%dma_start3A_114 : memref<128x128xf32, #tpu.memory_space<vmem_shared>>) target(%arg9 : memref<128x128xf32, #tpu.memory_space<vmem>>) target_semaphore(%run_scoped3A_110 : memref<!tpu.dma_semaphore, #tpu.memory_space<semaphore_mem>>)
      %dma_wait3A_115 = arith.constant 0 : i32
      %dma_wait3A_116 = tpu.memref_slice %arg11[%add3A_101, %dma_wait3A_115] : memref<10240x128xf32, #tpu.memory_space<vmem_shared>> -> memref<128x128xf32, #tpu.memory_space<vmem_shared>>
      %dma_wait3A_117 = arith.constant 0 : i32
      %dma_wait3A_118 = tpu.memref_slice %arg11[%add3A_101, %dma_wait3A_117] : memref<10240x128xf32, #tpu.memory_space<vmem_shared>> -> memref<128x128xf32, #tpu.memory_space<vmem_shared>>
      tpu.wait_dma2 semaphore(%run_scoped3A_110 : memref<!tpu.dma_semaphore, #tpu.memory_space<semaphore_mem>>) src(%dma_wait3A_118 : memref<128x128xf32, #tpu.memory_space<vmem_shared>>) dst(%arg9 : memref<128x128xf32, #tpu.memory_space<vmem>>)
      tpu.yield
    }) : () -> ()
    "tpu.region"() ({
      %run_scoped3A_110 = tpu.sem_alloc : memref<!tpu.dma_semaphore, #tpu.memory_space<semaphore_mem>>
      %dma_start3A_111 = arith.constant 0 : i32
      %dma_start3A_112 = tpu.memref_slice %arg6[%arg0, %add3A_101, %dma_start3A_111] : memref<2x10240x128xf32, #tpu.memory_space<hbm>> -> memref<1x128x128xf32, #tpu.memory_space<hbm>>
      %dma_start3A_113 = tpu.memref_squeeze %dma_start3A_112 : memref<1x128x128xf32, #tpu.memory_space<hbm>> -> memref<128x128xf32, #tpu.memory_space<hbm>>
      %dma_start3A_114 = arith.constant 0 : i32
      %dma_start3A_115 = tpu.memref_slice %arg6[%arg0, %add3A_101, %dma_start3A_114] : memref<2x10240x128xf32, #tpu.memory_space<hbm>> -> memref<1x128x128xf32, #tpu.memory_space<hbm>>
      %dma_start3A_116 = tpu.memref_squeeze %dma_start3A_115 : memref<1x128x128xf32, #tpu.memory_space<hbm>> -> memref<128x128xf32, #tpu.memory_space<hbm>>
      tpu.enqueue_dma source(%arg9 : memref<128x128xf32, #tpu.memory_space<vmem>>) target(%dma_start3A_116 : memref<128x128xf32, #tpu.memory_space<hbm>>) target_semaphore(%run_scoped3A_110 : memref<!tpu.dma_semaphore, #tpu.memory_space<semaphore_mem>>)
      %dma_wait3A_117 = arith.constant 0 : i32
      %dma_wait3A_118 = tpu.memref_slice %arg6[%arg0, %add3A_101, %dma_wait3A_117] : memref<2x10240x128xf32, #tpu.memory_space<hbm>> -> memref<1x128x128xf32, #tpu.memory_space<hbm>>
      %dma_wait3A_119 = tpu.memref_squeeze %dma_wait3A_118 : memref<1x128x128xf32, #tpu.memory_space<hbm>> -> memref<128x128xf32, #tpu.memory_space<hbm>>
      %dma_wait3A_120 = arith.constant 0 : i32
      %dma_wait3A_121 = tpu.memref_slice %arg6[%arg0, %add3A_101, %dma_wait3A_120] : memref<2x10240x128xf32, #tpu.memory_space<hbm>> -> memref<1x128x128xf32, #tpu.memory_space<hbm>>
      %dma_wait3A_122 = tpu.memref_squeeze %dma_wait3A_121 : memref<1x128x128xf32, #tpu.memory_space<hbm>> -> memref<128x128xf32, #tpu.memory_space<hbm>>
      tpu.wait_dma2 semaphore(%run_scoped3A_110 : memref<!tpu.dma_semaphore, #tpu.memory_space<semaphore_mem>>) src(%arg9 : memref<128x128xf32, #tpu.memory_space<vmem>>) dst(%dma_wait3A_122 : memref<128x128xf32, #tpu.memory_space<hbm>>)
      tpu.yield
    }) : () -> ()
    %mul3A_102 = arith.constant 640 : i32
    %mul3A_103 = arith.muli %arg1, %mul3A_102 : i32
    %add3A_104 = arith.constant 384 : i32
    %add3A_105 = arith.addi %mul3A_103, %add3A_104 : i32
    "tpu.region"() ({
      %run_scoped3A_110 = tpu.sem_alloc : memref<!tpu.dma_semaphore, #tpu.memory_space<semaphore_mem>>
      %dma_start3A_111 = arith.constant 0 : i32
      %dma_start3A_112 = tpu.memref_slice %arg11[%add3A_105, %dma_start3A_111] : memref<10240x128xf32, #tpu.memory_space<vmem_shared>> -> memref<128x128xf32, #tpu.memory_space<vmem_shared>>
      %dma_start3A_113 = arith.constant 0 : i32
      %dma_start3A_114 = tpu.memref_slice %arg11[%add3A_105, %dma_start3A_113] : memref<10240x128xf32, #tpu.memory_space<vmem_shared>> -> memref<128x128xf32, #tpu.memory_space<vmem_shared>>
      tpu.enqueue_dma source(%dma_start3A_114 : memref<128x128xf32, #tpu.memory_space<vmem_shared>>) target(%arg9 : memref<128x128xf32, #tpu.memory_space<vmem>>) target_semaphore(%run_scoped3A_110 : memref<!tpu.dma_semaphore, #tpu.memory_space<semaphore_mem>>)
      %dma_wait3A_115 = arith.constant 0 : i32
      %dma_wait3A_116 = tpu.memref_slice %arg11[%add3A_105, %dma_wait3A_115] : memref<10240x128xf32, #tpu.memory_space<vmem_shared>> -> memref<128x128xf32, #tpu.memory_space<vmem_shared>>
      %dma_wait3A_117 = arith.constant 0 : i32
      %dma_wait3A_118 = tpu.memref_slice %arg11[%add3A_105, %dma_wait3A_117] : memref<10240x128xf32, #tpu.memory_space<vmem_shared>> -> memref<128x128xf32, #tpu.memory_space<vmem_shared>>
      tpu.wait_dma2 semaphore(%run_scoped3A_110 : memref<!tpu.dma_semaphore, #tpu.memory_space<semaphore_mem>>) src(%dma_wait3A_118 : memref<128x128xf32, #tpu.memory_space<vmem_shared>>) dst(%arg9 : memref<128x128xf32, #tpu.memory_space<vmem>>)
      tpu.yield
    }) : () -> ()
    "tpu.region"() ({
      %run_scoped3A_110 = tpu.sem_alloc : memref<!tpu.dma_semaphore, #tpu.memory_space<semaphore_mem>>
      %dma_start3A_111 = arith.constant 0 : i32
      %dma_start3A_112 = tpu.memref_slice %arg6[%arg0, %add3A_105, %dma_start3A_111] : memref<2x10240x128xf32, #tpu.memory_space<hbm>> -> memref<1x128x128xf32, #tpu.memory_space<hbm>>
      %dma_start3A_113 = tpu.memref_squeeze %dma_start3A_112 : memref<1x128x128xf32, #tpu.memory_space<hbm>> -> memref<128x128xf32, #tpu.memory_space<hbm>>
      %dma_start3A_114 = arith.constant 0 : i32
      %dma_start3A_115 = tpu.memref_slice %arg6[%arg0, %add3A_105, %dma_start3A_114] : memref<2x10240x128xf32, #tpu.memory_space<hbm>> -> memref<1x128x128xf32, #tpu.memory_space<hbm>>
      %dma_start3A_116 = tpu.memref_squeeze %dma_start3A_115 : memref<1x128x128xf32, #tpu.memory_space<hbm>> -> memref<128x128xf32, #tpu.memory_space<hbm>>
      tpu.enqueue_dma source(%arg9 : memref<128x128xf32, #tpu.memory_space<vmem>>) target(%dma_start3A_116 : memref<128x128xf32, #tpu.memory_space<hbm>>) target_semaphore(%run_scoped3A_110 : memref<!tpu.dma_semaphore, #tpu.memory_space<semaphore_mem>>)
      %dma_wait3A_117 = arith.constant 0 : i32
      %dma_wait3A_118 = tpu.memref_slice %arg6[%arg0, %add3A_105, %dma_wait3A_117] : memref<2x10240x128xf32, #tpu.memory_space<hbm>> -> memref<1x128x128xf32, #tpu.memory_space<hbm>>
      %dma_wait3A_119 = tpu.memref_squeeze %dma_wait3A_118 : memref<1x128x128xf32, #tpu.memory_space<hbm>> -> memref<128x128xf32, #tpu.memory_space<hbm>>
      %dma_wait3A_120 = arith.constant 0 : i32
      %dma_wait3A_121 = tpu.memref_slice %arg6[%arg0, %add3A_105, %dma_wait3A_120] : memref<2x10240x128xf32, #tpu.memory_space<hbm>> -> memref<1x128x128xf32, #tpu.memory_space<hbm>>
      %dma_wait3A_122 = tpu.memref_squeeze %dma_wait3A_121 : memref<1x128x128xf32, #tpu.memory_space<hbm>> -> memref<128x128xf32, #tpu.memory_space<hbm>>
      tpu.wait_dma2 semaphore(%run_scoped3A_110 : memref<!tpu.dma_semaphore, #tpu.memory_space<semaphore_mem>>) src(%arg9 : memref<128x128xf32, #tpu.memory_space<vmem>>) dst(%dma_wait3A_122 : memref<128x128xf32, #tpu.memory_space<hbm>>)
      tpu.yield
    }) : () -> ()
    %mul3A_106 = arith.constant 640 : i32
    %mul3A_107 = arith.muli %arg1, %mul3A_106 : i32
    %add3A_108 = arith.constant 512 : i32
    %add3A_109 = arith.addi %mul3A_107, %add3A_108 : i32
    "tpu.region"() ({
      %run_scoped3A_110 = tpu.sem_alloc : memref<!tpu.dma_semaphore, #tpu.memory_space<semaphore_mem>>
      %dma_start3A_111 = arith.constant 0 : i32
      %dma_start3A_112 = tpu.memref_slice %arg11[%add3A_109, %dma_start3A_111] : memref<10240x128xf32, #tpu.memory_space<vmem_shared>> -> memref<128x128xf32, #tpu.memory_space<vmem_shared>>
      %dma_start3A_113 = arith.constant 0 : i32
      %dma_start3A_114 = tpu.memref_slice %arg11[%add3A_109, %dma_start3A_113] : memref<10240x128xf32, #tpu.memory_space<vmem_shared>> -> memref<128x128xf32, #tpu.memory_space<vmem_shared>>
      tpu.enqueue_dma source(%dma_start3A_114 : memref<128x128xf32, #tpu.memory_space<vmem_shared>>) target(%arg9 : memref<128x128xf32, #tpu.memory_space<vmem>>) target_semaphore(%run_scoped3A_110 : memref<!tpu.dma_semaphore, #tpu.memory_space<semaphore_mem>>)
      %dma_wait3A_115 = arith.constant 0 : i32
      %dma_wait3A_116 = tpu.memref_slice %arg11[%add3A_109, %dma_wait3A_115] : memref<10240x128xf32, #tpu.memory_space<vmem_shared>> -> memref<128x128xf32, #tpu.memory_space<vmem_shared>>
      %dma_wait3A_117 = arith.constant 0 : i32
      %dma_wait3A_118 = tpu.memref_slice %arg11[%add3A_109, %dma_wait3A_117] : memref<10240x128xf32, #tpu.memory_space<vmem_shared>> -> memref<128x128xf32, #tpu.memory_space<vmem_shared>>
      tpu.wait_dma2 semaphore(%run_scoped3A_110 : memref<!tpu.dma_semaphore, #tpu.memory_space<semaphore_mem>>) src(%dma_wait3A_118 : memref<128x128xf32, #tpu.memory_space<vmem_shared>>) dst(%arg9 : memref<128x128xf32, #tpu.memory_space<vmem>>)
      tpu.yield
    }) : () -> ()
    "tpu.region"() ({
      %run_scoped3A_110 = tpu.sem_alloc : memref<!tpu.dma_semaphore, #tpu.memory_space<semaphore_mem>>
      %dma_start3A_111 = arith.constant 0 : i32
      %dma_start3A_112 = tpu.memref_slice %arg6[%arg0, %add3A_109, %dma_start3A_111] : memref<2x10240x128xf32, #tpu.memory_space<hbm>> -> memref<1x128x128xf32, #tpu.memory_space<hbm>>
      %dma_start3A_113 = tpu.memref_squeeze %dma_start3A_112 : memref<1x128x128xf32, #tpu.memory_space<hbm>> -> memref<128x128xf32, #tpu.memory_space<hbm>>
      %dma_start3A_114 = arith.constant 0 : i32
      %dma_start3A_115 = tpu.memref_slice %arg6[%arg0, %add3A_109, %dma_start3A_114] : memref<2x10240x128xf32, #tpu.memory_space<hbm>> -> memref<1x128x128xf32, #tpu.memory_space<hbm>>
      %dma_start3A_116 = tpu.memref_squeeze %dma_start3A_115 : memref<1x128x128xf32, #tpu.memory_space<hbm>> -> memref<128x128xf32, #tpu.memory_space<hbm>>
      tpu.enqueue_dma source(%arg9 : memref<128x128xf32, #tpu.memory_space<vmem>>) target(%dma_start3A_116 : memref<128x128xf32, #tpu.memory_space<hbm>>) target_semaphore(%run_scoped3A_110 : memref<!tpu.dma_semaphore, #tpu.memory_space<semaphore_mem>>)
      %dma_wait3A_117 = arith.constant 0 : i32
      %dma_wait3A_118 = tpu.memref_slice %arg6[%arg0, %add3A_109, %dma_wait3A_117] : memref<2x10240x128xf32, #tpu.memory_space<hbm>> -> memref<1x128x128xf32, #tpu.memory_space<hbm>>
      %dma_wait3A_119 = tpu.memref_squeeze %dma_wait3A_118 : memref<1x128x128xf32, #tpu.memory_space<hbm>> -> memref<128x128xf32, #tpu.memory_space<hbm>>
      %dma_wait3A_120 = arith.constant 0 : i32
      %dma_wait3A_121 = tpu.memref_slice %arg6[%arg0, %add3A_109, %dma_wait3A_120] : memref<2x10240x128xf32, #tpu.memory_space<hbm>> -> memref<1x128x128xf32, #tpu.memory_space<hbm>>
      %dma_wait3A_122 = tpu.memref_squeeze %dma_wait3A_121 : memref<1x128x128xf32, #tpu.memory_space<hbm>> -> memref<128x128xf32, #tpu.memory_space<hbm>>
      tpu.wait_dma2 semaphore(%run_scoped3A_110 : memref<!tpu.dma_semaphore, #tpu.memory_space<semaphore_mem>>) src(%arg9 : memref<128x128xf32, #tpu.memory_space<vmem>>) dst(%dma_wait3A_122 : memref<128x128xf32, #tpu.memory_space<hbm>>)
      tpu.yield
    }) : () -> ()
    return
  }
}

#map = affine_map<(d0, d1) -> (0, 0)>
#map1 = affine_map<(d0, d1) -> (0, 0, 0, 0)>
#map2 = affine_map<(d0, d1) -> (0, 0, 0)>
module attributes {stable_mosaic.version = 14 : i64} {
  func.func @_sc_pass_body(%arg0: i32, %arg1: i32, %arg2: memref<10240x128xf32, #tpu.memory_space<hbm>>, %arg3: memref<32x2x40x128xi32, #tpu.memory_space<hbm>>, %arg4: memref<32x2x40x128xi32, #tpu.memory_space<hbm>>, %arg5: memref<128x128xf32, #tpu.memory_space<hbm>>, %arg6: memref<2x10240x128xf32, #tpu.memory_space<hbm>>, %arg7: memref<40x128xi32, #tpu.memory_space<vmem>>, %arg8: memref<40x128xi32, #tpu.memory_space<vmem>>, %arg9: memref<128x128xf32, #tpu.memory_space<vmem>>, %arg10: memref<128x128xf32, #tpu.memory_space<vmem>>, %arg11: memref<10240x128xf32, #tpu.memory_space<vmem_shared>>, %arg12: memref<!tpu.dma_semaphore, #tpu.memory_space<semaphore_mem>>, %arg13: memref<!tpu.dma_semaphore, #tpu.memory_space<semaphore_mem>>) attributes {dimension_semantics = [#tpu.dimension_semantics<core_parallel>, #tpu.dimension_semantics<subcore_parallel>], iteration_bounds = array<i64: 2, 16>, scalar_prefetch = 0 : i64, scratch_operands = 7 : i64, tpu.core_type = #tpu.core_type<sc_vector_subcore>, window_params = [{transform_indices = #map}, {transform_indices = #map1}, {transform_indices = #map1}, {transform_indices = #map}, {transform_indices = #map2}]} {
    %mul3A = arith.constant 16 : i32
    %mul3A_0 = arith.muli %arg0, %mul3A : i32
    %add3A = arith.addi %mul3A_0, %arg1 : i32
    %run_scoped3A = arith.constant 0 : i32
    "tpu.region"() ({
      %run_scoped3A_110 = tpu.sem_alloc : memref<!tpu.dma_semaphore, #tpu.memory_space<semaphore_mem>>
      %dma_start3A_111 = arith.constant 0 : i32
      %dma_start3A_112 = arith.constant 0 : i32
      %dma_start3A_113 = tpu.memref_slice %arg3[%add3A, %run_scoped3A, %dma_start3A_111, %dma_start3A_112] : memref<32x2x40x128xi32, #tpu.memory_space<hbm>> -> memref<1x1x40x128xi32, #tpu.memory_space<hbm>>
      %dma_start3A_114 = tpu.memref_squeeze %dma_start3A_113 : memref<1x1x40x128xi32, #tpu.memory_space<hbm>> -> memref<40x128xi32, #tpu.memory_space<hbm>>
      %dma_start3A_115 = arith.constant 0 : i32
      %dma_start3A_116 = arith.constant 0 : i32
      %dma_start3A_117 = tpu.memref_slice %arg3[%add3A, %run_scoped3A, %dma_start3A_115, %dma_start3A_116] : memref<32x2x40x128xi32, #tpu.memory_space<hbm>> -> memref<1x1x40x128xi32, #tpu.memory_space<hbm>>
      %dma_start3A_118 = tpu.memref_squeeze %dma_start3A_117 : memref<1x1x40x128xi32, #tpu.memory_space<hbm>> -> memref<40x128xi32, #tpu.memory_space<hbm>>
      tpu.enqueue_dma source(%dma_start3A_118 : memref<40x128xi32, #tpu.memory_space<hbm>>) target(%arg7 : memref<40x128xi32, #tpu.memory_space<vmem>>) target_semaphore(%run_scoped3A_110 : memref<!tpu.dma_semaphore, #tpu.memory_space<semaphore_mem>>)
      %dma_wait3A_119 = arith.constant 0 : i32
      %dma_wait3A_120 = arith.constant 0 : i32
      %dma_wait3A_121 = tpu.memref_slice %arg3[%add3A, %run_scoped3A, %dma_wait3A_119, %dma_wait3A_120] : memref<32x2x40x128xi32, #tpu.memory_space<hbm>> -> memref<1x1x40x128xi32, #tpu.memory_space<hbm>>
      %dma_wait3A_122 = tpu.memref_squeeze %dma_wait3A_121 : memref<1x1x40x128xi32, #tpu.memory_space<hbm>> -> memref<40x128xi32, #tpu.memory_space<hbm>>
      %dma_wait3A_123 = arith.constant 0 : i32
      %dma_wait3A_124 = arith.constant 0 : i32
      %dma_wait3A_125 = tpu.memref_slice %arg3[%add3A, %run_scoped3A, %dma_wait3A_123, %dma_wait3A_124] : memref<32x2x40x128xi32, #tpu.memory_space<hbm>> -> memref<1x1x40x128xi32, #tpu.memory_space<hbm>>
      %dma_wait3A_126 = tpu.memref_squeeze %dma_wait3A_125 : memref<1x1x40x128xi32, #tpu.memory_space<hbm>> -> memref<40x128xi32, #tpu.memory_space<hbm>>
      tpu.wait_dma2 semaphore(%run_scoped3A_110 : memref<!tpu.dma_semaphore, #tpu.memory_space<semaphore_mem>>) src(%dma_wait3A_126 : memref<40x128xi32, #tpu.memory_space<hbm>>) dst(%arg7 : memref<40x128xi32, #tpu.memory_space<vmem>>)
      tpu.yield
    }) : () -> ()
    %run_scoped3A_1 = arith.constant 0 : i32
    "tpu.region"() ({
      %run_scoped3A_110 = tpu.sem_alloc : memref<!tpu.dma_semaphore, #tpu.memory_space<semaphore_mem>>
      %dma_start3A_111 = arith.constant 0 : i32
      %dma_start3A_112 = arith.constant 0 : i32
      %dma_start3A_113 = tpu.memref_slice %arg4[%add3A, %run_scoped3A_1, %dma_start3A_111, %dma_start3A_112] : memref<32x2x40x128xi32, #tpu.memory_space<hbm>> -> memref<1x1x40x128xi32, #tpu.memory_space<hbm>>
      %dma_start3A_114 = tpu.memref_squeeze %dma_start3A_113 : memref<1x1x40x128xi32, #tpu.memory_space<hbm>> -> memref<40x128xi32, #tpu.memory_space<hbm>>
      %dma_start3A_115 = arith.constant 0 : i32
      %dma_start3A_116 = arith.constant 0 : i32
      %dma_start3A_117 = tpu.memref_slice %arg4[%add3A, %run_scoped3A_1, %dma_start3A_115, %dma_start3A_116] : memref<32x2x40x128xi32, #tpu.memory_space<hbm>> -> memref<1x1x40x128xi32, #tpu.memory_space<hbm>>
      %dma_start3A_118 = tpu.memref_squeeze %dma_start3A_117 : memref<1x1x40x128xi32, #tpu.memory_space<hbm>> -> memref<40x128xi32, #tpu.memory_space<hbm>>
      tpu.enqueue_dma source(%dma_start3A_118 : memref<40x128xi32, #tpu.memory_space<hbm>>) target(%arg8 : memref<40x128xi32, #tpu.memory_space<vmem>>) target_semaphore(%run_scoped3A_110 : memref<!tpu.dma_semaphore, #tpu.memory_space<semaphore_mem>>)
      %dma_wait3A_119 = arith.constant 0 : i32
      %dma_wait3A_120 = arith.constant 0 : i32
      %dma_wait3A_121 = tpu.memref_slice %arg4[%add3A, %run_scoped3A_1, %dma_wait3A_119, %dma_wait3A_120] : memref<32x2x40x128xi32, #tpu.memory_space<hbm>> -> memref<1x1x40x128xi32, #tpu.memory_space<hbm>>
      %dma_wait3A_122 = tpu.memref_squeeze %dma_wait3A_121 : memref<1x1x40x128xi32, #tpu.memory_space<hbm>> -> memref<40x128xi32, #tpu.memory_space<hbm>>
      %dma_wait3A_123 = arith.constant 0 : i32
      %dma_wait3A_124 = arith.constant 0 : i32
      %dma_wait3A_125 = tpu.memref_slice %arg4[%add3A, %run_scoped3A_1, %dma_wait3A_123, %dma_wait3A_124] : memref<32x2x40x128xi32, #tpu.memory_space<hbm>> -> memref<1x1x40x128xi32, #tpu.memory_space<hbm>>
      %dma_wait3A_126 = tpu.memref_squeeze %dma_wait3A_125 : memref<1x1x40x128xi32, #tpu.memory_space<hbm>> -> memref<40x128xi32, #tpu.memory_space<hbm>>
      tpu.wait_dma2 semaphore(%run_scoped3A_110 : memref<!tpu.dma_semaphore, #tpu.memory_space<semaphore_mem>>) src(%dma_wait3A_126 : memref<40x128xi32, #tpu.memory_space<hbm>>) dst(%arg8 : memref<40x128xi32, #tpu.memory_space<vmem>>)
      tpu.yield
    }) : () -> ()
    %dma_start3A = arith.constant 1 : i32
    %dma_start3A_2 = arith.constant 0 : i32
    %dma_start3A_3 = tpu.memref_slice %arg7[%dma_start3A, %dma_start3A_2] : memref<40x128xi32, #tpu.memory_space<vmem>> -> memref<1x128xi32, #tpu.memory_space<vmem>>
    %dma_start3A_4 = tpu.memref_squeeze %dma_start3A_3 : memref<1x128xi32, #tpu.memory_space<vmem>> -> memref<128xi32, #tpu.memory_space<vmem>>
    %dma_start3A_5 = arith.constant 0 : i32
    %dma_start3A_6 = arith.constant 0 : i32
    %dma_start3A_7 = tpu.memref_slice %arg2[%dma_start3A_5, %dma_start3A_6] : memref<10240x128xf32, #tpu.memory_space<hbm>> -> memref<10240x128xf32, #tpu.memory_space<hbm>>
    tpu.enqueue_indirect_dma source(%dma_start3A_7 : memref<10240x128xf32, #tpu.memory_space<hbm>>) target(%arg10 : memref<128x128xf32, #tpu.memory_space<vmem>>) offsets(%dma_start3A_4 : memref<128xi32, #tpu.memory_space<vmem>>) semaphore(%arg13 : memref<!tpu.dma_semaphore, #tpu.memory_space<semaphore_mem>>)
    "tpu.region"() ({
      %run_scoped3A_110 = tpu.sem_alloc : memref<!tpu.dma_semaphore, #tpu.memory_space<semaphore_mem>>
      tpu.enqueue_dma source(%arg5 : memref<128x128xf32, #tpu.memory_space<hbm>>) target(%arg9 : memref<128x128xf32, #tpu.memory_space<vmem>>) target_semaphore(%run_scoped3A_110 : memref<!tpu.dma_semaphore, #tpu.memory_space<semaphore_mem>>)
      tpu.wait_dma2 semaphore(%run_scoped3A_110 : memref<!tpu.dma_semaphore, #tpu.memory_space<semaphore_mem>>) src(%arg5 : memref<128x128xf32, #tpu.memory_space<hbm>>) dst(%arg9 : memref<128x128xf32, #tpu.memory_space<vmem>>)
      tpu.yield
    }) : () -> ()
    %mul3A_8 = arith.constant 640 : i32
    %mul3A_9 = arith.muli %arg1, %mul3A_8 : i32
    %add3A_10 = arith.constant 0 : i32
    %add3A_11 = arith.addi %mul3A_9, %add3A_10 : i32
    "tpu.region"() ({
      %run_scoped3A_110 = tpu.sem_alloc : memref<!tpu.dma_semaphore, #tpu.memory_space<semaphore_mem>>
      %dma_start3A_111 = arith.constant 0 : i32
      %dma_start3A_112 = tpu.memref_slice %arg11[%add3A_11, %dma_start3A_111] : memref<10240x128xf32, #tpu.memory_space<vmem_shared>> -> memref<128x128xf32, #tpu.memory_space<vmem_shared>>
      %dma_start3A_113 = arith.constant 0 : i32
      %dma_start3A_114 = tpu.memref_slice %arg11[%add3A_11, %dma_start3A_113] : memref<10240x128xf32, #tpu.memory_space<vmem_shared>> -> memref<128x128xf32, #tpu.memory_space<vmem_shared>>
      tpu.enqueue_dma source(%arg9 : memref<128x128xf32, #tpu.memory_space<vmem>>) target(%dma_start3A_114 : memref<128x128xf32, #tpu.memory_space<vmem_shared>>) target_semaphore(%run_scoped3A_110 : memref<!tpu.dma_semaphore, #tpu.memory_space<semaphore_mem>>)
      %dma_wait3A_115 = arith.constant 0 : i32
      %dma_wait3A_116 = tpu.memref_slice %arg11[%add3A_11, %dma_wait3A_115] : memref<10240x128xf32, #tpu.memory_space<vmem_shared>> -> memref<128x128xf32, #tpu.memory_space<vmem_shared>>
      %dma_wait3A_117 = arith.constant 0 : i32
      %dma_wait3A_118 = tpu.memref_slice %arg11[%add3A_11, %dma_wait3A_117] : memref<10240x128xf32, #tpu.memory_space<vmem_shared>> -> memref<128x128xf32, #tpu.memory_space<vmem_shared>>
      tpu.wait_dma2 semaphore(%run_scoped3A_110 : memref<!tpu.dma_semaphore, #tpu.memory_space<semaphore_mem>>) src(%arg9 : memref<128x128xf32, #tpu.memory_space<vmem>>) dst(%dma_wait3A_118 : memref<128x128xf32, #tpu.memory_space<vmem_shared>>)
      tpu.yield
    }) : () -> ()
    %mul3A_12 = arith.constant 640 : i32
    %mul3A_13 = arith.muli %arg1, %mul3A_12 : i32
    %add3A_14 = arith.constant 128 : i32
    %add3A_15 = arith.addi %mul3A_13, %add3A_14 : i32
    "tpu.region"() ({
      %run_scoped3A_110 = tpu.sem_alloc : memref<!tpu.dma_semaphore, #tpu.memory_space<semaphore_mem>>
      %dma_start3A_111 = arith.constant 0 : i32
      %dma_start3A_112 = tpu.memref_slice %arg11[%add3A_15, %dma_start3A_111] : memref<10240x128xf32, #tpu.memory_space<vmem_shared>> -> memref<128x128xf32, #tpu.memory_space<vmem_shared>>
      %dma_start3A_113 = arith.constant 0 : i32
      %dma_start3A_114 = tpu.memref_slice %arg11[%add3A_15, %dma_start3A_113] : memref<10240x128xf32, #tpu.memory_space<vmem_shared>> -> memref<128x128xf32, #tpu.memory_space<vmem_shared>>
      tpu.enqueue_dma source(%arg9 : memref<128x128xf32, #tpu.memory_space<vmem>>) target(%dma_start3A_114 : memref<128x128xf32, #tpu.memory_space<vmem_shared>>) target_semaphore(%run_scoped3A_110 : memref<!tpu.dma_semaphore, #tpu.memory_space<semaphore_mem>>)
      %dma_wait3A_115 = arith.constant 0 : i32
      %dma_wait3A_116 = tpu.memref_slice %arg11[%add3A_15, %dma_wait3A_115] : memref<10240x128xf32, #tpu.memory_space<vmem_shared>> -> memref<128x128xf32, #tpu.memory_space<vmem_shared>>
      %dma_wait3A_117 = arith.constant 0 : i32
      %dma_wait3A_118 = tpu.memref_slice %arg11[%add3A_15, %dma_wait3A_117] : memref<10240x128xf32, #tpu.memory_space<vmem_shared>> -> memref<128x128xf32, #tpu.memory_space<vmem_shared>>
      tpu.wait_dma2 semaphore(%run_scoped3A_110 : memref<!tpu.dma_semaphore, #tpu.memory_space<semaphore_mem>>) src(%arg9 : memref<128x128xf32, #tpu.memory_space<vmem>>) dst(%dma_wait3A_118 : memref<128x128xf32, #tpu.memory_space<vmem_shared>>)
      tpu.yield
    }) : () -> ()
    %mul3A_16 = arith.constant 640 : i32
    %mul3A_17 = arith.muli %arg1, %mul3A_16 : i32
    %add3A_18 = arith.constant 256 : i32
    %add3A_19 = arith.addi %mul3A_17, %add3A_18 : i32
    "tpu.region"() ({
      %run_scoped3A_110 = tpu.sem_alloc : memref<!tpu.dma_semaphore, #tpu.memory_space<semaphore_mem>>
      %dma_start3A_111 = arith.constant 0 : i32
      %dma_start3A_112 = tpu.memref_slice %arg11[%add3A_19, %dma_start3A_111] : memref<10240x128xf32, #tpu.memory_space<vmem_shared>> -> memref<128x128xf32, #tpu.memory_space<vmem_shared>>
      %dma_start3A_113 = arith.constant 0 : i32
      %dma_start3A_114 = tpu.memref_slice %arg11[%add3A_19, %dma_start3A_113] : memref<10240x128xf32, #tpu.memory_space<vmem_shared>> -> memref<128x128xf32, #tpu.memory_space<vmem_shared>>
      tpu.enqueue_dma source(%arg9 : memref<128x128xf32, #tpu.memory_space<vmem>>) target(%dma_start3A_114 : memref<128x128xf32, #tpu.memory_space<vmem_shared>>) target_semaphore(%run_scoped3A_110 : memref<!tpu.dma_semaphore, #tpu.memory_space<semaphore_mem>>)
      %dma_wait3A_115 = arith.constant 0 : i32
      %dma_wait3A_116 = tpu.memref_slice %arg11[%add3A_19, %dma_wait3A_115] : memref<10240x128xf32, #tpu.memory_space<vmem_shared>> -> memref<128x128xf32, #tpu.memory_space<vmem_shared>>
      %dma_wait3A_117 = arith.constant 0 : i32
      %dma_wait3A_118 = tpu.memref_slice %arg11[%add3A_19, %dma_wait3A_117] : memref<10240x128xf32, #tpu.memory_space<vmem_shared>> -> memref<128x128xf32, #tpu.memory_space<vmem_shared>>
      tpu.wait_dma2 semaphore(%run_scoped3A_110 : memref<!tpu.dma_semaphore, #tpu.memory_space<semaphore_mem>>) src(%arg9 : memref<128x128xf32, #tpu.memory_space<vmem>>) dst(%dma_wait3A_118 : memref<128x128xf32, #tpu.memory_space<vmem_shared>>)
      tpu.yield
    }) : () -> ()
    %mul3A_20 = arith.constant 640 : i32
    %mul3A_21 = arith.muli %arg1, %mul3A_20 : i32
    %add3A_22 = arith.constant 384 : i32
    %add3A_23 = arith.addi %mul3A_21, %add3A_22 : i32
    "tpu.region"() ({
      %run_scoped3A_110 = tpu.sem_alloc : memref<!tpu.dma_semaphore, #tpu.memory_space<semaphore_mem>>
      %dma_start3A_111 = arith.constant 0 : i32
      %dma_start3A_112 = tpu.memref_slice %arg11[%add3A_23, %dma_start3A_111] : memref<10240x128xf32, #tpu.memory_space<vmem_shared>> -> memref<128x128xf32, #tpu.memory_space<vmem_shared>>
      %dma_start3A_113 = arith.constant 0 : i32
      %dma_start3A_114 = tpu.memref_slice %arg11[%add3A_23, %dma_start3A_113] : memref<10240x128xf32, #tpu.memory_space<vmem_shared>> -> memref<128x128xf32, #tpu.memory_space<vmem_shared>>
      tpu.enqueue_dma source(%arg9 : memref<128x128xf32, #tpu.memory_space<vmem>>) target(%dma_start3A_114 : memref<128x128xf32, #tpu.memory_space<vmem_shared>>) target_semaphore(%run_scoped3A_110 : memref<!tpu.dma_semaphore, #tpu.memory_space<semaphore_mem>>)
      %dma_wait3A_115 = arith.constant 0 : i32
      %dma_wait3A_116 = tpu.memref_slice %arg11[%add3A_23, %dma_wait3A_115] : memref<10240x128xf32, #tpu.memory_space<vmem_shared>> -> memref<128x128xf32, #tpu.memory_space<vmem_shared>>
      %dma_wait3A_117 = arith.constant 0 : i32
      %dma_wait3A_118 = tpu.memref_slice %arg11[%add3A_23, %dma_wait3A_117] : memref<10240x128xf32, #tpu.memory_space<vmem_shared>> -> memref<128x128xf32, #tpu.memory_space<vmem_shared>>
      tpu.wait_dma2 semaphore(%run_scoped3A_110 : memref<!tpu.dma_semaphore, #tpu.memory_space<semaphore_mem>>) src(%arg9 : memref<128x128xf32, #tpu.memory_space<vmem>>) dst(%dma_wait3A_118 : memref<128x128xf32, #tpu.memory_space<vmem_shared>>)
      tpu.yield
    }) : () -> ()
    %mul3A_24 = arith.constant 640 : i32
    %mul3A_25 = arith.muli %arg1, %mul3A_24 : i32
    %add3A_26 = arith.constant 512 : i32
    %add3A_27 = arith.addi %mul3A_25, %add3A_26 : i32
    "tpu.region"() ({
      %run_scoped3A_110 = tpu.sem_alloc : memref<!tpu.dma_semaphore, #tpu.memory_space<semaphore_mem>>
      %dma_start3A_111 = arith.constant 0 : i32
      %dma_start3A_112 = tpu.memref_slice %arg11[%add3A_27, %dma_start3A_111] : memref<10240x128xf32, #tpu.memory_space<vmem_shared>> -> memref<128x128xf32, #tpu.memory_space<vmem_shared>>
      %dma_start3A_113 = arith.constant 0 : i32
      %dma_start3A_114 = tpu.memref_slice %arg11[%add3A_27, %dma_start3A_113] : memref<10240x128xf32, #tpu.memory_space<vmem_shared>> -> memref<128x128xf32, #tpu.memory_space<vmem_shared>>
      tpu.enqueue_dma source(%arg9 : memref<128x128xf32, #tpu.memory_space<vmem>>) target(%dma_start3A_114 : memref<128x128xf32, #tpu.memory_space<vmem_shared>>) target_semaphore(%run_scoped3A_110 : memref<!tpu.dma_semaphore, #tpu.memory_space<semaphore_mem>>)
      %dma_wait3A_115 = arith.constant 0 : i32
      %dma_wait3A_116 = tpu.memref_slice %arg11[%add3A_27, %dma_wait3A_115] : memref<10240x128xf32, #tpu.memory_space<vmem_shared>> -> memref<128x128xf32, #tpu.memory_space<vmem_shared>>
      %dma_wait3A_117 = arith.constant 0 : i32
      %dma_wait3A_118 = tpu.memref_slice %arg11[%add3A_27, %dma_wait3A_117] : memref<10240x128xf32, #tpu.memory_space<vmem_shared>> -> memref<128x128xf32, #tpu.memory_space<vmem_shared>>
      tpu.wait_dma2 semaphore(%run_scoped3A_110 : memref<!tpu.dma_semaphore, #tpu.memory_space<semaphore_mem>>) src(%arg9 : memref<128x128xf32, #tpu.memory_space<vmem>>) dst(%dma_wait3A_118 : memref<128x128xf32, #tpu.memory_space<vmem_shared>>)
      tpu.yield
    }) : () -> ()
    %dma_start3A_28 = arith.constant 0 : i32
    %dma_start3A_29 = arith.constant 0 : i32
    %dma_start3A_30 = tpu.memref_slice %arg7[%dma_start3A_28, %dma_start3A_29] : memref<40x128xi32, #tpu.memory_space<vmem>> -> memref<1x128xi32, #tpu.memory_space<vmem>>
    %dma_start3A_31 = tpu.memref_squeeze %dma_start3A_30 : memref<1x128xi32, #tpu.memory_space<vmem>> -> memref<128xi32, #tpu.memory_space<vmem>>
    %dma_start3A_32 = arith.constant 0 : i32
    %dma_start3A_33 = arith.constant 0 : i32
    %dma_start3A_34 = tpu.memref_slice %arg2[%dma_start3A_32, %dma_start3A_33] : memref<10240x128xf32, #tpu.memory_space<hbm>> -> memref<10240x128xf32, #tpu.memory_space<hbm>>
    tpu.enqueue_indirect_dma source(%dma_start3A_34 : memref<10240x128xf32, #tpu.memory_space<hbm>>) target(%arg9 : memref<128x128xf32, #tpu.memory_space<vmem>>) offsets(%dma_start3A_31 : memref<128xi32, #tpu.memory_space<vmem>>) semaphore(%arg12 : memref<!tpu.dma_semaphore, #tpu.memory_space<semaphore_mem>>)
    %barrier3A = arith.constant 0 : index
    tpu.barrier barrier_id(%barrier3A)
    %scan3A = arith.constant 0 : i32
    %scan3A_35 = arith.constant 0 : i32
    %scan3A_36 = arith.constant 20 : i32
    %scan3A_37 = arith.addi %scan3A_35, %scan3A_36 : i32
    %scan3A_38 = arith.constant 1 : i32
    scf.for %scan3A_110 = %scan3A_35 to %scan3A_37 step %scan3A_38  : i32 {
      %mul3A_111 = arith.constant 2 : i32
      %mul3A_112 = arith.muli %mul3A_111, %scan3A_110 : i32
      %dma_wait3A_113 = arith.constant 0 : i32
      %dma_wait3A_114 = arith.constant 0 : i32
      %dma_wait3A_115 = tpu.memref_slice %arg7[%dma_wait3A_113, %dma_wait3A_114] : memref<40x128xi32, #tpu.memory_space<vmem>> -> memref<1x128xi32, #tpu.memory_space<vmem>>
      %dma_wait3A_116 = tpu.memref_squeeze %dma_wait3A_115 : memref<1x128xi32, #tpu.memory_space<vmem>> -> memref<128xi32, #tpu.memory_space<vmem>>
      %dma_wait3A_117 = arith.constant 0 : i32
      %dma_wait3A_118 = arith.constant 0 : i32
      %dma_wait3A_119 = tpu.memref_slice %arg2[%dma_wait3A_117, %dma_wait3A_118] : memref<10240x128xf32, #tpu.memory_space<hbm>> -> memref<10240x128xf32, #tpu.memory_space<hbm>>
      tpu.wait_indirect_dma semaphore(%arg12 : memref<!tpu.dma_semaphore, #tpu.memory_space<semaphore_mem>>) src(%dma_wait3A_119 : memref<10240x128xf32, #tpu.memory_space<hbm>>) dst(%arg9 : memref<128x128xf32, #tpu.memory_space<vmem>>)
      "tpu.region"() ({
        %run_scoped3A_148 = tpu.sem_alloc : memref<!tpu.dma_semaphore, #tpu.memory_space<semaphore_mem>>
        %dma_start3A_149 = arith.constant 0 : i32
        %dma_start3A_150 = tpu.memref_slice %arg8[%mul3A_112, %dma_start3A_149] : memref<40x128xi32, #tpu.memory_space<vmem>> -> memref<1x128xi32, #tpu.memory_space<vmem>>
        %dma_start3A_151 = tpu.memref_squeeze %dma_start3A_150 : memref<1x128xi32, #tpu.memory_space<vmem>> -> memref<128xi32, #tpu.memory_space<vmem>>
        %dma_start3A_152 = arith.constant 0 : i32
        %dma_start3A_153 = arith.constant 0 : i32
        %dma_start3A_154 = tpu.memref_slice %arg11[%dma_start3A_152, %dma_start3A_153] : memref<10240x128xf32, #tpu.memory_space<vmem_shared>> -> memref<10240x128xf32, #tpu.memory_space<vmem_shared>>
        tpu.enqueue_indirect_dma source(%arg9 : memref<128x128xf32, #tpu.memory_space<vmem>>) target(%dma_start3A_154 : memref<10240x128xf32, #tpu.memory_space<vmem_shared>>) offsets(%dma_start3A_151 : memref<128xi32, #tpu.memory_space<vmem>>) semaphore(%run_scoped3A_148 : memref<!tpu.dma_semaphore, #tpu.memory_space<semaphore_mem>>) {add = true}
        %dma_wait3A_155 = arith.constant 0 : i32
        %dma_wait3A_156 = tpu.memref_slice %arg8[%mul3A_112, %dma_wait3A_155] : memref<40x128xi32, #tpu.memory_space<vmem>> -> memref<1x128xi32, #tpu.memory_space<vmem>>
        %dma_wait3A_157 = tpu.memref_squeeze %dma_wait3A_156 : memref<1x128xi32, #tpu.memory_space<vmem>> -> memref<128xi32, #tpu.memory_space<vmem>>
        %dma_wait3A_158 = arith.constant 0 : i32
        %dma_wait3A_159 = arith.constant 0 : i32
        %dma_wait3A_160 = tpu.memref_slice %arg11[%dma_wait3A_158, %dma_wait3A_159] : memref<10240x128xf32, #tpu.memory_space<vmem_shared>> -> memref<10240x128xf32, #tpu.memory_space<vmem_shared>>
        tpu.wait_indirect_dma semaphore(%run_scoped3A_148 : memref<!tpu.dma_semaphore, #tpu.memory_space<semaphore_mem>>) src(%arg9 : memref<128x128xf32, #tpu.memory_space<vmem>>) dst(%dma_wait3A_160 : memref<10240x128xf32, #tpu.memory_space<vmem_shared>>)
        tpu.yield
      }) : () -> ()
      %add3A_120 = arith.constant 2 : i32
      %add3A_121 = arith.addi %mul3A_112, %add3A_120 : i32
      %min3A = arith.constant 39 : i32
      %min3A_122 = arith.minsi %add3A_121, %min3A : i32
      %dma_start3A_123 = arith.constant 0 : i32
      %dma_start3A_124 = tpu.memref_slice %arg7[%min3A_122, %dma_start3A_123] : memref<40x128xi32, #tpu.memory_space<vmem>> -> memref<1x128xi32, #tpu.memory_space<vmem>>
      %dma_start3A_125 = tpu.memref_squeeze %dma_start3A_124 : memref<1x128xi32, #tpu.memory_space<vmem>> -> memref<128xi32, #tpu.memory_space<vmem>>
      %dma_start3A_126 = arith.constant 0 : i32
      %dma_start3A_127 = arith.constant 0 : i32
      %dma_start3A_128 = tpu.memref_slice %arg2[%dma_start3A_126, %dma_start3A_127] : memref<10240x128xf32, #tpu.memory_space<hbm>> -> memref<10240x128xf32, #tpu.memory_space<hbm>>
      tpu.enqueue_indirect_dma source(%dma_start3A_128 : memref<10240x128xf32, #tpu.memory_space<hbm>>) target(%arg9 : memref<128x128xf32, #tpu.memory_space<vmem>>) offsets(%dma_start3A_125 : memref<128xi32, #tpu.memory_space<vmem>>) semaphore(%arg12 : memref<!tpu.dma_semaphore, #tpu.memory_space<semaphore_mem>>)
      %add3A_129 = arith.constant 1 : i32
      %add3A_130 = arith.addi %mul3A_112, %add3A_129 : i32
      %dma_wait3A_131 = arith.constant 0 : i32
      %dma_wait3A_132 = arith.constant 0 : i32
      %dma_wait3A_133 = tpu.memref_slice %arg7[%dma_wait3A_131, %dma_wait3A_132] : memref<40x128xi32, #tpu.memory_space<vmem>> -> memref<1x128xi32, #tpu.memory_space<vmem>>
      %dma_wait3A_134 = tpu.memref_squeeze %dma_wait3A_133 : memref<1x128xi32, #tpu.memory_space<vmem>> -> memref<128xi32, #tpu.memory_space<vmem>>
      %dma_wait3A_135 = arith.constant 0 : i32
      %dma_wait3A_136 = arith.constant 0 : i32
      %dma_wait3A_137 = tpu.memref_slice %arg2[%dma_wait3A_135, %dma_wait3A_136] : memref<10240x128xf32, #tpu.memory_space<hbm>> -> memref<10240x128xf32, #tpu.memory_space<hbm>>
      tpu.wait_indirect_dma semaphore(%arg13 : memref<!tpu.dma_semaphore, #tpu.memory_space<semaphore_mem>>) src(%dma_wait3A_137 : memref<10240x128xf32, #tpu.memory_space<hbm>>) dst(%arg10 : memref<128x128xf32, #tpu.memory_space<vmem>>)
      "tpu.region"() ({
        %run_scoped3A_148 = tpu.sem_alloc : memref<!tpu.dma_semaphore, #tpu.memory_space<semaphore_mem>>
        %dma_start3A_149 = arith.constant 0 : i32
        %dma_start3A_150 = tpu.memref_slice %arg8[%add3A_130, %dma_start3A_149] : memref<40x128xi32, #tpu.memory_space<vmem>> -> memref<1x128xi32, #tpu.memory_space<vmem>>
        %dma_start3A_151 = tpu.memref_squeeze %dma_start3A_150 : memref<1x128xi32, #tpu.memory_space<vmem>> -> memref<128xi32, #tpu.memory_space<vmem>>
        %dma_start3A_152 = arith.constant 0 : i32
        %dma_start3A_153 = arith.constant 0 : i32
        %dma_start3A_154 = tpu.memref_slice %arg11[%dma_start3A_152, %dma_start3A_153] : memref<10240x128xf32, #tpu.memory_space<vmem_shared>> -> memref<10240x128xf32, #tpu.memory_space<vmem_shared>>
        tpu.enqueue_indirect_dma source(%arg10 : memref<128x128xf32, #tpu.memory_space<vmem>>) target(%dma_start3A_154 : memref<10240x128xf32, #tpu.memory_space<vmem_shared>>) offsets(%dma_start3A_151 : memref<128xi32, #tpu.memory_space<vmem>>) semaphore(%run_scoped3A_148 : memref<!tpu.dma_semaphore, #tpu.memory_space<semaphore_mem>>) {add = true}
        %dma_wait3A_155 = arith.constant 0 : i32
        %dma_wait3A_156 = tpu.memref_slice %arg8[%add3A_130, %dma_wait3A_155] : memref<40x128xi32, #tpu.memory_space<vmem>> -> memref<1x128xi32, #tpu.memory_space<vmem>>
        %dma_wait3A_157 = tpu.memref_squeeze %dma_wait3A_156 : memref<1x128xi32, #tpu.memory_space<vmem>> -> memref<128xi32, #tpu.memory_space<vmem>>
        %dma_wait3A_158 = arith.constant 0 : i32
        %dma_wait3A_159 = arith.constant 0 : i32
        %dma_wait3A_160 = tpu.memref_slice %arg11[%dma_wait3A_158, %dma_wait3A_159] : memref<10240x128xf32, #tpu.memory_space<vmem_shared>> -> memref<10240x128xf32, #tpu.memory_space<vmem_shared>>
        tpu.wait_indirect_dma semaphore(%run_scoped3A_148 : memref<!tpu.dma_semaphore, #tpu.memory_space<semaphore_mem>>) src(%arg10 : memref<128x128xf32, #tpu.memory_space<vmem>>) dst(%dma_wait3A_160 : memref<10240x128xf32, #tpu.memory_space<vmem_shared>>)
        tpu.yield
      }) : () -> ()
      %add3A_138 = arith.constant 2 : i32
      %add3A_139 = arith.addi %add3A_130, %add3A_138 : i32
      %min3A_140 = arith.constant 39 : i32
      %min3A_141 = arith.minsi %add3A_139, %min3A_140 : i32
      %dma_start3A_142 = arith.constant 0 : i32
      %dma_start3A_143 = tpu.memref_slice %arg7[%min3A_141, %dma_start3A_142] : memref<40x128xi32, #tpu.memory_space<vmem>> -> memref<1x128xi32, #tpu.memory_space<vmem>>
      %dma_start3A_144 = tpu.memref_squeeze %dma_start3A_143 : memref<1x128xi32, #tpu.memory_space<vmem>> -> memref<128xi32, #tpu.memory_space<vmem>>
      %dma_start3A_145 = arith.constant 0 : i32
      %dma_start3A_146 = arith.constant 0 : i32
      %dma_start3A_147 = tpu.memref_slice %arg2[%dma_start3A_145, %dma_start3A_146] : memref<10240x128xf32, #tpu.memory_space<hbm>> -> memref<10240x128xf32, #tpu.memory_space<hbm>>
      tpu.enqueue_indirect_dma source(%dma_start3A_147 : memref<10240x128xf32, #tpu.memory_space<hbm>>) target(%arg10 : memref<128x128xf32, #tpu.memory_space<vmem>>) offsets(%dma_start3A_144 : memref<128xi32, #tpu.memory_space<vmem>>) semaphore(%arg13 : memref<!tpu.dma_semaphore, #tpu.memory_space<semaphore_mem>>)
    }
    %scan3A_39 = arith.constant 20 : i32
    %dma_wait3A = arith.constant 0 : i32
    %dma_wait3A_40 = arith.constant 0 : i32
    %dma_wait3A_41 = tpu.memref_slice %arg7[%dma_wait3A, %dma_wait3A_40] : memref<40x128xi32, #tpu.memory_space<vmem>> -> memref<1x128xi32, #tpu.memory_space<vmem>>
    %dma_wait3A_42 = tpu.memref_squeeze %dma_wait3A_41 : memref<1x128xi32, #tpu.memory_space<vmem>> -> memref<128xi32, #tpu.memory_space<vmem>>
    %dma_wait3A_43 = arith.constant 0 : i32
    %dma_wait3A_44 = arith.constant 0 : i32
    %dma_wait3A_45 = tpu.memref_slice %arg2[%dma_wait3A_43, %dma_wait3A_44] : memref<10240x128xf32, #tpu.memory_space<hbm>> -> memref<10240x128xf32, #tpu.memory_space<hbm>>
    tpu.wait_indirect_dma semaphore(%arg12 : memref<!tpu.dma_semaphore, #tpu.memory_space<semaphore_mem>>) src(%dma_wait3A_45 : memref<10240x128xf32, #tpu.memory_space<hbm>>) dst(%arg9 : memref<128x128xf32, #tpu.memory_space<vmem>>)
    %dma_wait3A_46 = arith.constant 0 : i32
    %dma_wait3A_47 = arith.constant 0 : i32
    %dma_wait3A_48 = tpu.memref_slice %arg7[%dma_wait3A_46, %dma_wait3A_47] : memref<40x128xi32, #tpu.memory_space<vmem>> -> memref<1x128xi32, #tpu.memory_space<vmem>>
    %dma_wait3A_49 = tpu.memref_squeeze %dma_wait3A_48 : memref<1x128xi32, #tpu.memory_space<vmem>> -> memref<128xi32, #tpu.memory_space<vmem>>
    %dma_wait3A_50 = arith.constant 0 : i32
    %dma_wait3A_51 = arith.constant 0 : i32
    %dma_wait3A_52 = tpu.memref_slice %arg2[%dma_wait3A_50, %dma_wait3A_51] : memref<10240x128xf32, #tpu.memory_space<hbm>> -> memref<10240x128xf32, #tpu.memory_space<hbm>>
    tpu.wait_indirect_dma semaphore(%arg13 : memref<!tpu.dma_semaphore, #tpu.memory_space<semaphore_mem>>) src(%dma_wait3A_52 : memref<10240x128xf32, #tpu.memory_space<hbm>>) dst(%arg10 : memref<128x128xf32, #tpu.memory_space<vmem>>)
    %run_scoped3A_53 = arith.constant 1 : i32
    "tpu.region"() ({
      %run_scoped3A_110 = tpu.sem_alloc : memref<!tpu.dma_semaphore, #tpu.memory_space<semaphore_mem>>
      %dma_start3A_111 = arith.constant 0 : i32
      %dma_start3A_112 = arith.constant 0 : i32
      %dma_start3A_113 = tpu.memref_slice %arg3[%add3A, %run_scoped3A_53, %dma_start3A_111, %dma_start3A_112] : memref<32x2x40x128xi32, #tpu.memory_space<hbm>> -> memref<1x1x40x128xi32, #tpu.memory_space<hbm>>
      %dma_start3A_114 = tpu.memref_squeeze %dma_start3A_113 : memref<1x1x40x128xi32, #tpu.memory_space<hbm>> -> memref<40x128xi32, #tpu.memory_space<hbm>>
      %dma_start3A_115 = arith.constant 0 : i32
      %dma_start3A_116 = arith.constant 0 : i32
      %dma_start3A_117 = tpu.memref_slice %arg3[%add3A, %run_scoped3A_53, %dma_start3A_115, %dma_start3A_116] : memref<32x2x40x128xi32, #tpu.memory_space<hbm>> -> memref<1x1x40x128xi32, #tpu.memory_space<hbm>>
      %dma_start3A_118 = tpu.memref_squeeze %dma_start3A_117 : memref<1x1x40x128xi32, #tpu.memory_space<hbm>> -> memref<40x128xi32, #tpu.memory_space<hbm>>
      tpu.enqueue_dma source(%dma_start3A_118 : memref<40x128xi32, #tpu.memory_space<hbm>>) target(%arg7 : memref<40x128xi32, #tpu.memory_space<vmem>>) target_semaphore(%run_scoped3A_110 : memref<!tpu.dma_semaphore, #tpu.memory_space<semaphore_mem>>)
      %dma_wait3A_119 = arith.constant 0 : i32
      %dma_wait3A_120 = arith.constant 0 : i32
      %dma_wait3A_121 = tpu.memref_slice %arg3[%add3A, %run_scoped3A_53, %dma_wait3A_119, %dma_wait3A_120] : memref<32x2x40x128xi32, #tpu.memory_space<hbm>> -> memref<1x1x40x128xi32, #tpu.memory_space<hbm>>
      %dma_wait3A_122 = tpu.memref_squeeze %dma_wait3A_121 : memref<1x1x40x128xi32, #tpu.memory_space<hbm>> -> memref<40x128xi32, #tpu.memory_space<hbm>>
      %dma_wait3A_123 = arith.constant 0 : i32
      %dma_wait3A_124 = arith.constant 0 : i32
      %dma_wait3A_125 = tpu.memref_slice %arg3[%add3A, %run_scoped3A_53, %dma_wait3A_123, %dma_wait3A_124] : memref<32x2x40x128xi32, #tpu.memory_space<hbm>> -> memref<1x1x40x128xi32, #tpu.memory_space<hbm>>
      %dma_wait3A_126 = tpu.memref_squeeze %dma_wait3A_125 : memref<1x1x40x128xi32, #tpu.memory_space<hbm>> -> memref<40x128xi32, #tpu.memory_space<hbm>>
      tpu.wait_dma2 semaphore(%run_scoped3A_110 : memref<!tpu.dma_semaphore, #tpu.memory_space<semaphore_mem>>) src(%dma_wait3A_126 : memref<40x128xi32, #tpu.memory_space<hbm>>) dst(%arg7 : memref<40x128xi32, #tpu.memory_space<vmem>>)
      tpu.yield
    }) : () -> ()
    %run_scoped3A_54 = arith.constant 1 : i32
    "tpu.region"() ({
      %run_scoped3A_110 = tpu.sem_alloc : memref<!tpu.dma_semaphore, #tpu.memory_space<semaphore_mem>>
      %dma_start3A_111 = arith.constant 0 : i32
      %dma_start3A_112 = arith.constant 0 : i32
      %dma_start3A_113 = tpu.memref_slice %arg4[%add3A, %run_scoped3A_54, %dma_start3A_111, %dma_start3A_112] : memref<32x2x40x128xi32, #tpu.memory_space<hbm>> -> memref<1x1x40x128xi32, #tpu.memory_space<hbm>>
      %dma_start3A_114 = tpu.memref_squeeze %dma_start3A_113 : memref<1x1x40x128xi32, #tpu.memory_space<hbm>> -> memref<40x128xi32, #tpu.memory_space<hbm>>
      %dma_start3A_115 = arith.constant 0 : i32
      %dma_start3A_116 = arith.constant 0 : i32
      %dma_start3A_117 = tpu.memref_slice %arg4[%add3A, %run_scoped3A_54, %dma_start3A_115, %dma_start3A_116] : memref<32x2x40x128xi32, #tpu.memory_space<hbm>> -> memref<1x1x40x128xi32, #tpu.memory_space<hbm>>
      %dma_start3A_118 = tpu.memref_squeeze %dma_start3A_117 : memref<1x1x40x128xi32, #tpu.memory_space<hbm>> -> memref<40x128xi32, #tpu.memory_space<hbm>>
      tpu.enqueue_dma source(%dma_start3A_118 : memref<40x128xi32, #tpu.memory_space<hbm>>) target(%arg8 : memref<40x128xi32, #tpu.memory_space<vmem>>) target_semaphore(%run_scoped3A_110 : memref<!tpu.dma_semaphore, #tpu.memory_space<semaphore_mem>>)
      %dma_wait3A_119 = arith.constant 0 : i32
      %dma_wait3A_120 = arith.constant 0 : i32
      %dma_wait3A_121 = tpu.memref_slice %arg4[%add3A, %run_scoped3A_54, %dma_wait3A_119, %dma_wait3A_120] : memref<32x2x40x128xi32, #tpu.memory_space<hbm>> -> memref<1x1x40x128xi32, #tpu.memory_space<hbm>>
      %dma_wait3A_122 = tpu.memref_squeeze %dma_wait3A_121 : memref<1x1x40x128xi32, #tpu.memory_space<hbm>> -> memref<40x128xi32, #tpu.memory_space<hbm>>
      %dma_wait3A_123 = arith.constant 0 : i32
      %dma_wait3A_124 = arith.constant 0 : i32
      %dma_wait3A_125 = tpu.memref_slice %arg4[%add3A, %run_scoped3A_54, %dma_wait3A_123, %dma_wait3A_124] : memref<32x2x40x128xi32, #tpu.memory_space<hbm>> -> memref<1x1x40x128xi32, #tpu.memory_space<hbm>>
      %dma_wait3A_126 = tpu.memref_squeeze %dma_wait3A_125 : memref<1x1x40x128xi32, #tpu.memory_space<hbm>> -> memref<40x128xi32, #tpu.memory_space<hbm>>
      tpu.wait_dma2 semaphore(%run_scoped3A_110 : memref<!tpu.dma_semaphore, #tpu.memory_space<semaphore_mem>>) src(%dma_wait3A_126 : memref<40x128xi32, #tpu.memory_space<hbm>>) dst(%arg8 : memref<40x128xi32, #tpu.memory_space<vmem>>)
      tpu.yield
    }) : () -> ()
    %dma_start3A_55 = arith.constant 0 : i32
    %dma_start3A_56 = arith.constant 0 : i32
    %dma_start3A_57 = tpu.memref_slice %arg7[%dma_start3A_55, %dma_start3A_56] : memref<40x128xi32, #tpu.memory_space<vmem>> -> memref<1x128xi32, #tpu.memory_space<vmem>>
    %dma_start3A_58 = tpu.memref_squeeze %dma_start3A_57 : memref<1x128xi32, #tpu.memory_space<vmem>> -> memref<128xi32, #tpu.memory_space<vmem>>
    %dma_start3A_59 = arith.constant 0 : i32
    %dma_start3A_60 = arith.constant 0 : i32
    %dma_start3A_61 = tpu.memref_slice %arg2[%dma_start3A_59, %dma_start3A_60] : memref<10240x128xf32, #tpu.memory_space<hbm>> -> memref<10240x128xf32, #tpu.memory_space<hbm>>
    tpu.enqueue_indirect_dma source(%dma_start3A_61 : memref<10240x128xf32, #tpu.memory_space<hbm>>) target(%arg9 : memref<128x128xf32, #tpu.memory_space<vmem>>) offsets(%dma_start3A_58 : memref<128xi32, #tpu.memory_space<vmem>>) semaphore(%arg12 : memref<!tpu.dma_semaphore, #tpu.memory_space<semaphore_mem>>)
    %dma_start3A_62 = arith.constant 1 : i32
    %dma_start3A_63 = arith.constant 0 : i32
    %dma_start3A_64 = tpu.memref_slice %arg7[%dma_start3A_62, %dma_start3A_63] : memref<40x128xi32, #tpu.memory_space<vmem>> -> memref<1x128xi32, #tpu.memory_space<vmem>>
    %dma_start3A_65 = tpu.memref_squeeze %dma_start3A_64 : memref<1x128xi32, #tpu.memory_space<vmem>> -> memref<128xi32, #tpu.memory_space<vmem>>
    %dma_start3A_66 = arith.constant 0 : i32
    %dma_start3A_67 = arith.constant 0 : i32
    %dma_start3A_68 = tpu.memref_slice %arg2[%dma_start3A_66, %dma_start3A_67] : memref<10240x128xf32, #tpu.memory_space<hbm>> -> memref<10240x128xf32, #tpu.memory_space<hbm>>
    tpu.enqueue_indirect_dma source(%dma_start3A_68 : memref<10240x128xf32, #tpu.memory_space<hbm>>) target(%arg10 : memref<128x128xf32, #tpu.memory_space<vmem>>) offsets(%dma_start3A_65 : memref<128xi32, #tpu.memory_space<vmem>>) semaphore(%arg13 : memref<!tpu.dma_semaphore, #tpu.memory_space<semaphore_mem>>)
    %scan3A_69 = arith.constant 0 : i32
    %scan3A_70 = arith.constant 0 : i32
    %scan3A_71 = arith.constant 20 : i32
    %scan3A_72 = arith.addi %scan3A_70, %scan3A_71 : i32
    %scan3A_73 = arith.constant 1 : i32
    scf.for %scan3A_110 = %scan3A_70 to %scan3A_72 step %scan3A_73  : i32 {
      %mul3A_111 = arith.constant 2 : i32
      %mul3A_112 = arith.muli %mul3A_111, %scan3A_110 : i32
      %dma_wait3A_113 = arith.constant 0 : i32
      %dma_wait3A_114 = arith.constant 0 : i32
      %dma_wait3A_115 = tpu.memref_slice %arg7[%dma_wait3A_113, %dma_wait3A_114] : memref<40x128xi32, #tpu.memory_space<vmem>> -> memref<1x128xi32, #tpu.memory_space<vmem>>
      %dma_wait3A_116 = tpu.memref_squeeze %dma_wait3A_115 : memref<1x128xi32, #tpu.memory_space<vmem>> -> memref<128xi32, #tpu.memory_space<vmem>>
      %dma_wait3A_117 = arith.constant 0 : i32
      %dma_wait3A_118 = arith.constant 0 : i32
      %dma_wait3A_119 = tpu.memref_slice %arg2[%dma_wait3A_117, %dma_wait3A_118] : memref<10240x128xf32, #tpu.memory_space<hbm>> -> memref<10240x128xf32, #tpu.memory_space<hbm>>
      tpu.wait_indirect_dma semaphore(%arg12 : memref<!tpu.dma_semaphore, #tpu.memory_space<semaphore_mem>>) src(%dma_wait3A_119 : memref<10240x128xf32, #tpu.memory_space<hbm>>) dst(%arg9 : memref<128x128xf32, #tpu.memory_space<vmem>>)
      "tpu.region"() ({
        %run_scoped3A_148 = tpu.sem_alloc : memref<!tpu.dma_semaphore, #tpu.memory_space<semaphore_mem>>
        %dma_start3A_149 = arith.constant 0 : i32
        %dma_start3A_150 = tpu.memref_slice %arg8[%mul3A_112, %dma_start3A_149] : memref<40x128xi32, #tpu.memory_space<vmem>> -> memref<1x128xi32, #tpu.memory_space<vmem>>
        %dma_start3A_151 = tpu.memref_squeeze %dma_start3A_150 : memref<1x128xi32, #tpu.memory_space<vmem>> -> memref<128xi32, #tpu.memory_space<vmem>>
        %dma_start3A_152 = arith.constant 0 : i32
        %dma_start3A_153 = arith.constant 0 : i32
        %dma_start3A_154 = tpu.memref_slice %arg11[%dma_start3A_152, %dma_start3A_153] : memref<10240x128xf32, #tpu.memory_space<vmem_shared>> -> memref<10240x128xf32, #tpu.memory_space<vmem_shared>>
        tpu.enqueue_indirect_dma source(%arg9 : memref<128x128xf32, #tpu.memory_space<vmem>>) target(%dma_start3A_154 : memref<10240x128xf32, #tpu.memory_space<vmem_shared>>) offsets(%dma_start3A_151 : memref<128xi32, #tpu.memory_space<vmem>>) semaphore(%run_scoped3A_148 : memref<!tpu.dma_semaphore, #tpu.memory_space<semaphore_mem>>) {add = true}
        %dma_wait3A_155 = arith.constant 0 : i32
        %dma_wait3A_156 = tpu.memref_slice %arg8[%mul3A_112, %dma_wait3A_155] : memref<40x128xi32, #tpu.memory_space<vmem>> -> memref<1x128xi32, #tpu.memory_space<vmem>>
        %dma_wait3A_157 = tpu.memref_squeeze %dma_wait3A_156 : memref<1x128xi32, #tpu.memory_space<vmem>> -> memref<128xi32, #tpu.memory_space<vmem>>
        %dma_wait3A_158 = arith.constant 0 : i32
        %dma_wait3A_159 = arith.constant 0 : i32
        %dma_wait3A_160 = tpu.memref_slice %arg11[%dma_wait3A_158, %dma_wait3A_159] : memref<10240x128xf32, #tpu.memory_space<vmem_shared>> -> memref<10240x128xf32, #tpu.memory_space<vmem_shared>>
        tpu.wait_indirect_dma semaphore(%run_scoped3A_148 : memref<!tpu.dma_semaphore, #tpu.memory_space<semaphore_mem>>) src(%arg9 : memref<128x128xf32, #tpu.memory_space<vmem>>) dst(%dma_wait3A_160 : memref<10240x128xf32, #tpu.memory_space<vmem_shared>>)
        tpu.yield
      }) : () -> ()
      %add3A_120 = arith.constant 2 : i32
      %add3A_121 = arith.addi %mul3A_112, %add3A_120 : i32
      %min3A = arith.constant 39 : i32
      %min3A_122 = arith.minsi %add3A_121, %min3A : i32
      %dma_start3A_123 = arith.constant 0 : i32
      %dma_start3A_124 = tpu.memref_slice %arg7[%min3A_122, %dma_start3A_123] : memref<40x128xi32, #tpu.memory_space<vmem>> -> memref<1x128xi32, #tpu.memory_space<vmem>>
      %dma_start3A_125 = tpu.memref_squeeze %dma_start3A_124 : memref<1x128xi32, #tpu.memory_space<vmem>> -> memref<128xi32, #tpu.memory_space<vmem>>
      %dma_start3A_126 = arith.constant 0 : i32
      %dma_start3A_127 = arith.constant 0 : i32
      %dma_start3A_128 = tpu.memref_slice %arg2[%dma_start3A_126, %dma_start3A_127] : memref<10240x128xf32, #tpu.memory_space<hbm>> -> memref<10240x128xf32, #tpu.memory_space<hbm>>
      tpu.enqueue_indirect_dma source(%dma_start3A_128 : memref<10240x128xf32, #tpu.memory_space<hbm>>) target(%arg9 : memref<128x128xf32, #tpu.memory_space<vmem>>) offsets(%dma_start3A_125 : memref<128xi32, #tpu.memory_space<vmem>>) semaphore(%arg12 : memref<!tpu.dma_semaphore, #tpu.memory_space<semaphore_mem>>)
      %add3A_129 = arith.constant 1 : i32
      %add3A_130 = arith.addi %mul3A_112, %add3A_129 : i32
      %dma_wait3A_131 = arith.constant 0 : i32
      %dma_wait3A_132 = arith.constant 0 : i32
      %dma_wait3A_133 = tpu.memref_slice %arg7[%dma_wait3A_131, %dma_wait3A_132] : memref<40x128xi32, #tpu.memory_space<vmem>> -> memref<1x128xi32, #tpu.memory_space<vmem>>
      %dma_wait3A_134 = tpu.memref_squeeze %dma_wait3A_133 : memref<1x128xi32, #tpu.memory_space<vmem>> -> memref<128xi32, #tpu.memory_space<vmem>>
      %dma_wait3A_135 = arith.constant 0 : i32
      %dma_wait3A_136 = arith.constant 0 : i32
      %dma_wait3A_137 = tpu.memref_slice %arg2[%dma_wait3A_135, %dma_wait3A_136] : memref<10240x128xf32, #tpu.memory_space<hbm>> -> memref<10240x128xf32, #tpu.memory_space<hbm>>
      tpu.wait_indirect_dma semaphore(%arg13 : memref<!tpu.dma_semaphore, #tpu.memory_space<semaphore_mem>>) src(%dma_wait3A_137 : memref<10240x128xf32, #tpu.memory_space<hbm>>) dst(%arg10 : memref<128x128xf32, #tpu.memory_space<vmem>>)
      "tpu.region"() ({
        %run_scoped3A_148 = tpu.sem_alloc : memref<!tpu.dma_semaphore, #tpu.memory_space<semaphore_mem>>
        %dma_start3A_149 = arith.constant 0 : i32
        %dma_start3A_150 = tpu.memref_slice %arg8[%add3A_130, %dma_start3A_149] : memref<40x128xi32, #tpu.memory_space<vmem>> -> memref<1x128xi32, #tpu.memory_space<vmem>>
        %dma_start3A_151 = tpu.memref_squeeze %dma_start3A_150 : memref<1x128xi32, #tpu.memory_space<vmem>> -> memref<128xi32, #tpu.memory_space<vmem>>
        %dma_start3A_152 = arith.constant 0 : i32
        %dma_start3A_153 = arith.constant 0 : i32
        %dma_start3A_154 = tpu.memref_slice %arg11[%dma_start3A_152, %dma_start3A_153] : memref<10240x128xf32, #tpu.memory_space<vmem_shared>> -> memref<10240x128xf32, #tpu.memory_space<vmem_shared>>
        tpu.enqueue_indirect_dma source(%arg10 : memref<128x128xf32, #tpu.memory_space<vmem>>) target(%dma_start3A_154 : memref<10240x128xf32, #tpu.memory_space<vmem_shared>>) offsets(%dma_start3A_151 : memref<128xi32, #tpu.memory_space<vmem>>) semaphore(%run_scoped3A_148 : memref<!tpu.dma_semaphore, #tpu.memory_space<semaphore_mem>>) {add = true}
        %dma_wait3A_155 = arith.constant 0 : i32
        %dma_wait3A_156 = tpu.memref_slice %arg8[%add3A_130, %dma_wait3A_155] : memref<40x128xi32, #tpu.memory_space<vmem>> -> memref<1x128xi32, #tpu.memory_space<vmem>>
        %dma_wait3A_157 = tpu.memref_squeeze %dma_wait3A_156 : memref<1x128xi32, #tpu.memory_space<vmem>> -> memref<128xi32, #tpu.memory_space<vmem>>
        %dma_wait3A_158 = arith.constant 0 : i32
        %dma_wait3A_159 = arith.constant 0 : i32
        %dma_wait3A_160 = tpu.memref_slice %arg11[%dma_wait3A_158, %dma_wait3A_159] : memref<10240x128xf32, #tpu.memory_space<vmem_shared>> -> memref<10240x128xf32, #tpu.memory_space<vmem_shared>>
        tpu.wait_indirect_dma semaphore(%run_scoped3A_148 : memref<!tpu.dma_semaphore, #tpu.memory_space<semaphore_mem>>) src(%arg10 : memref<128x128xf32, #tpu.memory_space<vmem>>) dst(%dma_wait3A_160 : memref<10240x128xf32, #tpu.memory_space<vmem_shared>>)
        tpu.yield
      }) : () -> ()
      %add3A_138 = arith.constant 2 : i32
      %add3A_139 = arith.addi %add3A_130, %add3A_138 : i32
      %min3A_140 = arith.constant 39 : i32
      %min3A_141 = arith.minsi %add3A_139, %min3A_140 : i32
      %dma_start3A_142 = arith.constant 0 : i32
      %dma_start3A_143 = tpu.memref_slice %arg7[%min3A_141, %dma_start3A_142] : memref<40x128xi32, #tpu.memory_space<vmem>> -> memref<1x128xi32, #tpu.memory_space<vmem>>
      %dma_start3A_144 = tpu.memref_squeeze %dma_start3A_143 : memref<1x128xi32, #tpu.memory_space<vmem>> -> memref<128xi32, #tpu.memory_space<vmem>>
      %dma_start3A_145 = arith.constant 0 : i32
      %dma_start3A_146 = arith.constant 0 : i32
      %dma_start3A_147 = tpu.memref_slice %arg2[%dma_start3A_145, %dma_start3A_146] : memref<10240x128xf32, #tpu.memory_space<hbm>> -> memref<10240x128xf32, #tpu.memory_space<hbm>>
      tpu.enqueue_indirect_dma source(%dma_start3A_147 : memref<10240x128xf32, #tpu.memory_space<hbm>>) target(%arg10 : memref<128x128xf32, #tpu.memory_space<vmem>>) offsets(%dma_start3A_144 : memref<128xi32, #tpu.memory_space<vmem>>) semaphore(%arg13 : memref<!tpu.dma_semaphore, #tpu.memory_space<semaphore_mem>>)
    }
    %scan3A_74 = arith.constant 20 : i32
    %dma_wait3A_75 = arith.constant 0 : i32
    %dma_wait3A_76 = arith.constant 0 : i32
    %dma_wait3A_77 = tpu.memref_slice %arg7[%dma_wait3A_75, %dma_wait3A_76] : memref<40x128xi32, #tpu.memory_space<vmem>> -> memref<1x128xi32, #tpu.memory_space<vmem>>
    %dma_wait3A_78 = tpu.memref_squeeze %dma_wait3A_77 : memref<1x128xi32, #tpu.memory_space<vmem>> -> memref<128xi32, #tpu.memory_space<vmem>>
    %dma_wait3A_79 = arith.constant 0 : i32
    %dma_wait3A_80 = arith.constant 0 : i32
    %dma_wait3A_81 = tpu.memref_slice %arg2[%dma_wait3A_79, %dma_wait3A_80] : memref<10240x128xf32, #tpu.memory_space<hbm>> -> memref<10240x128xf32, #tpu.memory_space<hbm>>
    tpu.wait_indirect_dma semaphore(%arg12 : memref<!tpu.dma_semaphore, #tpu.memory_space<semaphore_mem>>) src(%dma_wait3A_81 : memref<10240x128xf32, #tpu.memory_space<hbm>>) dst(%arg9 : memref<128x128xf32, #tpu.memory_space<vmem>>)
    %dma_wait3A_82 = arith.constant 0 : i32
    %dma_wait3A_83 = arith.constant 0 : i32
    %dma_wait3A_84 = tpu.memref_slice %arg7[%dma_wait3A_82, %dma_wait3A_83] : memref<40x128xi32, #tpu.memory_space<vmem>> -> memref<1x128xi32, #tpu.memory_space<vmem>>
    %dma_wait3A_85 = tpu.memref_squeeze %dma_wait3A_84 : memref<1x128xi32, #tpu.memory_space<vmem>> -> memref<128xi32, #tpu.memory_space<vmem>>
    %dma_wait3A_86 = arith.constant 0 : i32
    %dma_wait3A_87 = arith.constant 0 : i32
    %dma_wait3A_88 = tpu.memref_slice %arg2[%dma_wait3A_86, %dma_wait3A_87] : memref<10240x128xf32, #tpu.memory_space<hbm>> -> memref<10240x128xf32, #tpu.memory_space<hbm>>
    tpu.wait_indirect_dma semaphore(%arg13 : memref<!tpu.dma_semaphore, #tpu.memory_space<semaphore_mem>>) src(%dma_wait3A_88 : memref<10240x128xf32, #tpu.memory_space<hbm>>) dst(%arg10 : memref<128x128xf32, #tpu.memory_space<vmem>>)
    %barrier3A_89 = arith.constant 0 : index
    tpu.barrier barrier_id(%barrier3A_89)
    %mul3A_90 = arith.constant 640 : i32
    %mul3A_91 = arith.muli %arg1, %mul3A_90 : i32
    %add3A_92 = arith.constant 0 : i32
    %add3A_93 = arith.addi %mul3A_91, %add3A_92 : i32
    "tpu.region"() ({
      %run_scoped3A_110 = tpu.sem_alloc : memref<!tpu.dma_semaphore, #tpu.memory_space<semaphore_mem>>
      %dma_start3A_111 = arith.constant 0 : i32
      %dma_start3A_112 = tpu.memref_slice %arg11[%add3A_93, %dma_start3A_111] : memref<10240x128xf32, #tpu.memory_space<vmem_shared>> -> memref<128x128xf32, #tpu.memory_space<vmem_shared>>
      %dma_start3A_113 = arith.constant 0 : i32
      %dma_start3A_114 = tpu.memref_slice %arg11[%add3A_93, %dma_start3A_113] : memref<10240x128xf32, #tpu.memory_space<vmem_shared>> -> memref<128x128xf32, #tpu.memory_space<vmem_shared>>
      tpu.enqueue_dma source(%dma_start3A_114 : memref<128x128xf32, #tpu.memory_space<vmem_shared>>) target(%arg9 : memref<128x128xf32, #tpu.memory_space<vmem>>) target_semaphore(%run_scoped3A_110 : memref<!tpu.dma_semaphore, #tpu.memory_space<semaphore_mem>>)
      %dma_wait3A_115 = arith.constant 0 : i32
      %dma_wait3A_116 = tpu.memref_slice %arg11[%add3A_93, %dma_wait3A_115] : memref<10240x128xf32, #tpu.memory_space<vmem_shared>> -> memref<128x128xf32, #tpu.memory_space<vmem_shared>>
      %dma_wait3A_117 = arith.constant 0 : i32
      %dma_wait3A_118 = tpu.memref_slice %arg11[%add3A_93, %dma_wait3A_117] : memref<10240x128xf32, #tpu.memory_space<vmem_shared>> -> memref<128x128xf32, #tpu.memory_space<vmem_shared>>
      tpu.wait_dma2 semaphore(%run_scoped3A_110 : memref<!tpu.dma_semaphore, #tpu.memory_space<semaphore_mem>>) src(%dma_wait3A_118 : memref<128x128xf32, #tpu.memory_space<vmem_shared>>) dst(%arg9 : memref<128x128xf32, #tpu.memory_space<vmem>>)
      tpu.yield
    }) : () -> ()
    "tpu.region"() ({
      %run_scoped3A_110 = tpu.sem_alloc : memref<!tpu.dma_semaphore, #tpu.memory_space<semaphore_mem>>
      %dma_start3A_111 = arith.constant 0 : i32
      %dma_start3A_112 = tpu.memref_slice %arg6[%arg0, %add3A_93, %dma_start3A_111] : memref<2x10240x128xf32, #tpu.memory_space<hbm>> -> memref<1x128x128xf32, #tpu.memory_space<hbm>>
      %dma_start3A_113 = tpu.memref_squeeze %dma_start3A_112 : memref<1x128x128xf32, #tpu.memory_space<hbm>> -> memref<128x128xf32, #tpu.memory_space<hbm>>
      %dma_start3A_114 = arith.constant 0 : i32
      %dma_start3A_115 = tpu.memref_slice %arg6[%arg0, %add3A_93, %dma_start3A_114] : memref<2x10240x128xf32, #tpu.memory_space<hbm>> -> memref<1x128x128xf32, #tpu.memory_space<hbm>>
      %dma_start3A_116 = tpu.memref_squeeze %dma_start3A_115 : memref<1x128x128xf32, #tpu.memory_space<hbm>> -> memref<128x128xf32, #tpu.memory_space<hbm>>
      tpu.enqueue_dma source(%arg9 : memref<128x128xf32, #tpu.memory_space<vmem>>) target(%dma_start3A_116 : memref<128x128xf32, #tpu.memory_space<hbm>>) target_semaphore(%run_scoped3A_110 : memref<!tpu.dma_semaphore, #tpu.memory_space<semaphore_mem>>)
      %dma_wait3A_117 = arith.constant 0 : i32
      %dma_wait3A_118 = tpu.memref_slice %arg6[%arg0, %add3A_93, %dma_wait3A_117] : memref<2x10240x128xf32, #tpu.memory_space<hbm>> -> memref<1x128x128xf32, #tpu.memory_space<hbm>>
      %dma_wait3A_119 = tpu.memref_squeeze %dma_wait3A_118 : memref<1x128x128xf32, #tpu.memory_space<hbm>> -> memref<128x128xf32, #tpu.memory_space<hbm>>
      %dma_wait3A_120 = arith.constant 0 : i32
      %dma_wait3A_121 = tpu.memref_slice %arg6[%arg0, %add3A_93, %dma_wait3A_120] : memref<2x10240x128xf32, #tpu.memory_space<hbm>> -> memref<1x128x128xf32, #tpu.memory_space<hbm>>
      %dma_wait3A_122 = tpu.memref_squeeze %dma_wait3A_121 : memref<1x128x128xf32, #tpu.memory_space<hbm>> -> memref<128x128xf32, #tpu.memory_space<hbm>>
      tpu.wait_dma2 semaphore(%run_scoped3A_110 : memref<!tpu.dma_semaphore, #tpu.memory_space<semaphore_mem>>) src(%arg9 : memref<128x128xf32, #tpu.memory_space<vmem>>) dst(%dma_wait3A_122 : memref<128x128xf32, #tpu.memory_space<hbm>>)
      tpu.yield
    }) : () -> ()
    %mul3A_94 = arith.constant 640 : i32
    %mul3A_95 = arith.muli %arg1, %mul3A_94 : i32
    %add3A_96 = arith.constant 128 : i32
    %add3A_97 = arith.addi %mul3A_95, %add3A_96 : i32
    "tpu.region"() ({
      %run_scoped3A_110 = tpu.sem_alloc : memref<!tpu.dma_semaphore, #tpu.memory_space<semaphore_mem>>
      %dma_start3A_111 = arith.constant 0 : i32
      %dma_start3A_112 = tpu.memref_slice %arg11[%add3A_97, %dma_start3A_111] : memref<10240x128xf32, #tpu.memory_space<vmem_shared>> -> memref<128x128xf32, #tpu.memory_space<vmem_shared>>
      %dma_start3A_113 = arith.constant 0 : i32
      %dma_start3A_114 = tpu.memref_slice %arg11[%add3A_97, %dma_start3A_113] : memref<10240x128xf32, #tpu.memory_space<vmem_shared>> -> memref<128x128xf32, #tpu.memory_space<vmem_shared>>
      tpu.enqueue_dma source(%dma_start3A_114 : memref<128x128xf32, #tpu.memory_space<vmem_shared>>) target(%arg9 : memref<128x128xf32, #tpu.memory_space<vmem>>) target_semaphore(%run_scoped3A_110 : memref<!tpu.dma_semaphore, #tpu.memory_space<semaphore_mem>>)
      %dma_wait3A_115 = arith.constant 0 : i32
      %dma_wait3A_116 = tpu.memref_slice %arg11[%add3A_97, %dma_wait3A_115] : memref<10240x128xf32, #tpu.memory_space<vmem_shared>> -> memref<128x128xf32, #tpu.memory_space<vmem_shared>>
      %dma_wait3A_117 = arith.constant 0 : i32
      %dma_wait3A_118 = tpu.memref_slice %arg11[%add3A_97, %dma_wait3A_117] : memref<10240x128xf32, #tpu.memory_space<vmem_shared>> -> memref<128x128xf32, #tpu.memory_space<vmem_shared>>
      tpu.wait_dma2 semaphore(%run_scoped3A_110 : memref<!tpu.dma_semaphore, #tpu.memory_space<semaphore_mem>>) src(%dma_wait3A_118 : memref<128x128xf32, #tpu.memory_space<vmem_shared>>) dst(%arg9 : memref<128x128xf32, #tpu.memory_space<vmem>>)
      tpu.yield
    }) : () -> ()
    "tpu.region"() ({
      %run_scoped3A_110 = tpu.sem_alloc : memref<!tpu.dma_semaphore, #tpu.memory_space<semaphore_mem>>
      %dma_start3A_111 = arith.constant 0 : i32
      %dma_start3A_112 = tpu.memref_slice %arg6[%arg0, %add3A_97, %dma_start3A_111] : memref<2x10240x128xf32, #tpu.memory_space<hbm>> -> memref<1x128x128xf32, #tpu.memory_space<hbm>>
      %dma_start3A_113 = tpu.memref_squeeze %dma_start3A_112 : memref<1x128x128xf32, #tpu.memory_space<hbm>> -> memref<128x128xf32, #tpu.memory_space<hbm>>
      %dma_start3A_114 = arith.constant 0 : i32
      %dma_start3A_115 = tpu.memref_slice %arg6[%arg0, %add3A_97, %dma_start3A_114] : memref<2x10240x128xf32, #tpu.memory_space<hbm>> -> memref<1x128x128xf32, #tpu.memory_space<hbm>>
      %dma_start3A_116 = tpu.memref_squeeze %dma_start3A_115 : memref<1x128x128xf32, #tpu.memory_space<hbm>> -> memref<128x128xf32, #tpu.memory_space<hbm>>
      tpu.enqueue_dma source(%arg9 : memref<128x128xf32, #tpu.memory_space<vmem>>) target(%dma_start3A_116 : memref<128x128xf32, #tpu.memory_space<hbm>>) target_semaphore(%run_scoped3A_110 : memref<!tpu.dma_semaphore, #tpu.memory_space<semaphore_mem>>)
      %dma_wait3A_117 = arith.constant 0 : i32
      %dma_wait3A_118 = tpu.memref_slice %arg6[%arg0, %add3A_97, %dma_wait3A_117] : memref<2x10240x128xf32, #tpu.memory_space<hbm>> -> memref<1x128x128xf32, #tpu.memory_space<hbm>>
      %dma_wait3A_119 = tpu.memref_squeeze %dma_wait3A_118 : memref<1x128x128xf32, #tpu.memory_space<hbm>> -> memref<128x128xf32, #tpu.memory_space<hbm>>
      %dma_wait3A_120 = arith.constant 0 : i32
      %dma_wait3A_121 = tpu.memref_slice %arg6[%arg0, %add3A_97, %dma_wait3A_120] : memref<2x10240x128xf32, #tpu.memory_space<hbm>> -> memref<1x128x128xf32, #tpu.memory_space<hbm>>
      %dma_wait3A_122 = tpu.memref_squeeze %dma_wait3A_121 : memref<1x128x128xf32, #tpu.memory_space<hbm>> -> memref<128x128xf32, #tpu.memory_space<hbm>>
      tpu.wait_dma2 semaphore(%run_scoped3A_110 : memref<!tpu.dma_semaphore, #tpu.memory_space<semaphore_mem>>) src(%arg9 : memref<128x128xf32, #tpu.memory_space<vmem>>) dst(%dma_wait3A_122 : memref<128x128xf32, #tpu.memory_space<hbm>>)
      tpu.yield
    }) : () -> ()
    %mul3A_98 = arith.constant 640 : i32
    %mul3A_99 = arith.muli %arg1, %mul3A_98 : i32
    %add3A_100 = arith.constant 256 : i32
    %add3A_101 = arith.addi %mul3A_99, %add3A_100 : i32
    "tpu.region"() ({
      %run_scoped3A_110 = tpu.sem_alloc : memref<!tpu.dma_semaphore, #tpu.memory_space<semaphore_mem>>
      %dma_start3A_111 = arith.constant 0 : i32
      %dma_start3A_112 = tpu.memref_slice %arg11[%add3A_101, %dma_start3A_111] : memref<10240x128xf32, #tpu.memory_space<vmem_shared>> -> memref<128x128xf32, #tpu.memory_space<vmem_shared>>
      %dma_start3A_113 = arith.constant 0 : i32
      %dma_start3A_114 = tpu.memref_slice %arg11[%add3A_101, %dma_start3A_113] : memref<10240x128xf32, #tpu.memory_space<vmem_shared>> -> memref<128x128xf32, #tpu.memory_space<vmem_shared>>
      tpu.enqueue_dma source(%dma_start3A_114 : memref<128x128xf32, #tpu.memory_space<vmem_shared>>) target(%arg9 : memref<128x128xf32, #tpu.memory_space<vmem>>) target_semaphore(%run_scoped3A_110 : memref<!tpu.dma_semaphore, #tpu.memory_space<semaphore_mem>>)
      %dma_wait3A_115 = arith.constant 0 : i32
      %dma_wait3A_116 = tpu.memref_slice %arg11[%add3A_101, %dma_wait3A_115] : memref<10240x128xf32, #tpu.memory_space<vmem_shared>> -> memref<128x128xf32, #tpu.memory_space<vmem_shared>>
      %dma_wait3A_117 = arith.constant 0 : i32
      %dma_wait3A_118 = tpu.memref_slice %arg11[%add3A_101, %dma_wait3A_117] : memref<10240x128xf32, #tpu.memory_space<vmem_shared>> -> memref<128x128xf32, #tpu.memory_space<vmem_shared>>
      tpu.wait_dma2 semaphore(%run_scoped3A_110 : memref<!tpu.dma_semaphore, #tpu.memory_space<semaphore_mem>>) src(%dma_wait3A_118 : memref<128x128xf32, #tpu.memory_space<vmem_shared>>) dst(%arg9 : memref<128x128xf32, #tpu.memory_space<vmem>>)
      tpu.yield
    }) : () -> ()
    "tpu.region"() ({
      %run_scoped3A_110 = tpu.sem_alloc : memref<!tpu.dma_semaphore, #tpu.memory_space<semaphore_mem>>
      %dma_start3A_111 = arith.constant 0 : i32
      %dma_start3A_112 = tpu.memref_slice %arg6[%arg0, %add3A_101, %dma_start3A_111] : memref<2x10240x128xf32, #tpu.memory_space<hbm>> -> memref<1x128x128xf32, #tpu.memory_space<hbm>>
      %dma_start3A_113 = tpu.memref_squeeze %dma_start3A_112 : memref<1x128x128xf32, #tpu.memory_space<hbm>> -> memref<128x128xf32, #tpu.memory_space<hbm>>
      %dma_start3A_114 = arith.constant 0 : i32
      %dma_start3A_115 = tpu.memref_slice %arg6[%arg0, %add3A_101, %dma_start3A_114] : memref<2x10240x128xf32, #tpu.memory_space<hbm>> -> memref<1x128x128xf32, #tpu.memory_space<hbm>>
      %dma_start3A_116 = tpu.memref_squeeze %dma_start3A_115 : memref<1x128x128xf32, #tpu.memory_space<hbm>> -> memref<128x128xf32, #tpu.memory_space<hbm>>
      tpu.enqueue_dma source(%arg9 : memref<128x128xf32, #tpu.memory_space<vmem>>) target(%dma_start3A_116 : memref<128x128xf32, #tpu.memory_space<hbm>>) target_semaphore(%run_scoped3A_110 : memref<!tpu.dma_semaphore, #tpu.memory_space<semaphore_mem>>)
      %dma_wait3A_117 = arith.constant 0 : i32
      %dma_wait3A_118 = tpu.memref_slice %arg6[%arg0, %add3A_101, %dma_wait3A_117] : memref<2x10240x128xf32, #tpu.memory_space<hbm>> -> memref<1x128x128xf32, #tpu.memory_space<hbm>>
      %dma_wait3A_119 = tpu.memref_squeeze %dma_wait3A_118 : memref<1x128x128xf32, #tpu.memory_space<hbm>> -> memref<128x128xf32, #tpu.memory_space<hbm>>
      %dma_wait3A_120 = arith.constant 0 : i32
      %dma_wait3A_121 = tpu.memref_slice %arg6[%arg0, %add3A_101, %dma_wait3A_120] : memref<2x10240x128xf32, #tpu.memory_space<hbm>> -> memref<1x128x128xf32, #tpu.memory_space<hbm>>
      %dma_wait3A_122 = tpu.memref_squeeze %dma_wait3A_121 : memref<1x128x128xf32, #tpu.memory_space<hbm>> -> memref<128x128xf32, #tpu.memory_space<hbm>>
      tpu.wait_dma2 semaphore(%run_scoped3A_110 : memref<!tpu.dma_semaphore, #tpu.memory_space<semaphore_mem>>) src(%arg9 : memref<128x128xf32, #tpu.memory_space<vmem>>) dst(%dma_wait3A_122 : memref<128x128xf32, #tpu.memory_space<hbm>>)
      tpu.yield
    }) : () -> ()
    %mul3A_102 = arith.constant 640 : i32
    %mul3A_103 = arith.muli %arg1, %mul3A_102 : i32
    %add3A_104 = arith.constant 384 : i32
    %add3A_105 = arith.addi %mul3A_103, %add3A_104 : i32
    "tpu.region"() ({
      %run_scoped3A_110 = tpu.sem_alloc : memref<!tpu.dma_semaphore, #tpu.memory_space<semaphore_mem>>
      %dma_start3A_111 = arith.constant 0 : i32
      %dma_start3A_112 = tpu.memref_slice %arg11[%add3A_105, %dma_start3A_111] : memref<10240x128xf32, #tpu.memory_space<vmem_shared>> -> memref<128x128xf32, #tpu.memory_space<vmem_shared>>
      %dma_start3A_113 = arith.constant 0 : i32
      %dma_start3A_114 = tpu.memref_slice %arg11[%add3A_105, %dma_start3A_113] : memref<10240x128xf32, #tpu.memory_space<vmem_shared>> -> memref<128x128xf32, #tpu.memory_space<vmem_shared>>
      tpu.enqueue_dma source(%dma_start3A_114 : memref<128x128xf32, #tpu.memory_space<vmem_shared>>) target(%arg9 : memref<128x128xf32, #tpu.memory_space<vmem>>) target_semaphore(%run_scoped3A_110 : memref<!tpu.dma_semaphore, #tpu.memory_space<semaphore_mem>>)
      %dma_wait3A_115 = arith.constant 0 : i32
      %dma_wait3A_116 = tpu.memref_slice %arg11[%add3A_105, %dma_wait3A_115] : memref<10240x128xf32, #tpu.memory_space<vmem_shared>> -> memref<128x128xf32, #tpu.memory_space<vmem_shared>>
      %dma_wait3A_117 = arith.constant 0 : i32
      %dma_wait3A_118 = tpu.memref_slice %arg11[%add3A_105, %dma_wait3A_117] : memref<10240x128xf32, #tpu.memory_space<vmem_shared>> -> memref<128x128xf32, #tpu.memory_space<vmem_shared>>
      tpu.wait_dma2 semaphore(%run_scoped3A_110 : memref<!tpu.dma_semaphore, #tpu.memory_space<semaphore_mem>>) src(%dma_wait3A_118 : memref<128x128xf32, #tpu.memory_space<vmem_shared>>) dst(%arg9 : memref<128x128xf32, #tpu.memory_space<vmem>>)
      tpu.yield
    }) : () -> ()
    "tpu.region"() ({
      %run_scoped3A_110 = tpu.sem_alloc : memref<!tpu.dma_semaphore, #tpu.memory_space<semaphore_mem>>
      %dma_start3A_111 = arith.constant 0 : i32
      %dma_start3A_112 = tpu.memref_slice %arg6[%arg0, %add3A_105, %dma_start3A_111] : memref<2x10240x128xf32, #tpu.memory_space<hbm>> -> memref<1x128x128xf32, #tpu.memory_space<hbm>>
      %dma_start3A_113 = tpu.memref_squeeze %dma_start3A_112 : memref<1x128x128xf32, #tpu.memory_space<hbm>> -> memref<128x128xf32, #tpu.memory_space<hbm>>
      %dma_start3A_114 = arith.constant 0 : i32
      %dma_start3A_115 = tpu.memref_slice %arg6[%arg0, %add3A_105, %dma_start3A_114] : memref<2x10240x128xf32, #tpu.memory_space<hbm>> -> memref<1x128x128xf32, #tpu.memory_space<hbm>>
      %dma_start3A_116 = tpu.memref_squeeze %dma_start3A_115 : memref<1x128x128xf32, #tpu.memory_space<hbm>> -> memref<128x128xf32, #tpu.memory_space<hbm>>
      tpu.enqueue_dma source(%arg9 : memref<128x128xf32, #tpu.memory_space<vmem>>) target(%dma_start3A_116 : memref<128x128xf32, #tpu.memory_space<hbm>>) target_semaphore(%run_scoped3A_110 : memref<!tpu.dma_semaphore, #tpu.memory_space<semaphore_mem>>)
      %dma_wait3A_117 = arith.constant 0 : i32
      %dma_wait3A_118 = tpu.memref_slice %arg6[%arg0, %add3A_105, %dma_wait3A_117] : memref<2x10240x128xf32, #tpu.memory_space<hbm>> -> memref<1x128x128xf32, #tpu.memory_space<hbm>>
      %dma_wait3A_119 = tpu.memref_squeeze %dma_wait3A_118 : memref<1x128x128xf32, #tpu.memory_space<hbm>> -> memref<128x128xf32, #tpu.memory_space<hbm>>
      %dma_wait3A_120 = arith.constant 0 : i32
      %dma_wait3A_121 = tpu.memref_slice %arg6[%arg0, %add3A_105, %dma_wait3A_120] : memref<2x10240x128xf32, #tpu.memory_space<hbm>> -> memref<1x128x128xf32, #tpu.memory_space<hbm>>
      %dma_wait3A_122 = tpu.memref_squeeze %dma_wait3A_121 : memref<1x128x128xf32, #tpu.memory_space<hbm>> -> memref<128x128xf32, #tpu.memory_space<hbm>>
      tpu.wait_dma2 semaphore(%run_scoped3A_110 : memref<!tpu.dma_semaphore, #tpu.memory_space<semaphore_mem>>) src(%arg9 : memref<128x128xf32, #tpu.memory_space<vmem>>) dst(%dma_wait3A_122 : memref<128x128xf32, #tpu.memory_space<hbm>>)
      tpu.yield
    }) : () -> ()
    %mul3A_106 = arith.constant 640 : i32
    %mul3A_107 = arith.muli %arg1, %mul3A_106 : i32
    %add3A_108 = arith.constant 512 : i32
    %add3A_109 = arith.addi %mul3A_107, %add3A_108 : i32
    "tpu.region"() ({
      %run_scoped3A_110 = tpu.sem_alloc : memref<!tpu.dma_semaphore, #tpu.memory_space<semaphore_mem>>
      %dma_start3A_111 = arith.constant 0 : i32
      %dma_start3A_112 = tpu.memref_slice %arg11[%add3A_109, %dma_start3A_111] : memref<10240x128xf32, #tpu.memory_space<vmem_shared>> -> memref<128x128xf32, #tpu.memory_space<vmem_shared>>
      %dma_start3A_113 = arith.constant 0 : i32
      %dma_start3A_114 = tpu.memref_slice %arg11[%add3A_109, %dma_start3A_113] : memref<10240x128xf32, #tpu.memory_space<vmem_shared>> -> memref<128x128xf32, #tpu.memory_space<vmem_shared>>
      tpu.enqueue_dma source(%dma_start3A_114 : memref<128x128xf32, #tpu.memory_space<vmem_shared>>) target(%arg9 : memref<128x128xf32, #tpu.memory_space<vmem>>) target_semaphore(%run_scoped3A_110 : memref<!tpu.dma_semaphore, #tpu.memory_space<semaphore_mem>>)
      %dma_wait3A_115 = arith.constant 0 : i32
      %dma_wait3A_116 = tpu.memref_slice %arg11[%add3A_109, %dma_wait3A_115] : memref<10240x128xf32, #tpu.memory_space<vmem_shared>> -> memref<128x128xf32, #tpu.memory_space<vmem_shared>>
      %dma_wait3A_117 = arith.constant 0 : i32
      %dma_wait3A_118 = tpu.memref_slice %arg11[%add3A_109, %dma_wait3A_117] : memref<10240x128xf32, #tpu.memory_space<vmem_shared>> -> memref<128x128xf32, #tpu.memory_space<vmem_shared>>
      tpu.wait_dma2 semaphore(%run_scoped3A_110 : memref<!tpu.dma_semaphore, #tpu.memory_space<semaphore_mem>>) src(%dma_wait3A_118 : memref<128x128xf32, #tpu.memory_space<vmem_shared>>) dst(%arg9 : memref<128x128xf32, #tpu.memory_space<vmem>>)
      tpu.yield
    }) : () -> ()
    "tpu.region"() ({
      %run_scoped3A_110 = tpu.sem_alloc : memref<!tpu.dma_semaphore, #tpu.memory_space<semaphore_mem>>
      %dma_start3A_111 = arith.constant 0 : i32
      %dma_start3A_112 = tpu.memref_slice %arg6[%arg0, %add3A_109, %dma_start3A_111] : memref<2x10240x128xf32, #tpu.memory_space<hbm>> -> memref<1x128x128xf32, #tpu.memory_space<hbm>>
      %dma_start3A_113 = tpu.memref_squeeze %dma_start3A_112 : memref<1x128x128xf32, #tpu.memory_space<hbm>> -> memref<128x128xf32, #tpu.memory_space<hbm>>
      %dma_start3A_114 = arith.constant 0 : i32
      %dma_start3A_115 = tpu.memref_slice %arg6[%arg0, %add3A_109, %dma_start3A_114] : memref<2x10240x128xf32, #tpu.memory_space<hbm>> -> memref<1x128x128xf32, #tpu.memory_space<hbm>>
      %dma_start3A_116 = tpu.memref_squeeze %dma_start3A_115 : memref<1x128x128xf32, #tpu.memory_space<hbm>> -> memref<128x128xf32, #tpu.memory_space<hbm>>
      tpu.enqueue_dma source(%arg9 : memref<128x128xf32, #tpu.memory_space<vmem>>) target(%dma_start3A_116 : memref<128x128xf32, #tpu.memory_space<hbm>>) target_semaphore(%run_scoped3A_110 : memref<!tpu.dma_semaphore, #tpu.memory_space<semaphore_mem>>)
      %dma_wait3A_117 = arith.constant 0 : i32
      %dma_wait3A_118 = tpu.memref_slice %arg6[%arg0, %add3A_109, %dma_wait3A_117] : memref<2x10240x128xf32, #tpu.memory_space<hbm>> -> memref<1x128x128xf32, #tpu.memory_space<hbm>>
      %dma_wait3A_119 = tpu.memref_squeeze %dma_wait3A_118 : memref<1x128x128xf32, #tpu.memory_space<hbm>> -> memref<128x128xf32, #tpu.memory_space<hbm>>
      %dma_wait3A_120 = arith.constant 0 : i32
      %dma_wait3A_121 = tpu.memref_slice %arg6[%arg0, %add3A_109, %dma_wait3A_120] : memref<2x10240x128xf32, #tpu.memory_space<hbm>> -> memref<1x128x128xf32, #tpu.memory_space<hbm>>
      %dma_wait3A_122 = tpu.memref_squeeze %dma_wait3A_121 : memref<1x128x128xf32, #tpu.memory_space<hbm>> -> memref<128x128xf32, #tpu.memory_space<hbm>>
      tpu.wait_dma2 semaphore(%run_scoped3A_110 : memref<!tpu.dma_semaphore, #tpu.memory_space<semaphore_mem>>) src(%arg9 : memref<128x128xf32, #tpu.memory_space<vmem>>) dst(%dma_wait3A_122 : memref<128x128xf32, #tpu.memory_space<hbm>>)
      tpu.yield
    }) : () -> ()
    return
  }
}

#map = affine_map<(d0, d1) -> (0, 0)>
#map1 = affine_map<(d0, d1) -> (0, 0, 0, 0)>
#map2 = affine_map<(d0, d1) -> (0, 0, 0)>
module attributes {stable_mosaic.version = 14 : i64} {
  func.func @_sc_pass_body(%arg0: i32, %arg1: i32, %arg2: memref<10240x128xf32, #tpu.memory_space<hbm>>, %arg3: memref<32x2x40x128xi32, #tpu.memory_space<hbm>>, %arg4: memref<32x2x40x128xi32, #tpu.memory_space<hbm>>, %arg5: memref<128x128xf32, #tpu.memory_space<hbm>>, %arg6: memref<2x10240x128xf32, #tpu.memory_space<hbm>>, %arg7: memref<40x128xi32, #tpu.memory_space<vmem>>, %arg8: memref<40x128xi32, #tpu.memory_space<vmem>>, %arg9: memref<128x128xf32, #tpu.memory_space<vmem>>, %arg10: memref<128x128xf32, #tpu.memory_space<vmem>>, %arg11: memref<10240x128xf32, #tpu.memory_space<vmem_shared>>, %arg12: memref<!tpu.dma_semaphore, #tpu.memory_space<semaphore_mem>>, %arg13: memref<!tpu.dma_semaphore, #tpu.memory_space<semaphore_mem>>) attributes {dimension_semantics = [#tpu.dimension_semantics<core_parallel>, #tpu.dimension_semantics<subcore_parallel>], iteration_bounds = array<i64: 2, 16>, scalar_prefetch = 0 : i64, scratch_operands = 7 : i64, tpu.core_type = #tpu.core_type<sc_vector_subcore>, window_params = [{transform_indices = #map}, {transform_indices = #map1}, {transform_indices = #map1}, {transform_indices = #map}, {transform_indices = #map2}]} {
    %mul3A = arith.constant 16 : i32
    %mul3A_0 = arith.muli %arg0, %mul3A : i32
    %add3A = arith.addi %mul3A_0, %arg1 : i32
    %run_scoped3A = arith.constant 0 : i32
    "tpu.region"() ({
      %run_scoped3A_110 = tpu.sem_alloc : memref<!tpu.dma_semaphore, #tpu.memory_space<semaphore_mem>>
      %dma_start3A_111 = arith.constant 0 : i32
      %dma_start3A_112 = arith.constant 0 : i32
      %dma_start3A_113 = tpu.memref_slice %arg3[%add3A, %run_scoped3A, %dma_start3A_111, %dma_start3A_112] : memref<32x2x40x128xi32, #tpu.memory_space<hbm>> -> memref<1x1x40x128xi32, #tpu.memory_space<hbm>>
      %dma_start3A_114 = tpu.memref_squeeze %dma_start3A_113 : memref<1x1x40x128xi32, #tpu.memory_space<hbm>> -> memref<40x128xi32, #tpu.memory_space<hbm>>
      %dma_start3A_115 = arith.constant 0 : i32
      %dma_start3A_116 = arith.constant 0 : i32
      %dma_start3A_117 = tpu.memref_slice %arg3[%add3A, %run_scoped3A, %dma_start3A_115, %dma_start3A_116] : memref<32x2x40x128xi32, #tpu.memory_space<hbm>> -> memref<1x1x40x128xi32, #tpu.memory_space<hbm>>
      %dma_start3A_118 = tpu.memref_squeeze %dma_start3A_117 : memref<1x1x40x128xi32, #tpu.memory_space<hbm>> -> memref<40x128xi32, #tpu.memory_space<hbm>>
      tpu.enqueue_dma source(%dma_start3A_118 : memref<40x128xi32, #tpu.memory_space<hbm>>) target(%arg7 : memref<40x128xi32, #tpu.memory_space<vmem>>) target_semaphore(%run_scoped3A_110 : memref<!tpu.dma_semaphore, #tpu.memory_space<semaphore_mem>>)
      %dma_wait3A_119 = arith.constant 0 : i32
      %dma_wait3A_120 = arith.constant 0 : i32
      %dma_wait3A_121 = tpu.memref_slice %arg3[%add3A, %run_scoped3A, %dma_wait3A_119, %dma_wait3A_120] : memref<32x2x40x128xi32, #tpu.memory_space<hbm>> -> memref<1x1x40x128xi32, #tpu.memory_space<hbm>>
      %dma_wait3A_122 = tpu.memref_squeeze %dma_wait3A_121 : memref<1x1x40x128xi32, #tpu.memory_space<hbm>> -> memref<40x128xi32, #tpu.memory_space<hbm>>
      %dma_wait3A_123 = arith.constant 0 : i32
      %dma_wait3A_124 = arith.constant 0 : i32
      %dma_wait3A_125 = tpu.memref_slice %arg3[%add3A, %run_scoped3A, %dma_wait3A_123, %dma_wait3A_124] : memref<32x2x40x128xi32, #tpu.memory_space<hbm>> -> memref<1x1x40x128xi32, #tpu.memory_space<hbm>>
      %dma_wait3A_126 = tpu.memref_squeeze %dma_wait3A_125 : memref<1x1x40x128xi32, #tpu.memory_space<hbm>> -> memref<40x128xi32, #tpu.memory_space<hbm>>
      tpu.wait_dma2 semaphore(%run_scoped3A_110 : memref<!tpu.dma_semaphore, #tpu.memory_space<semaphore_mem>>) src(%dma_wait3A_126 : memref<40x128xi32, #tpu.memory_space<hbm>>) dst(%arg7 : memref<40x128xi32, #tpu.memory_space<vmem>>)
      tpu.yield
    }) : () -> ()
    %run_scoped3A_1 = arith.constant 0 : i32
    "tpu.region"() ({
      %run_scoped3A_110 = tpu.sem_alloc : memref<!tpu.dma_semaphore, #tpu.memory_space<semaphore_mem>>
      %dma_start3A_111 = arith.constant 0 : i32
      %dma_start3A_112 = arith.constant 0 : i32
      %dma_start3A_113 = tpu.memref_slice %arg4[%add3A, %run_scoped3A_1, %dma_start3A_111, %dma_start3A_112] : memref<32x2x40x128xi32, #tpu.memory_space<hbm>> -> memref<1x1x40x128xi32, #tpu.memory_space<hbm>>
      %dma_start3A_114 = tpu.memref_squeeze %dma_start3A_113 : memref<1x1x40x128xi32, #tpu.memory_space<hbm>> -> memref<40x128xi32, #tpu.memory_space<hbm>>
      %dma_start3A_115 = arith.constant 0 : i32
      %dma_start3A_116 = arith.constant 0 : i32
      %dma_start3A_117 = tpu.memref_slice %arg4[%add3A, %run_scoped3A_1, %dma_start3A_115, %dma_start3A_116] : memref<32x2x40x128xi32, #tpu.memory_space<hbm>> -> memref<1x1x40x128xi32, #tpu.memory_space<hbm>>
      %dma_start3A_118 = tpu.memref_squeeze %dma_start3A_117 : memref<1x1x40x128xi32, #tpu.memory_space<hbm>> -> memref<40x128xi32, #tpu.memory_space<hbm>>
      tpu.enqueue_dma source(%dma_start3A_118 : memref<40x128xi32, #tpu.memory_space<hbm>>) target(%arg8 : memref<40x128xi32, #tpu.memory_space<vmem>>) target_semaphore(%run_scoped3A_110 : memref<!tpu.dma_semaphore, #tpu.memory_space<semaphore_mem>>)
      %dma_wait3A_119 = arith.constant 0 : i32
      %dma_wait3A_120 = arith.constant 0 : i32
      %dma_wait3A_121 = tpu.memref_slice %arg4[%add3A, %run_scoped3A_1, %dma_wait3A_119, %dma_wait3A_120] : memref<32x2x40x128xi32, #tpu.memory_space<hbm>> -> memref<1x1x40x128xi32, #tpu.memory_space<hbm>>
      %dma_wait3A_122 = tpu.memref_squeeze %dma_wait3A_121 : memref<1x1x40x128xi32, #tpu.memory_space<hbm>> -> memref<40x128xi32, #tpu.memory_space<hbm>>
      %dma_wait3A_123 = arith.constant 0 : i32
      %dma_wait3A_124 = arith.constant 0 : i32
      %dma_wait3A_125 = tpu.memref_slice %arg4[%add3A, %run_scoped3A_1, %dma_wait3A_123, %dma_wait3A_124] : memref<32x2x40x128xi32, #tpu.memory_space<hbm>> -> memref<1x1x40x128xi32, #tpu.memory_space<hbm>>
      %dma_wait3A_126 = tpu.memref_squeeze %dma_wait3A_125 : memref<1x1x40x128xi32, #tpu.memory_space<hbm>> -> memref<40x128xi32, #tpu.memory_space<hbm>>
      tpu.wait_dma2 semaphore(%run_scoped3A_110 : memref<!tpu.dma_semaphore, #tpu.memory_space<semaphore_mem>>) src(%dma_wait3A_126 : memref<40x128xi32, #tpu.memory_space<hbm>>) dst(%arg8 : memref<40x128xi32, #tpu.memory_space<vmem>>)
      tpu.yield
    }) : () -> ()
    %dma_start3A = arith.constant 1 : i32
    %dma_start3A_2 = arith.constant 0 : i32
    %dma_start3A_3 = tpu.memref_slice %arg7[%dma_start3A, %dma_start3A_2] : memref<40x128xi32, #tpu.memory_space<vmem>> -> memref<1x128xi32, #tpu.memory_space<vmem>>
    %dma_start3A_4 = tpu.memref_squeeze %dma_start3A_3 : memref<1x128xi32, #tpu.memory_space<vmem>> -> memref<128xi32, #tpu.memory_space<vmem>>
    %dma_start3A_5 = arith.constant 0 : i32
    %dma_start3A_6 = arith.constant 0 : i32
    %dma_start3A_7 = tpu.memref_slice %arg2[%dma_start3A_5, %dma_start3A_6] : memref<10240x128xf32, #tpu.memory_space<hbm>> -> memref<10240x128xf32, #tpu.memory_space<hbm>>
    tpu.enqueue_indirect_dma source(%dma_start3A_7 : memref<10240x128xf32, #tpu.memory_space<hbm>>) target(%arg10 : memref<128x128xf32, #tpu.memory_space<vmem>>) offsets(%dma_start3A_4 : memref<128xi32, #tpu.memory_space<vmem>>) semaphore(%arg13 : memref<!tpu.dma_semaphore, #tpu.memory_space<semaphore_mem>>)
    "tpu.region"() ({
      %run_scoped3A_110 = tpu.sem_alloc : memref<!tpu.dma_semaphore, #tpu.memory_space<semaphore_mem>>
      tpu.enqueue_dma source(%arg5 : memref<128x128xf32, #tpu.memory_space<hbm>>) target(%arg9 : memref<128x128xf32, #tpu.memory_space<vmem>>) target_semaphore(%run_scoped3A_110 : memref<!tpu.dma_semaphore, #tpu.memory_space<semaphore_mem>>)
      tpu.wait_dma2 semaphore(%run_scoped3A_110 : memref<!tpu.dma_semaphore, #tpu.memory_space<semaphore_mem>>) src(%arg5 : memref<128x128xf32, #tpu.memory_space<hbm>>) dst(%arg9 : memref<128x128xf32, #tpu.memory_space<vmem>>)
      tpu.yield
    }) : () -> ()
    %mul3A_8 = arith.constant 640 : i32
    %mul3A_9 = arith.muli %arg1, %mul3A_8 : i32
    %add3A_10 = arith.constant 0 : i32
    %add3A_11 = arith.addi %mul3A_9, %add3A_10 : i32
    "tpu.region"() ({
      %run_scoped3A_110 = tpu.sem_alloc : memref<!tpu.dma_semaphore, #tpu.memory_space<semaphore_mem>>
      %dma_start3A_111 = arith.constant 0 : i32
      %dma_start3A_112 = tpu.memref_slice %arg11[%add3A_11, %dma_start3A_111] : memref<10240x128xf32, #tpu.memory_space<vmem_shared>> -> memref<128x128xf32, #tpu.memory_space<vmem_shared>>
      %dma_start3A_113 = arith.constant 0 : i32
      %dma_start3A_114 = tpu.memref_slice %arg11[%add3A_11, %dma_start3A_113] : memref<10240x128xf32, #tpu.memory_space<vmem_shared>> -> memref<128x128xf32, #tpu.memory_space<vmem_shared>>
      tpu.enqueue_dma source(%arg9 : memref<128x128xf32, #tpu.memory_space<vmem>>) target(%dma_start3A_114 : memref<128x128xf32, #tpu.memory_space<vmem_shared>>) target_semaphore(%run_scoped3A_110 : memref<!tpu.dma_semaphore, #tpu.memory_space<semaphore_mem>>)
      %dma_wait3A_115 = arith.constant 0 : i32
      %dma_wait3A_116 = tpu.memref_slice %arg11[%add3A_11, %dma_wait3A_115] : memref<10240x128xf32, #tpu.memory_space<vmem_shared>> -> memref<128x128xf32, #tpu.memory_space<vmem_shared>>
      %dma_wait3A_117 = arith.constant 0 : i32
      %dma_wait3A_118 = tpu.memref_slice %arg11[%add3A_11, %dma_wait3A_117] : memref<10240x128xf32, #tpu.memory_space<vmem_shared>> -> memref<128x128xf32, #tpu.memory_space<vmem_shared>>
      tpu.wait_dma2 semaphore(%run_scoped3A_110 : memref<!tpu.dma_semaphore, #tpu.memory_space<semaphore_mem>>) src(%arg9 : memref<128x128xf32, #tpu.memory_space<vmem>>) dst(%dma_wait3A_118 : memref<128x128xf32, #tpu.memory_space<vmem_shared>>)
      tpu.yield
    }) : () -> ()
    %mul3A_12 = arith.constant 640 : i32
    %mul3A_13 = arith.muli %arg1, %mul3A_12 : i32
    %add3A_14 = arith.constant 128 : i32
    %add3A_15 = arith.addi %mul3A_13, %add3A_14 : i32
    "tpu.region"() ({
      %run_scoped3A_110 = tpu.sem_alloc : memref<!tpu.dma_semaphore, #tpu.memory_space<semaphore_mem>>
      %dma_start3A_111 = arith.constant 0 : i32
      %dma_start3A_112 = tpu.memref_slice %arg11[%add3A_15, %dma_start3A_111] : memref<10240x128xf32, #tpu.memory_space<vmem_shared>> -> memref<128x128xf32, #tpu.memory_space<vmem_shared>>
      %dma_start3A_113 = arith.constant 0 : i32
      %dma_start3A_114 = tpu.memref_slice %arg11[%add3A_15, %dma_start3A_113] : memref<10240x128xf32, #tpu.memory_space<vmem_shared>> -> memref<128x128xf32, #tpu.memory_space<vmem_shared>>
      tpu.enqueue_dma source(%arg9 : memref<128x128xf32, #tpu.memory_space<vmem>>) target(%dma_start3A_114 : memref<128x128xf32, #tpu.memory_space<vmem_shared>>) target_semaphore(%run_scoped3A_110 : memref<!tpu.dma_semaphore, #tpu.memory_space<semaphore_mem>>)
      %dma_wait3A_115 = arith.constant 0 : i32
      %dma_wait3A_116 = tpu.memref_slice %arg11[%add3A_15, %dma_wait3A_115] : memref<10240x128xf32, #tpu.memory_space<vmem_shared>> -> memref<128x128xf32, #tpu.memory_space<vmem_shared>>
      %dma_wait3A_117 = arith.constant 0 : i32
      %dma_wait3A_118 = tpu.memref_slice %arg11[%add3A_15, %dma_wait3A_117] : memref<10240x128xf32, #tpu.memory_space<vmem_shared>> -> memref<128x128xf32, #tpu.memory_space<vmem_shared>>
      tpu.wait_dma2 semaphore(%run_scoped3A_110 : memref<!tpu.dma_semaphore, #tpu.memory_space<semaphore_mem>>) src(%arg9 : memref<128x128xf32, #tpu.memory_space<vmem>>) dst(%dma_wait3A_118 : memref<128x128xf32, #tpu.memory_space<vmem_shared>>)
      tpu.yield
    }) : () -> ()
    %mul3A_16 = arith.constant 640 : i32
    %mul3A_17 = arith.muli %arg1, %mul3A_16 : i32
    %add3A_18 = arith.constant 256 : i32
    %add3A_19 = arith.addi %mul3A_17, %add3A_18 : i32
    "tpu.region"() ({
      %run_scoped3A_110 = tpu.sem_alloc : memref<!tpu.dma_semaphore, #tpu.memory_space<semaphore_mem>>
      %dma_start3A_111 = arith.constant 0 : i32
      %dma_start3A_112 = tpu.memref_slice %arg11[%add3A_19, %dma_start3A_111] : memref<10240x128xf32, #tpu.memory_space<vmem_shared>> -> memref<128x128xf32, #tpu.memory_space<vmem_shared>>
      %dma_start3A_113 = arith.constant 0 : i32
      %dma_start3A_114 = tpu.memref_slice %arg11[%add3A_19, %dma_start3A_113] : memref<10240x128xf32, #tpu.memory_space<vmem_shared>> -> memref<128x128xf32, #tpu.memory_space<vmem_shared>>
      tpu.enqueue_dma source(%arg9 : memref<128x128xf32, #tpu.memory_space<vmem>>) target(%dma_start3A_114 : memref<128x128xf32, #tpu.memory_space<vmem_shared>>) target_semaphore(%run_scoped3A_110 : memref<!tpu.dma_semaphore, #tpu.memory_space<semaphore_mem>>)
      %dma_wait3A_115 = arith.constant 0 : i32
      %dma_wait3A_116 = tpu.memref_slice %arg11[%add3A_19, %dma_wait3A_115] : memref<10240x128xf32, #tpu.memory_space<vmem_shared>> -> memref<128x128xf32, #tpu.memory_space<vmem_shared>>
      %dma_wait3A_117 = arith.constant 0 : i32
      %dma_wait3A_118 = tpu.memref_slice %arg11[%add3A_19, %dma_wait3A_117] : memref<10240x128xf32, #tpu.memory_space<vmem_shared>> -> memref<128x128xf32, #tpu.memory_space<vmem_shared>>
      tpu.wait_dma2 semaphore(%run_scoped3A_110 : memref<!tpu.dma_semaphore, #tpu.memory_space<semaphore_mem>>) src(%arg9 : memref<128x128xf32, #tpu.memory_space<vmem>>) dst(%dma_wait3A_118 : memref<128x128xf32, #tpu.memory_space<vmem_shared>>)
      tpu.yield
    }) : () -> ()
    %mul3A_20 = arith.constant 640 : i32
    %mul3A_21 = arith.muli %arg1, %mul3A_20 : i32
    %add3A_22 = arith.constant 384 : i32
    %add3A_23 = arith.addi %mul3A_21, %add3A_22 : i32
    "tpu.region"() ({
      %run_scoped3A_110 = tpu.sem_alloc : memref<!tpu.dma_semaphore, #tpu.memory_space<semaphore_mem>>
      %dma_start3A_111 = arith.constant 0 : i32
      %dma_start3A_112 = tpu.memref_slice %arg11[%add3A_23, %dma_start3A_111] : memref<10240x128xf32, #tpu.memory_space<vmem_shared>> -> memref<128x128xf32, #tpu.memory_space<vmem_shared>>
      %dma_start3A_113 = arith.constant 0 : i32
      %dma_start3A_114 = tpu.memref_slice %arg11[%add3A_23, %dma_start3A_113] : memref<10240x128xf32, #tpu.memory_space<vmem_shared>> -> memref<128x128xf32, #tpu.memory_space<vmem_shared>>
      tpu.enqueue_dma source(%arg9 : memref<128x128xf32, #tpu.memory_space<vmem>>) target(%dma_start3A_114 : memref<128x128xf32, #tpu.memory_space<vmem_shared>>) target_semaphore(%run_scoped3A_110 : memref<!tpu.dma_semaphore, #tpu.memory_space<semaphore_mem>>)
      %dma_wait3A_115 = arith.constant 0 : i32
      %dma_wait3A_116 = tpu.memref_slice %arg11[%add3A_23, %dma_wait3A_115] : memref<10240x128xf32, #tpu.memory_space<vmem_shared>> -> memref<128x128xf32, #tpu.memory_space<vmem_shared>>
      %dma_wait3A_117 = arith.constant 0 : i32
      %dma_wait3A_118 = tpu.memref_slice %arg11[%add3A_23, %dma_wait3A_117] : memref<10240x128xf32, #tpu.memory_space<vmem_shared>> -> memref<128x128xf32, #tpu.memory_space<vmem_shared>>
      tpu.wait_dma2 semaphore(%run_scoped3A_110 : memref<!tpu.dma_semaphore, #tpu.memory_space<semaphore_mem>>) src(%arg9 : memref<128x128xf32, #tpu.memory_space<vmem>>) dst(%dma_wait3A_118 : memref<128x128xf32, #tpu.memory_space<vmem_shared>>)
      tpu.yield
    }) : () -> ()
    %mul3A_24 = arith.constant 640 : i32
    %mul3A_25 = arith.muli %arg1, %mul3A_24 : i32
    %add3A_26 = arith.constant 512 : i32
    %add3A_27 = arith.addi %mul3A_25, %add3A_26 : i32
    "tpu.region"() ({
      %run_scoped3A_110 = tpu.sem_alloc : memref<!tpu.dma_semaphore, #tpu.memory_space<semaphore_mem>>
      %dma_start3A_111 = arith.constant 0 : i32
      %dma_start3A_112 = tpu.memref_slice %arg11[%add3A_27, %dma_start3A_111] : memref<10240x128xf32, #tpu.memory_space<vmem_shared>> -> memref<128x128xf32, #tpu.memory_space<vmem_shared>>
      %dma_start3A_113 = arith.constant 0 : i32
      %dma_start3A_114 = tpu.memref_slice %arg11[%add3A_27, %dma_start3A_113] : memref<10240x128xf32, #tpu.memory_space<vmem_shared>> -> memref<128x128xf32, #tpu.memory_space<vmem_shared>>
      tpu.enqueue_dma source(%arg9 : memref<128x128xf32, #tpu.memory_space<vmem>>) target(%dma_start3A_114 : memref<128x128xf32, #tpu.memory_space<vmem_shared>>) target_semaphore(%run_scoped3A_110 : memref<!tpu.dma_semaphore, #tpu.memory_space<semaphore_mem>>)
      %dma_wait3A_115 = arith.constant 0 : i32
      %dma_wait3A_116 = tpu.memref_slice %arg11[%add3A_27, %dma_wait3A_115] : memref<10240x128xf32, #tpu.memory_space<vmem_shared>> -> memref<128x128xf32, #tpu.memory_space<vmem_shared>>
      %dma_wait3A_117 = arith.constant 0 : i32
      %dma_wait3A_118 = tpu.memref_slice %arg11[%add3A_27, %dma_wait3A_117] : memref<10240x128xf32, #tpu.memory_space<vmem_shared>> -> memref<128x128xf32, #tpu.memory_space<vmem_shared>>
      tpu.wait_dma2 semaphore(%run_scoped3A_110 : memref<!tpu.dma_semaphore, #tpu.memory_space<semaphore_mem>>) src(%arg9 : memref<128x128xf32, #tpu.memory_space<vmem>>) dst(%dma_wait3A_118 : memref<128x128xf32, #tpu.memory_space<vmem_shared>>)
      tpu.yield
    }) : () -> ()
    %dma_start3A_28 = arith.constant 0 : i32
    %dma_start3A_29 = arith.constant 0 : i32
    %dma_start3A_30 = tpu.memref_slice %arg7[%dma_start3A_28, %dma_start3A_29] : memref<40x128xi32, #tpu.memory_space<vmem>> -> memref<1x128xi32, #tpu.memory_space<vmem>>
    %dma_start3A_31 = tpu.memref_squeeze %dma_start3A_30 : memref<1x128xi32, #tpu.memory_space<vmem>> -> memref<128xi32, #tpu.memory_space<vmem>>
    %dma_start3A_32 = arith.constant 0 : i32
    %dma_start3A_33 = arith.constant 0 : i32
    %dma_start3A_34 = tpu.memref_slice %arg2[%dma_start3A_32, %dma_start3A_33] : memref<10240x128xf32, #tpu.memory_space<hbm>> -> memref<10240x128xf32, #tpu.memory_space<hbm>>
    tpu.enqueue_indirect_dma source(%dma_start3A_34 : memref<10240x128xf32, #tpu.memory_space<hbm>>) target(%arg9 : memref<128x128xf32, #tpu.memory_space<vmem>>) offsets(%dma_start3A_31 : memref<128xi32, #tpu.memory_space<vmem>>) semaphore(%arg12 : memref<!tpu.dma_semaphore, #tpu.memory_space<semaphore_mem>>)
    %barrier3A = arith.constant 0 : index
    tpu.barrier barrier_id(%barrier3A)
    %scan3A = arith.constant 0 : i32
    %scan3A_35 = arith.constant 0 : i32
    %scan3A_36 = arith.constant 20 : i32
    %scan3A_37 = arith.addi %scan3A_35, %scan3A_36 : i32
    %scan3A_38 = arith.constant 1 : i32
    scf.for %scan3A_110 = %scan3A_35 to %scan3A_37 step %scan3A_38  : i32 {
      %mul3A_111 = arith.constant 2 : i32
      %mul3A_112 = arith.muli %mul3A_111, %scan3A_110 : i32
      %dma_wait3A_113 = arith.constant 0 : i32
      %dma_wait3A_114 = arith.constant 0 : i32
      %dma_wait3A_115 = tpu.memref_slice %arg7[%dma_wait3A_113, %dma_wait3A_114] : memref<40x128xi32, #tpu.memory_space<vmem>> -> memref<1x128xi32, #tpu.memory_space<vmem>>
      %dma_wait3A_116 = tpu.memref_squeeze %dma_wait3A_115 : memref<1x128xi32, #tpu.memory_space<vmem>> -> memref<128xi32, #tpu.memory_space<vmem>>
      %dma_wait3A_117 = arith.constant 0 : i32
      %dma_wait3A_118 = arith.constant 0 : i32
      %dma_wait3A_119 = tpu.memref_slice %arg2[%dma_wait3A_117, %dma_wait3A_118] : memref<10240x128xf32, #tpu.memory_space<hbm>> -> memref<10240x128xf32, #tpu.memory_space<hbm>>
      tpu.wait_indirect_dma semaphore(%arg12 : memref<!tpu.dma_semaphore, #tpu.memory_space<semaphore_mem>>) src(%dma_wait3A_119 : memref<10240x128xf32, #tpu.memory_space<hbm>>) dst(%arg9 : memref<128x128xf32, #tpu.memory_space<vmem>>)
      "tpu.region"() ({
        %run_scoped3A_148 = tpu.sem_alloc : memref<!tpu.dma_semaphore, #tpu.memory_space<semaphore_mem>>
        %dma_start3A_149 = arith.constant 0 : i32
        %dma_start3A_150 = tpu.memref_slice %arg8[%mul3A_112, %dma_start3A_149] : memref<40x128xi32, #tpu.memory_space<vmem>> -> memref<1x128xi32, #tpu.memory_space<vmem>>
        %dma_start3A_151 = tpu.memref_squeeze %dma_start3A_150 : memref<1x128xi32, #tpu.memory_space<vmem>> -> memref<128xi32, #tpu.memory_space<vmem>>
        %dma_start3A_152 = arith.constant 0 : i32
        %dma_start3A_153 = arith.constant 0 : i32
        %dma_start3A_154 = tpu.memref_slice %arg11[%dma_start3A_152, %dma_start3A_153] : memref<10240x128xf32, #tpu.memory_space<vmem_shared>> -> memref<10240x128xf32, #tpu.memory_space<vmem_shared>>
        tpu.enqueue_indirect_dma source(%arg9 : memref<128x128xf32, #tpu.memory_space<vmem>>) target(%dma_start3A_154 : memref<10240x128xf32, #tpu.memory_space<vmem_shared>>) offsets(%dma_start3A_151 : memref<128xi32, #tpu.memory_space<vmem>>) semaphore(%run_scoped3A_148 : memref<!tpu.dma_semaphore, #tpu.memory_space<semaphore_mem>>) {add = true}
        %dma_wait3A_155 = arith.constant 0 : i32
        %dma_wait3A_156 = tpu.memref_slice %arg8[%mul3A_112, %dma_wait3A_155] : memref<40x128xi32, #tpu.memory_space<vmem>> -> memref<1x128xi32, #tpu.memory_space<vmem>>
        %dma_wait3A_157 = tpu.memref_squeeze %dma_wait3A_156 : memref<1x128xi32, #tpu.memory_space<vmem>> -> memref<128xi32, #tpu.memory_space<vmem>>
        %dma_wait3A_158 = arith.constant 0 : i32
        %dma_wait3A_159 = arith.constant 0 : i32
        %dma_wait3A_160 = tpu.memref_slice %arg11[%dma_wait3A_158, %dma_wait3A_159] : memref<10240x128xf32, #tpu.memory_space<vmem_shared>> -> memref<10240x128xf32, #tpu.memory_space<vmem_shared>>
        tpu.wait_indirect_dma semaphore(%run_scoped3A_148 : memref<!tpu.dma_semaphore, #tpu.memory_space<semaphore_mem>>) src(%arg9 : memref<128x128xf32, #tpu.memory_space<vmem>>) dst(%dma_wait3A_160 : memref<10240x128xf32, #tpu.memory_space<vmem_shared>>)
        tpu.yield
      }) : () -> ()
      %add3A_120 = arith.constant 2 : i32
      %add3A_121 = arith.addi %mul3A_112, %add3A_120 : i32
      %min3A = arith.constant 39 : i32
      %min3A_122 = arith.minsi %add3A_121, %min3A : i32
      %dma_start3A_123 = arith.constant 0 : i32
      %dma_start3A_124 = tpu.memref_slice %arg7[%min3A_122, %dma_start3A_123] : memref<40x128xi32, #tpu.memory_space<vmem>> -> memref<1x128xi32, #tpu.memory_space<vmem>>
      %dma_start3A_125 = tpu.memref_squeeze %dma_start3A_124 : memref<1x128xi32, #tpu.memory_space<vmem>> -> memref<128xi32, #tpu.memory_space<vmem>>
      %dma_start3A_126 = arith.constant 0 : i32
      %dma_start3A_127 = arith.constant 0 : i32
      %dma_start3A_128 = tpu.memref_slice %arg2[%dma_start3A_126, %dma_start3A_127] : memref<10240x128xf32, #tpu.memory_space<hbm>> -> memref<10240x128xf32, #tpu.memory_space<hbm>>
      tpu.enqueue_indirect_dma source(%dma_start3A_128 : memref<10240x128xf32, #tpu.memory_space<hbm>>) target(%arg9 : memref<128x128xf32, #tpu.memory_space<vmem>>) offsets(%dma_start3A_125 : memref<128xi32, #tpu.memory_space<vmem>>) semaphore(%arg12 : memref<!tpu.dma_semaphore, #tpu.memory_space<semaphore_mem>>)
      %add3A_129 = arith.constant 1 : i32
      %add3A_130 = arith.addi %mul3A_112, %add3A_129 : i32
      %dma_wait3A_131 = arith.constant 0 : i32
      %dma_wait3A_132 = arith.constant 0 : i32
      %dma_wait3A_133 = tpu.memref_slice %arg7[%dma_wait3A_131, %dma_wait3A_132] : memref<40x128xi32, #tpu.memory_space<vmem>> -> memref<1x128xi32, #tpu.memory_space<vmem>>
      %dma_wait3A_134 = tpu.memref_squeeze %dma_wait3A_133 : memref<1x128xi32, #tpu.memory_space<vmem>> -> memref<128xi32, #tpu.memory_space<vmem>>
      %dma_wait3A_135 = arith.constant 0 : i32
      %dma_wait3A_136 = arith.constant 0 : i32
      %dma_wait3A_137 = tpu.memref_slice %arg2[%dma_wait3A_135, %dma_wait3A_136] : memref<10240x128xf32, #tpu.memory_space<hbm>> -> memref<10240x128xf32, #tpu.memory_space<hbm>>
      tpu.wait_indirect_dma semaphore(%arg13 : memref<!tpu.dma_semaphore, #tpu.memory_space<semaphore_mem>>) src(%dma_wait3A_137 : memref<10240x128xf32, #tpu.memory_space<hbm>>) dst(%arg10 : memref<128x128xf32, #tpu.memory_space<vmem>>)
      "tpu.region"() ({
        %run_scoped3A_148 = tpu.sem_alloc : memref<!tpu.dma_semaphore, #tpu.memory_space<semaphore_mem>>
        %dma_start3A_149 = arith.constant 0 : i32
        %dma_start3A_150 = tpu.memref_slice %arg8[%add3A_130, %dma_start3A_149] : memref<40x128xi32, #tpu.memory_space<vmem>> -> memref<1x128xi32, #tpu.memory_space<vmem>>
        %dma_start3A_151 = tpu.memref_squeeze %dma_start3A_150 : memref<1x128xi32, #tpu.memory_space<vmem>> -> memref<128xi32, #tpu.memory_space<vmem>>
        %dma_start3A_152 = arith.constant 0 : i32
        %dma_start3A_153 = arith.constant 0 : i32
        %dma_start3A_154 = tpu.memref_slice %arg11[%dma_start3A_152, %dma_start3A_153] : memref<10240x128xf32, #tpu.memory_space<vmem_shared>> -> memref<10240x128xf32, #tpu.memory_space<vmem_shared>>
        tpu.enqueue_indirect_dma source(%arg10 : memref<128x128xf32, #tpu.memory_space<vmem>>) target(%dma_start3A_154 : memref<10240x128xf32, #tpu.memory_space<vmem_shared>>) offsets(%dma_start3A_151 : memref<128xi32, #tpu.memory_space<vmem>>) semaphore(%run_scoped3A_148 : memref<!tpu.dma_semaphore, #tpu.memory_space<semaphore_mem>>) {add = true}
        %dma_wait3A_155 = arith.constant 0 : i32
        %dma_wait3A_156 = tpu.memref_slice %arg8[%add3A_130, %dma_wait3A_155] : memref<40x128xi32, #tpu.memory_space<vmem>> -> memref<1x128xi32, #tpu.memory_space<vmem>>
        %dma_wait3A_157 = tpu.memref_squeeze %dma_wait3A_156 : memref<1x128xi32, #tpu.memory_space<vmem>> -> memref<128xi32, #tpu.memory_space<vmem>>
        %dma_wait3A_158 = arith.constant 0 : i32
        %dma_wait3A_159 = arith.constant 0 : i32
        %dma_wait3A_160 = tpu.memref_slice %arg11[%dma_wait3A_158, %dma_wait3A_159] : memref<10240x128xf32, #tpu.memory_space<vmem_shared>> -> memref<10240x128xf32, #tpu.memory_space<vmem_shared>>
        tpu.wait_indirect_dma semaphore(%run_scoped3A_148 : memref<!tpu.dma_semaphore, #tpu.memory_space<semaphore_mem>>) src(%arg10 : memref<128x128xf32, #tpu.memory_space<vmem>>) dst(%dma_wait3A_160 : memref<10240x128xf32, #tpu.memory_space<vmem_shared>>)
        tpu.yield
      }) : () -> ()
      %add3A_138 = arith.constant 2 : i32
      %add3A_139 = arith.addi %add3A_130, %add3A_138 : i32
      %min3A_140 = arith.constant 39 : i32
      %min3A_141 = arith.minsi %add3A_139, %min3A_140 : i32
      %dma_start3A_142 = arith.constant 0 : i32
      %dma_start3A_143 = tpu.memref_slice %arg7[%min3A_141, %dma_start3A_142] : memref<40x128xi32, #tpu.memory_space<vmem>> -> memref<1x128xi32, #tpu.memory_space<vmem>>
      %dma_start3A_144 = tpu.memref_squeeze %dma_start3A_143 : memref<1x128xi32, #tpu.memory_space<vmem>> -> memref<128xi32, #tpu.memory_space<vmem>>
      %dma_start3A_145 = arith.constant 0 : i32
      %dma_start3A_146 = arith.constant 0 : i32
      %dma_start3A_147 = tpu.memref_slice %arg2[%dma_start3A_145, %dma_start3A_146] : memref<10240x128xf32, #tpu.memory_space<hbm>> -> memref<10240x128xf32, #tpu.memory_space<hbm>>
      tpu.enqueue_indirect_dma source(%dma_start3A_147 : memref<10240x128xf32, #tpu.memory_space<hbm>>) target(%arg10 : memref<128x128xf32, #tpu.memory_space<vmem>>) offsets(%dma_start3A_144 : memref<128xi32, #tpu.memory_space<vmem>>) semaphore(%arg13 : memref<!tpu.dma_semaphore, #tpu.memory_space<semaphore_mem>>)
    }
    %scan3A_39 = arith.constant 20 : i32
    %dma_wait3A = arith.constant 0 : i32
    %dma_wait3A_40 = arith.constant 0 : i32
    %dma_wait3A_41 = tpu.memref_slice %arg7[%dma_wait3A, %dma_wait3A_40] : memref<40x128xi32, #tpu.memory_space<vmem>> -> memref<1x128xi32, #tpu.memory_space<vmem>>
    %dma_wait3A_42 = tpu.memref_squeeze %dma_wait3A_41 : memref<1x128xi32, #tpu.memory_space<vmem>> -> memref<128xi32, #tpu.memory_space<vmem>>
    %dma_wait3A_43 = arith.constant 0 : i32
    %dma_wait3A_44 = arith.constant 0 : i32
    %dma_wait3A_45 = tpu.memref_slice %arg2[%dma_wait3A_43, %dma_wait3A_44] : memref<10240x128xf32, #tpu.memory_space<hbm>> -> memref<10240x128xf32, #tpu.memory_space<hbm>>
    tpu.wait_indirect_dma semaphore(%arg12 : memref<!tpu.dma_semaphore, #tpu.memory_space<semaphore_mem>>) src(%dma_wait3A_45 : memref<10240x128xf32, #tpu.memory_space<hbm>>) dst(%arg9 : memref<128x128xf32, #tpu.memory_space<vmem>>)
    %dma_wait3A_46 = arith.constant 0 : i32
    %dma_wait3A_47 = arith.constant 0 : i32
    %dma_wait3A_48 = tpu.memref_slice %arg7[%dma_wait3A_46, %dma_wait3A_47] : memref<40x128xi32, #tpu.memory_space<vmem>> -> memref<1x128xi32, #tpu.memory_space<vmem>>
    %dma_wait3A_49 = tpu.memref_squeeze %dma_wait3A_48 : memref<1x128xi32, #tpu.memory_space<vmem>> -> memref<128xi32, #tpu.memory_space<vmem>>
    %dma_wait3A_50 = arith.constant 0 : i32
    %dma_wait3A_51 = arith.constant 0 : i32
    %dma_wait3A_52 = tpu.memref_slice %arg2[%dma_wait3A_50, %dma_wait3A_51] : memref<10240x128xf32, #tpu.memory_space<hbm>> -> memref<10240x128xf32, #tpu.memory_space<hbm>>
    tpu.wait_indirect_dma semaphore(%arg13 : memref<!tpu.dma_semaphore, #tpu.memory_space<semaphore_mem>>) src(%dma_wait3A_52 : memref<10240x128xf32, #tpu.memory_space<hbm>>) dst(%arg10 : memref<128x128xf32, #tpu.memory_space<vmem>>)
    %run_scoped3A_53 = arith.constant 1 : i32
    "tpu.region"() ({
      %run_scoped3A_110 = tpu.sem_alloc : memref<!tpu.dma_semaphore, #tpu.memory_space<semaphore_mem>>
      %dma_start3A_111 = arith.constant 0 : i32
      %dma_start3A_112 = arith.constant 0 : i32
      %dma_start3A_113 = tpu.memref_slice %arg3[%add3A, %run_scoped3A_53, %dma_start3A_111, %dma_start3A_112] : memref<32x2x40x128xi32, #tpu.memory_space<hbm>> -> memref<1x1x40x128xi32, #tpu.memory_space<hbm>>
      %dma_start3A_114 = tpu.memref_squeeze %dma_start3A_113 : memref<1x1x40x128xi32, #tpu.memory_space<hbm>> -> memref<40x128xi32, #tpu.memory_space<hbm>>
      %dma_start3A_115 = arith.constant 0 : i32
      %dma_start3A_116 = arith.constant 0 : i32
      %dma_start3A_117 = tpu.memref_slice %arg3[%add3A, %run_scoped3A_53, %dma_start3A_115, %dma_start3A_116] : memref<32x2x40x128xi32, #tpu.memory_space<hbm>> -> memref<1x1x40x128xi32, #tpu.memory_space<hbm>>
      %dma_start3A_118 = tpu.memref_squeeze %dma_start3A_117 : memref<1x1x40x128xi32, #tpu.memory_space<hbm>> -> memref<40x128xi32, #tpu.memory_space<hbm>>
      tpu.enqueue_dma source(%dma_start3A_118 : memref<40x128xi32, #tpu.memory_space<hbm>>) target(%arg7 : memref<40x128xi32, #tpu.memory_space<vmem>>) target_semaphore(%run_scoped3A_110 : memref<!tpu.dma_semaphore, #tpu.memory_space<semaphore_mem>>)
      %dma_wait3A_119 = arith.constant 0 : i32
      %dma_wait3A_120 = arith.constant 0 : i32
      %dma_wait3A_121 = tpu.memref_slice %arg3[%add3A, %run_scoped3A_53, %dma_wait3A_119, %dma_wait3A_120] : memref<32x2x40x128xi32, #tpu.memory_space<hbm>> -> memref<1x1x40x128xi32, #tpu.memory_space<hbm>>
      %dma_wait3A_122 = tpu.memref_squeeze %dma_wait3A_121 : memref<1x1x40x128xi32, #tpu.memory_space<hbm>> -> memref<40x128xi32, #tpu.memory_space<hbm>>
      %dma_wait3A_123 = arith.constant 0 : i32
      %dma_wait3A_124 = arith.constant 0 : i32
      %dma_wait3A_125 = tpu.memref_slice %arg3[%add3A, %run_scoped3A_53, %dma_wait3A_123, %dma_wait3A_124] : memref<32x2x40x128xi32, #tpu.memory_space<hbm>> -> memref<1x1x40x128xi32, #tpu.memory_space<hbm>>
      %dma_wait3A_126 = tpu.memref_squeeze %dma_wait3A_125 : memref<1x1x40x128xi32, #tpu.memory_space<hbm>> -> memref<40x128xi32, #tpu.memory_space<hbm>>
      tpu.wait_dma2 semaphore(%run_scoped3A_110 : memref<!tpu.dma_semaphore, #tpu.memory_space<semaphore_mem>>) src(%dma_wait3A_126 : memref<40x128xi32, #tpu.memory_space<hbm>>) dst(%arg7 : memref<40x128xi32, #tpu.memory_space<vmem>>)
      tpu.yield
    }) : () -> ()
    %run_scoped3A_54 = arith.constant 1 : i32
    "tpu.region"() ({
      %run_scoped3A_110 = tpu.sem_alloc : memref<!tpu.dma_semaphore, #tpu.memory_space<semaphore_mem>>
      %dma_start3A_111 = arith.constant 0 : i32
      %dma_start3A_112 = arith.constant 0 : i32
      %dma_start3A_113 = tpu.memref_slice %arg4[%add3A, %run_scoped3A_54, %dma_start3A_111, %dma_start3A_112] : memref<32x2x40x128xi32, #tpu.memory_space<hbm>> -> memref<1x1x40x128xi32, #tpu.memory_space<hbm>>
      %dma_start3A_114 = tpu.memref_squeeze %dma_start3A_113 : memref<1x1x40x128xi32, #tpu.memory_space<hbm>> -> memref<40x128xi32, #tpu.memory_space<hbm>>
      %dma_start3A_115 = arith.constant 0 : i32
      %dma_start3A_116 = arith.constant 0 : i32
      %dma_start3A_117 = tpu.memref_slice %arg4[%add3A, %run_scoped3A_54, %dma_start3A_115, %dma_start3A_116] : memref<32x2x40x128xi32, #tpu.memory_space<hbm>> -> memref<1x1x40x128xi32, #tpu.memory_space<hbm>>
      %dma_start3A_118 = tpu.memref_squeeze %dma_start3A_117 : memref<1x1x40x128xi32, #tpu.memory_space<hbm>> -> memref<40x128xi32, #tpu.memory_space<hbm>>
      tpu.enqueue_dma source(%dma_start3A_118 : memref<40x128xi32, #tpu.memory_space<hbm>>) target(%arg8 : memref<40x128xi32, #tpu.memory_space<vmem>>) target_semaphore(%run_scoped3A_110 : memref<!tpu.dma_semaphore, #tpu.memory_space<semaphore_mem>>)
      %dma_wait3A_119 = arith.constant 0 : i32
      %dma_wait3A_120 = arith.constant 0 : i32
      %dma_wait3A_121 = tpu.memref_slice %arg4[%add3A, %run_scoped3A_54, %dma_wait3A_119, %dma_wait3A_120] : memref<32x2x40x128xi32, #tpu.memory_space<hbm>> -> memref<1x1x40x128xi32, #tpu.memory_space<hbm>>
      %dma_wait3A_122 = tpu.memref_squeeze %dma_wait3A_121 : memref<1x1x40x128xi32, #tpu.memory_space<hbm>> -> memref<40x128xi32, #tpu.memory_space<hbm>>
      %dma_wait3A_123 = arith.constant 0 : i32
      %dma_wait3A_124 = arith.constant 0 : i32
      %dma_wait3A_125 = tpu.memref_slice %arg4[%add3A, %run_scoped3A_54, %dma_wait3A_123, %dma_wait3A_124] : memref<32x2x40x128xi32, #tpu.memory_space<hbm>> -> memref<1x1x40x128xi32, #tpu.memory_space<hbm>>
      %dma_wait3A_126 = tpu.memref_squeeze %dma_wait3A_125 : memref<1x1x40x128xi32, #tpu.memory_space<hbm>> -> memref<40x128xi32, #tpu.memory_space<hbm>>
      tpu.wait_dma2 semaphore(%run_scoped3A_110 : memref<!tpu.dma_semaphore, #tpu.memory_space<semaphore_mem>>) src(%dma_wait3A_126 : memref<40x128xi32, #tpu.memory_space<hbm>>) dst(%arg8 : memref<40x128xi32, #tpu.memory_space<vmem>>)
      tpu.yield
    }) : () -> ()
    %dma_start3A_55 = arith.constant 0 : i32
    %dma_start3A_56 = arith.constant 0 : i32
    %dma_start3A_57 = tpu.memref_slice %arg7[%dma_start3A_55, %dma_start3A_56] : memref<40x128xi32, #tpu.memory_space<vmem>> -> memref<1x128xi32, #tpu.memory_space<vmem>>
    %dma_start3A_58 = tpu.memref_squeeze %dma_start3A_57 : memref<1x128xi32, #tpu.memory_space<vmem>> -> memref<128xi32, #tpu.memory_space<vmem>>
    %dma_start3A_59 = arith.constant 0 : i32
    %dma_start3A_60 = arith.constant 0 : i32
    %dma_start3A_61 = tpu.memref_slice %arg2[%dma_start3A_59, %dma_start3A_60] : memref<10240x128xf32, #tpu.memory_space<hbm>> -> memref<10240x128xf32, #tpu.memory_space<hbm>>
    tpu.enqueue_indirect_dma source(%dma_start3A_61 : memref<10240x128xf32, #tpu.memory_space<hbm>>) target(%arg9 : memref<128x128xf32, #tpu.memory_space<vmem>>) offsets(%dma_start3A_58 : memref<128xi32, #tpu.memory_space<vmem>>) semaphore(%arg12 : memref<!tpu.dma_semaphore, #tpu.memory_space<semaphore_mem>>)
    %dma_start3A_62 = arith.constant 1 : i32
    %dma_start3A_63 = arith.constant 0 : i32
    %dma_start3A_64 = tpu.memref_slice %arg7[%dma_start3A_62, %dma_start3A_63] : memref<40x128xi32, #tpu.memory_space<vmem>> -> memref<1x128xi32, #tpu.memory_space<vmem>>
    %dma_start3A_65 = tpu.memref_squeeze %dma_start3A_64 : memref<1x128xi32, #tpu.memory_space<vmem>> -> memref<128xi32, #tpu.memory_space<vmem>>
    %dma_start3A_66 = arith.constant 0 : i32
    %dma_start3A_67 = arith.constant 0 : i32
    %dma_start3A_68 = tpu.memref_slice %arg2[%dma_start3A_66, %dma_start3A_67] : memref<10240x128xf32, #tpu.memory_space<hbm>> -> memref<10240x128xf32, #tpu.memory_space<hbm>>
    tpu.enqueue_indirect_dma source(%dma_start3A_68 : memref<10240x128xf32, #tpu.memory_space<hbm>>) target(%arg10 : memref<128x128xf32, #tpu.memory_space<vmem>>) offsets(%dma_start3A_65 : memref<128xi32, #tpu.memory_space<vmem>>) semaphore(%arg13 : memref<!tpu.dma_semaphore, #tpu.memory_space<semaphore_mem>>)
    %scan3A_69 = arith.constant 0 : i32
    %scan3A_70 = arith.constant 0 : i32
    %scan3A_71 = arith.constant 20 : i32
    %scan3A_72 = arith.addi %scan3A_70, %scan3A_71 : i32
    %scan3A_73 = arith.constant 1 : i32
    scf.for %scan3A_110 = %scan3A_70 to %scan3A_72 step %scan3A_73  : i32 {
      %mul3A_111 = arith.constant 2 : i32
      %mul3A_112 = arith.muli %mul3A_111, %scan3A_110 : i32
      %dma_wait3A_113 = arith.constant 0 : i32
      %dma_wait3A_114 = arith.constant 0 : i32
      %dma_wait3A_115 = tpu.memref_slice %arg7[%dma_wait3A_113, %dma_wait3A_114] : memref<40x128xi32, #tpu.memory_space<vmem>> -> memref<1x128xi32, #tpu.memory_space<vmem>>
      %dma_wait3A_116 = tpu.memref_squeeze %dma_wait3A_115 : memref<1x128xi32, #tpu.memory_space<vmem>> -> memref<128xi32, #tpu.memory_space<vmem>>
      %dma_wait3A_117 = arith.constant 0 : i32
      %dma_wait3A_118 = arith.constant 0 : i32
      %dma_wait3A_119 = tpu.memref_slice %arg2[%dma_wait3A_117, %dma_wait3A_118] : memref<10240x128xf32, #tpu.memory_space<hbm>> -> memref<10240x128xf32, #tpu.memory_space<hbm>>
      tpu.wait_indirect_dma semaphore(%arg12 : memref<!tpu.dma_semaphore, #tpu.memory_space<semaphore_mem>>) src(%dma_wait3A_119 : memref<10240x128xf32, #tpu.memory_space<hbm>>) dst(%arg9 : memref<128x128xf32, #tpu.memory_space<vmem>>)
      "tpu.region"() ({
        %run_scoped3A_148 = tpu.sem_alloc : memref<!tpu.dma_semaphore, #tpu.memory_space<semaphore_mem>>
        %dma_start3A_149 = arith.constant 0 : i32
        %dma_start3A_150 = tpu.memref_slice %arg8[%mul3A_112, %dma_start3A_149] : memref<40x128xi32, #tpu.memory_space<vmem>> -> memref<1x128xi32, #tpu.memory_space<vmem>>
        %dma_start3A_151 = tpu.memref_squeeze %dma_start3A_150 : memref<1x128xi32, #tpu.memory_space<vmem>> -> memref<128xi32, #tpu.memory_space<vmem>>
        %dma_start3A_152 = arith.constant 0 : i32
        %dma_start3A_153 = arith.constant 0 : i32
        %dma_start3A_154 = tpu.memref_slice %arg11[%dma_start3A_152, %dma_start3A_153] : memref<10240x128xf32, #tpu.memory_space<vmem_shared>> -> memref<10240x128xf32, #tpu.memory_space<vmem_shared>>
        tpu.enqueue_indirect_dma source(%arg9 : memref<128x128xf32, #tpu.memory_space<vmem>>) target(%dma_start3A_154 : memref<10240x128xf32, #tpu.memory_space<vmem_shared>>) offsets(%dma_start3A_151 : memref<128xi32, #tpu.memory_space<vmem>>) semaphore(%run_scoped3A_148 : memref<!tpu.dma_semaphore, #tpu.memory_space<semaphore_mem>>) {add = true}
        %dma_wait3A_155 = arith.constant 0 : i32
        %dma_wait3A_156 = tpu.memref_slice %arg8[%mul3A_112, %dma_wait3A_155] : memref<40x128xi32, #tpu.memory_space<vmem>> -> memref<1x128xi32, #tpu.memory_space<vmem>>
        %dma_wait3A_157 = tpu.memref_squeeze %dma_wait3A_156 : memref<1x128xi32, #tpu.memory_space<vmem>> -> memref<128xi32, #tpu.memory_space<vmem>>
        %dma_wait3A_158 = arith.constant 0 : i32
        %dma_wait3A_159 = arith.constant 0 : i32
        %dma_wait3A_160 = tpu.memref_slice %arg11[%dma_wait3A_158, %dma_wait3A_159] : memref<10240x128xf32, #tpu.memory_space<vmem_shared>> -> memref<10240x128xf32, #tpu.memory_space<vmem_shared>>
        tpu.wait_indirect_dma semaphore(%run_scoped3A_148 : memref<!tpu.dma_semaphore, #tpu.memory_space<semaphore_mem>>) src(%arg9 : memref<128x128xf32, #tpu.memory_space<vmem>>) dst(%dma_wait3A_160 : memref<10240x128xf32, #tpu.memory_space<vmem_shared>>)
        tpu.yield
      }) : () -> ()
      %add3A_120 = arith.constant 2 : i32
      %add3A_121 = arith.addi %mul3A_112, %add3A_120 : i32
      %min3A = arith.constant 39 : i32
      %min3A_122 = arith.minsi %add3A_121, %min3A : i32
      %dma_start3A_123 = arith.constant 0 : i32
      %dma_start3A_124 = tpu.memref_slice %arg7[%min3A_122, %dma_start3A_123] : memref<40x128xi32, #tpu.memory_space<vmem>> -> memref<1x128xi32, #tpu.memory_space<vmem>>
      %dma_start3A_125 = tpu.memref_squeeze %dma_start3A_124 : memref<1x128xi32, #tpu.memory_space<vmem>> -> memref<128xi32, #tpu.memory_space<vmem>>
      %dma_start3A_126 = arith.constant 0 : i32
      %dma_start3A_127 = arith.constant 0 : i32
      %dma_start3A_128 = tpu.memref_slice %arg2[%dma_start3A_126, %dma_start3A_127] : memref<10240x128xf32, #tpu.memory_space<hbm>> -> memref<10240x128xf32, #tpu.memory_space<hbm>>
      tpu.enqueue_indirect_dma source(%dma_start3A_128 : memref<10240x128xf32, #tpu.memory_space<hbm>>) target(%arg9 : memref<128x128xf32, #tpu.memory_space<vmem>>) offsets(%dma_start3A_125 : memref<128xi32, #tpu.memory_space<vmem>>) semaphore(%arg12 : memref<!tpu.dma_semaphore, #tpu.memory_space<semaphore_mem>>)
      %add3A_129 = arith.constant 1 : i32
      %add3A_130 = arith.addi %mul3A_112, %add3A_129 : i32
      %dma_wait3A_131 = arith.constant 0 : i32
      %dma_wait3A_132 = arith.constant 0 : i32
      %dma_wait3A_133 = tpu.memref_slice %arg7[%dma_wait3A_131, %dma_wait3A_132] : memref<40x128xi32, #tpu.memory_space<vmem>> -> memref<1x128xi32, #tpu.memory_space<vmem>>
      %dma_wait3A_134 = tpu.memref_squeeze %dma_wait3A_133 : memref<1x128xi32, #tpu.memory_space<vmem>> -> memref<128xi32, #tpu.memory_space<vmem>>
      %dma_wait3A_135 = arith.constant 0 : i32
      %dma_wait3A_136 = arith.constant 0 : i32
      %dma_wait3A_137 = tpu.memref_slice %arg2[%dma_wait3A_135, %dma_wait3A_136] : memref<10240x128xf32, #tpu.memory_space<hbm>> -> memref<10240x128xf32, #tpu.memory_space<hbm>>
      tpu.wait_indirect_dma semaphore(%arg13 : memref<!tpu.dma_semaphore, #tpu.memory_space<semaphore_mem>>) src(%dma_wait3A_137 : memref<10240x128xf32, #tpu.memory_space<hbm>>) dst(%arg10 : memref<128x128xf32, #tpu.memory_space<vmem>>)
      "tpu.region"() ({
        %run_scoped3A_148 = tpu.sem_alloc : memref<!tpu.dma_semaphore, #tpu.memory_space<semaphore_mem>>
        %dma_start3A_149 = arith.constant 0 : i32
        %dma_start3A_150 = tpu.memref_slice %arg8[%add3A_130, %dma_start3A_149] : memref<40x128xi32, #tpu.memory_space<vmem>> -> memref<1x128xi32, #tpu.memory_space<vmem>>
        %dma_start3A_151 = tpu.memref_squeeze %dma_start3A_150 : memref<1x128xi32, #tpu.memory_space<vmem>> -> memref<128xi32, #tpu.memory_space<vmem>>
        %dma_start3A_152 = arith.constant 0 : i32
        %dma_start3A_153 = arith.constant 0 : i32
        %dma_start3A_154 = tpu.memref_slice %arg11[%dma_start3A_152, %dma_start3A_153] : memref<10240x128xf32, #tpu.memory_space<vmem_shared>> -> memref<10240x128xf32, #tpu.memory_space<vmem_shared>>
        tpu.enqueue_indirect_dma source(%arg10 : memref<128x128xf32, #tpu.memory_space<vmem>>) target(%dma_start3A_154 : memref<10240x128xf32, #tpu.memory_space<vmem_shared>>) offsets(%dma_start3A_151 : memref<128xi32, #tpu.memory_space<vmem>>) semaphore(%run_scoped3A_148 : memref<!tpu.dma_semaphore, #tpu.memory_space<semaphore_mem>>) {add = true}
        %dma_wait3A_155 = arith.constant 0 : i32
        %dma_wait3A_156 = tpu.memref_slice %arg8[%add3A_130, %dma_wait3A_155] : memref<40x128xi32, #tpu.memory_space<vmem>> -> memref<1x128xi32, #tpu.memory_space<vmem>>
        %dma_wait3A_157 = tpu.memref_squeeze %dma_wait3A_156 : memref<1x128xi32, #tpu.memory_space<vmem>> -> memref<128xi32, #tpu.memory_space<vmem>>
        %dma_wait3A_158 = arith.constant 0 : i32
        %dma_wait3A_159 = arith.constant 0 : i32
        %dma_wait3A_160 = tpu.memref_slice %arg11[%dma_wait3A_158, %dma_wait3A_159] : memref<10240x128xf32, #tpu.memory_space<vmem_shared>> -> memref<10240x128xf32, #tpu.memory_space<vmem_shared>>
        tpu.wait_indirect_dma semaphore(%run_scoped3A_148 : memref<!tpu.dma_semaphore, #tpu.memory_space<semaphore_mem>>) src(%arg10 : memref<128x128xf32, #tpu.memory_space<vmem>>) dst(%dma_wait3A_160 : memref<10240x128xf32, #tpu.memory_space<vmem_shared>>)
        tpu.yield
      }) : () -> ()
      %add3A_138 = arith.constant 2 : i32
      %add3A_139 = arith.addi %add3A_130, %add3A_138 : i32
      %min3A_140 = arith.constant 39 : i32
      %min3A_141 = arith.minsi %add3A_139, %min3A_140 : i32
      %dma_start3A_142 = arith.constant 0 : i32
      %dma_start3A_143 = tpu.memref_slice %arg7[%min3A_141, %dma_start3A_142] : memref<40x128xi32, #tpu.memory_space<vmem>> -> memref<1x128xi32, #tpu.memory_space<vmem>>
      %dma_start3A_144 = tpu.memref_squeeze %dma_start3A_143 : memref<1x128xi32, #tpu.memory_space<vmem>> -> memref<128xi32, #tpu.memory_space<vmem>>
      %dma_start3A_145 = arith.constant 0 : i32
      %dma_start3A_146 = arith.constant 0 : i32
      %dma_start3A_147 = tpu.memref_slice %arg2[%dma_start3A_145, %dma_start3A_146] : memref<10240x128xf32, #tpu.memory_space<hbm>> -> memref<10240x128xf32, #tpu.memory_space<hbm>>
      tpu.enqueue_indirect_dma source(%dma_start3A_147 : memref<10240x128xf32, #tpu.memory_space<hbm>>) target(%arg10 : memref<128x128xf32, #tpu.memory_space<vmem>>) offsets(%dma_start3A_144 : memref<128xi32, #tpu.memory_space<vmem>>) semaphore(%arg13 : memref<!tpu.dma_semaphore, #tpu.memory_space<semaphore_mem>>)
    }
    %scan3A_74 = arith.constant 20 : i32
    %dma_wait3A_75 = arith.constant 0 : i32
    %dma_wait3A_76 = arith.constant 0 : i32
    %dma_wait3A_77 = tpu.memref_slice %arg7[%dma_wait3A_75, %dma_wait3A_76] : memref<40x128xi32, #tpu.memory_space<vmem>> -> memref<1x128xi32, #tpu.memory_space<vmem>>
    %dma_wait3A_78 = tpu.memref_squeeze %dma_wait3A_77 : memref<1x128xi32, #tpu.memory_space<vmem>> -> memref<128xi32, #tpu.memory_space<vmem>>
    %dma_wait3A_79 = arith.constant 0 : i32
    %dma_wait3A_80 = arith.constant 0 : i32
    %dma_wait3A_81 = tpu.memref_slice %arg2[%dma_wait3A_79, %dma_wait3A_80] : memref<10240x128xf32, #tpu.memory_space<hbm>> -> memref<10240x128xf32, #tpu.memory_space<hbm>>
    tpu.wait_indirect_dma semaphore(%arg12 : memref<!tpu.dma_semaphore, #tpu.memory_space<semaphore_mem>>) src(%dma_wait3A_81 : memref<10240x128xf32, #tpu.memory_space<hbm>>) dst(%arg9 : memref<128x128xf32, #tpu.memory_space<vmem>>)
    %dma_wait3A_82 = arith.constant 0 : i32
    %dma_wait3A_83 = arith.constant 0 : i32
    %dma_wait3A_84 = tpu.memref_slice %arg7[%dma_wait3A_82, %dma_wait3A_83] : memref<40x128xi32, #tpu.memory_space<vmem>> -> memref<1x128xi32, #tpu.memory_space<vmem>>
    %dma_wait3A_85 = tpu.memref_squeeze %dma_wait3A_84 : memref<1x128xi32, #tpu.memory_space<vmem>> -> memref<128xi32, #tpu.memory_space<vmem>>
    %dma_wait3A_86 = arith.constant 0 : i32
    %dma_wait3A_87 = arith.constant 0 : i32
    %dma_wait3A_88 = tpu.memref_slice %arg2[%dma_wait3A_86, %dma_wait3A_87] : memref<10240x128xf32, #tpu.memory_space<hbm>> -> memref<10240x128xf32, #tpu.memory_space<hbm>>
    tpu.wait_indirect_dma semaphore(%arg13 : memref<!tpu.dma_semaphore, #tpu.memory_space<semaphore_mem>>) src(%dma_wait3A_88 : memref<10240x128xf32, #tpu.memory_space<hbm>>) dst(%arg10 : memref<128x128xf32, #tpu.memory_space<vmem>>)
    %barrier3A_89 = arith.constant 0 : index
    tpu.barrier barrier_id(%barrier3A_89)
    %mul3A_90 = arith.constant 640 : i32
    %mul3A_91 = arith.muli %arg1, %mul3A_90 : i32
    %add3A_92 = arith.constant 0 : i32
    %add3A_93 = arith.addi %mul3A_91, %add3A_92 : i32
    "tpu.region"() ({
      %run_scoped3A_110 = tpu.sem_alloc : memref<!tpu.dma_semaphore, #tpu.memory_space<semaphore_mem>>
      %dma_start3A_111 = arith.constant 0 : i32
      %dma_start3A_112 = tpu.memref_slice %arg11[%add3A_93, %dma_start3A_111] : memref<10240x128xf32, #tpu.memory_space<vmem_shared>> -> memref<128x128xf32, #tpu.memory_space<vmem_shared>>
      %dma_start3A_113 = arith.constant 0 : i32
      %dma_start3A_114 = tpu.memref_slice %arg11[%add3A_93, %dma_start3A_113] : memref<10240x128xf32, #tpu.memory_space<vmem_shared>> -> memref<128x128xf32, #tpu.memory_space<vmem_shared>>
      tpu.enqueue_dma source(%dma_start3A_114 : memref<128x128xf32, #tpu.memory_space<vmem_shared>>) target(%arg9 : memref<128x128xf32, #tpu.memory_space<vmem>>) target_semaphore(%run_scoped3A_110 : memref<!tpu.dma_semaphore, #tpu.memory_space<semaphore_mem>>)
      %dma_wait3A_115 = arith.constant 0 : i32
      %dma_wait3A_116 = tpu.memref_slice %arg11[%add3A_93, %dma_wait3A_115] : memref<10240x128xf32, #tpu.memory_space<vmem_shared>> -> memref<128x128xf32, #tpu.memory_space<vmem_shared>>
      %dma_wait3A_117 = arith.constant 0 : i32
      %dma_wait3A_118 = tpu.memref_slice %arg11[%add3A_93, %dma_wait3A_117] : memref<10240x128xf32, #tpu.memory_space<vmem_shared>> -> memref<128x128xf32, #tpu.memory_space<vmem_shared>>
      tpu.wait_dma2 semaphore(%run_scoped3A_110 : memref<!tpu.dma_semaphore, #tpu.memory_space<semaphore_mem>>) src(%dma_wait3A_118 : memref<128x128xf32, #tpu.memory_space<vmem_shared>>) dst(%arg9 : memref<128x128xf32, #tpu.memory_space<vmem>>)
      tpu.yield
    }) : () -> ()
    "tpu.region"() ({
      %run_scoped3A_110 = tpu.sem_alloc : memref<!tpu.dma_semaphore, #tpu.memory_space<semaphore_mem>>
      %dma_start3A_111 = arith.constant 0 : i32
      %dma_start3A_112 = tpu.memref_slice %arg6[%arg0, %add3A_93, %dma_start3A_111] : memref<2x10240x128xf32, #tpu.memory_space<hbm>> -> memref<1x128x128xf32, #tpu.memory_space<hbm>>
      %dma_start3A_113 = tpu.memref_squeeze %dma_start3A_112 : memref<1x128x128xf32, #tpu.memory_space<hbm>> -> memref<128x128xf32, #tpu.memory_space<hbm>>
      %dma_start3A_114 = arith.constant 0 : i32
      %dma_start3A_115 = tpu.memref_slice %arg6[%arg0, %add3A_93, %dma_start3A_114] : memref<2x10240x128xf32, #tpu.memory_space<hbm>> -> memref<1x128x128xf32, #tpu.memory_space<hbm>>
      %dma_start3A_116 = tpu.memref_squeeze %dma_start3A_115 : memref<1x128x128xf32, #tpu.memory_space<hbm>> -> memref<128x128xf32, #tpu.memory_space<hbm>>
      tpu.enqueue_dma source(%arg9 : memref<128x128xf32, #tpu.memory_space<vmem>>) target(%dma_start3A_116 : memref<128x128xf32, #tpu.memory_space<hbm>>) target_semaphore(%run_scoped3A_110 : memref<!tpu.dma_semaphore, #tpu.memory_space<semaphore_mem>>)
      %dma_wait3A_117 = arith.constant 0 : i32
      %dma_wait3A_118 = tpu.memref_slice %arg6[%arg0, %add3A_93, %dma_wait3A_117] : memref<2x10240x128xf32, #tpu.memory_space<hbm>> -> memref<1x128x128xf32, #tpu.memory_space<hbm>>
      %dma_wait3A_119 = tpu.memref_squeeze %dma_wait3A_118 : memref<1x128x128xf32, #tpu.memory_space<hbm>> -> memref<128x128xf32, #tpu.memory_space<hbm>>
      %dma_wait3A_120 = arith.constant 0 : i32
      %dma_wait3A_121 = tpu.memref_slice %arg6[%arg0, %add3A_93, %dma_wait3A_120] : memref<2x10240x128xf32, #tpu.memory_space<hbm>> -> memref<1x128x128xf32, #tpu.memory_space<hbm>>
      %dma_wait3A_122 = tpu.memref_squeeze %dma_wait3A_121 : memref<1x128x128xf32, #tpu.memory_space<hbm>> -> memref<128x128xf32, #tpu.memory_space<hbm>>
      tpu.wait_dma2 semaphore(%run_scoped3A_110 : memref<!tpu.dma_semaphore, #tpu.memory_space<semaphore_mem>>) src(%arg9 : memref<128x128xf32, #tpu.memory_space<vmem>>) dst(%dma_wait3A_122 : memref<128x128xf32, #tpu.memory_space<hbm>>)
      tpu.yield
    }) : () -> ()
    %mul3A_94 = arith.constant 640 : i32
    %mul3A_95 = arith.muli %arg1, %mul3A_94 : i32
    %add3A_96 = arith.constant 128 : i32
    %add3A_97 = arith.addi %mul3A_95, %add3A_96 : i32
    "tpu.region"() ({
      %run_scoped3A_110 = tpu.sem_alloc : memref<!tpu.dma_semaphore, #tpu.memory_space<semaphore_mem>>
      %dma_start3A_111 = arith.constant 0 : i32
      %dma_start3A_112 = tpu.memref_slice %arg11[%add3A_97, %dma_start3A_111] : memref<10240x128xf32, #tpu.memory_space<vmem_shared>> -> memref<128x128xf32, #tpu.memory_space<vmem_shared>>
      %dma_start3A_113 = arith.constant 0 : i32
      %dma_start3A_114 = tpu.memref_slice %arg11[%add3A_97, %dma_start3A_113] : memref<10240x128xf32, #tpu.memory_space<vmem_shared>> -> memref<128x128xf32, #tpu.memory_space<vmem_shared>>
      tpu.enqueue_dma source(%dma_start3A_114 : memref<128x128xf32, #tpu.memory_space<vmem_shared>>) target(%arg9 : memref<128x128xf32, #tpu.memory_space<vmem>>) target_semaphore(%run_scoped3A_110 : memref<!tpu.dma_semaphore, #tpu.memory_space<semaphore_mem>>)
      %dma_wait3A_115 = arith.constant 0 : i32
      %dma_wait3A_116 = tpu.memref_slice %arg11[%add3A_97, %dma_wait3A_115] : memref<10240x128xf32, #tpu.memory_space<vmem_shared>> -> memref<128x128xf32, #tpu.memory_space<vmem_shared>>
      %dma_wait3A_117 = arith.constant 0 : i32
      %dma_wait3A_118 = tpu.memref_slice %arg11[%add3A_97, %dma_wait3A_117] : memref<10240x128xf32, #tpu.memory_space<vmem_shared>> -> memref<128x128xf32, #tpu.memory_space<vmem_shared>>
      tpu.wait_dma2 semaphore(%run_scoped3A_110 : memref<!tpu.dma_semaphore, #tpu.memory_space<semaphore_mem>>) src(%dma_wait3A_118 : memref<128x128xf32, #tpu.memory_space<vmem_shared>>) dst(%arg9 : memref<128x128xf32, #tpu.memory_space<vmem>>)
      tpu.yield
    }) : () -> ()
    "tpu.region"() ({
      %run_scoped3A_110 = tpu.sem_alloc : memref<!tpu.dma_semaphore, #tpu.memory_space<semaphore_mem>>
      %dma_start3A_111 = arith.constant 0 : i32
      %dma_start3A_112 = tpu.memref_slice %arg6[%arg0, %add3A_97, %dma_start3A_111] : memref<2x10240x128xf32, #tpu.memory_space<hbm>> -> memref<1x128x128xf32, #tpu.memory_space<hbm>>
      %dma_start3A_113 = tpu.memref_squeeze %dma_start3A_112 : memref<1x128x128xf32, #tpu.memory_space<hbm>> -> memref<128x128xf32, #tpu.memory_space<hbm>>
      %dma_start3A_114 = arith.constant 0 : i32
      %dma_start3A_115 = tpu.memref_slice %arg6[%arg0, %add3A_97, %dma_start3A_114] : memref<2x10240x128xf32, #tpu.memory_space<hbm>> -> memref<1x128x128xf32, #tpu.memory_space<hbm>>
      %dma_start3A_116 = tpu.memref_squeeze %dma_start3A_115 : memref<1x128x128xf32, #tpu.memory_space<hbm>> -> memref<128x128xf32, #tpu.memory_space<hbm>>
      tpu.enqueue_dma source(%arg9 : memref<128x128xf32, #tpu.memory_space<vmem>>) target(%dma_start3A_116 : memref<128x128xf32, #tpu.memory_space<hbm>>) target_semaphore(%run_scoped3A_110 : memref<!tpu.dma_semaphore, #tpu.memory_space<semaphore_mem>>)
      %dma_wait3A_117 = arith.constant 0 : i32
      %dma_wait3A_118 = tpu.memref_slice %arg6[%arg0, %add3A_97, %dma_wait3A_117] : memref<2x10240x128xf32, #tpu.memory_space<hbm>> -> memref<1x128x128xf32, #tpu.memory_space<hbm>>
      %dma_wait3A_119 = tpu.memref_squeeze %dma_wait3A_118 : memref<1x128x128xf32, #tpu.memory_space<hbm>> -> memref<128x128xf32, #tpu.memory_space<hbm>>
      %dma_wait3A_120 = arith.constant 0 : i32
      %dma_wait3A_121 = tpu.memref_slice %arg6[%arg0, %add3A_97, %dma_wait3A_120] : memref<2x10240x128xf32, #tpu.memory_space<hbm>> -> memref<1x128x128xf32, #tpu.memory_space<hbm>>
      %dma_wait3A_122 = tpu.memref_squeeze %dma_wait3A_121 : memref<1x128x128xf32, #tpu.memory_space<hbm>> -> memref<128x128xf32, #tpu.memory_space<hbm>>
      tpu.wait_dma2 semaphore(%run_scoped3A_110 : memref<!tpu.dma_semaphore, #tpu.memory_space<semaphore_mem>>) src(%arg9 : memref<128x128xf32, #tpu.memory_space<vmem>>) dst(%dma_wait3A_122 : memref<128x128xf32, #tpu.memory_space<hbm>>)
      tpu.yield
    }) : () -> ()
    %mul3A_98 = arith.constant 640 : i32
    %mul3A_99 = arith.muli %arg1, %mul3A_98 : i32
    %add3A_100 = arith.constant 256 : i32
    %add3A_101 = arith.addi %mul3A_99, %add3A_100 : i32
    "tpu.region"() ({
      %run_scoped3A_110 = tpu.sem_alloc : memref<!tpu.dma_semaphore, #tpu.memory_space<semaphore_mem>>
      %dma_start3A_111 = arith.constant 0 : i32
      %dma_start3A_112 = tpu.memref_slice %arg11[%add3A_101, %dma_start3A_111] : memref<10240x128xf32, #tpu.memory_space<vmem_shared>> -> memref<128x128xf32, #tpu.memory_space<vmem_shared>>
      %dma_start3A_113 = arith.constant 0 : i32
      %dma_start3A_114 = tpu.memref_slice %arg11[%add3A_101, %dma_start3A_113] : memref<10240x128xf32, #tpu.memory_space<vmem_shared>> -> memref<128x128xf32, #tpu.memory_space<vmem_shared>>
      tpu.enqueue_dma source(%dma_start3A_114 : memref<128x128xf32, #tpu.memory_space<vmem_shared>>) target(%arg9 : memref<128x128xf32, #tpu.memory_space<vmem>>) target_semaphore(%run_scoped3A_110 : memref<!tpu.dma_semaphore, #tpu.memory_space<semaphore_mem>>)
      %dma_wait3A_115 = arith.constant 0 : i32
      %dma_wait3A_116 = tpu.memref_slice %arg11[%add3A_101, %dma_wait3A_115] : memref<10240x128xf32, #tpu.memory_space<vmem_shared>> -> memref<128x128xf32, #tpu.memory_space<vmem_shared>>
      %dma_wait3A_117 = arith.constant 0 : i32
      %dma_wait3A_118 = tpu.memref_slice %arg11[%add3A_101, %dma_wait3A_117] : memref<10240x128xf32, #tpu.memory_space<vmem_shared>> -> memref<128x128xf32, #tpu.memory_space<vmem_shared>>
      tpu.wait_dma2 semaphore(%run_scoped3A_110 : memref<!tpu.dma_semaphore, #tpu.memory_space<semaphore_mem>>) src(%dma_wait3A_118 : memref<128x128xf32, #tpu.memory_space<vmem_shared>>) dst(%arg9 : memref<128x128xf32, #tpu.memory_space<vmem>>)
      tpu.yield
    }) : () -> ()
    "tpu.region"() ({
      %run_scoped3A_110 = tpu.sem_alloc : memref<!tpu.dma_semaphore, #tpu.memory_space<semaphore_mem>>
      %dma_start3A_111 = arith.constant 0 : i32
      %dma_start3A_112 = tpu.memref_slice %arg6[%arg0, %add3A_101, %dma_start3A_111] : memref<2x10240x128xf32, #tpu.memory_space<hbm>> -> memref<1x128x128xf32, #tpu.memory_space<hbm>>
      %dma_start3A_113 = tpu.memref_squeeze %dma_start3A_112 : memref<1x128x128xf32, #tpu.memory_space<hbm>> -> memref<128x128xf32, #tpu.memory_space<hbm>>
      %dma_start3A_114 = arith.constant 0 : i32
      %dma_start3A_115 = tpu.memref_slice %arg6[%arg0, %add3A_101, %dma_start3A_114] : memref<2x10240x128xf32, #tpu.memory_space<hbm>> -> memref<1x128x128xf32, #tpu.memory_space<hbm>>
      %dma_start3A_116 = tpu.memref_squeeze %dma_start3A_115 : memref<1x128x128xf32, #tpu.memory_space<hbm>> -> memref<128x128xf32, #tpu.memory_space<hbm>>
      tpu.enqueue_dma source(%arg9 : memref<128x128xf32, #tpu.memory_space<vmem>>) target(%dma_start3A_116 : memref<128x128xf32, #tpu.memory_space<hbm>>) target_semaphore(%run_scoped3A_110 : memref<!tpu.dma_semaphore, #tpu.memory_space<semaphore_mem>>)
      %dma_wait3A_117 = arith.constant 0 : i32
      %dma_wait3A_118 = tpu.memref_slice %arg6[%arg0, %add3A_101, %dma_wait3A_117] : memref<2x10240x128xf32, #tpu.memory_space<hbm>> -> memref<1x128x128xf32, #tpu.memory_space<hbm>>
      %dma_wait3A_119 = tpu.memref_squeeze %dma_wait3A_118 : memref<1x128x128xf32, #tpu.memory_space<hbm>> -> memref<128x128xf32, #tpu.memory_space<hbm>>
      %dma_wait3A_120 = arith.constant 0 : i32
      %dma_wait3A_121 = tpu.memref_slice %arg6[%arg0, %add3A_101, %dma_wait3A_120] : memref<2x10240x128xf32, #tpu.memory_space<hbm>> -> memref<1x128x128xf32, #tpu.memory_space<hbm>>
      %dma_wait3A_122 = tpu.memref_squeeze %dma_wait3A_121 : memref<1x128x128xf32, #tpu.memory_space<hbm>> -> memref<128x128xf32, #tpu.memory_space<hbm>>
      tpu.wait_dma2 semaphore(%run_scoped3A_110 : memref<!tpu.dma_semaphore, #tpu.memory_space<semaphore_mem>>) src(%arg9 : memref<128x128xf32, #tpu.memory_space<vmem>>) dst(%dma_wait3A_122 : memref<128x128xf32, #tpu.memory_space<hbm>>)
      tpu.yield
    }) : () -> ()
    %mul3A_102 = arith.constant 640 : i32
    %mul3A_103 = arith.muli %arg1, %mul3A_102 : i32
    %add3A_104 = arith.constant 384 : i32
    %add3A_105 = arith.addi %mul3A_103, %add3A_104 : i32
    "tpu.region"() ({
      %run_scoped3A_110 = tpu.sem_alloc : memref<!tpu.dma_semaphore, #tpu.memory_space<semaphore_mem>>
      %dma_start3A_111 = arith.constant 0 : i32
      %dma_start3A_112 = tpu.memref_slice %arg11[%add3A_105, %dma_start3A_111] : memref<10240x128xf32, #tpu.memory_space<vmem_shared>> -> memref<128x128xf32, #tpu.memory_space<vmem_shared>>
      %dma_start3A_113 = arith.constant 0 : i32
      %dma_start3A_114 = tpu.memref_slice %arg11[%add3A_105, %dma_start3A_113] : memref<10240x128xf32, #tpu.memory_space<vmem_shared>> -> memref<128x128xf32, #tpu.memory_space<vmem_shared>>
      tpu.enqueue_dma source(%dma_start3A_114 : memref<128x128xf32, #tpu.memory_space<vmem_shared>>) target(%arg9 : memref<128x128xf32, #tpu.memory_space<vmem>>) target_semaphore(%run_scoped3A_110 : memref<!tpu.dma_semaphore, #tpu.memory_space<semaphore_mem>>)
      %dma_wait3A_115 = arith.constant 0 : i32
      %dma_wait3A_116 = tpu.memref_slice %arg11[%add3A_105, %dma_wait3A_115] : memref<10240x128xf32, #tpu.memory_space<vmem_shared>> -> memref<128x128xf32, #tpu.memory_space<vmem_shared>>
      %dma_wait3A_117 = arith.constant 0 : i32
      %dma_wait3A_118 = tpu.memref_slice %arg11[%add3A_105, %dma_wait3A_117] : memref<10240x128xf32, #tpu.memory_space<vmem_shared>> -> memref<128x128xf32, #tpu.memory_space<vmem_shared>>
      tpu.wait_dma2 semaphore(%run_scoped3A_110 : memref<!tpu.dma_semaphore, #tpu.memory_space<semaphore_mem>>) src(%dma_wait3A_118 : memref<128x128xf32, #tpu.memory_space<vmem_shared>>) dst(%arg9 : memref<128x128xf32, #tpu.memory_space<vmem>>)
      tpu.yield
    }) : () -> ()
    "tpu.region"() ({
      %run_scoped3A_110 = tpu.sem_alloc : memref<!tpu.dma_semaphore, #tpu.memory_space<semaphore_mem>>
      %dma_start3A_111 = arith.constant 0 : i32
      %dma_start3A_112 = tpu.memref_slice %arg6[%arg0, %add3A_105, %dma_start3A_111] : memref<2x10240x128xf32, #tpu.memory_space<hbm>> -> memref<1x128x128xf32, #tpu.memory_space<hbm>>
      %dma_start3A_113 = tpu.memref_squeeze %dma_start3A_112 : memref<1x128x128xf32, #tpu.memory_space<hbm>> -> memref<128x128xf32, #tpu.memory_space<hbm>>
      %dma_start3A_114 = arith.constant 0 : i32
      %dma_start3A_115 = tpu.memref_slice %arg6[%arg0, %add3A_105, %dma_start3A_114] : memref<2x10240x128xf32, #tpu.memory_space<hbm>> -> memref<1x128x128xf32, #tpu.memory_space<hbm>>
      %dma_start3A_116 = tpu.memref_squeeze %dma_start3A_115 : memref<1x128x128xf32, #tpu.memory_space<hbm>> -> memref<128x128xf32, #tpu.memory_space<hbm>>
      tpu.enqueue_dma source(%arg9 : memref<128x128xf32, #tpu.memory_space<vmem>>) target(%dma_start3A_116 : memref<128x128xf32, #tpu.memory_space<hbm>>) target_semaphore(%run_scoped3A_110 : memref<!tpu.dma_semaphore, #tpu.memory_space<semaphore_mem>>)
      %dma_wait3A_117 = arith.constant 0 : i32
      %dma_wait3A_118 = tpu.memref_slice %arg6[%arg0, %add3A_105, %dma_wait3A_117] : memref<2x10240x128xf32, #tpu.memory_space<hbm>> -> memref<1x128x128xf32, #tpu.memory_space<hbm>>
      %dma_wait3A_119 = tpu.memref_squeeze %dma_wait3A_118 : memref<1x128x128xf32, #tpu.memory_space<hbm>> -> memref<128x128xf32, #tpu.memory_space<hbm>>
      %dma_wait3A_120 = arith.constant 0 : i32
      %dma_wait3A_121 = tpu.memref_slice %arg6[%arg0, %add3A_105, %dma_wait3A_120] : memref<2x10240x128xf32, #tpu.memory_space<hbm>> -> memref<1x128x128xf32, #tpu.memory_space<hbm>>
      %dma_wait3A_122 = tpu.memref_squeeze %dma_wait3A_121 : memref<1x128x128xf32, #tpu.memory_space<hbm>> -> memref<128x128xf32, #tpu.memory_space<hbm>>
      tpu.wait_dma2 semaphore(%run_scoped3A_110 : memref<!tpu.dma_semaphore, #tpu.memory_space<semaphore_mem>>) src(%arg9 : memref<128x128xf32, #tpu.memory_space<vmem>>) dst(%dma_wait3A_122 : memref<128x128xf32, #tpu.memory_space<hbm>>)
      tpu.yield
    }) : () -> ()
    %mul3A_106 = arith.constant 640 : i32
    %mul3A_107 = arith.muli %arg1, %mul3A_106 : i32
    %add3A_108 = arith.constant 512 : i32
    %add3A_109 = arith.addi %mul3A_107, %add3A_108 : i32
    "tpu.region"() ({
      %run_scoped3A_110 = tpu.sem_alloc : memref<!tpu.dma_semaphore, #tpu.memory_space<semaphore_mem>>
      %dma_start3A_111 = arith.constant 0 : i32
      %dma_start3A_112 = tpu.memref_slice %arg11[%add3A_109, %dma_start3A_111] : memref<10240x128xf32, #tpu.memory_space<vmem_shared>> -> memref<128x128xf32, #tpu.memory_space<vmem_shared>>
      %dma_start3A_113 = arith.constant 0 : i32
      %dma_start3A_114 = tpu.memref_slice %arg11[%add3A_109, %dma_start3A_113] : memref<10240x128xf32, #tpu.memory_space<vmem_shared>> -> memref<128x128xf32, #tpu.memory_space<vmem_shared>>
      tpu.enqueue_dma source(%dma_start3A_114 : memref<128x128xf32, #tpu.memory_space<vmem_shared>>) target(%arg9 : memref<128x128xf32, #tpu.memory_space<vmem>>) target_semaphore(%run_scoped3A_110 : memref<!tpu.dma_semaphore, #tpu.memory_space<semaphore_mem>>)
      %dma_wait3A_115 = arith.constant 0 : i32
      %dma_wait3A_116 = tpu.memref_slice %arg11[%add3A_109, %dma_wait3A_115] : memref<10240x128xf32, #tpu.memory_space<vmem_shared>> -> memref<128x128xf32, #tpu.memory_space<vmem_shared>>
      %dma_wait3A_117 = arith.constant 0 : i32
      %dma_wait3A_118 = tpu.memref_slice %arg11[%add3A_109, %dma_wait3A_117] : memref<10240x128xf32, #tpu.memory_space<vmem_shared>> -> memref<128x128xf32, #tpu.memory_space<vmem_shared>>
      tpu.wait_dma2 semaphore(%run_scoped3A_110 : memref<!tpu.dma_semaphore, #tpu.memory_space<semaphore_mem>>) src(%dma_wait3A_118 : memref<128x128xf32, #tpu.memory_space<vmem_shared>>) dst(%arg9 : memref<128x128xf32, #tpu.memory_space<vmem>>)
      tpu.yield
    }) : () -> ()
    "tpu.region"() ({
      %run_scoped3A_110 = tpu.sem_alloc : memref<!tpu.dma_semaphore, #tpu.memory_space<semaphore_mem>>
      %dma_start3A_111 = arith.constant 0 : i32
      %dma_start3A_112 = tpu.memref_slice %arg6[%arg0, %add3A_109, %dma_start3A_111] : memref<2x10240x128xf32, #tpu.memory_space<hbm>> -> memref<1x128x128xf32, #tpu.memory_space<hbm>>
      %dma_start3A_113 = tpu.memref_squeeze %dma_start3A_112 : memref<1x128x128xf32, #tpu.memory_space<hbm>> -> memref<128x128xf32, #tpu.memory_space<hbm>>
      %dma_start3A_114 = arith.constant 0 : i32
      %dma_start3A_115 = tpu.memref_slice %arg6[%arg0, %add3A_109, %dma_start3A_114] : memref<2x10240x128xf32, #tpu.memory_space<hbm>> -> memref<1x128x128xf32, #tpu.memory_space<hbm>>
      %dma_start3A_116 = tpu.memref_squeeze %dma_start3A_115 : memref<1x128x128xf32, #tpu.memory_space<hbm>> -> memref<128x128xf32, #tpu.memory_space<hbm>>
      tpu.enqueue_dma source(%arg9 : memref<128x128xf32, #tpu.memory_space<vmem>>) target(%dma_start3A_116 : memref<128x128xf32, #tpu.memory_space<hbm>>) target_semaphore(%run_scoped3A_110 : memref<!tpu.dma_semaphore, #tpu.memory_space<semaphore_mem>>)
      %dma_wait3A_117 = arith.constant 0 : i32
      %dma_wait3A_118 = tpu.memref_slice %arg6[%arg0, %add3A_109, %dma_wait3A_117] : memref<2x10240x128xf32, #tpu.memory_space<hbm>> -> memref<1x128x128xf32, #tpu.memory_space<hbm>>
      %dma_wait3A_119 = tpu.memref_squeeze %dma_wait3A_118 : memref<1x128x128xf32, #tpu.memory_space<hbm>> -> memref<128x128xf32, #tpu.memory_space<hbm>>
      %dma_wait3A_120 = arith.constant 0 : i32
      %dma_wait3A_121 = tpu.memref_slice %arg6[%arg0, %add3A_109, %dma_wait3A_120] : memref<2x10240x128xf32, #tpu.memory_space<hbm>> -> memref<1x128x128xf32, #tpu.memory_space<hbm>>
      %dma_wait3A_122 = tpu.memref_squeeze %dma_wait3A_121 : memref<1x128x128xf32, #tpu.memory_space<hbm>> -> memref<128x128xf32, #tpu.memory_space<hbm>>
      tpu.wait_dma2 semaphore(%run_scoped3A_110 : memref<!tpu.dma_semaphore, #tpu.memory_space<semaphore_mem>>) src(%arg9 : memref<128x128xf32, #tpu.memory_space<vmem>>) dst(%dma_wait3A_122 : memref<128x128xf32, #tpu.memory_space<hbm>>)
      tpu.yield
    }) : () -> ()
    return
  }
}

module attributes {stable_mosaic.version = 14 : i64} {
  func.func @_prep_body(%arg0: i32, %arg1: memref<512x128xf32, #tpu.memory_space<vmem>>, %arg2: memref<512x128xf32, #tpu.memory_space<vmem>>, %arg3: memref<512x128xf32, #tpu.memory_space<vmem>>, %arg4: memref<512x128xf32, #tpu.memory_space<vmem>>, %arg5: memref<512x128xf32, #tpu.memory_space<vmem>>, %arg6: memref<512x128xf32, #tpu.memory_space<vmem>>) attributes {dimension_semantics = [#tpu.dimension_semantics<arbitrary>], iteration_bounds = array<i64: 20>, scalar_prefetch = 0 : i64, scratch_operands = 0 : i64, tpu.core_type = #tpu.core_type<tc>, window_params = [{transform_indices = @transform_0, window_bounds = array<i64: 512, 128>}, {transform_indices = @transform_1, window_bounds = array<i64: 512, 128>}, {transform_indices = @transform_2, window_bounds = array<i64: 512, 128>}, {transform_indices = @transform_3, window_bounds = array<i64: 512, 128>}, {transform_indices = @transform_4, window_bounds = array<i64: 512, 128>}, {transform_indices = @transform_5, window_bounds = array<i64: 512, 128>}]} {
    %get3A = arith.constant 0 : index
    %get3A_0 = arith.constant 0 : index
    %get3A_1 = vector.load %arg1[%get3A, %get3A_0] : memref<512x128xf32, #tpu.memory_space<vmem>>, vector<512x128xf32>
    %max3A = arith.constant 1.000000e+00 : f32
    %max3A_2 = vector.broadcast %max3A : f32 to vector<512x128xf32>
    %max3A_3 = arith.maximumf %get3A_1, %max3A_2 : vector<512x128xf32>
    %rsqrt3A = math.rsqrt %max3A_3 : vector<512x128xf32>
    %get3A_4 = arith.constant 0 : index
    %get3A_5 = arith.constant 0 : index
    %get3A_6 = vector.load %arg2[%get3A_4, %get3A_5] : memref<512x128xf32, #tpu.memory_space<vmem>>, vector<512x128xf32>
    %max3A_7 = arith.constant 1.000000e+00 : f32
    %max3A_8 = vector.broadcast %max3A_7 : f32 to vector<512x128xf32>
    %max3A_9 = arith.maximumf %get3A_6, %max3A_8 : vector<512x128xf32>
    %rsqrt3A_10 = math.rsqrt %max3A_9 : vector<512x128xf32>
    %get3A_11 = arith.constant 0 : index
    %get3A_12 = arith.constant 0 : index
    %get3A_13 = vector.load %arg3[%get3A_11, %get3A_12] : memref<512x128xf32, #tpu.memory_space<vmem>>, vector<512x128xf32>
    %mul3A = arith.mulf %rsqrt3A_10, %get3A_13 : vector<512x128xf32>
    %swap3A = arith.constant 0 : index
    %swap3A_14 = arith.constant 0 : index
    %swap3A_15 = vector.load %arg5[%swap3A, %swap3A_14] : memref<512x128xf32, #tpu.memory_space<vmem>>, vector<512x128xf32>
    tpu.vector_store %arg5[%swap3A, %swap3A_14], %mul3A {strides = array<i32>} : memref<512x128xf32, #tpu.memory_space<vmem>>, vector<512x128xf32>,
    %get3A_16 = arith.constant 0 : index
    %get3A_17 = arith.constant 0 : index
    %get3A_18 = vector.load %arg4[%get3A_16, %get3A_17] : memref<512x128xf32, #tpu.memory_space<vmem>>, vector<512x128xf32>
    %mul3A_19 = arith.mulf %rsqrt3A, %get3A_18 : vector<512x128xf32>
    %swap3A_20 = arith.constant 0 : index
    %swap3A_21 = arith.constant 0 : index
    %swap3A_22 = vector.load %arg6[%swap3A_20, %swap3A_21] : memref<512x128xf32, #tpu.memory_space<vmem>>, vector<512x128xf32>
    tpu.vector_store %arg6[%swap3A_20, %swap3A_21], %mul3A_19 {strides = array<i32>} : memref<512x128xf32, #tpu.memory_space<vmem>>, vector<512x128xf32>,
    return
  }
  func.func @transform_0(%arg0: i32) -> (i32, i32) {
    %c0_i32 = arith.constant 0 : i32
    %c0_i32_0 = arith.constant 0 : i32
    return %arg0, %c0_i32 : i32, i32
  }
  func.func @transform_1(%arg0: i32) -> (i32, i32) {
    %c0_i32 = arith.constant 0 : i32
    %c0_i32_0 = arith.constant 0 : i32
    return %arg0, %c0_i32 : i32, i32
  }
  func.func @transform_2(%arg0: i32) -> (i32, i32) {
    %c0_i32 = arith.constant 0 : i32
    %c0_i32_0 = arith.constant 0 : i32
    return %arg0, %c0_i32 : i32, i32
  }
  func.func @transform_3(%arg0: i32) -> (i32, i32) {
    %c0_i32 = arith.constant 0 : i32
    %c0_i32_0 = arith.constant 0 : i32
    return %arg0, %c0_i32 : i32, i32
  }
  func.func @transform_4(%arg0: i32) -> (i32, i32) {
    %c0_i32 = arith.constant 0 : i32
    %c0_i32_0 = arith.constant 0 : i32
    return %arg0, %c0_i32 : i32, i32
  }
  func.func @transform_5(%arg0: i32) -> (i32, i32) {
    %c0_i32 = arith.constant 0 : i32
    %c0_i32_0 = arith.constant 0 : i32
    return %arg0, %c0_i32 : i32, i32
  }
}

module attributes {stable_mosaic.version = 14 : i64} {
  func.func @_layer_mid_body(%arg0: i32, %arg1: memref<2x512x128xf32, #tpu.memory_space<vmem>>, %arg2: memref<512x128xf32, #tpu.memory_space<vmem>>, %arg3: memref<128x128xf32, #tpu.memory_space<vmem>>, %arg4: memref<1x128xf32, #tpu.memory_space<vmem>>, %arg5: memref<512x128xf32, #tpu.memory_space<vmem>>) attributes {dimension_semantics = [#tpu.dimension_semantics<arbitrary>], iteration_bounds = array<i64: 20>, scalar_prefetch = 0 : i64, scratch_operands = 0 : i64, tpu.core_type = #tpu.core_type<tc>, window_params = [{transform_indices = @transform_0, window_bounds = array<i64: 2, 512, 128>}, {transform_indices = @transform_1, window_bounds = array<i64: 512, 128>}, {pipeline_mode = #tpu.pipeline_mode<synchronous>, transform_indices = @transform_2, window_bounds = array<i64: 128, 128>}, {pipeline_mode = #tpu.pipeline_mode<synchronous>, transform_indices = @transform_3, window_bounds = array<i64: 1, 128>}, {transform_indices = @transform_4, window_bounds = array<i64: 512, 128>}]} {
    %get3A = arith.constant 0 : index
    %get3A_0 = arith.constant 0 : index
    %get3A_1 = vector.load %arg2[%get3A, %get3A_0] : memref<512x128xf32, #tpu.memory_space<vmem>>, vector<512x128xf32>
    %max3A = arith.constant 1.000000e+00 : f32
    %max3A_2 = vector.broadcast %max3A : f32 to vector<512x128xf32>
    %max3A_3 = arith.maximumf %get3A_1, %max3A_2 : vector<512x128xf32>
    %rsqrt3A = math.rsqrt %max3A_3 : vector<512x128xf32>
    %get3A_4 = arith.constant 0 : index
    %get3A_5 = arith.constant 0 : index
    %get3A_6 = arith.constant 0 : index
    %get3A_7 = vector.load %arg1[%get3A_4, %get3A_5, %get3A_6] : memref<2x512x128xf32, #tpu.memory_space<vmem>>, vector<1x512x128xf32>
    %get3A_8 = vector.shape_cast %get3A_7 : vector<1x512x128xf32> to vector<512x128xf32>
    %get3A_9 = arith.constant 1 : index
    %get3A_10 = arith.constant 0 : index
    %get3A_11 = arith.constant 0 : index
    %get3A_12 = vector.load %arg1[%get3A_9, %get3A_10, %get3A_11] : memref<2x512x128xf32, #tpu.memory_space<vmem>>, vector<1x512x128xf32>
    %get3A_13 = vector.shape_cast %get3A_12 : vector<1x512x128xf32> to vector<512x128xf32>
    %add3A = arith.addf %get3A_8, %get3A_13 : vector<512x128xf32>
    %mul3A = arith.mulf %add3A, %rsqrt3A : vector<512x128xf32>
    %get3A_14 = arith.constant 0 : index
    %get3A_15 = arith.constant 0 : index
    %get3A_16 = vector.load %arg3[%get3A_14, %get3A_15] : memref<128x128xf32, #tpu.memory_space<vmem>>, vector<128x128xf32>
    %dot_general3A = arith.constant dense<0.000000e+00> : vector<512x128xf32>
    %dot_general3A_17 = tpu.matmul %mul3A, %get3A_16, %dot_general3A {dimension_numbers = #tpu.dot_dimension_numbers<[1], [0], [0], [1], [0, 0, 1, 1], [], []>, transpose_lhs_hint = false} : vector<512x128xf32>, vector<128x128xf32>, vector<512x128xf32> -> vector<512x128xf32>
    %get3A_18 = arith.constant 0 : index
    %get3A_19 = arith.constant 0 : index
    %get3A_20 = vector.load %arg4[%get3A_18, %get3A_19] : memref<1x128xf32, #tpu.memory_space<vmem>>, vector<1x128xf32>
    %add3A_21 = vector.broadcast %get3A_20 : vector<1x128xf32> to vector<512x128xf32>
    %add3A_22 = arith.addf %dot_general3A_17, %add3A_21 : vector<512x128xf32>
    %max3A_23 = arith.constant 0.000000e+00 : f32
    %max3A_24 = vector.broadcast %max3A_23 : f32 to vector<512x128xf32>
    %max3A_25 = arith.maximumf %add3A_22, %max3A_24 : vector<512x128xf32>
    %mul3A_26 = arith.mulf %rsqrt3A, %max3A_25 : vector<512x128xf32>
    %swap3A = arith.constant 0 : index
    %swap3A_27 = arith.constant 0 : index
    %swap3A_28 = vector.load %arg5[%swap3A, %swap3A_27] : memref<512x128xf32, #tpu.memory_space<vmem>>, vector<512x128xf32>
    tpu.vector_store %arg5[%swap3A, %swap3A_27], %mul3A_26 {strides = array<i32>} : memref<512x128xf32, #tpu.memory_space<vmem>>, vector<512x128xf32>,
    return
  }
  func.func @transform_0(%arg0: i32) -> (i32, i32, i32) {
    %c0_i32 = arith.constant 0 : i32
    %c0_i32_0 = arith.constant 0 : i32
    %c0_i32_1 = arith.constant 0 : i32
    return %c0_i32, %arg0, %c0_i32_0 : i32, i32, i32
  }
  func.func @transform_1(%arg0: i32) -> (i32, i32) {
    %c0_i32 = arith.constant 0 : i32
    %c0_i32_0 = arith.constant 0 : i32
    return %arg0, %c0_i32 : i32, i32
  }
  func.func @transform_2(%arg0: i32) -> (i32, i32) {
    %c0_i32 = arith.constant 0 : i32
    %c0_i32_0 = arith.constant 0 : i32
    %c0_i32_1 = arith.constant 0 : i32
    return %c0_i32, %c0_i32_0 : i32, i32
  }
  func.func @transform_3(%arg0: i32) -> (i32, i32) {
    %c0_i32 = arith.constant 0 : i32
    %c0_i32_0 = arith.constant 0 : i32
    %c0_i32_1 = arith.constant 0 : i32
    return %c0_i32, %c0_i32_0 : i32, i32
  }
  func.func @transform_4(%arg0: i32) -> (i32, i32) {
    %c0_i32 = arith.constant 0 : i32
    %c0_i32_0 = arith.constant 0 : i32
    return %arg0, %c0_i32 : i32, i32
  }
}

module attributes {stable_mosaic.version = 14 : i64} {
  func.func @_layer_last_body(%arg0: i32, %arg1: memref<2x512x128xf32, #tpu.memory_space<vmem>>, %arg2: memref<512x128xf32, #tpu.memory_space<vmem>>, %arg3: memref<128x128xf32, #tpu.memory_space<vmem>>, %arg4: memref<1x128xf32, #tpu.memory_space<vmem>>, %arg5: memref<512x128xf32, #tpu.memory_space<vmem>>) attributes {dimension_semantics = [#tpu.dimension_semantics<arbitrary>], iteration_bounds = array<i64: 20>, scalar_prefetch = 0 : i64, scratch_operands = 0 : i64, tpu.core_type = #tpu.core_type<tc>, window_params = [{transform_indices = @transform_0, window_bounds = array<i64: 2, 512, 128>}, {transform_indices = @transform_1, window_bounds = array<i64: 512, 128>}, {pipeline_mode = #tpu.pipeline_mode<synchronous>, transform_indices = @transform_2, window_bounds = array<i64: 128, 128>}, {pipeline_mode = #tpu.pipeline_mode<synchronous>, transform_indices = @transform_3, window_bounds = array<i64: 1, 128>}, {transform_indices = @transform_4, window_bounds = array<i64: 512, 128>}]} {
    %get3A = arith.constant 0 : index
    %get3A_0 = arith.constant 0 : index
    %get3A_1 = vector.load %arg2[%get3A, %get3A_0] : memref<512x128xf32, #tpu.memory_space<vmem>>, vector<512x128xf32>
    %max3A = arith.constant 1.000000e+00 : f32
    %max3A_2 = vector.broadcast %max3A : f32 to vector<512x128xf32>
    %max3A_3 = arith.maximumf %get3A_1, %max3A_2 : vector<512x128xf32>
    %rsqrt3A = math.rsqrt %max3A_3 : vector<512x128xf32>
    %get3A_4 = arith.constant 0 : index
    %get3A_5 = arith.constant 0 : index
    %get3A_6 = arith.constant 0 : index
    %get3A_7 = vector.load %arg1[%get3A_4, %get3A_5, %get3A_6] : memref<2x512x128xf32, #tpu.memory_space<vmem>>, vector<1x512x128xf32>
    %get3A_8 = vector.shape_cast %get3A_7 : vector<1x512x128xf32> to vector<512x128xf32>
    %get3A_9 = arith.constant 1 : index
    %get3A_10 = arith.constant 0 : index
    %get3A_11 = arith.constant 0 : index
    %get3A_12 = vector.load %arg1[%get3A_9, %get3A_10, %get3A_11] : memref<2x512x128xf32, #tpu.memory_space<vmem>>, vector<1x512x128xf32>
    %get3A_13 = vector.shape_cast %get3A_12 : vector<1x512x128xf32> to vector<512x128xf32>
    %add3A = arith.addf %get3A_8, %get3A_13 : vector<512x128xf32>
    %mul3A = arith.mulf %add3A, %rsqrt3A : vector<512x128xf32>
    %get3A_14 = arith.constant 0 : index
    %get3A_15 = arith.constant 0 : index
    %get3A_16 = vector.load %arg3[%get3A_14, %get3A_15] : memref<128x128xf32, #tpu.memory_space<vmem>>, vector<128x128xf32>
    %dot_general3A = arith.constant dense<0.000000e+00> : vector<512x128xf32>
    %dot_general3A_17 = tpu.matmul %mul3A, %get3A_16, %dot_general3A {dimension_numbers = #tpu.dot_dimension_numbers<[1], [0], [0], [1], [0, 0, 1, 1], [], []>, transpose_lhs_hint = false} : vector<512x128xf32>, vector<128x128xf32>, vector<512x128xf32> -> vector<512x128xf32>
    %get3A_18 = arith.constant 0 : index
    %get3A_19 = arith.constant 0 : index
    %get3A_20 = vector.load %arg4[%get3A_18, %get3A_19] : memref<1x128xf32, #tpu.memory_space<vmem>>, vector<1x128xf32>
    %add3A_21 = vector.broadcast %get3A_20 : vector<1x128xf32> to vector<512x128xf32>
    %add3A_22 = arith.addf %dot_general3A_17, %add3A_21 : vector<512x128xf32>
    %swap3A = arith.constant 0 : index
    %swap3A_23 = arith.constant 0 : index
    %swap3A_24 = vector.load %arg5[%swap3A, %swap3A_23] : memref<512x128xf32, #tpu.memory_space<vmem>>, vector<512x128xf32>
    tpu.vector_store %arg5[%swap3A, %swap3A_23], %add3A_22 {strides = array<i32>} : memref<512x128xf32, #tpu.memory_space<vmem>>, vector<512x128xf32>,
    return
  }
  func.func @transform_0(%arg0: i32) -> (i32, i32, i32) {
    %c0_i32 = arith.constant 0 : i32
    %c0_i32_0 = arith.constant 0 : i32
    %c0_i32_1 = arith.constant 0 : i32
    return %c0_i32, %arg0, %c0_i32_0 : i32, i32, i32
  }
  func.func @transform_1(%arg0: i32) -> (i32, i32) {
    %c0_i32 = arith.constant 0 : i32
    %c0_i32_0 = arith.constant 0 : i32
    return %arg0, %c0_i32 : i32, i32
  }
  func.func @transform_2(%arg0: i32) -> (i32, i32) {
    %c0_i32 = arith.constant 0 : i32
    %c0_i32_0 = arith.constant 0 : i32
    %c0_i32_1 = arith.constant 0 : i32
    return %c0_i32, %c0_i32_0 : i32, i32
  }
  func.func @transform_3(%arg0: i32) -> (i32, i32) {
    %c0_i32 = arith.constant 0 : i32
    %c0_i32_0 = arith.constant 0 : i32
    %c0_i32_1 = arith.constant 0 : i32
    return %c0_i32, %c0_i32_0 : i32, i32
  }
  func.func @transform_4(%arg0: i32) -> (i32, i32) {
    %c0_i32 = arith.constant 0 : i32
    %c0_i32_0 = arith.constant 0 : i32
    return %arg0, %c0_i32 : i32, i32
  }
}

</mosaic_0001>

<sc_bundles>
// kernel: kernel.10.cloned.1.call-start
scs
__scs_entry_jumppad:
0x0: {  	(pc) =	sbr.rel $0x88, $3  }
0x1: {  	(tag) =	ssettag $0x0;
	lr =	simm.s32 $0x1  }
0x2: {  	[smem:$0x3F9A] =	sst lr;
	_ =	strace $0xD0000000  }
0x3: {  	_ = 	snop  }
0x4: {  	_ = 	snop  }
0x5: {  	_ = 	snop  }
0x6: {  	_ = 	snop  }
0x7: {  	_ = 	snop  }
__scs_overlays_trampoline_lowered:
0x8: {  	[smem:$0x3FA9] =	sst s0  }
0x9: {  	[smem:$0x3FAA] =	sst s1  }
0xa: {  	[smem:$0x3FAB] =	sst s2  }
0xb: {  	[smem:$0x3FAC] =	sst s3  }
0xc: {  	[smem:$0x3FAD] =	sst s4  }
0xd: {  	[smem:$0x3FAE] =	sst s5  }
0xe: {  	[smem:$0x3FAF] =	sst s6  }
0xf: {  	[smem:$0x3FB0] =	sst s7  }
0x10: {  	[smem:$0x3FB1] =	sst s8  }
0x11: {  	[smem:$0x3FB2] =	sst s9;
	s0 =	simm.s32 @!p0 $0x0  }
0x12: {  	s1 =	sld [smem:$0x3F98];
	s0 =	simm.s32 @p0 $0x1  }
0x13: {  	[smem:$0x3FB3] =	sst s0;
	s0 =	simm.s32 @!p1 $0x0  }
0x14: {  	s2 =	sld [smem:$0x3F97];
	s0 =	simm.s32 @p1 $0x1  }
0x15: {  	[smem:$0x3FB4] =	sst s0;
	s0 =	simm.s32 @!p2 $0x0  }
0x16: {  	s3 =	sld [smem:$0x3FDB];
	s0 =	simm.s32 @p2 $0x1  }
0x17: {  	s4 =	simm.s32 $0x1BF5;
	[smem:$0x3FB6] =	sst s0  }
0x18: {  	s0 =	sld [smem:$0x3F99];
	_ =	swait.ge [sflag:s4], $0x0  }
0x19: {  	s7 =	sld [smem:$0x3F9A]  }
0x1a: {  	s8 =	sadd.s32 $0xFFFFE003, lr  }
0x1b: {  	s9 =	sadd.s32 $0xFFFFFEF7, lr;
	s5 =	simm.s32 $0xFFFFFFFF;
	p2 =	slt.u32 s8, $0xFFFFF086  }
0x1c: {  	p1 =	slt.u32 s9, $0xF7A;
	s5 =	simm.s32 @!p2 $0x0  }
0x1d: {  	s5 =	simm.s32 @p1 $0x1;
	p0 =	seq.s32 s7, s2  }
0x1e: {  	s7 =	smul.u32 @!p0 $0xF7A, s2;
	p2 =	seq.s32 @!p0 s5, $0x0  }
0x1f: {  	s9 =	smul.u32 $0xF7A, s1;
	s8 =	simm.s32 @!p0 $0x1BF5;
	p2 =	por !p2, p0  }
0x20: {  	[sflag:s8] =	ssyncset.s32 @!p0 $0xFFFFF086;
	s6 =	sadd.s32 @!p0 s3, s7;
	s7 =	simm.s32 @!p0 $0x108  }
0x21: {  	s3 =	sadd.s32 s3, s9;
	s6 =	sadd.s32 @!p0 $0x88, s6;
	s7 =	simm.s32 @p2 $0x1082  }
0x22: {  	[simem:s7], [sflag:s8] =	dma.local @!p0 [hbm:s6], $0xF7A  }
0x23: {  	s9 =	sor.u32 $0xD0000000, s2;
	s6 =	simm.s32 $0x108;
	_ =	swait.ge @!p0 [sflag:s8], $0x0  }
0x24: {  	s3 =	sadd.s32 $0x88, s3;
	s6 =	simm.s32 @!p1 $0x1082;
	[sflag:s4] =	ssyncset.s32 $0xFFFFF086  }
0x25: {  	[simem:s6], [sflag:s4] =	dma.local [hbm:s3], $0xF7A  }
0x26: {  	[smem:$0x3F9A] =	sst s1;
	(tag) =	ssettag s2;
	_ =	strace s9  }
0x27: {  	s1 =	sld [smem:$0x3FAA]  }
0x28: {  	s2 =	sld [smem:$0x3FAB]  }
0x29: {  	s4 =	sld [smem:$0x3FAD]  }
0x2a: {  	p0 =	seq.s32 s5, $0x0;
	s5 =	sld [smem:$0x3FAE]  }
0x2b: {  	s6 =	sld [smem:$0x3FAF]  }
0x2c: {  	s7 =	sld [smem:$0x3FB0]  }
0x2d: {  	s3 =	simm.s32 $0x108;
	s8 =	sld [smem:$0x3FB1]  }
0x2e: {  	s3 =	simm.s32 @!p0 $0x1082;
	s9 =	sld [smem:$0x3FB2]  }
0x2f: {  	lr =	sadd.s32 s0, s3;
	s0 =	sld [smem:$0x3FA9]  }
0x30: {  	s3 =	sld [smem:$0x3FAC]  }
0x31: {  	[smem:$0x3FB5] =	sst s10  }
0x32: {  	s10 =	sld [smem:$0x3FB3];
	_ =	sdelay $0x3  }
0x33: {  	p0 =	seq.s32 s10, $0x1;
	s10 =	sld [smem:$0x3FB5];
	_ =	sdelay $0x3  }
0x34: {  	[smem:$0x3FB5] =	sst s10  }
0x35: {  	s10 =	sld [smem:$0x3FB4];
	_ =	sdelay $0x3  }
0x36: {  	p1 =	seq.s32 s10, $0x1;
	s10 =	sld [smem:$0x3FB5];
	_ =	sdelay $0x3  }
0x37: {  	[smem:$0x3FB5] =	sst s10  }
0x38: {  	s10 =	sld [smem:$0x3FB6]  }
0x39: {  	_ = 	snop;
	(pc) =	sbr.ind lr, $3  }
0x3a: {  	_ = 	snop  }
0x3b: {  	_ = 	snop  }
0x3c: {  	p2 =	seq.s32 s10, $0x1;
	s10 =	sld [smem:$0x3FB5]  }
0x3d: {  	_ =	shalt  }
0x3e: {  	_ =	shalt  }
0x3f: {  	_ =	shalt  }
0x40: {  	_ =	shalt  }
0x41: {  	_ =	shalt  }
0x42: {  	_ =	shalt  }
0x43: {  	_ =	shalt  }
0x44: {  	_ =	shalt  }
0x45: {  	_ =	shalt  }
0x46: {  	_ =	shalt  }
0x47: {  	_ =	shalt  }
0x48: {  	_ =	shalt  }
0x49: {  	_ =	shalt  }
0x4a: {  	_ =	shalt  }
0x4b: {  	_ =	shalt  }
0x4c: {  	_ =	shalt  }
0x4d: {  	_ =	shalt  }
0x4e: {  	_ =	shalt  }
0x4f: {  	_ =	shalt  }
0x50: {  	_ =	shalt  }
0x51: {  	_ =	shalt  }
0x52: {  	_ =	shalt  }
0x53: {  	_ =	shalt  }
0x54: {  	_ =	shalt  }
0x55: {  	_ =	shalt  }
0x56: {  	_ =	shalt  }
0x57: {  	_ =	shalt  }
0x58: {  	_ =	shalt  }
0x59: {  	_ =	shalt  }
0x5a: {  	_ =	shalt  }
0x5b: {  	_ =	shalt  }
0x5c: {  	_ =	shalt  }
0x5d: {  	_ =	shalt  }
0x5e: {  	_ =	shalt  }
0x5f: {  	_ =	shalt  }
0x60: {  	_ =	shalt  }
0x61: {  	_ =	shalt  }
0x62: {  	_ =	shalt  }
0x63: {  	_ =	shalt  }
0x64: {  	_ =	shalt  }
0x65: {  	_ =	shalt  }
0x66: {  	_ =	shalt  }
0x67: {  	_ =	shalt  }
0x68: {  	_ =	shalt  }
0x69: {  	_ =	shalt  }
0x6a: {  	_ =	shalt  }
0x6b: {  	_ =	shalt  }
0x6c: {  	_ =	shalt  }
0x6d: {  	_ =	shalt  }
0x6e: {  	_ =	shalt  }
0x6f: {  	_ =	shalt  }
0x70: {  	_ =	shalt  }
0x71: {  	_ =	shalt  }
0x72: {  	_ =	shalt  }
0x73: {  	_ =	shalt  }
0x74: {  	_ =	shalt  }
0x75: {  	_ =	shalt  }
0x76: {  	_ =	shalt  }
0x77: {  	_ =	shalt  }
0x78: {  	_ =	shalt  }
0x79: {  	_ =	shalt  }
0x7a: {  	_ =	shalt  }
0x7b: {  	_ =	shalt  }
0x7c: {  	_ =	shalt  }
0x7d: {  	_ =	shalt  }
0x7e: {  	_ =	shalt  }
0x7f: {  	_ =	shalt  }
0x80: {  	_ =	shalt  }
0x81: {  	_ =	shalt  }
0x82: {  	_ =	shalt  }
0x83: {  	_ =	shalt  }
0x84: {  	_ =	shalt  }
0x85: {  	_ =	shalt  }
0x86: {  	_ =	shalt  }
0x87: {  	_ =	shalt  }
.Lfunc_end0:
.L_simem_size_0:
called_computation_lowered:
.L_overlay_start_0:
0x88: {  	s2 =	sld [smem:$0x3FD9]  }
0x89: {  	s3 =	sld [smem:$0x3FFE];
	_ =	sdelay $0x1  }
0x8a: {  	s1 =	srdreg.scid  }
0x8b: {  	s0 =	sand.u32 $0x1, s1  }
0x8c: {  	s17 =	sshll.u32 s0, $0xA;
	s2 =	sadd.s32 s3, s2  }
0x8d: {  	s2 =	sadd.s32 s2, s17  }
0x8e: {  	[smem:$0x3FC1] =	sst s2  }
0x8f: {  	_ = 	snop  }
0x90: {  	s2 =	sld [smem:$0x3FD0];
	(tm) =	ssettm $0x1  }
0x91: {  	s18 =	sld [smem:$0x3FFB];
	_ =	sdelay $0x3  }
0x92: {  	_ =	strace s18  }
0x93: {  	s3 =	sld [smem:$0x3FFC];
	_ =	sdelay $0x3  }
0x94: {  	_ =	strace s3  }
0x95: {  	s3 =	sld [smem:$0x3FFD];
	_ =	sdelay $0x3  }
0x96: {  	_ =	strace s3  }
0x97: {  	_ =	strace $0x8FFFFFFF  }
0x98: {  	s19 =	sld [smem:$0x3FDB];
	_ =	sdelay $0x1  }
0x99: {  	s4 =	simm.s32 $_scs_section_size  }
0x9a: {  	s5 =	simm.s32 $_size__tile_overlayer_lowered;
	s6 =	simm.s32 $_tile_overlayer_lowered  }
0x9b: {  	s22 =	simm.s32 $0x1BFF;
	s21 =	sshll.u32 s6, $0x1;
	s3 =	sadd.s32 s4, s19  }
0x9c: {  	s7 =	simm.s32 $0x0;
	s20 =	sshll.u32 s5, $0x1;
	s5 =	sadd.s32 s21, s3  }
0x9d: {  	[timem:s7], [sflag:s22] =	dma.local [hbm:s5], s20  }
0x9e: {  	_ =	swait.ge [sflag:s22], s20  }
0x9f: {  	s4 =	ssub.s32 $0x0, s20;
	[sflag:s22] =	ssyncset.done $0x0  }
0xa0: {  	[sflag:s22] =	ssyncadd.s32 s4;
	_ =	sdelay $0x1  }
0xa1: {  	s23 =	simm.s32 $0x1B8B  }
0xa2: {  	_ =	swait.ge [sflag:s23], $0x1  }
0xa3: {  	[sflag:s23] =	ssyncset.done $0x0  }
0xa4: {  	s25 =	simm.s32 $0x1B8E;
	s24 =	sld [smem:$0x3FFE];
	[sflag:s23] =	ssyncadd.s32 $0xFFFFFFFF  }
0xa5: {  	s26 =	simm.s32 $execute0_lowered;
	[smem:$0x3FD2] =	sst s25  }
0xa6: {  	s5 =	sshll.u32 s26, $0x1;
	_ =	strace $0x80000046;
	[dreg:$0x1] =	wrdreg $0xFFFFFFFF  }
0xa7: {  	s28 =	simm.s32 $_size_execute0_lowered;
	s3 =	sadd.s32 s3, s5;
	[dreg:$0x0] =	wrdreg $0x0  }
0xa8: {  	s5 =	sshll.u32 s28, $0x1;
	[dreg:$0x2] =	wrdreg s3  }
0xa9: {  	[dreg:$0x3] =	wrdreg s5  }
0xaa: {  	[dreg:$0x4] =	wrdreg $0xC0  }
0xab: {  	_ =	task [dreg:s7], $0x5FFFF  }
0xac: {  	[dreg:$0x1] =	wrdreg $0xFFFFFFFF  }
0xad: {  	[dreg:$0x0] =	wrdreg $0x60  }
0xae: {  	[dreg:$0x2] =	wrdreg s2  }
0xaf: {  	[dreg:$0x3] =	wrdreg s24  }
0xb0: {  	[dreg:$0x4] =	wrdreg $0x53000  }
0xb1: {  	[dreg:$0x5] =	wrdreg $0x9  }
0xb2: {  	_ =	task.clear_ibuf [dreg:s7], $0x6FFFF;
	_ =	strace $0x90000046  }
0xb3: {  	s29 =	simm.s32 $0x9;
	_ =	strace $0x80000048  }
0xb4: {  	_ =	swait.ge [sflag:s29], $0x1  }
0xb5: {  	[sflag:s29] =	ssyncadd.s32 $0xFFFFFFFF  }
0xb6: {  	_ =	strace $0x90000048  }
0xb7: {  	_ =	sfence  }
0xb8: {  	s30 =	sld [smem:$0x0];
	_ =	sdelay $0x2  }
0xb9: {  	s31 =	sshll.u32 s1, $0xD;
	s1 =	sshrl.u32 s1, $0x2  }
0xba: {  	s3 =	sand.u32 $0x4000, s31;
	s1 =	sadd.s32 s1, s30  }
0xbb: {  	s0 =	sor.u32 s3, s0;
	s1 =	sshll.u32 s1, $0x11  }
0xbc: {  	s0 =	sor.u32 s1, s0  }
0xbd: {  	s0 =	sadd.s32 $0x8F2B, s0  }
0xbe: {  	[sflag:s0] =	ssyncadd.remote.s32 $0x1  }
0xbf: {  	_ =	sfence.sel $0xFFFF  }
0xc0: {  	[dreg:$0x0] =	wrdreg $0xFFFFFFFF;
	(pc) =	sbr.abs _section_cstart, $3  }
0xc1: {  	[dreg:$0x1] =	wrdreg $0xFFFFFFFF  }
0xc2: {  	_ =	task.clear_ibuf [dreg:s7], $0x2FFFF;
	_ =	strace $0x9FFFFFFF  }
0xc3: {  	(tm) =	ssettm $0x7FFFFFFF  }
tec
execute0_lowered:
.L_overlay_start_1:
0x0: {  	(tag) =	ssettag $0x1  }
0x1: {  	s6 =	rddreg [dreg:$0x0]  }
0x2: {  	s7 =	rddreg [dreg:$0x1]  }
0x3: {  	s1 =	srdreg.scid;
	s0 =	stileid.u32  }
0x4: {  	s2 =	rddreg [dreg:$0x2];
	s9 =	smul.u32 $0x280, s0  }
0x5: {  	s3 =	simm.s32 $0x0;
	s8 =	sand.u32 $0x1, s1;
	s12 =	smul.u32 $0x5000, s0  }
0x6: {  	s14 =	simm.s32 $0x0;
	s1 =	rddreg [dreg:$0x3];
	s10 =	smul.u32 $0x2800, s8  }
0x7: {  	[smem:$0x7FF] =	sst s3;
	s4 =	sadd.s32 $0x17800, s7;
	s11 =	smul.u32 $0x50000, s8  }
0x8: {  	s5 =	sadd.s32 $0x17A00, s7;
	_ =	strace $0x80000047;
	s8 =	ssub.s32 $0x2, s8  }
0x9: {  	s13 =	sshrl.u32 s8, $0x1;
	s10 =	sadd.s32 s9, s10;
	s11 =	sadd.s32 s12, s11  }
0xa: {  	s30 =	ssub.s32 s8, s13;
	s12 =	simm.s32 $0x5080;
	s13 =	simm.s32 $0x80  }
0xb: {  	s10 =	sshrl.u32 s10, $0x3;
	s31 =	sshrl.u32 s11, $0x3;
	s11 =	simm.s32 $0x5000  }
0xc: {  	s10 =	sadd.s32 s10, s7;
	s6 =	sadd.s32 s6, s31;
	s7 =	sadd.s32 s9, s2  }
0xd: {  	s9 =	smax.u32 s30, $0x1;
	s8 =	sadd.s32 $0x17C00, s10;
	s10 =	simm.s32 $0x1  }
.LBB2_1:
0xe: {  	[tilespmem:s3], [sflag:$0x1] =	stream.linear.gather [hbm4b:s6+s3], $0x5000, $0x38;
	[tilespmem:$0x5580] =	vst v63  }
0xf: {  	_ =	swait.ge [sflag:s10], $0x5000  }
0x10: {  	[sflag:s10] =	ssyncset.done $0x0  }
0x11: {  	[sflag:s10] =	ssyncadd.s32 $0xFFFFB000  }
0x12: {  	[tilespmem:s11], [sflag:$0x1] =	stream.linear.gather [hbm4b:s5+s3], $0x80, $0x38;
	[tilespmem:$0x5580] =	vst v63  }
0x13: {  	_ =	swait.ge [sflag:s10], $0x80  }
0x14: {  	[sflag:s10] =	ssyncset.done $0x0  }
0x15: {  	[sflag:s10] =	ssyncadd.s32 $0xFFFFFF80  }
0x16: {  	[tilespmem:s12], [sflag:$0x1] =	stream.linear.gather [hbm4b:s4+s3], $0x280, $0x38;
	[tilespmem:$0x5580] =	vst v63  }
0x17: {  	_ =	swait.ge [sflag:s10], $0x280  }
0x18: {  	[sflag:s10] =	ssyncset.done $0x0  }
0x19: {  	[sflag:s10] =	ssyncadd.s32 $0xFFFFFD80  }
0x1a: {  	[spmem:s7] =	stream.linear.scatter [tilespmem:s12], [sflag:$0x1], $0x280, $0x38;
	[tilespmem:$0x5580] =	vst v63  }
0x1b: {  	_ =	swait.ge [sflag:s10], $0x280  }
0x1c: {  	[sflag:s10] =	ssyncset.done $0x0  }
0x1d: {  	[sflag:s10] =	ssyncadd.s32 $0xFFFFFD80  }
0x1e: {  	s15 =	simm.s32 $0x0;
	[bflag:$0x0] =	sbarrier.arrive $0xFFFF  }
0x1f: {  	[spmem:s2] =	stream.indirect.scatter.add.f32 [tilespmem:s11], [sflag:$0x1], $0x1, s15, s13, $0xb8;
	[tilespmem:$0x5580] =	vst v63  }
0x20: {  	_ =	swait.ge [sflag:s10], $0x80  }
0x21: {  	s15 =	simm.s32 $0x200;
	[sflag:s10] =	ssyncset.done $0x0  }
.LBB2_2:
0x22: {  	s16 =	sshra.s32 s15, $0x2;
	[sflag:s10] =	ssyncadd.s32 $0xFFFFFF80;
	p0 =	sne.s32 s15, $0x13E00  }
0x23: {  	[spmem:s2] =	stream.indirect.scatter.add.f32 [tilespmem:s11], [sflag:$0x1], $0x1, s16, s13, $0xb8;
	[tilespmem:$0x5580] =	vst v63  }
.Ltmp0:
0x24: {  	_ = 	snop;
	(pc) =	sbr.rel @p0 .LBB2_2-.Ltmp0, $4  }
0x25: {  	_ = 	snop  }
0x26: {  	s15 =	sadd.s32 $0x200, s15  }
0x27: {  	_ =	swait.ge [sflag:s10], $0x80  }
0x28: {  	[sflag:s10] =	ssyncset.done $0x0  }
0x29: {  	[sflag:s10] =	ssyncadd.s32 $0xFFFFFF80  }
0x2a: {  	[bflag:$0x0] =	sbarrier.arrive $0xFFFF  }
0x2b: {  	[tilespmem:s12], [sflag:$0x1] =	stream.linear.gather [spmem:s7], $0x280, $0x38;
	[tilespmem:$0x5580] =	vst v63  }
0x2c: {  	s14 =	sadd.s32 $0x1, s14;
	_ =	swait.ge [sflag:s10], $0x280  }
0x2d: {  	p0 =	sne.s32 s14, s9;
	[sflag:s10] =	ssyncset.done $0x0  }
.Ltmp1:
0x2e: {  	[sflag:s10] =	ssyncadd.s32 $0xFFFFFD80;
	(pc) =	sbr.rel @p0 .LBB2_1-.Ltmp1, $4  }
0x2f: {  	[hbm4b:s8+s3] =	stream.linear.scatter [tilespmem:s12], [sflag:$0x1], $0x280, $0x38;
	[tilespmem:$0x5580] =	vst v63  }
0x30: {  	_ =	swait.ge [sflag:s10], $0x280  }
0x31: {  	[sflag:s10] =	ssyncset.done $0x0  }
0x32: {  	[sflag:s10] =	ssyncadd.s32 $0xFFFFFD80  }
0x33: {  	_ =	sfence.sel $0x180000  }
0x34: {  	[bflag:$0x0] =	sbarrier.arrive $0xFFFF  }
0x35: {  	p0 =	sne.s32 s0, $0x0;
	_ =	strace $0x90000047  }
0x36: {  	s0 =	sadd.s32 @!p0 $0x100000, s1;
	[bflag:$0x2] =	sbarrier.arrive $0xFFFF  }
0x37: {  	[sflag:s0] =	ssyncadd.tile.s32 @!p0 $0x1;
	_ =	shalt  }
.Lfunc_end2:
_tile_overlayer_lowered:
.L_overlay_start_2:
0x38: {  	(tag) =	ssettag $0x2  }
0x39: {  	s0 =	rddreg [dreg:$0x0];
	s2 =	stileid.u32  }
0x3a: {  	s1 =	rddreg [dreg:$0x1];
	p0 =	sne.s32 s2, $0x0  }
0x3b: {  	s3 =	rddreg [dreg:$0x2];
	[bflag:$0x3] =	sbarrier.arrive $0xFFFF;
	s2 =	simm.s32 @!p0 $0x1C01  }
0x3c: {  	[timem:s3], [sflag:s2] =	dma.local @!p0 [hbm:s0], s1  }
0x3d: {  	s0 =	simm.s32 @!p0 $0x1  }
0x3e: {  	_ =	swait.ge @!p0 [sflag:s0], s1  }
0x3f: {  	s1 =	ssub.s32 @!p0 $0x0, s1;
	[sflag:s0] =	ssyncset.done @!p0 $0x0  }
0x40: {  	[sflag:s0] =	ssyncadd.s32 @!p0 s1  }
0x41: {  	[bflag:$0x3] =	sbarrier.arrive $0xFFFF  }
0x42: {  	_ =	shalt  }

// kernel: kernel.13.cloned.1.call-start
scs
__scs_entry_jumppad:
0x0: {  	(pc) =	sbr.rel $0x88, $3  }
0x1: {  	(tag) =	ssettag $0x0;
	lr =	simm.s32 $0x1  }
0x2: {  	[smem:$0x3F9A] =	sst lr;
	_ =	strace $0xD0000000  }
0x3: {  	_ = 	snop  }
0x4: {  	_ = 	snop  }
0x5: {  	_ = 	snop  }
0x6: {  	_ = 	snop  }
0x7: {  	_ = 	snop  }
__scs_overlays_trampoline_lowered:
0x8: {  	[smem:$0x3FA9] =	sst s0  }
0x9: {  	[smem:$0x3FAA] =	sst s1  }
0xa: {  	[smem:$0x3FAB] =	sst s2  }
0xb: {  	[smem:$0x3FAC] =	sst s3  }
0xc: {  	[smem:$0x3FAD] =	sst s4  }
0xd: {  	[smem:$0x3FAE] =	sst s5  }
0xe: {  	[smem:$0x3FAF] =	sst s6  }
0xf: {  	[smem:$0x3FB0] =	sst s7  }
0x10: {  	[smem:$0x3FB1] =	sst s8  }
0x11: {  	[smem:$0x3FB2] =	sst s9;
	s0 =	simm.s32 @!p0 $0x0  }
0x12: {  	s1 =	sld [smem:$0x3F98];
	s0 =	simm.s32 @p0 $0x1  }
0x13: {  	[smem:$0x3FB3] =	sst s0;
	s0 =	simm.s32 @!p1 $0x0  }
0x14: {  	s2 =	sld [smem:$0x3F97];
	s0 =	simm.s32 @p1 $0x1  }
0x15: {  	[smem:$0x3FB4] =	sst s0;
	s0 =	simm.s32 @!p2 $0x0  }
0x16: {  	s3 =	sld [smem:$0x3FDB];
	s0 =	simm.s32 @p2 $0x1  }
0x17: {  	s4 =	simm.s32 $0x1BF5;
	[smem:$0x3FB6] =	sst s0  }
0x18: {  	s0 =	sld [smem:$0x3F99];
	_ =	swait.ge [sflag:s4], $0x0  }
0x19: {  	s7 =	sld [smem:$0x3F9A]  }
0x1a: {  	s8 =	sadd.s32 $0xFFFFE003, lr  }
0x1b: {  	s9 =	sadd.s32 $0xFFFFFEF7, lr;
	s5 =	simm.s32 $0xFFFFFFFF;
	p2 =	slt.u32 s8, $0xFFFFF086  }
0x1c: {  	p1 =	slt.u32 s9, $0xF7A;
	s5 =	simm.s32 @!p2 $0x0  }
0x1d: {  	s5 =	simm.s32 @p1 $0x1;
	p0 =	seq.s32 s7, s2  }
0x1e: {  	s7 =	smul.u32 @!p0 $0xF7A, s2;
	p2 =	seq.s32 @!p0 s5, $0x0  }
0x1f: {  	s9 =	smul.u32 $0xF7A, s1;
	s8 =	simm.s32 @!p0 $0x1BF5;
	p2 =	por !p2, p0  }
0x20: {  	[sflag:s8] =	ssyncset.s32 @!p0 $0xFFFFF086;
	s6 =	sadd.s32 @!p0 s3, s7;
	s7 =	simm.s32 @!p0 $0x108  }
0x21: {  	s3 =	sadd.s32 s3, s9;
	s6 =	sadd.s32 @!p0 $0x88, s6;
	s7 =	simm.s32 @p2 $0x1082  }
0x22: {  	[simem:s7], [sflag:s8] =	dma.local @!p0 [hbm:s6], $0xF7A  }
0x23: {  	s9 =	sor.u32 $0xD0000000, s2;
	s6 =	simm.s32 $0x108;
	_ =	swait.ge @!p0 [sflag:s8], $0x0  }
0x24: {  	s3 =	sadd.s32 $0x88, s3;
	s6 =	simm.s32 @!p1 $0x1082;
	[sflag:s4] =	ssyncset.s32 $0xFFFFF086  }
0x25: {  	[simem:s6], [sflag:s4] =	dma.local [hbm:s3], $0xF7A  }
0x26: {  	[smem:$0x3F9A] =	sst s1;
	(tag) =	ssettag s2;
	_ =	strace s9  }
0x27: {  	s1 =	sld [smem:$0x3FAA]  }
0x28: {  	s2 =	sld [smem:$0x3FAB]  }
0x29: {  	s4 =	sld [smem:$0x3FAD]  }
0x2a: {  	p0 =	seq.s32 s5, $0x0;
	s5 =	sld [smem:$0x3FAE]  }
0x2b: {  	s6 =	sld [smem:$0x3FAF]  }
0x2c: {  	s7 =	sld [smem:$0x3FB0]  }
0x2d: {  	s3 =	simm.s32 $0x108;
	s8 =	sld [smem:$0x3FB1]  }
0x2e: {  	s3 =	simm.s32 @!p0 $0x1082;
	s9 =	sld [smem:$0x3FB2]  }
0x2f: {  	lr =	sadd.s32 s0, s3;
	s0 =	sld [smem:$0x3FA9]  }
0x30: {  	s3 =	sld [smem:$0x3FAC]  }
0x31: {  	[smem:$0x3FB5] =	sst s10  }
0x32: {  	s10 =	sld [smem:$0x3FB3];
	_ =	sdelay $0x3  }
0x33: {  	p0 =	seq.s32 s10, $0x1;
	s10 =	sld [smem:$0x3FB5];
	_ =	sdelay $0x3  }
0x34: {  	[smem:$0x3FB5] =	sst s10  }
0x35: {  	s10 =	sld [smem:$0x3FB4];
	_ =	sdelay $0x3  }
0x36: {  	p1 =	seq.s32 s10, $0x1;
	s10 =	sld [smem:$0x3FB5];
	_ =	sdelay $0x3  }
0x37: {  	[smem:$0x3FB5] =	sst s10  }
0x38: {  	s10 =	sld [smem:$0x3FB6]  }
0x39: {  	_ = 	snop;
	(pc) =	sbr.ind lr, $3  }
0x3a: {  	_ = 	snop  }
0x3b: {  	_ = 	snop  }
0x3c: {  	p2 =	seq.s32 s10, $0x1;
	s10 =	sld [smem:$0x3FB5]  }
0x3d: {  	_ =	shalt  }
0x3e: {  	_ =	shalt  }
0x3f: {  	_ =	shalt  }
0x40: {  	_ =	shalt  }
0x41: {  	_ =	shalt  }
0x42: {  	_ =	shalt  }
0x43: {  	_ =	shalt  }
0x44: {  	_ =	shalt  }
0x45: {  	_ =	shalt  }
0x46: {  	_ =	shalt  }
0x47: {  	_ =	shalt  }
0x48: {  	_ =	shalt  }
0x49: {  	_ =	shalt  }
0x4a: {  	_ =	shalt  }
0x4b: {  	_ =	shalt  }
0x4c: {  	_ =	shalt  }
0x4d: {  	_ =	shalt  }
0x4e: {  	_ =	shalt  }
0x4f: {  	_ =	shalt  }
0x50: {  	_ =	shalt  }
0x51: {  	_ =	shalt  }
0x52: {  	_ =	shalt  }
0x53: {  	_ =	shalt  }
0x54: {  	_ =	shalt  }
0x55: {  	_ =	shalt  }
0x56: {  	_ =	shalt  }
0x57: {  	_ =	shalt  }
0x58: {  	_ =	shalt  }
0x59: {  	_ =	shalt  }
0x5a: {  	_ =	shalt  }
0x5b: {  	_ =	shalt  }
0x5c: {  	_ =	shalt  }
0x5d: {  	_ =	shalt  }
0x5e: {  	_ =	shalt  }
0x5f: {  	_ =	shalt  }
0x60: {  	_ =	shalt  }
0x61: {  	_ =	shalt  }
0x62: {  	_ =	shalt  }
0x63: {  	_ =	shalt  }
0x64: {  	_ =	shalt  }
0x65: {  	_ =	shalt  }
0x66: {  	_ =	shalt  }
0x67: {  	_ =	shalt  }
0x68: {  	_ =	shalt  }
0x69: {  	_ =	shalt  }
0x6a: {  	_ =	shalt  }
0x6b: {  	_ =	shalt  }
0x6c: {  	_ =	shalt  }
0x6d: {  	_ =	shalt  }
0x6e: {  	_ =	shalt  }
0x6f: {  	_ =	shalt  }
0x70: {  	_ =	shalt  }
0x71: {  	_ =	shalt  }
0x72: {  	_ =	shalt  }
0x73: {  	_ =	shalt  }
0x74: {  	_ =	shalt  }
0x75: {  	_ =	shalt  }
0x76: {  	_ =	shalt  }
0x77: {  	_ =	shalt  }
0x78: {  	_ =	shalt  }
0x79: {  	_ =	shalt  }
0x7a: {  	_ =	shalt  }
0x7b: {  	_ =	shalt  }
0x7c: {  	_ =	shalt  }
0x7d: {  	_ =	shalt  }
0x7e: {  	_ =	shalt  }
0x7f: {  	_ =	shalt  }
0x80: {  	_ =	shalt  }
0x81: {  	_ =	shalt  }
0x82: {  	_ =	shalt  }
0x83: {  	_ =	shalt  }
0x84: {  	_ =	shalt  }
0x85: {  	_ =	shalt  }
0x86: {  	_ =	shalt  }
0x87: {  	_ =	shalt  }
.Lfunc_end0:
.L_simem_size_0:
called_computation.1_lowered:
.L_overlay_start_0:
0x88: {  	s2 =	sld [smem:$0x3FD9]  }
0x89: {  	s3 =	sld [smem:$0x3FFE];
	_ =	sdelay $0x1  }
0x8a: {  	s1 =	srdreg.scid  }
0x8b: {  	s0 =	sand.u32 $0x1, s1  }
0x8c: {  	s17 =	sshll.u32 s0, $0xA;
	s2 =	sadd.s32 s3, s2  }
0x8d: {  	s2 =	sadd.s32 s2, s17  }
0x8e: {  	[smem:$0x3FC1] =	sst s2  }
0x8f: {  	_ = 	snop  }
0x90: {  	s2 =	sld [smem:$0x3FD0];
	(tm) =	ssettm $0x1  }
0x91: {  	s18 =	sld [smem:$0x3FFB];
	_ =	sdelay $0x3  }
0x92: {  	_ =	strace s18  }
0x93: {  	s3 =	sld [smem:$0x3FFC];
	_ =	sdelay $0x3  }
0x94: {  	_ =	strace s3  }
0x95: {  	s3 =	sld [smem:$0x3FFD];
	_ =	sdelay $0x3  }
0x96: {  	_ =	strace s3  }
0x97: {  	_ =	strace $0x8FFFFFFF  }
0x98: {  	s19 =	sld [smem:$0x3FDB];
	_ =	sdelay $0x1  }
0x99: {  	s4 =	simm.s32 $_scs_section_size  }
0x9a: {  	s5 =	simm.s32 $_size__tile_overlayer_lowered;
	s6 =	simm.s32 $_tile_overlayer_lowered  }
0x9b: {  	s22 =	simm.s32 $0x1BFF;
	s21 =	sshll.u32 s6, $0x1;
	s3 =	sadd.s32 s4, s19  }
0x9c: {  	s7 =	simm.s32 $0x0;
	s20 =	sshll.u32 s5, $0x1;
	s5 =	sadd.s32 s21, s3  }
0x9d: {  	[timem:s7], [sflag:s22] =	dma.local [hbm:s5], s20  }
0x9e: {  	_ =	swait.ge [sflag:s22], s20  }
0x9f: {  	s4 =	ssub.s32 $0x0, s20;
	[sflag:s22] =	ssyncset.done $0x0  }
0xa0: {  	[sflag:s22] =	ssyncadd.s32 s4;
	_ =	sdelay $0x1  }
0xa1: {  	s23 =	simm.s32 $0x1B8B  }
0xa2: {  	_ =	swait.ge [sflag:s23], $0x1  }
0xa3: {  	[sflag:s23] =	ssyncset.done $0x0  }
0xa4: {  	s25 =	simm.s32 $0x1B8E;
	s24 =	sld [smem:$0x3FFE];
	[sflag:s23] =	ssyncadd.s32 $0xFFFFFFFF  }
0xa5: {  	s26 =	simm.s32 $execute0_lowered;
	[smem:$0x3FD2] =	sst s25  }
0xa6: {  	s5 =	sshll.u32 s26, $0x1;
	_ =	strace $0x80000049;
	[dreg:$0x1] =	wrdreg $0xFFFFFFFF  }
0xa7: {  	s28 =	simm.s32 $_size_execute0_lowered;
	s3 =	sadd.s32 s3, s5;
	[dreg:$0x0] =	wrdreg $0x0  }
0xa8: {  	s5 =	sshll.u32 s28, $0x1;
	[dreg:$0x2] =	wrdreg s3  }
0xa9: {  	[dreg:$0x3] =	wrdreg s5  }
0xaa: {  	[dreg:$0x4] =	wrdreg $0xC0  }
0xab: {  	_ =	task [dreg:s7], $0x5FFFF  }
0xac: {  	[dreg:$0x1] =	wrdreg $0xFFFFFFFF  }
0xad: {  	[dreg:$0x0] =	wrdreg $0x60  }
0xae: {  	[dreg:$0x2] =	wrdreg s24  }
0xaf: {  	[dreg:$0x3] =	wrdreg s2  }
0xb0: {  	[dreg:$0x4] =	wrdreg $0xA8000  }
0xb1: {  	[dreg:$0x5] =	wrdreg $0x9  }
0xb2: {  	_ =	task.clear_ibuf [dreg:s7], $0x6FFFF;
	_ =	strace $0x90000049  }
0xb3: {  	s29 =	simm.s32 $0x9;
	_ =	strace $0x8000004B  }
0xb4: {  	_ =	swait.ge [sflag:s29], $0x1  }
0xb5: {  	[sflag:s29] =	ssyncadd.s32 $0xFFFFFFFF  }
0xb6: {  	_ =	strace $0x9000004B  }
0xb7: {  	_ =	sfence  }
0xb8: {  	s30 =	sld [smem:$0x0];
	_ =	sdelay $0x2  }
0xb9: {  	s31 =	sshll.u32 s1, $0xD;
	s1 =	sshrl.u32 s1, $0x2  }
0xba: {  	s3 =	sand.u32 $0x4000, s31;
	s1 =	sadd.s32 s1, s30  }
0xbb: {  	s0 =	sor.u32 s3, s0;
	s1 =	sshll.u32 s1, $0x11  }
0xbc: {  	s0 =	sor.u32 s1, s0  }
0xbd: {  	s0 =	sadd.s32 $0x8F2B, s0  }
0xbe: {  	[sflag:s0] =	ssyncadd.remote.s32 $0x1  }
0xbf: {  	_ =	sfence.sel $0xFFFF  }
0xc0: {  	[dreg:$0x0] =	wrdreg $0xFFFFFFFF;
	(pc) =	sbr.abs _section_cstart, $3  }
0xc1: {  	[dreg:$0x1] =	wrdreg $0xFFFFFFFF  }
0xc2: {  	_ =	task.clear_ibuf [dreg:s7], $0x2FFFF;
	_ =	strace $0x9FFFFFFF  }
0xc3: {  	(tm) =	ssettm $0x7FFFFFFF  }
tec
execute0_lowered:
.L_overlay_start_1:
0x0: {  	(tag) =	ssettag $0x1  }
0x1: {  	s0 =	rddreg [dreg:$0x0]  }
0x2: {  	s2 =	rddreg [dreg:$0x2]  }
0x3: {  	s1 =	srdreg.scid;
	s4 =	simm.s32 $0x0;
	s11 =	stileid.u32  }
0x4: {  	s28 =	simm.s32 $0x2;
	s29 =	simm.s32 $0x2600;
	s30 =	simm.s32 $0x1300  }
0x5: {  	s31 =	simm.s32 $0x2680;
	s1 =	sand.u32 $0x1, s1;
	[smem:$0x7FF] =	sst s4  }
0x6: {  	s5 =	sadd.s32 $0x17800, s0;
	s6 =	sadd.s32 $0x3800, s0;
	s9 =	smul.u32 $0x50000, s11  }
0x7: {  	s7 =	sadd.s32 $0xD800, s0;
	s13 =	smul.u32 $0x14000, s11;
	s0 =	sadd.s32 $0x3F800, s0  }
0x8: {  	s3 =	sshll.u32 s1, $0x4;
	_ =	strace $0x8000004A;
	s8 =	ssub.s32 $0x2, s1  }
0x9: {  	s1 =	smul.u32 $0x140000, s1;
	s3 =	sor.u32 s11, s3;
	s10 =	sshrl.u32 s8, $0x1  }
0xa: {  	s22 =	sshrl.u32 s9, $0x2;
	s14 =	sadd.s32 $0x4000, s13;
	s17 =	sadd.s32 $0x8000, s13  }
0xb: {  	s18 =	sadd.s32 $0xC000, s13;
	s3 =	smul.u32 $0x2800, s3;
	s20 =	ssub.s32 s8, s10  }
0xc: {  	s8 =	sadd.s32 s22, s2;
	s9 =	sadd.s32 s14, s2;
	s10 =	sadd.s32 s17, s2  }
0xd: {  	s11 =	sadd.s32 s18, s2;
	s14 =	sadd.s32 s1, s14;
	s25 =	sadd.s32 s1, s17  }
0xe: {  	s26 =	sadd.s32 s1, s18;
	s22 =	simm.s32 $0x1400;
	s3 =	sshrl.u32 s3, $0x3  }
0xf: {  	s24 =	sshrl.u32 s14, $0x3;
	s20 =	smax.u32 s20, $0x1;
	s19 =	sadd.s32 s6, s3  }
0x10: {  	s16 =	sadd.s32 s0, s24;
	s21 =	sadd.s32 s7, s3;
	[dreg:$0x4] =	wrdreg s19  }
0x11: {  	s24 =	simm.s32 $0x6800;
	s3 =	sadd.s32 $0x280, s3;
	[dreg:$0x5] =	wrdreg s21  }
0x12: {  	s19 =	sadd.s32 $0x10000, s13;
	s13 =	sadd.s32 s13, s1;
	s6 =	sadd.s32 s6, s3  }
0x13: {  	s3 =	sadd.s32 s7, s3;
	s21 =	simm.s32 $0x3;
	[dreg:$0x6] =	wrdreg s6  }
0x14: {  	s12 =	sadd.s32 s19, s2;
	s23 =	sshrl.u32 s13, $0x3;
	[dreg:$0x7] =	wrdreg s3  }
0x15: {  	s1 =	sadd.s32 s1, s19;
	s3 =	sshrl.u32 s25, $0x3;
	s6 =	sshrl.u32 s26, $0x3  }
0x16: {  	s25 =	simm.s32 $0x2800;
	s26 =	simm.s32 $0x1;
	s15 =	sadd.s32 s0, s23  }
0x17: {  	s1 =	sshrl.u32 s1, $0x3;
	s17 =	sadd.s32 s0, s3;
	s18 =	sadd.s32 s0, s6  }
0x18: {  	s23 =	simm.s32 $0x80;
	s3 =	simm.s32 $0x2700;
	s6 =	simm.s32 $0x0  }
0x19: {  	s19 =	sadd.s32 s0, s1;
	s0 =	simm.s32 $0x1380;
	s1 =	simm.s32 $0x2780  }
.LBB2_1:
0x1a: {  	s7 =	rddreg [dreg:$0x4]  }
0x1b: {  	[tilespmem:s4], [sflag:$0x3] =	stream.linear.gather [hbm4b:s7+s4], $0x1400, $0x38;
	[tilespmem:$0x1E800] =	vst v63  }
0x1c: {  	_ =	swait.ge [sflag:s21], $0x1400  }
0x1d: {  	[sflag:s21] =	ssyncset.done $0x0  }
0x1e: {  	s14 =	rddreg [dreg:$0x5];
	[sflag:s21] =	ssyncadd.s32 $0xFFFFEC00  }
0x1f: {  	[tilespmem:s22], [sflag:$0x3] =	stream.linear.gather [hbm4b:s14+s4], $0x1400, $0x38;
	[tilespmem:$0x1E800] =	vst v63  }
0x20: {  	_ =	swait.ge [sflag:s21], $0x1400  }
0x21: {  	[sflag:s21] =	ssyncset.done $0x0  }
0x22: {  	[sflag:s21] =	ssyncadd.s32 $0xFFFFEC00  }
0x23: {  	[tilespmem:s24], [sflag:$0x2] =	stream.indirect.gather [hbm4b:s5+s23], $0x80, s23, s23, $0xb8;
	[tilespmem:$0x1E800] =	vst v63  }
0x24: {  	s13 =	rddreg [dreg:$0x1]  }
0x25: {  	[tilespmem:s25], [sflag:$0x3] =	stream.linear.gather [hbm4b:s13+s4], $0x4000, $0x38;
	[tilespmem:$0x1E800] =	vst v63  }
0x26: {  	_ =	swait.ge [sflag:s21], $0x4000  }
0x27: {  	[sflag:s21] =	ssyncset.done $0x0  }
0x28: {  	[sflag:s21] =	ssyncadd.s32 $0xFFFFC000  }
0x29: {  	[spmem:s8] =	stream.linear.scatter [tilespmem:s25], [sflag:$0x3], $0x4000, $0x38;
	[tilespmem:$0x1E800] =	vst v63  }
0x2a: {  	_ =	swait.ge [sflag:s21], $0x4000  }
0x2b: {  	[sflag:s21] =	ssyncset.done $0x0  }
0x2c: {  	[sflag:s21] =	ssyncadd.s32 $0xFFFFC000  }
0x2d: {  	[spmem:s9] =	stream.linear.scatter [tilespmem:s25], [sflag:$0x3], $0x4000, $0x38;
	[tilespmem:$0x1E800] =	vst v63  }
0x2e: {  	_ =	swait.ge [sflag:s21], $0x4000  }
0x2f: {  	[sflag:s21] =	ssyncset.done $0x0  }
0x30: {  	[sflag:s21] =	ssyncadd.s32 $0xFFFFC000  }
0x31: {  	[spmem:s10] =	stream.linear.scatter [tilespmem:s25], [sflag:$0x3], $0x4000, $0x38;
	[tilespmem:$0x1E800] =	vst v63  }
0x32: {  	_ =	swait.ge [sflag:s21], $0x4000  }
0x33: {  	[sflag:s21] =	ssyncset.done $0x0  }
0x34: {  	[sflag:s21] =	ssyncadd.s32 $0xFFFFC000  }
0x35: {  	[spmem:s11] =	stream.linear.scatter [tilespmem:s25], [sflag:$0x3], $0x4000, $0x38;
	[tilespmem:$0x1E800] =	vst v63  }
0x36: {  	_ =	swait.ge [sflag:s21], $0x4000  }
0x37: {  	[sflag:s21] =	ssyncset.done $0x0  }
0x38: {  	[sflag:s21] =	ssyncadd.s32 $0xFFFFC000  }
0x39: {  	[spmem:s12] =	stream.linear.scatter [tilespmem:s25], [sflag:$0x3], $0x4000, $0x38;
	[tilespmem:$0x1E800] =	vst v63  }
0x3a: {  	_ =	swait.ge [sflag:s21], $0x4000  }
0x3b: {  	[sflag:s21] =	ssyncset.done $0x0  }
0x3c: {  	[sflag:s21] =	ssyncadd.s32 $0xFFFFC000  }
0x3d: {  	[tilespmem:s25], [sflag:$0x1] =	stream.indirect.gather [hbm4b:s5+s23], $0x80, s4, s23, $0xb8;
	[tilespmem:$0x1E800] =	vst v63  }
0x3e: {  	[bflag:$0x0] =	sbarrier.arrive $0xFFFF  }
0x3f: {  	_ =	swait.ge [sflag:s26], $0x4000  }
0x40: {  	[sflag:s26] =	ssyncset.done $0x0  }
0x41: {  	s14 =	simm.s32 $0x1400;
	[sflag:s26] =	ssyncadd.s32 $0xFFFFC000  }
0x42: {  	[spmem:s2] =	stream.indirect.scatter.add.f32 [tilespmem:s25], [sflag:$0x3], $0x80, s14, s23, $0xb8;
	[tilespmem:$0x1E800] =	vst v63  }
0x43: {  	_ =	swait.ge [sflag:s21], $0x4000  }
0x44: {  	[sflag:s21] =	ssyncset.done $0x0  }
0x45: {  	s13 =	simm.s32 $0x100;
	[sflag:s21] =	ssyncadd.s32 $0xFFFFC000  }
0x46: {  	[tilespmem:s25], [sflag:$0x1] =	stream.indirect.gather [hbm4b:s5+s23], $0x80, s13, s23, $0xb8;
	[tilespmem:$0x1E800] =	vst v63  }
0x47: {  	_ =	swait.ge [sflag:s28], $0x4000  }
0x48: {  	[sflag:s28] =	ssyncset.done $0x0  }
0x49: {  	s14 =	simm.s32 $0x1480;
	[sflag:s28] =	ssyncadd.s32 $0xFFFFC000  }
0x4a: {  	[spmem:s2] =	stream.indirect.scatter.add.f32 [tilespmem:s24], [sflag:$0x3], $0x80, s14, s23, $0xb8;
	[tilespmem:$0x1E800] =	vst v63  }
0x4b: {  	_ =	swait.ge [sflag:s21], $0x4000  }
0x4c: {  	[sflag:s21] =	ssyncset.done $0x0  }
0x4d: {  	s7 =	simm.s32 $0x400;
	s13 =	simm.s32 $0x180;
	[sflag:s21] =	ssyncadd.s32 $0xFFFFC000  }
.LBB2_2:
0x4e: {  	[tilespmem:s24], [sflag:$0x2] =	stream.indirect.gather [hbm4b:s5+s23], $0x80, s13, s23, $0xb8;
	[tilespmem:$0x1E800] =	vst v63  }
0x4f: {  	s13 =	smov.u32 s7  }
0x50: {  	p0 =	sne.s32 s7, $0x4400;
	s7 =	sadd.s32 $0x400, s7;
	_ =	swait.ge [sflag:s26], $0x4000  }
0x51: {  	s13 =	sshra.s32 s13, $0x2;
	[sflag:s26] =	ssyncset.done $0x0  }
0x52: {  	s14 =	sadd.s32 $0x1400, s13;
	[sflag:s26] =	ssyncadd.s32 $0xFFFFC000  }
0x53: {  	[spmem:s2] =	stream.indirect.scatter.add.f32 [tilespmem:s25], [sflag:$0x3], $0x80, s14, s23, $0xb8;
	[tilespmem:$0x1E800] =	vst v63  }
0x54: {  	_ =	swait.ge [sflag:s21], $0x4000  }
0x55: {  	[sflag:s21] =	ssyncset.done $0x0  }
0x56: {  	s14 =	sadd.s32 $0x100, s13;
	[sflag:s21] =	ssyncadd.s32 $0xFFFFC000  }
0x57: {  	[tilespmem:s25], [sflag:$0x1] =	stream.indirect.gather [hbm4b:s5+s23], $0x80, s14, s23, $0xb8;
	[tilespmem:$0x1E800] =	vst v63  }
0x58: {  	_ =	swait.ge [sflag:s28], $0x4000  }
0x59: {  	[sflag:s28] =	ssyncset.done $0x0  }
.Ltmp0:
0x5a: {  	s14 =	sadd.s32 $0x1480, s13;
	[sflag:s28] =	ssyncadd.s32 $0xFFFFC000;
	(pc) =	sbr.rel @p0 .LBB2_2-.Ltmp0, $4  }
0x5b: {  	[spmem:s2] =	stream.indirect.scatter.add.f32 [tilespmem:s24], [sflag:$0x3], $0x80, s14, s23, $0xb8;
	[tilespmem:$0x1E800] =	vst v63  }
0x5c: {  	_ =	swait.ge [sflag:s21], $0x4000  }
0x5d: {  	[sflag:s21] =	ssyncset.done $0x0  }
0x5e: {  	s13 =	sadd.s32 $0x180, s13;
	[sflag:s21] =	ssyncadd.s32 $0xFFFFC000  }
0x5f: {  	[tilespmem:s24], [sflag:$0x2] =	stream.indirect.gather [hbm4b:s5+s23], $0x80, s13, s23, $0xb8;
	[tilespmem:$0x1E800] =	vst v63  }
0x60: {  	_ =	swait.ge [sflag:s26], $0x4000  }
0x61: {  	[sflag:s26] =	ssyncset.done $0x0  }
0x62: {  	[sflag:s26] =	ssyncadd.s32 $0xFFFFC000  }
0x63: {  	[spmem:s2] =	stream.indirect.scatter.add.f32 [tilespmem:s25], [sflag:$0x3], $0x80, s29, s23, $0xb8;
	[tilespmem:$0x1E800] =	vst v63  }
0x64: {  	_ =	swait.ge [sflag:s21], $0x4000  }
0x65: {  	[sflag:s21] =	ssyncset.done $0x0  }
0x66: {  	[sflag:s21] =	ssyncadd.s32 $0xFFFFC000  }
0x67: {  	[tilespmem:s25], [sflag:$0x1] =	stream.indirect.gather [hbm4b:s5+s23], $0x80, s30, s23, $0xb8;
	[tilespmem:$0x1E800] =	vst v63  }
0x68: {  	_ =	swait.ge [sflag:s28], $0x4000  }
0x69: {  	[sflag:s28] =	ssyncset.done $0x0  }
0x6a: {  	[sflag:s28] =	ssyncadd.s32 $0xFFFFC000  }
0x6b: {  	[spmem:s2] =	stream.indirect.scatter.add.f32 [tilespmem:s24], [sflag:$0x3], $0x80, s31, s23, $0xb8;
	[tilespmem:$0x1E800] =	vst v63  }
0x6c: {  	_ =	swait.ge [sflag:s21], $0x4000  }
0x6d: {  	[sflag:s21] =	ssyncset.done $0x0  }
0x6e: {  	[sflag:s21] =	ssyncadd.s32 $0xFFFFC000  }
0x6f: {  	[tilespmem:s24], [sflag:$0x2] =	stream.indirect.gather [hbm4b:s5+s23], $0x80, s0, s23, $0xb8;
	[tilespmem:$0x1E800] =	vst v63  }
0x70: {  	_ =	swait.ge [sflag:s26], $0x4000  }
0x71: {  	[sflag:s26] =	ssyncset.done $0x0  }
0x72: {  	[sflag:s26] =	ssyncadd.s32 $0xFFFFC000  }
0x73: {  	[spmem:s2] =	stream.indirect.scatter.add.f32 [tilespmem:s25], [sflag:$0x3], $0x80, s3, s23, $0xb8;
	[tilespmem:$0x1E800] =	vst v63  }
0x74: {  	_ =	swait.ge [sflag:s21], $0x4000  }
0x75: {  	[sflag:s21] =	ssyncset.done $0x0  }
0x76: {  	[sflag:s21] =	ssyncadd.s32 $0xFFFFC000  }
0x77: {  	[tilespmem:s25], [sflag:$0x1] =	stream.indirect.gather [hbm4b:s5+s23], $0x80, s0, s23, $0xb8;
	[tilespmem:$0x1E800] =	vst v63  }
0x78: {  	_ =	swait.ge [sflag:s28], $0x4000  }
0x79: {  	[sflag:s28] =	ssyncset.done $0x0  }
0x7a: {  	[sflag:s28] =	ssyncadd.s32 $0xFFFFC000  }
0x7b: {  	[spmem:s2] =	stream.indirect.scatter.add.f32 [tilespmem:s24], [sflag:$0x3], $0x80, s1, s23, $0xb8;
	[tilespmem:$0x1E800] =	vst v63  }
0x7c: {  	_ =	swait.ge [sflag:s21], $0x4000  }
0x7d: {  	[sflag:s21] =	ssyncset.done $0x0  }
0x7e: {  	[sflag:s21] =	ssyncadd.s32 $0xFFFFC000  }
0x7f: {  	[tilespmem:s24], [sflag:$0x2] =	stream.indirect.gather [hbm4b:s5+s23], $0x80, s0, s23, $0xb8;
	[tilespmem:$0x1E800] =	vst v63  }
0x80: {  	_ =	swait.ge [sflag:s26], $0x4000  }
0x81: {  	[sflag:s26] =	ssyncset.done $0x0  }
0x82: {  	[sflag:s26] =	ssyncadd.s32 $0xFFFFC000  }
0x83: {  	_ =	swait.ge [sflag:s28], $0x4000  }
0x84: {  	[sflag:s28] =	ssyncset.done $0x0  }
0x85: {  	s7 =	simm.s32 $0x0;
	s14 =	rddreg [dreg:$0x6];
	[sflag:s28] =	ssyncadd.s32 $0xFFFFC000  }
0x86: {  	[tilespmem:s7], [sflag:$0x3] =	stream.linear.gather [hbm4b:s14+s7], $0x1400, $0x38;
	[tilespmem:$0x1E800] =	vst v63  }
0x87: {  	_ =	swait.ge [sflag:s21], $0x1400  }
0x88: {  	[sflag:s21] =	ssyncset.done $0x0  }
0x89: {  	s14 =	rddreg [dreg:$0x7];
	[sflag:s21] =	ssyncadd.s32 $0xFFFFEC00  }
0x8a: {  	[tilespmem:s22], [sflag:$0x3] =	stream.linear.gather [hbm4b:s14+s7], $0x1400, $0x38;
	[tilespmem:$0x1E800] =	vst v63  }
0x8b: {  	_ =	swait.ge [sflag:s21], $0x1400  }
0x8c: {  	[sflag:s21] =	ssyncset.done $0x0  }
0x8d: {  	[sflag:s21] =	ssyncadd.s32 $0xFFFFEC00  }
0x8e: {  	[tilespmem:s25], [sflag:$0x1] =	stream.indirect.gather [hbm4b:s5+s23], $0x80, s7, s23, $0xb8;
	[tilespmem:$0x1E800] =	vst v63  }
0x8f: {  	_ = 	snop  }
0x90: {  	[tilespmem:s24], [sflag:$0x2] =	stream.indirect.gather [hbm4b:s5+s23], $0x80, s23, s23, $0xb8;
	[tilespmem:$0x1E800] =	vst v63  }
0x91: {  	_ =	swait.ge [sflag:s26], $0x4000  }
0x92: {  	[sflag:s26] =	ssyncset.done $0x0  }
0x93: {  	s14 =	simm.s32 $0x1400;
	[sflag:s26] =	ssyncadd.s32 $0xFFFFC000  }
0x94: {  	[spmem:s2] =	stream.indirect.scatter.add.f32 [tilespmem:s25], [sflag:$0x3], $0x80, s14, s23, $0xb8;
	[tilespmem:$0x1E800] =	vst v63  }
0x95: {  	_ =	swait.ge [sflag:s21], $0x4000  }
0x96: {  	[sflag:s21] =	ssyncset.done $0x0  }
0x97: {  	s13 =	simm.s32 $0x100;
	[sflag:s21] =	ssyncadd.s32 $0xFFFFC000  }
0x98: {  	[tilespmem:s25], [sflag:$0x1] =	stream.indirect.gather [hbm4b:s5+s23], $0x80, s13, s23, $0xb8;
	[tilespmem:$0x1E800] =	vst v63  }
0x99: {  	_ =	swait.ge [sflag:s28], $0x4000  }
0x9a: {  	[sflag:s28] =	ssyncset.done $0x0  }
0x9b: {  	s14 =	simm.s32 $0x1480;
	[sflag:s28] =	ssyncadd.s32 $0xFFFFC000  }
0x9c: {  	[spmem:s2] =	stream.indirect.scatter.add.f32 [tilespmem:s24], [sflag:$0x3], $0x80, s14, s23, $0xb8;
	[tilespmem:$0x1E800] =	vst v63  }
0x9d: {  	_ =	swait.ge [sflag:s21], $0x4000  }
0x9e: {  	[sflag:s21] =	ssyncset.done $0x0  }
0x9f: {  	s7 =	simm.s32 $0x400;
	s13 =	simm.s32 $0x180;
	[sflag:s21] =	ssyncadd.s32 $0xFFFFC000  }
.LBB2_4:
0xa0: {  	[tilespmem:s24], [sflag:$0x2] =	stream.indirect.gather [hbm4b:s5+s23], $0x80, s13, s23, $0xb8;
	[tilespmem:$0x1E800] =	vst v63  }
0xa1: {  	s13 =	smov.u32 s7  }
0xa2: {  	p0 =	sne.s32 s7, $0x4400;
	s7 =	sadd.s32 $0x400, s7;
	_ =	swait.ge [sflag:s26], $0x4000  }
0xa3: {  	s13 =	sshra.s32 s13, $0x2;
	[sflag:s26] =	ssyncset.done $0x0  }
0xa4: {  	s14 =	sadd.s32 $0x1400, s13;
	[sflag:s26] =	ssyncadd.s32 $0xFFFFC000  }
0xa5: {  	[spmem:s2] =	stream.indirect.scatter.add.f32 [tilespmem:s25], [sflag:$0x3], $0x80, s14, s23, $0xb8;
	[tilespmem:$0x1E800] =	vst v63  }
0xa6: {  	_ =	swait.ge [sflag:s21], $0x4000  }
0xa7: {  	[sflag:s21] =	ssyncset.done $0x0  }
0xa8: {  	s14 =	sadd.s32 $0x100, s13;
	[sflag:s21] =	ssyncadd.s32 $0xFFFFC000  }
0xa9: {  	[tilespmem:s25], [sflag:$0x1] =	stream.indirect.gather [hbm4b:s5+s23], $0x80, s14, s23, $0xb8;
	[tilespmem:$0x1E800] =	vst v63  }
0xaa: {  	_ =	swait.ge [sflag:s28], $0x4000  }
0xab: {  	[sflag:s28] =	ssyncset.done $0x0  }
.Ltmp1:
0xac: {  	s14 =	sadd.s32 $0x1480, s13;
	[sflag:s28] =	ssyncadd.s32 $0xFFFFC000;
	(pc) =	sbr.rel @p0 .LBB2_4-.Ltmp1, $4  }
0xad: {  	[spmem:s2] =	stream.indirect.scatter.add.f32 [tilespmem:s24], [sflag:$0x3], $0x80, s14, s23, $0xb8;
	[tilespmem:$0x1E800] =	vst v63  }
0xae: {  	_ =	swait.ge [sflag:s21], $0x4000  }
0xaf: {  	[sflag:s21] =	ssyncset.done $0x0  }
0xb0: {  	s13 =	sadd.s32 $0x180, s13;
	[sflag:s21] =	ssyncadd.s32 $0xFFFFC000  }
0xb1: {  	[tilespmem:s24], [sflag:$0x2] =	stream.indirect.gather [hbm4b:s5+s23], $0x80, s13, s23, $0xb8;
	[tilespmem:$0x1E800] =	vst v63  }
0xb2: {  	_ =	swait.ge [sflag:s26], $0x4000  }
0xb3: {  	[sflag:s26] =	ssyncset.done $0x0  }
0xb4: {  	[sflag:s26] =	ssyncadd.s32 $0xFFFFC000  }
0xb5: {  	[spmem:s2] =	stream.indirect.scatter.add.f32 [tilespmem:s25], [sflag:$0x3], $0x80, s29, s23, $0xb8;
	[tilespmem:$0x1E800] =	vst v63  }
0xb6: {  	_ =	swait.ge [sflag:s21], $0x4000  }
0xb7: {  	[sflag:s21] =	ssyncset.done $0x0  }
0xb8: {  	[sflag:s21] =	ssyncadd.s32 $0xFFFFC000  }
0xb9: {  	[tilespmem:s25], [sflag:$0x1] =	stream.indirect.gather [hbm4b:s5+s23], $0x80, s30, s23, $0xb8;
	[tilespmem:$0x1E800] =	vst v63  }
0xba: {  	_ =	swait.ge [sflag:s28], $0x4000  }
0xbb: {  	[sflag:s28] =	ssyncset.done $0x0  }
0xbc: {  	[sflag:s28] =	ssyncadd.s32 $0xFFFFC000  }
0xbd: {  	[spmem:s2] =	stream.indirect.scatter.add.f32 [tilespmem:s24], [sflag:$0x3], $0x80, s31, s23, $0xb8;
	[tilespmem:$0x1E800] =	vst v63  }
0xbe: {  	_ =	swait.ge [sflag:s21], $0x4000  }
0xbf: {  	[sflag:s21] =	ssyncset.done $0x0  }
0xc0: {  	[sflag:s21] =	ssyncadd.s32 $0xFFFFC000  }
0xc1: {  	[tilespmem:s24], [sflag:$0x2] =	stream.indirect.gather [hbm4b:s5+s23], $0x80, s0, s23, $0xb8;
	[tilespmem:$0x1E800] =	vst v63  }
0xc2: {  	_ =	swait.ge [sflag:s26], $0x4000  }
0xc3: {  	[sflag:s26] =	ssyncset.done $0x0  }
0xc4: {  	[sflag:s26] =	ssyncadd.s32 $0xFFFFC000  }
0xc5: {  	[spmem:s2] =	stream.indirect.scatter.add.f32 [tilespmem:s25], [sflag:$0x3], $0x80, s3, s23, $0xb8;
	[tilespmem:$0x1E800] =	vst v63  }
0xc6: {  	_ =	swait.ge [sflag:s21], $0x4000  }
0xc7: {  	[sflag:s21] =	ssyncset.done $0x0  }
0xc8: {  	[sflag:s21] =	ssyncadd.s32 $0xFFFFC000  }
0xc9: {  	[tilespmem:s25], [sflag:$0x1] =	stream.indirect.gather [hbm4b:s5+s23], $0x80, s0, s23, $0xb8;
	[tilespmem:$0x1E800] =	vst v63  }
0xca: {  	_ =	swait.ge [sflag:s28], $0x4000  }
0xcb: {  	[sflag:s28] =	ssyncset.done $0x0  }
0xcc: {  	[sflag:s28] =	ssyncadd.s32 $0xFFFFC000  }
0xcd: {  	[spmem:s2] =	stream.indirect.scatter.add.f32 [tilespmem:s24], [sflag:$0x3], $0x80, s1, s23, $0xb8;
	[tilespmem:$0x1E800] =	vst v63  }
0xce: {  	_ =	swait.ge [sflag:s21], $0x4000  }
0xcf: {  	[sflag:s21] =	ssyncset.done $0x0  }
0xd0: {  	[sflag:s21] =	ssyncadd.s32 $0xFFFFC000  }
0xd1: {  	[tilespmem:s24], [sflag:$0x2] =	stream.indirect.gather [hbm4b:s5+s23], $0x80, s0, s23, $0xb8;
	[tilespmem:$0x1E800] =	vst v63  }
0xd2: {  	_ =	swait.ge [sflag:s26], $0x4000  }
0xd3: {  	[sflag:s26] =	ssyncset.done $0x0  }
0xd4: {  	[sflag:s26] =	ssyncadd.s32 $0xFFFFC000  }
0xd5: {  	_ =	swait.ge [sflag:s28], $0x4000  }
0xd6: {  	[sflag:s28] =	ssyncset.done $0x0  }
0xd7: {  	[sflag:s28] =	ssyncadd.s32 $0xFFFFC000  }
0xd8: {  	[bflag:$0x0] =	sbarrier.arrive $0xFFFF  }
0xd9: {  	[tilespmem:s25], [sflag:$0x3] =	stream.linear.gather [spmem:s8], $0x4000, $0x38;
	[tilespmem:$0x1E800] =	vst v63  }
0xda: {  	_ =	swait.ge [sflag:s21], $0x4000  }
0xdb: {  	[sflag:s21] =	ssyncset.done $0x0  }
0xdc: {  	[sflag:s21] =	ssyncadd.s32 $0xFFFFC000  }
0xdd: {  	[hbm4b:s15+s4] =	stream.linear.scatter [tilespmem:s25], [sflag:$0x3], $0x4000, $0x38;
	[tilespmem:$0x1E800] =	vst v63  }
0xde: {  	_ =	swait.ge [sflag:s21], $0x4000  }
0xdf: {  	[sflag:s21] =	ssyncset.done $0x0  }
0xe0: {  	[sflag:s21] =	ssyncadd.s32 $0xFFFFC000  }
0xe1: {  	[tilespmem:s25], [sflag:$0x3] =	stream.linear.gather [spmem:s9], $0x4000, $0x38;
	[tilespmem:$0x1E800] =	vst v63  }
0xe2: {  	_ =	swait.ge [sflag:s21], $0x4000  }
0xe3: {  	[sflag:s21] =	ssyncset.done $0x0  }
0xe4: {  	[sflag:s21] =	ssyncadd.s32 $0xFFFFC000  }
0xe5: {  	[hbm4b:s16+s4] =	stream.linear.scatter [tilespmem:s25], [sflag:$0x3], $0x4000, $0x38;
	[tilespmem:$0x1E800] =	vst v63  }
0xe6: {  	_ =	swait.ge [sflag:s21], $0x4000  }
0xe7: {  	[sflag:s21] =	ssyncset.done $0x0  }
0xe8: {  	[sflag:s21] =	ssyncadd.s32 $0xFFFFC000  }
0xe9: {  	[tilespmem:s25], [sflag:$0x3] =	stream.linear.gather [spmem:s10], $0x4000, $0x38;
	[tilespmem:$0x1E800] =	vst v63  }
0xea: {  	_ =	swait.ge [sflag:s21], $0x4000  }
0xeb: {  	[sflag:s21] =	ssyncset.done $0x0  }
0xec: {  	[sflag:s21] =	ssyncadd.s32 $0xFFFFC000  }
0xed: {  	[hbm4b:s17+s4] =	stream.linear.scatter [tilespmem:s25], [sflag:$0x3], $0x4000, $0x38;
	[tilespmem:$0x1E800] =	vst v63  }
0xee: {  	_ =	swait.ge [sflag:s21], $0x4000  }
0xef: {  	[sflag:s21] =	ssyncset.done $0x0  }
0xf0: {  	[sflag:s21] =	ssyncadd.s32 $0xFFFFC000  }
0xf1: {  	[tilespmem:s25], [sflag:$0x3] =	stream.linear.gather [spmem:s11], $0x4000, $0x38;
	[tilespmem:$0x1E800] =	vst v63  }
0xf2: {  	_ =	swait.ge [sflag:s21], $0x4000  }
0xf3: {  	[sflag:s21] =	ssyncset.done $0x0  }
0xf4: {  	[sflag:s21] =	ssyncadd.s32 $0xFFFFC000  }
0xf5: {  	[hbm4b:s18+s4] =	stream.linear.scatter [tilespmem:s25], [sflag:$0x3], $0x4000, $0x38;
	[tilespmem:$0x1E800] =	vst v63  }
0xf6: {  	_ =	swait.ge [sflag:s21], $0x4000  }
0xf7: {  	[sflag:s21] =	ssyncset.done $0x0  }
0xf8: {  	[sflag:s21] =	ssyncadd.s32 $0xFFFFC000  }
0xf9: {  	[tilespmem:s25], [sflag:$0x3] =	stream.linear.gather [spmem:s12], $0x4000, $0x38;
	[tilespmem:$0x1E800] =	vst v63  }
0xfa: {  	s6 =	sadd.s32 $0x1, s6;
	_ =	swait.ge [sflag:s21], $0x4000  }
0xfb: {  	p0 =	sne.s32 s6, s20;
	[sflag:s21] =	ssyncset.done $0x0  }
.Ltmp2:
0xfc: {  	[sflag:s21] =	ssyncadd.s32 $0xFFFFC000;
	(pc) =	sbr.rel @p0 .LBB2_1-.Ltmp2, $4  }
0xfd: {  	[hbm4b:s19+s4] =	stream.linear.scatter [tilespmem:s25], [sflag:$0x3], $0x4000, $0x38;
	[tilespmem:$0x1E800] =	vst v63  }
0xfe: {  	_ =	swait.ge [sflag:s21], $0x4000  }
0xff: {  	[sflag:s21] =	ssyncset.done $0x0  }
0x100: {  	[sflag:s21] =	ssyncadd.s32 $0xFFFFC000  }
0x101: {  	_ =	sfence.sel $0x180000  }
0x102: {  	[bflag:$0x0] =	sbarrier.arrive $0xFFFF  }
0x103: {  	_ =	strace $0x9000004A  }
0x104: {  	s0 =	stileid.u32;
	[bflag:$0x2] =	sbarrier.arrive $0xFFFF  }
0x105: {  	p0 =	sne.s32 s0, $0x0;
	s0 =	rddreg [dreg:$0x3]  }
0x106: {  	s0 =	sadd.s32 @!p0 $0x100000, s0  }
0x107: {  	[sflag:s0] =	ssyncadd.tile.s32 @!p0 $0x1;
	_ =	shalt  }
.Lfunc_end2:
_tile_overlayer_lowered:
.L_overlay_start_2:
0x108: {  	(tag) =	ssettag $0x2  }
0x109: {  	s0 =	rddreg [dreg:$0x0];
	s2 =	stileid.u32  }
0x10a: {  	s1 =	rddreg [dreg:$0x1];
	p0 =	sne.s32 s2, $0x0  }
0x10b: {  	s3 =	rddreg [dreg:$0x2];
	[bflag:$0x3] =	sbarrier.arrive $0xFFFF;
	s2 =	simm.s32 @!p0 $0x1C03  }
0x10c: {  	[timem:s3], [sflag:s2] =	dma.local @!p0 [hbm:s0], s1  }
0x10d: {  	s0 =	simm.s32 @!p0 $0x3  }
0x10e: {  	_ =	swait.ge @!p0 [sflag:s0], s1  }
0x10f: {  	s1 =	ssub.s32 @!p0 $0x0, s1;
	[sflag:s0] =	ssyncset.done @!p0 $0x0  }
0x110: {  	[sflag:s0] =	ssyncadd.s32 @!p0 s1  }
0x111: {  	[bflag:$0x3] =	sbarrier.arrive $0xFFFF  }
0x112: {  	_ =	shalt  }

// kernel: kernel.16.cloned.1.call-start
scs
__scs_entry_jumppad:
0x0: {  	(pc) =	sbr.rel $0x88, $3  }
0x1: {  	(tag) =	ssettag $0x0;
	lr =	simm.s32 $0x1  }
0x2: {  	[smem:$0x3F9A] =	sst lr;
	_ =	strace $0xD0000000  }
0x3: {  	_ = 	snop  }
0x4: {  	_ = 	snop  }
0x5: {  	_ = 	snop  }
0x6: {  	_ = 	snop  }
0x7: {  	_ = 	snop  }
__scs_overlays_trampoline_lowered:
0x8: {  	[smem:$0x3FA9] =	sst s0  }
0x9: {  	[smem:$0x3FAA] =	sst s1  }
0xa: {  	[smem:$0x3FAB] =	sst s2  }
0xb: {  	[smem:$0x3FAC] =	sst s3  }
0xc: {  	[smem:$0x3FAD] =	sst s4  }
0xd: {  	[smem:$0x3FAE] =	sst s5  }
0xe: {  	[smem:$0x3FAF] =	sst s6  }
0xf: {  	[smem:$0x3FB0] =	sst s7  }
0x10: {  	[smem:$0x3FB1] =	sst s8  }
0x11: {  	[smem:$0x3FB2] =	sst s9;
	s0 =	simm.s32 @!p0 $0x0  }
0x12: {  	s1 =	sld [smem:$0x3F98];
	s0 =	simm.s32 @p0 $0x1  }
0x13: {  	[smem:$0x3FB3] =	sst s0;
	s0 =	simm.s32 @!p1 $0x0  }
0x14: {  	s2 =	sld [smem:$0x3F97];
	s0 =	simm.s32 @p1 $0x1  }
0x15: {  	[smem:$0x3FB4] =	sst s0;
	s0 =	simm.s32 @!p2 $0x0  }
0x16: {  	s3 =	sld [smem:$0x3FDB];
	s0 =	simm.s32 @p2 $0x1  }
0x17: {  	s4 =	simm.s32 $0x1BF5;
	[smem:$0x3FB6] =	sst s0  }
0x18: {  	s0 =	sld [smem:$0x3F99];
	_ =	swait.ge [sflag:s4], $0x0  }
0x19: {  	s7 =	sld [smem:$0x3F9A]  }
0x1a: {  	s8 =	sadd.s32 $0xFFFFE003, lr  }
0x1b: {  	s9 =	sadd.s32 $0xFFFFFEF7, lr;
	s5 =	simm.s32 $0xFFFFFFFF;
	p2 =	slt.u32 s8, $0xFFFFF086  }
0x1c: {  	p1 =	slt.u32 s9, $0xF7A;
	s5 =	simm.s32 @!p2 $0x0  }
0x1d: {  	s5 =	simm.s32 @p1 $0x1;
	p0 =	seq.s32 s7, s2  }
0x1e: {  	s7 =	smul.u32 @!p0 $0xF7A, s2;
	p2 =	seq.s32 @!p0 s5, $0x0  }
0x1f: {  	s9 =	smul.u32 $0xF7A, s1;
	s8 =	simm.s32 @!p0 $0x1BF5;
	p2 =	por !p2, p0  }
0x20: {  	[sflag:s8] =	ssyncset.s32 @!p0 $0xFFFFF086;
	s6 =	sadd.s32 @!p0 s3, s7;
	s7 =	simm.s32 @!p0 $0x108  }
0x21: {  	s3 =	sadd.s32 s3, s9;
	s6 =	sadd.s32 @!p0 $0x88, s6;
	s7 =	simm.s32 @p2 $0x1082  }
0x22: {  	[simem:s7], [sflag:s8] =	dma.local @!p0 [hbm:s6], $0xF7A  }
0x23: {  	s9 =	sor.u32 $0xD0000000, s2;
	s6 =	simm.s32 $0x108;
	_ =	swait.ge @!p0 [sflag:s8], $0x0  }
0x24: {  	s3 =	sadd.s32 $0x88, s3;
	s6 =	simm.s32 @!p1 $0x1082;
	[sflag:s4] =	ssyncset.s32 $0xFFFFF086  }
0x25: {  	[simem:s6], [sflag:s4] =	dma.local [hbm:s3], $0xF7A  }
0x26: {  	[smem:$0x3F9A] =	sst s1;
	(tag) =	ssettag s2;
	_ =	strace s9  }
0x27: {  	s1 =	sld [smem:$0x3FAA]  }
0x28: {  	s2 =	sld [smem:$0x3FAB]  }
0x29: {  	s4 =	sld [smem:$0x3FAD]  }
0x2a: {  	p0 =	seq.s32 s5, $0x0;
	s5 =	sld [smem:$0x3FAE]  }
0x2b: {  	s6 =	sld [smem:$0x3FAF]  }
0x2c: {  	s7 =	sld [smem:$0x3FB0]  }
0x2d: {  	s3 =	simm.s32 $0x108;
	s8 =	sld [smem:$0x3FB1]  }
0x2e: {  	s3 =	simm.s32 @!p0 $0x1082;
	s9 =	sld [smem:$0x3FB2]  }
0x2f: {  	lr =	sadd.s32 s0, s3;
	s0 =	sld [smem:$0x3FA9]  }
0x30: {  	s3 =	sld [smem:$0x3FAC]  }
0x31: {  	[smem:$0x3FB5] =	sst s10  }
0x32: {  	s10 =	sld [smem:$0x3FB3];
	_ =	sdelay $0x3  }
0x33: {  	p0 =	seq.s32 s10, $0x1;
	s10 =	sld [smem:$0x3FB5];
	_ =	sdelay $0x3  }
0x34: {  	[smem:$0x3FB5] =	sst s10  }
0x35: {  	s10 =	sld [smem:$0x3FB4];
	_ =	sdelay $0x3  }
0x36: {  	p1 =	seq.s32 s10, $0x1;
	s10 =	sld [smem:$0x3FB5];
	_ =	sdelay $0x3  }
0x37: {  	[smem:$0x3FB5] =	sst s10  }
0x38: {  	s10 =	sld [smem:$0x3FB6]  }
0x39: {  	_ = 	snop;
	(pc) =	sbr.ind lr, $3  }
0x3a: {  	_ = 	snop  }
0x3b: {  	_ = 	snop  }
0x3c: {  	p2 =	seq.s32 s10, $0x1;
	s10 =	sld [smem:$0x3FB5]  }
0x3d: {  	_ =	shalt  }
0x3e: {  	_ =	shalt  }
0x3f: {  	_ =	shalt  }
0x40: {  	_ =	shalt  }
0x41: {  	_ =	shalt  }
0x42: {  	_ =	shalt  }
0x43: {  	_ =	shalt  }
0x44: {  	_ =	shalt  }
0x45: {  	_ =	shalt  }
0x46: {  	_ =	shalt  }
0x47: {  	_ =	shalt  }
0x48: {  	_ =	shalt  }
0x49: {  	_ =	shalt  }
0x4a: {  	_ =	shalt  }
0x4b: {  	_ =	shalt  }
0x4c: {  	_ =	shalt  }
0x4d: {  	_ =	shalt  }
0x4e: {  	_ =	shalt  }
0x4f: {  	_ =	shalt  }
0x50: {  	_ =	shalt  }
0x51: {  	_ =	shalt  }
0x52: {  	_ =	shalt  }
0x53: {  	_ =	shalt  }
0x54: {  	_ =	shalt  }
0x55: {  	_ =	shalt  }
0x56: {  	_ =	shalt  }
0x57: {  	_ =	shalt  }
0x58: {  	_ =	shalt  }
0x59: {  	_ =	shalt  }
0x5a: {  	_ =	shalt  }
0x5b: {  	_ =	shalt  }
0x5c: {  	_ =	shalt  }
0x5d: {  	_ =	shalt  }
0x5e: {  	_ =	shalt  }
0x5f: {  	_ =	shalt  }
0x60: {  	_ =	shalt  }
0x61: {  	_ =	shalt  }
0x62: {  	_ =	shalt  }
0x63: {  	_ =	shalt  }
0x64: {  	_ =	shalt  }
0x65: {  	_ =	shalt  }
0x66: {  	_ =	shalt  }
0x67: {  	_ =	shalt  }
0x68: {  	_ =	shalt  }
0x69: {  	_ =	shalt  }
0x6a: {  	_ =	shalt  }
0x6b: {  	_ =	shalt  }
0x6c: {  	_ =	shalt  }
0x6d: {  	_ =	shalt  }
0x6e: {  	_ =	shalt  }
0x6f: {  	_ =	shalt  }
0x70: {  	_ =	shalt  }
0x71: {  	_ =	shalt  }
0x72: {  	_ =	shalt  }
0x73: {  	_ =	shalt  }
0x74: {  	_ =	shalt  }
0x75: {  	_ =	shalt  }
0x76: {  	_ =	shalt  }
0x77: {  	_ =	shalt  }
0x78: {  	_ =	shalt  }
0x79: {  	_ =	shalt  }
0x7a: {  	_ =	shalt  }
0x7b: {  	_ =	shalt  }
0x7c: {  	_ =	shalt  }
0x7d: {  	_ =	shalt  }
0x7e: {  	_ =	shalt  }
0x7f: {  	_ =	shalt  }
0x80: {  	_ =	shalt  }
0x81: {  	_ =	shalt  }
0x82: {  	_ =	shalt  }
0x83: {  	_ =	shalt  }
0x84: {  	_ =	shalt  }
0x85: {  	_ =	shalt  }
0x86: {  	_ =	shalt  }
0x87: {  	_ =	shalt  }
.Lfunc_end0:
.L_simem_size_0:
called_computation.2_lowered:
.L_overlay_start_0:
0x88: {  	s2 =	sld [smem:$0x3FD9]  }
0x89: {  	s3 =	sld [smem:$0x3FFE];
	_ =	sdelay $0x1  }
0x8a: {  	s1 =	srdreg.scid  }
0x8b: {  	s0 =	sand.u32 $0x1, s1  }
0x8c: {  	s17 =	sshll.u32 s0, $0xA;
	s2 =	sadd.s32 s3, s2  }
0x8d: {  	s2 =	sadd.s32 s2, s17  }
0x8e: {  	[smem:$0x3FC1] =	sst s2  }
0x8f: {  	_ = 	snop  }
0x90: {  	s2 =	sld [smem:$0x3FD0];
	(tm) =	ssettm $0x1  }
0x91: {  	s18 =	sld [smem:$0x3FFB];
	_ =	sdelay $0x3  }
0x92: {  	_ =	strace s18  }
0x93: {  	s3 =	sld [smem:$0x3FFC];
	_ =	sdelay $0x3  }
0x94: {  	_ =	strace s3  }
0x95: {  	s3 =	sld [smem:$0x3FFD];
	_ =	sdelay $0x3  }
0x96: {  	_ =	strace s3  }
0x97: {  	_ =	strace $0x8FFFFFFF  }
0x98: {  	s19 =	sld [smem:$0x3FDB];
	_ =	sdelay $0x1  }
0x99: {  	s4 =	simm.s32 $_scs_section_size  }
0x9a: {  	s5 =	simm.s32 $_size__tile_overlayer_lowered;
	s6 =	simm.s32 $_tile_overlayer_lowered  }
0x9b: {  	s22 =	simm.s32 $0x1BFF;
	s21 =	sshll.u32 s6, $0x1;
	s3 =	sadd.s32 s4, s19  }
0x9c: {  	s7 =	simm.s32 $0x0;
	s20 =	sshll.u32 s5, $0x1;
	s5 =	sadd.s32 s21, s3  }
0x9d: {  	[timem:s7], [sflag:s22] =	dma.local [hbm:s5], s20  }
0x9e: {  	_ =	swait.ge [sflag:s22], s20  }
0x9f: {  	s4 =	ssub.s32 $0x0, s20;
	[sflag:s22] =	ssyncset.done $0x0  }
0xa0: {  	[sflag:s22] =	ssyncadd.s32 s4;
	_ =	sdelay $0x1  }
0xa1: {  	s23 =	simm.s32 $0x1B8B  }
0xa2: {  	_ =	swait.ge [sflag:s23], $0x1  }
0xa3: {  	[sflag:s23] =	ssyncset.done $0x0  }
0xa4: {  	s25 =	simm.s32 $0x1B8E;
	s24 =	sld [smem:$0x3FFE];
	[sflag:s23] =	ssyncadd.s32 $0xFFFFFFFF  }
0xa5: {  	s26 =	simm.s32 $execute0_lowered;
	[smem:$0x3FD2] =	sst s25  }
0xa6: {  	s5 =	sshll.u32 s26, $0x1;
	_ =	strace $0x8000004C;
	[dreg:$0x1] =	wrdreg $0xFFFFFFFF  }
0xa7: {  	s28 =	simm.s32 $_size_execute0_lowered;
	s3 =	sadd.s32 s3, s5;
	[dreg:$0x0] =	wrdreg $0x0  }
0xa8: {  	s5 =	sshll.u32 s28, $0x1;
	[dreg:$0x2] =	wrdreg s3  }
0xa9: {  	[dreg:$0x3] =	wrdreg s5  }
0xaa: {  	[dreg:$0x4] =	wrdreg $0xC0  }
0xab: {  	_ =	task [dreg:s7], $0x5FFFF  }
0xac: {  	[dreg:$0x1] =	wrdreg $0xFFFFFFFF  }
0xad: {  	[dreg:$0x0] =	wrdreg $0x60  }
0xae: {  	[dreg:$0x2] =	wrdreg s24  }
0xaf: {  	[dreg:$0x3] =	wrdreg s2  }
0xb0: {  	[dreg:$0x4] =	wrdreg $0xA8000  }
0xb1: {  	[dreg:$0x5] =	wrdreg $0x9  }
0xb2: {  	_ =	task.clear_ibuf [dreg:s7], $0x6FFFF;
	_ =	strace $0x9000004C  }
0xb3: {  	s29 =	simm.s32 $0x9;
	_ =	strace $0x8000004E  }
0xb4: {  	_ =	swait.ge [sflag:s29], $0x1  }
0xb5: {  	[sflag:s29] =	ssyncadd.s32 $0xFFFFFFFF  }
0xb6: {  	_ =	strace $0x9000004E  }
0xb7: {  	_ =	sfence  }
0xb8: {  	s30 =	sld [smem:$0x0];
	_ =	sdelay $0x2  }
0xb9: {  	s31 =	sshll.u32 s1, $0xD;
	s1 =	sshrl.u32 s1, $0x2  }
0xba: {  	s3 =	sand.u32 $0x4000, s31;
	s1 =	sadd.s32 s1, s30  }
0xbb: {  	s0 =	sor.u32 s3, s0;
	s1 =	sshll.u32 s1, $0x11  }
0xbc: {  	s0 =	sor.u32 s1, s0  }
0xbd: {  	s0 =	sadd.s32 $0x8F2B, s0  }
0xbe: {  	[sflag:s0] =	ssyncadd.remote.s32 $0x1  }
0xbf: {  	_ =	sfence.sel $0xFFFF  }
0xc0: {  	[dreg:$0x0] =	wrdreg $0xFFFFFFFF;
	(pc) =	sbr.abs _section_cstart, $3  }
0xc1: {  	[dreg:$0x1] =	wrdreg $0xFFFFFFFF  }
0xc2: {  	_ =	task.clear_ibuf [dreg:s7], $0x2FFFF;
	_ =	strace $0x9FFFFFFF  }
0xc3: {  	(tm) =	ssettm $0x7FFFFFFF  }
tec
execute0_lowered:
.L_overlay_start_1:
0x0: {  	(tag) =	ssettag $0x1  }
0x1: {  	s0 =	rddreg [dreg:$0x0]  }
0x2: {  	s2 =	rddreg [dreg:$0x2]  }
0x3: {  	s1 =	srdreg.scid;
	s4 =	simm.s32 $0x0;
	s11 =	stileid.u32  }
0x4: {  	s28 =	simm.s32 $0x2;
	s29 =	simm.s32 $0x2600;
	s30 =	simm.s32 $0x1300  }
0x5: {  	s31 =	simm.s32 $0x2680;
	s1 =	sand.u32 $0x1, s1;
	[smem:$0x7FF] =	sst s4  }
0x6: {  	s5 =	sadd.s32 $0x17800, s0;
	s6 =	sadd.s32 $0xD800, s0;
	s9 =	smul.u32 $0x50000, s11  }
0x7: {  	s7 =	sadd.s32 $0x3800, s0;
	s13 =	smul.u32 $0x14000, s11;
	s0 =	sadd.s32 $0x3F800, s0  }
0x8: {  	s3 =	sshll.u32 s1, $0x4;
	_ =	strace $0x8000004D;
	s8 =	ssub.s32 $0x2, s1  }
0x9: {  	s1 =	smul.u32 $0x140000, s1;
	s3 =	sor.u32 s11, s3;
	s10 =	sshrl.u32 s8, $0x1  }
0xa: {  	s22 =	sshrl.u32 s9, $0x2;
	s14 =	sadd.s32 $0x4000, s13;
	s17 =	sadd.s32 $0x8000, s13  }
0xb: {  	s18 =	sadd.s32 $0xC000, s13;
	s3 =	smul.u32 $0x2800, s3;
	s20 =	ssub.s32 s8, s10  }
0xc: {  	s8 =	sadd.s32 s22, s2;
	s9 =	sadd.s32 s14, s2;
	s10 =	sadd.s32 s17, s2  }
0xd: {  	s11 =	sadd.s32 s18, s2;
	s14 =	sadd.s32 s1, s14;
	s25 =	sadd.s32 s1, s17  }
0xe: {  	s26 =	sadd.s32 s1, s18;
	s22 =	simm.s32 $0x1400;
	s3 =	sshrl.u32 s3, $0x3  }
0xf: {  	s24 =	sshrl.u32 s14, $0x3;
	s20 =	smax.u32 s20, $0x1;
	s19 =	sadd.s32 s6, s3  }
0x10: {  	s16 =	sadd.s32 s0, s24;
	s21 =	sadd.s32 s7, s3;
	[dreg:$0x4] =	wrdreg s19  }
0x11: {  	s24 =	simm.s32 $0x6800;
	s3 =	sadd.s32 $0x280, s3;
	[dreg:$0x5] =	wrdreg s21  }
0x12: {  	s19 =	sadd.s32 $0x10000, s13;
	s13 =	sadd.s32 s13, s1;
	s6 =	sadd.s32 s6, s3  }
0x13: {  	s3 =	sadd.s32 s7, s3;
	s21 =	simm.s32 $0x3;
	[dreg:$0x6] =	wrdreg s6  }
0x14: {  	s12 =	sadd.s32 s19, s2;
	s23 =	sshrl.u32 s13, $0x3;
	[dreg:$0x7] =	wrdreg s3  }
0x15: {  	s1 =	sadd.s32 s1, s19;
	s3 =	sshrl.u32 s25, $0x3;
	s6 =	sshrl.u32 s26, $0x3  }
0x16: {  	s25 =	simm.s32 $0x2800;
	s26 =	simm.s32 $0x1;
	s15 =	sadd.s32 s0, s23  }
0x17: {  	s1 =	sshrl.u32 s1, $0x3;
	s17 =	sadd.s32 s0, s3;
	s18 =	sadd.s32 s0, s6  }
0x18: {  	s23 =	simm.s32 $0x80;
	s3 =	simm.s32 $0x2700;
	s6 =	simm.s32 $0x0  }
0x19: {  	s19 =	sadd.s32 s0, s1;
	s0 =	simm.s32 $0x1380;
	s1 =	simm.s32 $0x2780  }
.LBB2_1:
0x1a: {  	s7 =	rddreg [dreg:$0x4]  }
0x1b: {  	[tilespmem:s4], [sflag:$0x3] =	stream.linear.gather [hbm4b:s7+s4], $0x1400, $0x38;
	[tilespmem:$0x1E800] =	vst v63  }
0x1c: {  	_ =	swait.ge [sflag:s21], $0x1400  }
0x1d: {  	[sflag:s21] =	ssyncset.done $0x0  }
0x1e: {  	s14 =	rddreg [dreg:$0x5];
	[sflag:s21] =	ssyncadd.s32 $0xFFFFEC00  }
0x1f: {  	[tilespmem:s22], [sflag:$0x3] =	stream.linear.gather [hbm4b:s14+s4], $0x1400, $0x38;
	[tilespmem:$0x1E800] =	vst v63  }
0x20: {  	_ =	swait.ge [sflag:s21], $0x1400  }
0x21: {  	[sflag:s21] =	ssyncset.done $0x0  }
0x22: {  	[sflag:s21] =	ssyncadd.s32 $0xFFFFEC00  }
0x23: {  	[tilespmem:s24], [sflag:$0x2] =	stream.indirect.gather [hbm4b:s5+s23], $0x80, s23, s23, $0xb8;
	[tilespmem:$0x1E800] =	vst v63  }
0x24: {  	s13 =	rddreg [dreg:$0x1]  }
0x25: {  	[tilespmem:s25], [sflag:$0x3] =	stream.linear.gather [hbm4b:s13+s4], $0x4000, $0x38;
	[tilespmem:$0x1E800] =	vst v63  }
0x26: {  	_ =	swait.ge [sflag:s21], $0x4000  }
0x27: {  	[sflag:s21] =	ssyncset.done $0x0  }
0x28: {  	[sflag:s21] =	ssyncadd.s32 $0xFFFFC000  }
0x29: {  	[spmem:s8] =	stream.linear.scatter [tilespmem:s25], [sflag:$0x3], $0x4000, $0x38;
	[tilespmem:$0x1E800] =	vst v63  }
0x2a: {  	_ =	swait.ge [sflag:s21], $0x4000  }
0x2b: {  	[sflag:s21] =	ssyncset.done $0x0  }
0x2c: {  	[sflag:s21] =	ssyncadd.s32 $0xFFFFC000  }
0x2d: {  	[spmem:s9] =	stream.linear.scatter [tilespmem:s25], [sflag:$0x3], $0x4000, $0x38;
	[tilespmem:$0x1E800] =	vst v63  }
0x2e: {  	_ =	swait.ge [sflag:s21], $0x4000  }
0x2f: {  	[sflag:s21] =	ssyncset.done $0x0  }
0x30: {  	[sflag:s21] =	ssyncadd.s32 $0xFFFFC000  }
0x31: {  	[spmem:s10] =	stream.linear.scatter [tilespmem:s25], [sflag:$0x3], $0x4000, $0x38;
	[tilespmem:$0x1E800] =	vst v63  }
0x32: {  	_ =	swait.ge [sflag:s21], $0x4000  }
0x33: {  	[sflag:s21] =	ssyncset.done $0x0  }
0x34: {  	[sflag:s21] =	ssyncadd.s32 $0xFFFFC000  }
0x35: {  	[spmem:s11] =	stream.linear.scatter [tilespmem:s25], [sflag:$0x3], $0x4000, $0x38;
	[tilespmem:$0x1E800] =	vst v63  }
0x36: {  	_ =	swait.ge [sflag:s21], $0x4000  }
0x37: {  	[sflag:s21] =	ssyncset.done $0x0  }
0x38: {  	[sflag:s21] =	ssyncadd.s32 $0xFFFFC000  }
0x39: {  	[spmem:s12] =	stream.linear.scatter [tilespmem:s25], [sflag:$0x3], $0x4000, $0x38;
	[tilespmem:$0x1E800] =	vst v63  }
0x3a: {  	_ =	swait.ge [sflag:s21], $0x4000  }
0x3b: {  	[sflag:s21] =	ssyncset.done $0x0  }
0x3c: {  	[sflag:s21] =	ssyncadd.s32 $0xFFFFC000  }
0x3d: {  	[tilespmem:s25], [sflag:$0x1] =	stream.indirect.gather [hbm4b:s5+s23], $0x80, s4, s23, $0xb8;
	[tilespmem:$0x1E800] =	vst v63  }
0x3e: {  	[bflag:$0x0] =	sbarrier.arrive $0xFFFF  }
0x3f: {  	_ =	swait.ge [sflag:s26], $0x4000  }
0x40: {  	[sflag:s26] =	ssyncset.done $0x0  }
0x41: {  	s14 =	simm.s32 $0x1400;
	[sflag:s26] =	ssyncadd.s32 $0xFFFFC000  }
0x42: {  	[spmem:s2] =	stream.indirect.scatter.add.f32 [tilespmem:s25], [sflag:$0x3], $0x80, s14, s23, $0xb8;
	[tilespmem:$0x1E800] =	vst v63  }
0x43: {  	_ =	swait.ge [sflag:s21], $0x4000  }
0x44: {  	[sflag:s21] =	ssyncset.done $0x0  }
0x45: {  	s13 =	simm.s32 $0x100;
	[sflag:s21] =	ssyncadd.s32 $0xFFFFC000  }
0x46: {  	[tilespmem:s25], [sflag:$0x1] =	stream.indirect.gather [hbm4b:s5+s23], $0x80, s13, s23, $0xb8;
	[tilespmem:$0x1E800] =	vst v63  }
0x47: {  	_ =	swait.ge [sflag:s28], $0x4000  }
0x48: {  	[sflag:s28] =	ssyncset.done $0x0  }
0x49: {  	s14 =	simm.s32 $0x1480;
	[sflag:s28] =	ssyncadd.s32 $0xFFFFC000  }
0x4a: {  	[spmem:s2] =	stream.indirect.scatter.add.f32 [tilespmem:s24], [sflag:$0x3], $0x80, s14, s23, $0xb8;
	[tilespmem:$0x1E800] =	vst v63  }
0x4b: {  	_ =	swait.ge [sflag:s21], $0x4000  }
0x4c: {  	[sflag:s21] =	ssyncset.done $0x0  }
0x4d: {  	s7 =	simm.s32 $0x400;
	s13 =	simm.s32 $0x180;
	[sflag:s21] =	ssyncadd.s32 $0xFFFFC000  }
.LBB2_2:
0x4e: {  	[tilespmem:s24], [sflag:$0x2] =	stream.indirect.gather [hbm4b:s5+s23], $0x80, s13, s23, $0xb8;
	[tilespmem:$0x1E800] =	vst v63  }
0x4f: {  	s13 =	smov.u32 s7  }
0x50: {  	p0 =	sne.s32 s7, $0x4400;
	s7 =	sadd.s32 $0x400, s7;
	_ =	swait.ge [sflag:s26], $0x4000  }
0x51: {  	s13 =	sshra.s32 s13, $0x2;
	[sflag:s26] =	ssyncset.done $0x0  }
0x52: {  	s14 =	sadd.s32 $0x1400, s13;
	[sflag:s26] =	ssyncadd.s32 $0xFFFFC000  }
0x53: {  	[spmem:s2] =	stream.indirect.scatter.add.f32 [tilespmem:s25], [sflag:$0x3], $0x80, s14, s23, $0xb8;
	[tilespmem:$0x1E800] =	vst v63  }
0x54: {  	_ =	swait.ge [sflag:s21], $0x4000  }
0x55: {  	[sflag:s21] =	ssyncset.done $0x0  }
0x56: {  	s14 =	sadd.s32 $0x100, s13;
	[sflag:s21] =	ssyncadd.s32 $0xFFFFC000  }
0x57: {  	[tilespmem:s25], [sflag:$0x1] =	stream.indirect.gather [hbm4b:s5+s23], $0x80, s14, s23, $0xb8;
	[tilespmem:$0x1E800] =	vst v63  }
0x58: {  	_ =	swait.ge [sflag:s28], $0x4000  }
0x59: {  	[sflag:s28] =	ssyncset.done $0x0  }
.Ltmp0:
0x5a: {  	s14 =	sadd.s32 $0x1480, s13;
	[sflag:s28] =	ssyncadd.s32 $0xFFFFC000;
	(pc) =	sbr.rel @p0 .LBB2_2-.Ltmp0, $4  }
0x5b: {  	[spmem:s2] =	stream.indirect.scatter.add.f32 [tilespmem:s24], [sflag:$0x3], $0x80, s14, s23, $0xb8;
	[tilespmem:$0x1E800] =	vst v63  }
0x5c: {  	_ =	swait.ge [sflag:s21], $0x4000  }
0x5d: {  	[sflag:s21] =	ssyncset.done $0x0  }
0x5e: {  	s13 =	sadd.s32 $0x180, s13;
	[sflag:s21] =	ssyncadd.s32 $0xFFFFC000  }
0x5f: {  	[tilespmem:s24], [sflag:$0x2] =	stream.indirect.gather [hbm4b:s5+s23], $0x80, s13, s23, $0xb8;
	[tilespmem:$0x1E800] =	vst v63  }
0x60: {  	_ =	swait.ge [sflag:s26], $0x4000  }
0x61: {  	[sflag:s26] =	ssyncset.done $0x0  }
0x62: {  	[sflag:s26] =	ssyncadd.s32 $0xFFFFC000  }
0x63: {  	[spmem:s2] =	stream.indirect.scatter.add.f32 [tilespmem:s25], [sflag:$0x3], $0x80, s29, s23, $0xb8;
	[tilespmem:$0x1E800] =	vst v63  }
0x64: {  	_ =	swait.ge [sflag:s21], $0x4000  }
0x65: {  	[sflag:s21] =	ssyncset.done $0x0  }
0x66: {  	[sflag:s21] =	ssyncadd.s32 $0xFFFFC000  }
0x67: {  	[tilespmem:s25], [sflag:$0x1] =	stream.indirect.gather [hbm4b:s5+s23], $0x80, s30, s23, $0xb8;
	[tilespmem:$0x1E800] =	vst v63  }
0x68: {  	_ =	swait.ge [sflag:s28], $0x4000  }
0x69: {  	[sflag:s28] =	ssyncset.done $0x0  }
0x6a: {  	[sflag:s28] =	ssyncadd.s32 $0xFFFFC000  }
0x6b: {  	[spmem:s2] =	stream.indirect.scatter.add.f32 [tilespmem:s24], [sflag:$0x3], $0x80, s31, s23, $0xb8;
	[tilespmem:$0x1E800] =	vst v63  }
0x6c: {  	_ =	swait.ge [sflag:s21], $0x4000  }
0x6d: {  	[sflag:s21] =	ssyncset.done $0x0  }
0x6e: {  	[sflag:s21] =	ssyncadd.s32 $0xFFFFC000  }
0x6f: {  	[tilespmem:s24], [sflag:$0x2] =	stream.indirect.gather [hbm4b:s5+s23], $0x80, s0, s23, $0xb8;
	[tilespmem:$0x1E800] =	vst v63  }
0x70: {  	_ =	swait.ge [sflag:s26], $0x4000  }
0x71: {  	[sflag:s26] =	ssyncset.done $0x0  }
0x72: {  	[sflag:s26] =	ssyncadd.s32 $0xFFFFC000  }
0x73: {  	[spmem:s2] =	stream.indirect.scatter.add.f32 [tilespmem:s25], [sflag:$0x3], $0x80, s3, s23, $0xb8;
	[tilespmem:$0x1E800] =	vst v63  }
0x74: {  	_ =	swait.ge [sflag:s21], $0x4000  }
0x75: {  	[sflag:s21] =	ssyncset.done $0x0  }
0x76: {  	[sflag:s21] =	ssyncadd.s32 $0xFFFFC000  }
0x77: {  	[tilespmem:s25], [sflag:$0x1] =	stream.indirect.gather [hbm4b:s5+s23], $0x80, s0, s23, $0xb8;
	[tilespmem:$0x1E800] =	vst v63  }
0x78: {  	_ =	swait.ge [sflag:s28], $0x4000  }
0x79: {  	[sflag:s28] =	ssyncset.done $0x0  }
0x7a: {  	[sflag:s28] =	ssyncadd.s32 $0xFFFFC000  }
0x7b: {  	[spmem:s2] =	stream.indirect.scatter.add.f32 [tilespmem:s24], [sflag:$0x3], $0x80, s1, s23, $0xb8;
	[tilespmem:$0x1E800] =	vst v63  }
0x7c: {  	_ =	swait.ge [sflag:s21], $0x4000  }
0x7d: {  	[sflag:s21] =	ssyncset.done $0x0  }
0x7e: {  	[sflag:s21] =	ssyncadd.s32 $0xFFFFC000  }
0x7f: {  	[tilespmem:s24], [sflag:$0x2] =	stream.indirect.gather [hbm4b:s5+s23], $0x80, s0, s23, $0xb8;
	[tilespmem:$0x1E800] =	vst v63  }
0x80: {  	_ =	swait.ge [sflag:s26], $0x4000  }
0x81: {  	[sflag:s26] =	ssyncset.done $0x0  }
0x82: {  	[sflag:s26] =	ssyncadd.s32 $0xFFFFC000  }
0x83: {  	_ =	swait.ge [sflag:s28], $0x4000  }
0x84: {  	[sflag:s28] =	ssyncset.done $0x0  }
0x85: {  	s7 =	simm.s32 $0x0;
	s14 =	rddreg [dreg:$0x6];
	[sflag:s28] =	ssyncadd.s32 $0xFFFFC000  }
0x86: {  	[tilespmem:s7], [sflag:$0x3] =	stream.linear.gather [hbm4b:s14+s7], $0x1400, $0x38;
	[tilespmem:$0x1E800] =	vst v63  }
0x87: {  	_ =	swait.ge [sflag:s21], $0x1400  }
0x88: {  	[sflag:s21] =	ssyncset.done $0x0  }
0x89: {  	s14 =	rddreg [dreg:$0x7];
	[sflag:s21] =	ssyncadd.s32 $0xFFFFEC00  }
0x8a: {  	[tilespmem:s22], [sflag:$0x3] =	stream.linear.gather [hbm4b:s14+s7], $0x1400, $0x38;
	[tilespmem:$0x1E800] =	vst v63  }
0x8b: {  	_ =	swait.ge [sflag:s21], $0x1400  }
0x8c: {  	[sflag:s21] =	ssyncset.done $0x0  }
0x8d: {  	[sflag:s21] =	ssyncadd.s32 $0xFFFFEC00  }
0x8e: {  	[tilespmem:s25], [sflag:$0x1] =	stream.indirect.gather [hbm4b:s5+s23], $0x80, s7, s23, $0xb8;
	[tilespmem:$0x1E800] =	vst v63  }
0x8f: {  	_ = 	snop  }
0x90: {  	[tilespmem:s24], [sflag:$0x2] =	stream.indirect.gather [hbm4b:s5+s23], $0x80, s23, s23, $0xb8;
	[tilespmem:$0x1E800] =	vst v63  }
0x91: {  	_ =	swait.ge [sflag:s26], $0x4000  }
0x92: {  	[sflag:s26] =	ssyncset.done $0x0  }
0x93: {  	s14 =	simm.s32 $0x1400;
	[sflag:s26] =	ssyncadd.s32 $0xFFFFC000  }
0x94: {  	[spmem:s2] =	stream.indirect.scatter.add.f32 [tilespmem:s25], [sflag:$0x3], $0x80, s14, s23, $0xb8;
	[tilespmem:$0x1E800] =	vst v63  }
0x95: {  	_ =	swait.ge [sflag:s21], $0x4000  }
0x96: {  	[sflag:s21] =	ssyncset.done $0x0  }
0x97: {  	s13 =	simm.s32 $0x100;
	[sflag:s21] =	ssyncadd.s32 $0xFFFFC000  }
0x98: {  	[tilespmem:s25], [sflag:$0x1] =	stream.indirect.gather [hbm4b:s5+s23], $0x80, s13, s23, $0xb8;
	[tilespmem:$0x1E800] =	vst v63  }
0x99: {  	_ =	swait.ge [sflag:s28], $0x4000  }
0x9a: {  	[sflag:s28] =	ssyncset.done $0x0  }
0x9b: {  	s14 =	simm.s32 $0x1480;
	[sflag:s28] =	ssyncadd.s32 $0xFFFFC000  }
0x9c: {  	[spmem:s2] =	stream.indirect.scatter.add.f32 [tilespmem:s24], [sflag:$0x3], $0x80, s14, s23, $0xb8;
	[tilespmem:$0x1E800] =	vst v63  }
0x9d: {  	_ =	swait.ge [sflag:s21], $0x4000  }
0x9e: {  	[sflag:s21] =	ssyncset.done $0x0  }
0x9f: {  	s7 =	simm.s32 $0x400;
	s13 =	simm.s32 $0x180;
	[sflag:s21] =	ssyncadd.s32 $0xFFFFC000  }
.LBB2_4:
0xa0: {  	[tilespmem:s24], [sflag:$0x2] =	stream.indirect.gather [hbm4b:s5+s23], $0x80, s13, s23, $0xb8;
	[tilespmem:$0x1E800] =	vst v63  }
0xa1: {  	s13 =	smov.u32 s7  }
0xa2: {  	p0 =	sne.s32 s7, $0x4400;
	s7 =	sadd.s32 $0x400, s7;
	_ =	swait.ge [sflag:s26], $0x4000  }
0xa3: {  	s13 =	sshra.s32 s13, $0x2;
	[sflag:s26] =	ssyncset.done $0x0  }
0xa4: {  	s14 =	sadd.s32 $0x1400, s13;
	[sflag:s26] =	ssyncadd.s32 $0xFFFFC000  }
0xa5: {  	[spmem:s2] =	stream.indirect.scatter.add.f32 [tilespmem:s25], [sflag:$0x3], $0x80, s14, s23, $0xb8;
	[tilespmem:$0x1E800] =	vst v63  }
0xa6: {  	_ =	swait.ge [sflag:s21], $0x4000  }
0xa7: {  	[sflag:s21] =	ssyncset.done $0x0  }
0xa8: {  	s14 =	sadd.s32 $0x100, s13;
	[sflag:s21] =	ssyncadd.s32 $0xFFFFC000  }
0xa9: {  	[tilespmem:s25], [sflag:$0x1] =	stream.indirect.gather [hbm4b:s5+s23], $0x80, s14, s23, $0xb8;
	[tilespmem:$0x1E800] =	vst v63  }
0xaa: {  	_ =	swait.ge [sflag:s28], $0x4000  }
0xab: {  	[sflag:s28] =	ssyncset.done $0x0  }
.Ltmp1:
0xac: {  	s14 =	sadd.s32 $0x1480, s13;
	[sflag:s28] =	ssyncadd.s32 $0xFFFFC000;
	(pc) =	sbr.rel @p0 .LBB2_4-.Ltmp1, $4  }
0xad: {  	[spmem:s2] =	stream.indirect.scatter.add.f32 [tilespmem:s24], [sflag:$0x3], $0x80, s14, s23, $0xb8;
	[tilespmem:$0x1E800] =	vst v63  }
0xae: {  	_ =	swait.ge [sflag:s21], $0x4000  }
0xaf: {  	[sflag:s21] =	ssyncset.done $0x0  }
0xb0: {  	s13 =	sadd.s32 $0x180, s13;
	[sflag:s21] =	ssyncadd.s32 $0xFFFFC000  }
0xb1: {  	[tilespmem:s24], [sflag:$0x2] =	stream.indirect.gather [hbm4b:s5+s23], $0x80, s13, s23, $0xb8;
	[tilespmem:$0x1E800] =	vst v63  }
0xb2: {  	_ =	swait.ge [sflag:s26], $0x4000  }
0xb3: {  	[sflag:s26] =	ssyncset.done $0x0  }
0xb4: {  	[sflag:s26] =	ssyncadd.s32 $0xFFFFC000  }
0xb5: {  	[spmem:s2] =	stream.indirect.scatter.add.f32 [tilespmem:s25], [sflag:$0x3], $0x80, s29, s23, $0xb8;
	[tilespmem:$0x1E800] =	vst v63  }
0xb6: {  	_ =	swait.ge [sflag:s21], $0x4000  }
0xb7: {  	[sflag:s21] =	ssyncset.done $0x0  }
0xb8: {  	[sflag:s21] =	ssyncadd.s32 $0xFFFFC000  }
0xb9: {  	[tilespmem:s25], [sflag:$0x1] =	stream.indirect.gather [hbm4b:s5+s23], $0x80, s30, s23, $0xb8;
	[tilespmem:$0x1E800] =	vst v63  }
0xba: {  	_ =	swait.ge [sflag:s28], $0x4000  }
0xbb: {  	[sflag:s28] =	ssyncset.done $0x0  }
0xbc: {  	[sflag:s28] =	ssyncadd.s32 $0xFFFFC000  }
0xbd: {  	[spmem:s2] =	stream.indirect.scatter.add.f32 [tilespmem:s24], [sflag:$0x3], $0x80, s31, s23, $0xb8;
	[tilespmem:$0x1E800] =	vst v63  }
0xbe: {  	_ =	swait.ge [sflag:s21], $0x4000  }
0xbf: {  	[sflag:s21] =	ssyncset.done $0x0  }
0xc0: {  	[sflag:s21] =	ssyncadd.s32 $0xFFFFC000  }
0xc1: {  	[tilespmem:s24], [sflag:$0x2] =	stream.indirect.gather [hbm4b:s5+s23], $0x80, s0, s23, $0xb8;
	[tilespmem:$0x1E800] =	vst v63  }
0xc2: {  	_ =	swait.ge [sflag:s26], $0x4000  }
0xc3: {  	[sflag:s26] =	ssyncset.done $0x0  }
0xc4: {  	[sflag:s26] =	ssyncadd.s32 $0xFFFFC000  }
0xc5: {  	[spmem:s2] =	stream.indirect.scatter.add.f32 [tilespmem:s25], [sflag:$0x3], $0x80, s3, s23, $0xb8;
	[tilespmem:$0x1E800] =	vst v63  }
0xc6: {  	_ =	swait.ge [sflag:s21], $0x4000  }
0xc7: {  	[sflag:s21] =	ssyncset.done $0x0  }
0xc8: {  	[sflag:s21] =	ssyncadd.s32 $0xFFFFC000  }
0xc9: {  	[tilespmem:s25], [sflag:$0x1] =	stream.indirect.gather [hbm4b:s5+s23], $0x80, s0, s23, $0xb8;
	[tilespmem:$0x1E800] =	vst v63  }
0xca: {  	_ =	swait.ge [sflag:s28], $0x4000  }
0xcb: {  	[sflag:s28] =	ssyncset.done $0x0  }
0xcc: {  	[sflag:s28] =	ssyncadd.s32 $0xFFFFC000  }
0xcd: {  	[spmem:s2] =	stream.indirect.scatter.add.f32 [tilespmem:s24], [sflag:$0x3], $0x80, s1, s23, $0xb8;
	[tilespmem:$0x1E800] =	vst v63  }
0xce: {  	_ =	swait.ge [sflag:s21], $0x4000  }
0xcf: {  	[sflag:s21] =	ssyncset.done $0x0  }
0xd0: {  	[sflag:s21] =	ssyncadd.s32 $0xFFFFC000  }
0xd1: {  	[tilespmem:s24], [sflag:$0x2] =	stream.indirect.gather [hbm4b:s5+s23], $0x80, s0, s23, $0xb8;
	[tilespmem:$0x1E800] =	vst v63  }
0xd2: {  	_ =	swait.ge [sflag:s26], $0x4000  }
0xd3: {  	[sflag:s26] =	ssyncset.done $0x0  }
0xd4: {  	[sflag:s26] =	ssyncadd.s32 $0xFFFFC000  }
0xd5: {  	_ =	swait.ge [sflag:s28], $0x4000  }
0xd6: {  	[sflag:s28] =	ssyncset.done $0x0  }
0xd7: {  	[sflag:s28] =	ssyncadd.s32 $0xFFFFC000  }
0xd8: {  	[bflag:$0x0] =	sbarrier.arrive $0xFFFF  }
0xd9: {  	[tilespmem:s25], [sflag:$0x3] =	stream.linear.gather [spmem:s8], $0x4000, $0x38;
	[tilespmem:$0x1E800] =	vst v63  }
0xda: {  	_ =	swait.ge [sflag:s21], $0x4000  }
0xdb: {  	[sflag:s21] =	ssyncset.done $0x0  }
0xdc: {  	[sflag:s21] =	ssyncadd.s32 $0xFFFFC000  }
0xdd: {  	[hbm4b:s15+s4] =	stream.linear.scatter [tilespmem:s25], [sflag:$0x3], $0x4000, $0x38;
	[tilespmem:$0x1E800] =	vst v63  }
0xde: {  	_ =	swait.ge [sflag:s21], $0x4000  }
0xdf: {  	[sflag:s21] =	ssyncset.done $0x0  }
0xe0: {  	[sflag:s21] =	ssyncadd.s32 $0xFFFFC000  }
0xe1: {  	[tilespmem:s25], [sflag:$0x3] =	stream.linear.gather [spmem:s9], $0x4000, $0x38;
	[tilespmem:$0x1E800] =	vst v63  }
0xe2: {  	_ =	swait.ge [sflag:s21], $0x4000  }
0xe3: {  	[sflag:s21] =	ssyncset.done $0x0  }
0xe4: {  	[sflag:s21] =	ssyncadd.s32 $0xFFFFC000  }
0xe5: {  	[hbm4b:s16+s4] =	stream.linear.scatter [tilespmem:s25], [sflag:$0x3], $0x4000, $0x38;
	[tilespmem:$0x1E800] =	vst v63  }
0xe6: {  	_ =	swait.ge [sflag:s21], $0x4000  }
0xe7: {  	[sflag:s21] =	ssyncset.done $0x0  }
0xe8: {  	[sflag:s21] =	ssyncadd.s32 $0xFFFFC000  }
0xe9: {  	[tilespmem:s25], [sflag:$0x3] =	stream.linear.gather [spmem:s10], $0x4000, $0x38;
	[tilespmem:$0x1E800] =	vst v63  }
0xea: {  	_ =	swait.ge [sflag:s21], $0x4000  }
0xeb: {  	[sflag:s21] =	ssyncset.done $0x0  }
0xec: {  	[sflag:s21] =	ssyncadd.s32 $0xFFFFC000  }
0xed: {  	[hbm4b:s17+s4] =	stream.linear.scatter [tilespmem:s25], [sflag:$0x3], $0x4000, $0x38;
	[tilespmem:$0x1E800] =	vst v63  }
0xee: {  	_ =	swait.ge [sflag:s21], $0x4000  }
0xef: {  	[sflag:s21] =	ssyncset.done $0x0  }
0xf0: {  	[sflag:s21] =	ssyncadd.s32 $0xFFFFC000  }
0xf1: {  	[tilespmem:s25], [sflag:$0x3] =	stream.linear.gather [spmem:s11], $0x4000, $0x38;
	[tilespmem:$0x1E800] =	vst v63  }
0xf2: {  	_ =	swait.ge [sflag:s21], $0x4000  }
0xf3: {  	[sflag:s21] =	ssyncset.done $0x0  }
0xf4: {  	[sflag:s21] =	ssyncadd.s32 $0xFFFFC000  }
0xf5: {  	[hbm4b:s18+s4] =	stream.linear.scatter [tilespmem:s25], [sflag:$0x3], $0x4000, $0x38;
	[tilespmem:$0x1E800] =	vst v63  }
0xf6: {  	_ =	swait.ge [sflag:s21], $0x4000  }
0xf7: {  	[sflag:s21] =	ssyncset.done $0x0  }
0xf8: {  	[sflag:s21] =	ssyncadd.s32 $0xFFFFC000  }
0xf9: {  	[tilespmem:s25], [sflag:$0x3] =	stream.linear.gather [spmem:s12], $0x4000, $0x38;
	[tilespmem:$0x1E800] =	vst v63  }
0xfa: {  	s6 =	sadd.s32 $0x1, s6;
	_ =	swait.ge [sflag:s21], $0x4000  }
0xfb: {  	p0 =	sne.s32 s6, s20;
	[sflag:s21] =	ssyncset.done $0x0  }
.Ltmp2:
0xfc: {  	[sflag:s21] =	ssyncadd.s32 $0xFFFFC000;
	(pc) =	sbr.rel @p0 .LBB2_1-.Ltmp2, $4  }
0xfd: {  	[hbm4b:s19+s4] =	stream.linear.scatter [tilespmem:s25], [sflag:$0x3], $0x4000, $0x38;
	[tilespmem:$0x1E800] =	vst v63  }
0xfe: {  	_ =	swait.ge [sflag:s21], $0x4000  }
0xff: {  	[sflag:s21] =	ssyncset.done $0x0  }
0x100: {  	[sflag:s21] =	ssyncadd.s32 $0xFFFFC000  }
0x101: {  	_ =	sfence.sel $0x180000  }
0x102: {  	[bflag:$0x0] =	sbarrier.arrive $0xFFFF  }
0x103: {  	_ =	strace $0x9000004D  }
0x104: {  	s0 =	stileid.u32;
	[bflag:$0x2] =	sbarrier.arrive $0xFFFF  }
0x105: {  	p0 =	sne.s32 s0, $0x0;
	s0 =	rddreg [dreg:$0x3]  }
0x106: {  	s0 =	sadd.s32 @!p0 $0x100000, s0  }
0x107: {  	[sflag:s0] =	ssyncadd.tile.s32 @!p0 $0x1;
	_ =	shalt  }
.Lfunc_end2:
_tile_overlayer_lowered:
.L_overlay_start_2:
0x108: {  	(tag) =	ssettag $0x2  }
0x109: {  	s0 =	rddreg [dreg:$0x0];
	s2 =	stileid.u32  }
0x10a: {  	s1 =	rddreg [dreg:$0x1];
	p0 =	sne.s32 s2, $0x0  }
0x10b: {  	s3 =	rddreg [dreg:$0x2];
	[bflag:$0x3] =	sbarrier.arrive $0xFFFF;
	s2 =	simm.s32 @!p0 $0x1C03  }
0x10c: {  	[timem:s3], [sflag:s2] =	dma.local @!p0 [hbm:s0], s1  }
0x10d: {  	s0 =	simm.s32 @!p0 $0x3  }
0x10e: {  	_ =	swait.ge @!p0 [sflag:s0], s1  }
0x10f: {  	s1 =	ssub.s32 @!p0 $0x0, s1;
	[sflag:s0] =	ssyncset.done @!p0 $0x0  }
0x110: {  	[sflag:s0] =	ssyncadd.s32 @!p0 s1  }
0x111: {  	[bflag:$0x3] =	sbarrier.arrive $0xFFFF  }
0x112: {  	_ =	shalt  }

// kernel: kernel.19.cloned.1.call-start
scs
__scs_entry_jumppad:
0x0: {  	(pc) =	sbr.rel $0x88, $3  }
0x1: {  	(tag) =	ssettag $0x0;
	lr =	simm.s32 $0x1  }
0x2: {  	[smem:$0x3F9A] =	sst lr;
	_ =	strace $0xD0000000  }
0x3: {  	_ = 	snop  }
0x4: {  	_ = 	snop  }
0x5: {  	_ = 	snop  }
0x6: {  	_ = 	snop  }
0x7: {  	_ = 	snop  }
__scs_overlays_trampoline_lowered:
0x8: {  	[smem:$0x3FA9] =	sst s0  }
0x9: {  	[smem:$0x3FAA] =	sst s1  }
0xa: {  	[smem:$0x3FAB] =	sst s2  }
0xb: {  	[smem:$0x3FAC] =	sst s3  }
0xc: {  	[smem:$0x3FAD] =	sst s4  }
0xd: {  	[smem:$0x3FAE] =	sst s5  }
0xe: {  	[smem:$0x3FAF] =	sst s6  }
0xf: {  	[smem:$0x3FB0] =	sst s7  }
0x10: {  	[smem:$0x3FB1] =	sst s8  }
0x11: {  	[smem:$0x3FB2] =	sst s9;
	s0 =	simm.s32 @!p0 $0x0  }
0x12: {  	s1 =	sld [smem:$0x3F98];
	s0 =	simm.s32 @p0 $0x1  }
0x13: {  	[smem:$0x3FB3] =	sst s0;
	s0 =	simm.s32 @!p1 $0x0  }
0x14: {  	s2 =	sld [smem:$0x3F97];
	s0 =	simm.s32 @p1 $0x1  }
0x15: {  	[smem:$0x3FB4] =	sst s0;
	s0 =	simm.s32 @!p2 $0x0  }
0x16: {  	s3 =	sld [smem:$0x3FDB];
	s0 =	simm.s32 @p2 $0x1  }
0x17: {  	s4 =	simm.s32 $0x1BF5;
	[smem:$0x3FB6] =	sst s0  }
0x18: {  	s0 =	sld [smem:$0x3F99];
	_ =	swait.ge [sflag:s4], $0x0  }
0x19: {  	s7 =	sld [smem:$0x3F9A]  }
0x1a: {  	s8 =	sadd.s32 $0xFFFFE003, lr  }
0x1b: {  	s9 =	sadd.s32 $0xFFFFFEF7, lr;
	s5 =	simm.s32 $0xFFFFFFFF;
	p2 =	slt.u32 s8, $0xFFFFF086  }
0x1c: {  	p1 =	slt.u32 s9, $0xF7A;
	s5 =	simm.s32 @!p2 $0x0  }
0x1d: {  	s5 =	simm.s32 @p1 $0x1;
	p0 =	seq.s32 s7, s2  }
0x1e: {  	s7 =	smul.u32 @!p0 $0xF7A, s2;
	p2 =	seq.s32 @!p0 s5, $0x0  }
0x1f: {  	s9 =	smul.u32 $0xF7A, s1;
	s8 =	simm.s32 @!p0 $0x1BF5;
	p2 =	por !p2, p0  }
0x20: {  	[sflag:s8] =	ssyncset.s32 @!p0 $0xFFFFF086;
	s6 =	sadd.s32 @!p0 s3, s7;
	s7 =	simm.s32 @!p0 $0x108  }
0x21: {  	s3 =	sadd.s32 s3, s9;
	s6 =	sadd.s32 @!p0 $0x88, s6;
	s7 =	simm.s32 @p2 $0x1082  }
0x22: {  	[simem:s7], [sflag:s8] =	dma.local @!p0 [hbm:s6], $0xF7A  }
0x23: {  	s9 =	sor.u32 $0xD0000000, s2;
	s6 =	simm.s32 $0x108;
	_ =	swait.ge @!p0 [sflag:s8], $0x0  }
0x24: {  	s3 =	sadd.s32 $0x88, s3;
	s6 =	simm.s32 @!p1 $0x1082;
	[sflag:s4] =	ssyncset.s32 $0xFFFFF086  }
0x25: {  	[simem:s6], [sflag:s4] =	dma.local [hbm:s3], $0xF7A  }
0x26: {  	[smem:$0x3F9A] =	sst s1;
	(tag) =	ssettag s2;
	_ =	strace s9  }
0x27: {  	s1 =	sld [smem:$0x3FAA]  }
0x28: {  	s2 =	sld [smem:$0x3FAB]  }
0x29: {  	s4 =	sld [smem:$0x3FAD]  }
0x2a: {  	p0 =	seq.s32 s5, $0x0;
	s5 =	sld [smem:$0x3FAE]  }
0x2b: {  	s6 =	sld [smem:$0x3FAF]  }
0x2c: {  	s7 =	sld [smem:$0x3FB0]  }
0x2d: {  	s3 =	simm.s32 $0x108;
	s8 =	sld [smem:$0x3FB1]  }
0x2e: {  	s3 =	simm.s32 @!p0 $0x1082;
	s9 =	sld [smem:$0x3FB2]  }
0x2f: {  	lr =	sadd.s32 s0, s3;
	s0 =	sld [smem:$0x3FA9]  }
0x30: {  	s3 =	sld [smem:$0x3FAC]  }
0x31: {  	[smem:$0x3FB5] =	sst s10  }
0x32: {  	s10 =	sld [smem:$0x3FB3];
	_ =	sdelay $0x3  }
0x33: {  	p0 =	seq.s32 s10, $0x1;
	s10 =	sld [smem:$0x3FB5];
	_ =	sdelay $0x3  }
0x34: {  	[smem:$0x3FB5] =	sst s10  }
0x35: {  	s10 =	sld [smem:$0x3FB4];
	_ =	sdelay $0x3  }
0x36: {  	p1 =	seq.s32 s10, $0x1;
	s10 =	sld [smem:$0x3FB5];
	_ =	sdelay $0x3  }
0x37: {  	[smem:$0x3FB5] =	sst s10  }
0x38: {  	s10 =	sld [smem:$0x3FB6]  }
0x39: {  	_ = 	snop;
	(pc) =	sbr.ind lr, $3  }
0x3a: {  	_ = 	snop  }
0x3b: {  	_ = 	snop  }
0x3c: {  	p2 =	seq.s32 s10, $0x1;
	s10 =	sld [smem:$0x3FB5]  }
0x3d: {  	_ =	shalt  }
0x3e: {  	_ =	shalt  }
0x3f: {  	_ =	shalt  }
0x40: {  	_ =	shalt  }
0x41: {  	_ =	shalt  }
0x42: {  	_ =	shalt  }
0x43: {  	_ =	shalt  }
0x44: {  	_ =	shalt  }
0x45: {  	_ =	shalt  }
0x46: {  	_ =	shalt  }
0x47: {  	_ =	shalt  }
0x48: {  	_ =	shalt  }
0x49: {  	_ =	shalt  }
0x4a: {  	_ =	shalt  }
0x4b: {  	_ =	shalt  }
0x4c: {  	_ =	shalt  }
0x4d: {  	_ =	shalt  }
0x4e: {  	_ =	shalt  }
0x4f: {  	_ =	shalt  }
0x50: {  	_ =	shalt  }
0x51: {  	_ =	shalt  }
0x52: {  	_ =	shalt  }
0x53: {  	_ =	shalt  }
0x54: {  	_ =	shalt  }
0x55: {  	_ =	shalt  }
0x56: {  	_ =	shalt  }
0x57: {  	_ =	shalt  }
0x58: {  	_ =	shalt  }
0x59: {  	_ =	shalt  }
0x5a: {  	_ =	shalt  }
0x5b: {  	_ =	shalt  }
0x5c: {  	_ =	shalt  }
0x5d: {  	_ =	shalt  }
0x5e: {  	_ =	shalt  }
0x5f: {  	_ =	shalt  }
0x60: {  	_ =	shalt  }
0x61: {  	_ =	shalt  }
0x62: {  	_ =	shalt  }
0x63: {  	_ =	shalt  }
0x64: {  	_ =	shalt  }
0x65: {  	_ =	shalt  }
0x66: {  	_ =	shalt  }
0x67: {  	_ =	shalt  }
0x68: {  	_ =	shalt  }
0x69: {  	_ =	shalt  }
0x6a: {  	_ =	shalt  }
0x6b: {  	_ =	shalt  }
0x6c: {  	_ =	shalt  }
0x6d: {  	_ =	shalt  }
0x6e: {  	_ =	shalt  }
0x6f: {  	_ =	shalt  }
0x70: {  	_ =	shalt  }
0x71: {  	_ =	shalt  }
0x72: {  	_ =	shalt  }
0x73: {  	_ =	shalt  }
0x74: {  	_ =	shalt  }
0x75: {  	_ =	shalt  }
0x76: {  	_ =	shalt  }
0x77: {  	_ =	shalt  }
0x78: {  	_ =	shalt  }
0x79: {  	_ =	shalt  }
0x7a: {  	_ =	shalt  }
0x7b: {  	_ =	shalt  }
0x7c: {  	_ =	shalt  }
0x7d: {  	_ =	shalt  }
0x7e: {  	_ =	shalt  }
0x7f: {  	_ =	shalt  }
0x80: {  	_ =	shalt  }
0x81: {  	_ =	shalt  }
0x82: {  	_ =	shalt  }
0x83: {  	_ =	shalt  }
0x84: {  	_ =	shalt  }
0x85: {  	_ =	shalt  }
0x86: {  	_ =	shalt  }
0x87: {  	_ =	shalt  }
.Lfunc_end0:
.L_simem_size_0:
called_computation.3_lowered:
.L_overlay_start_0:
0x88: {  	s2 =	sld [smem:$0x3FD9]  }
0x89: {  	s3 =	sld [smem:$0x3FFE];
	_ =	sdelay $0x1  }
0x8a: {  	s1 =	srdreg.scid  }
0x8b: {  	s0 =	sand.u32 $0x1, s1  }
0x8c: {  	s17 =	sshll.u32 s0, $0xA;
	s2 =	sadd.s32 s3, s2  }
0x8d: {  	s2 =	sadd.s32 s2, s17  }
0x8e: {  	[smem:$0x3FC1] =	sst s2  }
0x8f: {  	_ = 	snop  }
0x90: {  	s2 =	sld [smem:$0x3FD0];
	(tm) =	ssettm $0x1  }
0x91: {  	s18 =	sld [smem:$0x3FFB];
	_ =	sdelay $0x3  }
0x92: {  	_ =	strace s18  }
0x93: {  	s3 =	sld [smem:$0x3FFC];
	_ =	sdelay $0x3  }
0x94: {  	_ =	strace s3  }
0x95: {  	s3 =	sld [smem:$0x3FFD];
	_ =	sdelay $0x3  }
0x96: {  	_ =	strace s3  }
0x97: {  	_ =	strace $0x8FFFFFFF  }
0x98: {  	s19 =	sld [smem:$0x3FDB];
	_ =	sdelay $0x1  }
0x99: {  	s4 =	simm.s32 $_scs_section_size  }
0x9a: {  	s5 =	simm.s32 $_size__tile_overlayer_lowered;
	s6 =	simm.s32 $_tile_overlayer_lowered  }
0x9b: {  	s22 =	simm.s32 $0x1BFF;
	s21 =	sshll.u32 s6, $0x1;
	s3 =	sadd.s32 s4, s19  }
0x9c: {  	s7 =	simm.s32 $0x0;
	s20 =	sshll.u32 s5, $0x1;
	s5 =	sadd.s32 s21, s3  }
0x9d: {  	[timem:s7], [sflag:s22] =	dma.local [hbm:s5], s20  }
0x9e: {  	_ =	swait.ge [sflag:s22], s20  }
0x9f: {  	s4 =	ssub.s32 $0x0, s20;
	[sflag:s22] =	ssyncset.done $0x0  }
0xa0: {  	[sflag:s22] =	ssyncadd.s32 s4;
	_ =	sdelay $0x1  }
0xa1: {  	s23 =	simm.s32 $0x1B8B  }
0xa2: {  	_ =	swait.ge [sflag:s23], $0x1  }
0xa3: {  	[sflag:s23] =	ssyncset.done $0x0  }
0xa4: {  	s25 =	simm.s32 $0x1B8E;
	s24 =	sld [smem:$0x3FFE];
	[sflag:s23] =	ssyncadd.s32 $0xFFFFFFFF  }
0xa5: {  	s26 =	simm.s32 $execute0_lowered;
	[smem:$0x3FD2] =	sst s25  }
0xa6: {  	s5 =	sshll.u32 s26, $0x1;
	_ =	strace $0x8000004F;
	[dreg:$0x1] =	wrdreg $0xFFFFFFFF  }
0xa7: {  	s28 =	simm.s32 $_size_execute0_lowered;
	s3 =	sadd.s32 s3, s5;
	[dreg:$0x0] =	wrdreg $0x0  }
0xa8: {  	s5 =	sshll.u32 s28, $0x1;
	[dreg:$0x2] =	wrdreg s3  }
0xa9: {  	[dreg:$0x3] =	wrdreg s5  }
0xaa: {  	[dreg:$0x4] =	wrdreg $0xC0  }
0xab: {  	_ =	task [dreg:s7], $0x5FFFF  }
0xac: {  	[dreg:$0x1] =	wrdreg $0xFFFFFFFF  }
0xad: {  	[dreg:$0x0] =	wrdreg $0x60  }
0xae: {  	[dreg:$0x2] =	wrdreg s24  }
0xaf: {  	[dreg:$0x3] =	wrdreg s2  }
0xb0: {  	[dreg:$0x4] =	wrdreg $0xA8000  }
0xb1: {  	[dreg:$0x5] =	wrdreg $0x9  }
0xb2: {  	_ =	task.clear_ibuf [dreg:s7], $0x6FFFF;
	_ =	strace $0x9000004F  }
0xb3: {  	s29 =	simm.s32 $0x9;
	_ =	strace $0x80000051  }
0xb4: {  	_ =	swait.ge [sflag:s29], $0x1  }
0xb5: {  	[sflag:s29] =	ssyncadd.s32 $0xFFFFFFFF  }
0xb6: {  	_ =	strace $0x90000051  }
0xb7: {  	_ =	sfence  }
0xb8: {  	s30 =	sld [smem:$0x0];
	_ =	sdelay $0x2  }
0xb9: {  	s31 =	sshll.u32 s1, $0xD;
	s1 =	sshrl.u32 s1, $0x2  }
0xba: {  	s3 =	sand.u32 $0x4000, s31;
	s1 =	sadd.s32 s1, s30  }
0xbb: {  	s0 =	sor.u32 s3, s0;
	s1 =	sshll.u32 s1, $0x11  }
0xbc: {  	s0 =	sor.u32 s1, s0  }
0xbd: {  	s0 =	sadd.s32 $0x8F2B, s0  }
0xbe: {  	[sflag:s0] =	ssyncadd.remote.s32 $0x1  }
0xbf: {  	_ =	sfence.sel $0xFFFF  }
0xc0: {  	[dreg:$0x0] =	wrdreg $0xFFFFFFFF;
	(pc) =	sbr.abs _section_cstart, $3  }
0xc1: {  	[dreg:$0x1] =	wrdreg $0xFFFFFFFF  }
0xc2: {  	_ =	task.clear_ibuf [dreg:s7], $0x2FFFF;
	_ =	strace $0x9FFFFFFF  }
0xc3: {  	(tm) =	ssettm $0x7FFFFFFF  }
tec
execute0_lowered:
.L_overlay_start_1:
0x0: {  	(tag) =	ssettag $0x1  }
0x1: {  	s0 =	rddreg [dreg:$0x0]  }
0x2: {  	s2 =	rddreg [dreg:$0x2]  }
0x3: {  	s1 =	srdreg.scid;
	s4 =	simm.s32 $0x0;
	s11 =	stileid.u32  }
0x4: {  	s28 =	simm.s32 $0x2;
	s29 =	simm.s32 $0x2600;
	s30 =	simm.s32 $0x1300  }
0x5: {  	s31 =	simm.s32 $0x2680;
	s1 =	sand.u32 $0x1, s1;
	[smem:$0x7FF] =	sst s4  }
0x6: {  	s5 =	sadd.s32 $0x17800, s0;
	s6 =	sadd.s32 $0x3800, s0;
	s9 =	smul.u32 $0x50000, s11  }
0x7: {  	s7 =	sadd.s32 $0xD800, s0;
	s13 =	smul.u32 $0x14000, s11;
	s0 =	sadd.s32 $0x3F800, s0  }
0x8: {  	s3 =	sshll.u32 s1, $0x4;
	_ =	strace $0x80000050;
	s8 =	ssub.s32 $0x2, s1  }
0x9: {  	s1 =	smul.u32 $0x140000, s1;
	s3 =	sor.u32 s11, s3;
	s10 =	sshrl.u32 s8, $0x1  }
0xa: {  	s22 =	sshrl.u32 s9, $0x2;
	s14 =	sadd.s32 $0x4000, s13;
	s17 =	sadd.s32 $0x8000, s13  }
0xb: {  	s18 =	sadd.s32 $0xC000, s13;
	s3 =	smul.u32 $0x2800, s3;
	s20 =	ssub.s32 s8, s10  }
0xc: {  	s8 =	sadd.s32 s22, s2;
	s9 =	sadd.s32 s14, s2;
	s10 =	sadd.s32 s17, s2  }
0xd: {  	s11 =	sadd.s32 s18, s2;
	s14 =	sadd.s32 s1, s14;
	s25 =	sadd.s32 s1, s17  }
0xe: {  	s26 =	sadd.s32 s1, s18;
	s22 =	simm.s32 $0x1400;
	s3 =	sshrl.u32 s3, $0x3  }
0xf: {  	s24 =	sshrl.u32 s14, $0x3;
	s20 =	smax.u32 s20, $0x1;
	s19 =	sadd.s32 s6, s3  }
0x10: {  	s16 =	sadd.s32 s0, s24;
	s21 =	sadd.s32 s7, s3;
	[dreg:$0x4] =	wrdreg s19  }
0x11: {  	s24 =	simm.s32 $0x6800;
	s3 =	sadd.s32 $0x280, s3;
	[dreg:$0x5] =	wrdreg s21  }
0x12: {  	s19 =	sadd.s32 $0x10000, s13;
	s13 =	sadd.s32 s13, s1;
	s6 =	sadd.s32 s6, s3  }
0x13: {  	s3 =	sadd.s32 s7, s3;
	s21 =	simm.s32 $0x3;
	[dreg:$0x6] =	wrdreg s6  }
0x14: {  	s12 =	sadd.s32 s19, s2;
	s23 =	sshrl.u32 s13, $0x3;
	[dreg:$0x7] =	wrdreg s3  }
0x15: {  	s1 =	sadd.s32 s1, s19;
	s3 =	sshrl.u32 s25, $0x3;
	s6 =	sshrl.u32 s26, $0x3  }
0x16: {  	s25 =	simm.s32 $0x2800;
	s26 =	simm.s32 $0x1;
	s15 =	sadd.s32 s0, s23  }
0x17: {  	s1 =	sshrl.u32 s1, $0x3;
	s17 =	sadd.s32 s0, s3;
	s18 =	sadd.s32 s0, s6  }
0x18: {  	s23 =	simm.s32 $0x80;
	s3 =	simm.s32 $0x2700;
	s6 =	simm.s32 $0x0  }
0x19: {  	s19 =	sadd.s32 s0, s1;
	s0 =	simm.s32 $0x1380;
	s1 =	simm.s32 $0x2780  }
.LBB2_1:
0x1a: {  	s7 =	rddreg [dreg:$0x4]  }
0x1b: {  	[tilespmem:s4], [sflag:$0x3] =	stream.linear.gather [hbm4b:s7+s4], $0x1400, $0x38;
	[tilespmem:$0x1E800] =	vst v63  }
0x1c: {  	_ =	swait.ge [sflag:s21], $0x1400  }
0x1d: {  	[sflag:s21] =	ssyncset.done $0x0  }
0x1e: {  	s14 =	rddreg [dreg:$0x5];
	[sflag:s21] =	ssyncadd.s32 $0xFFFFEC00  }
0x1f: {  	[tilespmem:s22], [sflag:$0x3] =	stream.linear.gather [hbm4b:s14+s4], $0x1400, $0x38;
	[tilespmem:$0x1E800] =	vst v63  }
0x20: {  	_ =	swait.ge [sflag:s21], $0x1400  }
0x21: {  	[sflag:s21] =	ssyncset.done $0x0  }
0x22: {  	[sflag:s21] =	ssyncadd.s32 $0xFFFFEC00  }
0x23: {  	[tilespmem:s24], [sflag:$0x2] =	stream.indirect.gather [hbm4b:s5+s23], $0x80, s23, s23, $0xb8;
	[tilespmem:$0x1E800] =	vst v63  }
0x24: {  	s13 =	rddreg [dreg:$0x1]  }
0x25: {  	[tilespmem:s25], [sflag:$0x3] =	stream.linear.gather [hbm4b:s13+s4], $0x4000, $0x38;
	[tilespmem:$0x1E800] =	vst v63  }
0x26: {  	_ =	swait.ge [sflag:s21], $0x4000  }
0x27: {  	[sflag:s21] =	ssyncset.done $0x0  }
0x28: {  	[sflag:s21] =	ssyncadd.s32 $0xFFFFC000  }
0x29: {  	[spmem:s8] =	stream.linear.scatter [tilespmem:s25], [sflag:$0x3], $0x4000, $0x38;
	[tilespmem:$0x1E800] =	vst v63  }
0x2a: {  	_ =	swait.ge [sflag:s21], $0x4000  }
0x2b: {  	[sflag:s21] =	ssyncset.done $0x0  }
0x2c: {  	[sflag:s21] =	ssyncadd.s32 $0xFFFFC000  }
0x2d: {  	[spmem:s9] =	stream.linear.scatter [tilespmem:s25], [sflag:$0x3], $0x4000, $0x38;
	[tilespmem:$0x1E800] =	vst v63  }
0x2e: {  	_ =	swait.ge [sflag:s21], $0x4000  }
0x2f: {  	[sflag:s21] =	ssyncset.done $0x0  }
0x30: {  	[sflag:s21] =	ssyncadd.s32 $0xFFFFC000  }
0x31: {  	[spmem:s10] =	stream.linear.scatter [tilespmem:s25], [sflag:$0x3], $0x4000, $0x38;
	[tilespmem:$0x1E800] =	vst v63  }
0x32: {  	_ =	swait.ge [sflag:s21], $0x4000  }
0x33: {  	[sflag:s21] =	ssyncset.done $0x0  }
0x34: {  	[sflag:s21] =	ssyncadd.s32 $0xFFFFC000  }
0x35: {  	[spmem:s11] =	stream.linear.scatter [tilespmem:s25], [sflag:$0x3], $0x4000, $0x38;
	[tilespmem:$0x1E800] =	vst v63  }
0x36: {  	_ =	swait.ge [sflag:s21], $0x4000  }
0x37: {  	[sflag:s21] =	ssyncset.done $0x0  }
0x38: {  	[sflag:s21] =	ssyncadd.s32 $0xFFFFC000  }
0x39: {  	[spmem:s12] =	stream.linear.scatter [tilespmem:s25], [sflag:$0x3], $0x4000, $0x38;
	[tilespmem:$0x1E800] =	vst v63  }
0x3a: {  	_ =	swait.ge [sflag:s21], $0x4000  }
0x3b: {  	[sflag:s21] =	ssyncset.done $0x0  }
0x3c: {  	[sflag:s21] =	ssyncadd.s32 $0xFFFFC000  }
0x3d: {  	[tilespmem:s25], [sflag:$0x1] =	stream.indirect.gather [hbm4b:s5+s23], $0x80, s4, s23, $0xb8;
	[tilespmem:$0x1E800] =	vst v63  }
0x3e: {  	[bflag:$0x0] =	sbarrier.arrive $0xFFFF  }
0x3f: {  	_ =	swait.ge [sflag:s26], $0x4000  }
0x40: {  	[sflag:s26] =	ssyncset.done $0x0  }
0x41: {  	s14 =	simm.s32 $0x1400;
	[sflag:s26] =	ssyncadd.s32 $0xFFFFC000  }
0x42: {  	[spmem:s2] =	stream.indirect.scatter.add.f32 [tilespmem:s25], [sflag:$0x3], $0x80, s14, s23, $0xb8;
	[tilespmem:$0x1E800] =	vst v63  }
0x43: {  	_ =	swait.ge [sflag:s21], $0x4000  }
0x44: {  	[sflag:s21] =	ssyncset.done $0x0  }
0x45: {  	s13 =	simm.s32 $0x100;
	[sflag:s21] =	ssyncadd.s32 $0xFFFFC000  }
0x46: {  	[tilespmem:s25], [sflag:$0x1] =	stream.indirect.gather [hbm4b:s5+s23], $0x80, s13, s23, $0xb8;
	[tilespmem:$0x1E800] =	vst v63  }
0x47: {  	_ =	swait.ge [sflag:s28], $0x4000  }
0x48: {  	[sflag:s28] =	ssyncset.done $0x0  }
0x49: {  	s14 =	simm.s32 $0x1480;
	[sflag:s28] =	ssyncadd.s32 $0xFFFFC000  }
0x4a: {  	[spmem:s2] =	stream.indirect.scatter.add.f32 [tilespmem:s24], [sflag:$0x3], $0x80, s14, s23, $0xb8;
	[tilespmem:$0x1E800] =	vst v63  }
0x4b: {  	_ =	swait.ge [sflag:s21], $0x4000  }
0x4c: {  	[sflag:s21] =	ssyncset.done $0x0  }
0x4d: {  	s7 =	simm.s32 $0x400;
	s13 =	simm.s32 $0x180;
	[sflag:s21] =	ssyncadd.s32 $0xFFFFC000  }
.LBB2_2:
0x4e: {  	[tilespmem:s24], [sflag:$0x2] =	stream.indirect.gather [hbm4b:s5+s23], $0x80, s13, s23, $0xb8;
	[tilespmem:$0x1E800] =	vst v63  }
0x4f: {  	s13 =	smov.u32 s7  }
0x50: {  	p0 =	sne.s32 s7, $0x4400;
	s7 =	sadd.s32 $0x400, s7;
	_ =	swait.ge [sflag:s26], $0x4000  }
0x51: {  	s13 =	sshra.s32 s13, $0x2;
	[sflag:s26] =	ssyncset.done $0x0  }
0x52: {  	s14 =	sadd.s32 $0x1400, s13;
	[sflag:s26] =	ssyncadd.s32 $0xFFFFC000  }
0x53: {  	[spmem:s2] =	stream.indirect.scatter.add.f32 [tilespmem:s25], [sflag:$0x3], $0x80, s14, s23, $0xb8;
	[tilespmem:$0x1E800] =	vst v63  }
0x54: {  	_ =	swait.ge [sflag:s21], $0x4000  }
0x55: {  	[sflag:s21] =	ssyncset.done $0x0  }
0x56: {  	s14 =	sadd.s32 $0x100, s13;
	[sflag:s21] =	ssyncadd.s32 $0xFFFFC000  }
0x57: {  	[tilespmem:s25], [sflag:$0x1] =	stream.indirect.gather [hbm4b:s5+s23], $0x80, s14, s23, $0xb8;
	[tilespmem:$0x1E800] =	vst v63  }
0x58: {  	_ =	swait.ge [sflag:s28], $0x4000  }
0x59: {  	[sflag:s28] =	ssyncset.done $0x0  }
.Ltmp0:
0x5a: {  	s14 =	sadd.s32 $0x1480, s13;
	[sflag:s28] =	ssyncadd.s32 $0xFFFFC000;
	(pc) =	sbr.rel @p0 .LBB2_2-.Ltmp0, $4  }
0x5b: {  	[spmem:s2] =	stream.indirect.scatter.add.f32 [tilespmem:s24], [sflag:$0x3], $0x80, s14, s23, $0xb8;
	[tilespmem:$0x1E800] =	vst v63  }
0x5c: {  	_ =	swait.ge [sflag:s21], $0x4000  }
0x5d: {  	[sflag:s21] =	ssyncset.done $0x0  }
0x5e: {  	s13 =	sadd.s32 $0x180, s13;
	[sflag:s21] =	ssyncadd.s32 $0xFFFFC000  }
0x5f: {  	[tilespmem:s24], [sflag:$0x2] =	stream.indirect.gather [hbm4b:s5+s23], $0x80, s13, s23, $0xb8;
	[tilespmem:$0x1E800] =	vst v63  }
0x60: {  	_ =	swait.ge [sflag:s26], $0x4000  }
0x61: {  	[sflag:s26] =	ssyncset.done $0x0  }
0x62: {  	[sflag:s26] =	ssyncadd.s32 $0xFFFFC000  }
0x63: {  	[spmem:s2] =	stream.indirect.scatter.add.f32 [tilespmem:s25], [sflag:$0x3], $0x80, s29, s23, $0xb8;
	[tilespmem:$0x1E800] =	vst v63  }
0x64: {  	_ =	swait.ge [sflag:s21], $0x4000  }
0x65: {  	[sflag:s21] =	ssyncset.done $0x0  }
0x66: {  	[sflag:s21] =	ssyncadd.s32 $0xFFFFC000  }
0x67: {  	[tilespmem:s25], [sflag:$0x1] =	stream.indirect.gather [hbm4b:s5+s23], $0x80, s30, s23, $0xb8;
	[tilespmem:$0x1E800] =	vst v63  }
0x68: {  	_ =	swait.ge [sflag:s28], $0x4000  }
0x69: {  	[sflag:s28] =	ssyncset.done $0x0  }
0x6a: {  	[sflag:s28] =	ssyncadd.s32 $0xFFFFC000  }
0x6b: {  	[spmem:s2] =	stream.indirect.scatter.add.f32 [tilespmem:s24], [sflag:$0x3], $0x80, s31, s23, $0xb8;
	[tilespmem:$0x1E800] =	vst v63  }
0x6c: {  	_ =	swait.ge [sflag:s21], $0x4000  }
0x6d: {  	[sflag:s21] =	ssyncset.done $0x0  }
0x6e: {  	[sflag:s21] =	ssyncadd.s32 $0xFFFFC000  }
0x6f: {  	[tilespmem:s24], [sflag:$0x2] =	stream.indirect.gather [hbm4b:s5+s23], $0x80, s0, s23, $0xb8;
	[tilespmem:$0x1E800] =	vst v63  }
0x70: {  	_ =	swait.ge [sflag:s26], $0x4000  }
0x71: {  	[sflag:s26] =	ssyncset.done $0x0  }
0x72: {  	[sflag:s26] =	ssyncadd.s32 $0xFFFFC000  }
0x73: {  	[spmem:s2] =	stream.indirect.scatter.add.f32 [tilespmem:s25], [sflag:$0x3], $0x80, s3, s23, $0xb8;
	[tilespmem:$0x1E800] =	vst v63  }
0x74: {  	_ =	swait.ge [sflag:s21], $0x4000  }
0x75: {  	[sflag:s21] =	ssyncset.done $0x0  }
0x76: {  	[sflag:s21] =	ssyncadd.s32 $0xFFFFC000  }
0x77: {  	[tilespmem:s25], [sflag:$0x1] =	stream.indirect.gather [hbm4b:s5+s23], $0x80, s0, s23, $0xb8;
	[tilespmem:$0x1E800] =	vst v63  }
0x78: {  	_ =	swait.ge [sflag:s28], $0x4000  }
0x79: {  	[sflag:s28] =	ssyncset.done $0x0  }
0x7a: {  	[sflag:s28] =	ssyncadd.s32 $0xFFFFC000  }
0x7b: {  	[spmem:s2] =	stream.indirect.scatter.add.f32 [tilespmem:s24], [sflag:$0x3], $0x80, s1, s23, $0xb8;
	[tilespmem:$0x1E800] =	vst v63  }
0x7c: {  	_ =	swait.ge [sflag:s21], $0x4000  }
0x7d: {  	[sflag:s21] =	ssyncset.done $0x0  }
0x7e: {  	[sflag:s21] =	ssyncadd.s32 $0xFFFFC000  }
0x7f: {  	[tilespmem:s24], [sflag:$0x2] =	stream.indirect.gather [hbm4b:s5+s23], $0x80, s0, s23, $0xb8;
	[tilespmem:$0x1E800] =	vst v63  }
0x80: {  	_ =	swait.ge [sflag:s26], $0x4000  }
0x81: {  	[sflag:s26] =	ssyncset.done $0x0  }
0x82: {  	[sflag:s26] =	ssyncadd.s32 $0xFFFFC000  }
0x83: {  	_ =	swait.ge [sflag:s28], $0x4000  }
0x84: {  	[sflag:s28] =	ssyncset.done $0x0  }
0x85: {  	s7 =	simm.s32 $0x0;
	s14 =	rddreg [dreg:$0x6];
	[sflag:s28] =	ssyncadd.s32 $0xFFFFC000  }
0x86: {  	[tilespmem:s7], [sflag:$0x3] =	stream.linear.gather [hbm4b:s14+s7], $0x1400, $0x38;
	[tilespmem:$0x1E800] =	vst v63  }
0x87: {  	_ =	swait.ge [sflag:s21], $0x1400  }
0x88: {  	[sflag:s21] =	ssyncset.done $0x0  }
0x89: {  	s14 =	rddreg [dreg:$0x7];
	[sflag:s21] =	ssyncadd.s32 $0xFFFFEC00  }
0x8a: {  	[tilespmem:s22], [sflag:$0x3] =	stream.linear.gather [hbm4b:s14+s7], $0x1400, $0x38;
	[tilespmem:$0x1E800] =	vst v63  }
0x8b: {  	_ =	swait.ge [sflag:s21], $0x1400  }
0x8c: {  	[sflag:s21] =	ssyncset.done $0x0  }
0x8d: {  	[sflag:s21] =	ssyncadd.s32 $0xFFFFEC00  }
0x8e: {  	[tilespmem:s25], [sflag:$0x1] =	stream.indirect.gather [hbm4b:s5+s23], $0x80, s7, s23, $0xb8;
	[tilespmem:$0x1E800] =	vst v63  }
0x8f: {  	_ = 	snop  }
0x90: {  	[tilespmem:s24], [sflag:$0x2] =	stream.indirect.gather [hbm4b:s5+s23], $0x80, s23, s23, $0xb8;
	[tilespmem:$0x1E800] =	vst v63  }
0x91: {  	_ =	swait.ge [sflag:s26], $0x4000  }
0x92: {  	[sflag:s26] =	ssyncset.done $0x0  }
0x93: {  	s14 =	simm.s32 $0x1400;
	[sflag:s26] =	ssyncadd.s32 $0xFFFFC000  }
0x94: {  	[spmem:s2] =	stream.indirect.scatter.add.f32 [tilespmem:s25], [sflag:$0x3], $0x80, s14, s23, $0xb8;
	[tilespmem:$0x1E800] =	vst v63  }
0x95: {  	_ =	swait.ge [sflag:s21], $0x4000  }
0x96: {  	[sflag:s21] =	ssyncset.done $0x0  }
0x97: {  	s13 =	simm.s32 $0x100;
	[sflag:s21] =	ssyncadd.s32 $0xFFFFC000  }
0x98: {  	[tilespmem:s25], [sflag:$0x1] =	stream.indirect.gather [hbm4b:s5+s23], $0x80, s13, s23, $0xb8;
	[tilespmem:$0x1E800] =	vst v63  }
0x99: {  	_ =	swait.ge [sflag:s28], $0x4000  }
0x9a: {  	[sflag:s28] =	ssyncset.done $0x0  }
0x9b: {  	s14 =	simm.s32 $0x1480;
	[sflag:s28] =	ssyncadd.s32 $0xFFFFC000  }
0x9c: {  	[spmem:s2] =	stream.indirect.scatter.add.f32 [tilespmem:s24], [sflag:$0x3], $0x80, s14, s23, $0xb8;
	[tilespmem:$0x1E800] =	vst v63  }
0x9d: {  	_ =	swait.ge [sflag:s21], $0x4000  }
0x9e: {  	[sflag:s21] =	ssyncset.done $0x0  }
0x9f: {  	s7 =	simm.s32 $0x400;
	s13 =	simm.s32 $0x180;
	[sflag:s21] =	ssyncadd.s32 $0xFFFFC000  }
.LBB2_4:
0xa0: {  	[tilespmem:s24], [sflag:$0x2] =	stream.indirect.gather [hbm4b:s5+s23], $0x80, s13, s23, $0xb8;
	[tilespmem:$0x1E800] =	vst v63  }
0xa1: {  	s13 =	smov.u32 s7  }
0xa2: {  	p0 =	sne.s32 s7, $0x4400;
	s7 =	sadd.s32 $0x400, s7;
	_ =	swait.ge [sflag:s26], $0x4000  }
0xa3: {  	s13 =	sshra.s32 s13, $0x2;
	[sflag:s26] =	ssyncset.done $0x0  }
0xa4: {  	s14 =	sadd.s32 $0x1400, s13;
	[sflag:s26] =	ssyncadd.s32 $0xFFFFC000  }
0xa5: {  	[spmem:s2] =	stream.indirect.scatter.add.f32 [tilespmem:s25], [sflag:$0x3], $0x80, s14, s23, $0xb8;
	[tilespmem:$0x1E800] =	vst v63  }
0xa6: {  	_ =	swait.ge [sflag:s21], $0x4000  }
0xa7: {  	[sflag:s21] =	ssyncset.done $0x0  }
0xa8: {  	s14 =	sadd.s32 $0x100, s13;
	[sflag:s21] =	ssyncadd.s32 $0xFFFFC000  }
0xa9: {  	[tilespmem:s25], [sflag:$0x1] =	stream.indirect.gather [hbm4b:s5+s23], $0x80, s14, s23, $0xb8;
	[tilespmem:$0x1E800] =	vst v63  }
0xaa: {  	_ =	swait.ge [sflag:s28], $0x4000  }
0xab: {  	[sflag:s28] =	ssyncset.done $0x0  }
.Ltmp1:
0xac: {  	s14 =	sadd.s32 $0x1480, s13;
	[sflag:s28] =	ssyncadd.s32 $0xFFFFC000;
	(pc) =	sbr.rel @p0 .LBB2_4-.Ltmp1, $4  }
0xad: {  	[spmem:s2] =	stream.indirect.scatter.add.f32 [tilespmem:s24], [sflag:$0x3], $0x80, s14, s23, $0xb8;
	[tilespmem:$0x1E800] =	vst v63  }
0xae: {  	_ =	swait.ge [sflag:s21], $0x4000  }
0xaf: {  	[sflag:s21] =	ssyncset.done $0x0  }
0xb0: {  	s13 =	sadd.s32 $0x180, s13;
	[sflag:s21] =	ssyncadd.s32 $0xFFFFC000  }
0xb1: {  	[tilespmem:s24], [sflag:$0x2] =	stream.indirect.gather [hbm4b:s5+s23], $0x80, s13, s23, $0xb8;
	[tilespmem:$0x1E800] =	vst v63  }
0xb2: {  	_ =	swait.ge [sflag:s26], $0x4000  }
0xb3: {  	[sflag:s26] =	ssyncset.done $0x0  }
0xb4: {  	[sflag:s26] =	ssyncadd.s32 $0xFFFFC000  }
0xb5: {  	[spmem:s2] =	stream.indirect.scatter.add.f32 [tilespmem:s25], [sflag:$0x3], $0x80, s29, s23, $0xb8;
	[tilespmem:$0x1E800] =	vst v63  }
0xb6: {  	_ =	swait.ge [sflag:s21], $0x4000  }
0xb7: {  	[sflag:s21] =	ssyncset.done $0x0  }
0xb8: {  	[sflag:s21] =	ssyncadd.s32 $0xFFFFC000  }
0xb9: {  	[tilespmem:s25], [sflag:$0x1] =	stream.indirect.gather [hbm4b:s5+s23], $0x80, s30, s23, $0xb8;
	[tilespmem:$0x1E800] =	vst v63  }
0xba: {  	_ =	swait.ge [sflag:s28], $0x4000  }
0xbb: {  	[sflag:s28] =	ssyncset.done $0x0  }
0xbc: {  	[sflag:s28] =	ssyncadd.s32 $0xFFFFC000  }
0xbd: {  	[spmem:s2] =	stream.indirect.scatter.add.f32 [tilespmem:s24], [sflag:$0x3], $0x80, s31, s23, $0xb8;
	[tilespmem:$0x1E800] =	vst v63  }
0xbe: {  	_ =	swait.ge [sflag:s21], $0x4000  }
0xbf: {  	[sflag:s21] =	ssyncset.done $0x0  }
0xc0: {  	[sflag:s21] =	ssyncadd.s32 $0xFFFFC000  }
0xc1: {  	[tilespmem:s24], [sflag:$0x2] =	stream.indirect.gather [hbm4b:s5+s23], $0x80, s0, s23, $0xb8;
	[tilespmem:$0x1E800] =	vst v63  }
0xc2: {  	_ =	swait.ge [sflag:s26], $0x4000  }
0xc3: {  	[sflag:s26] =	ssyncset.done $0x0  }
0xc4: {  	[sflag:s26] =	ssyncadd.s32 $0xFFFFC000  }
0xc5: {  	[spmem:s2] =	stream.indirect.scatter.add.f32 [tilespmem:s25], [sflag:$0x3], $0x80, s3, s23, $0xb8;
	[tilespmem:$0x1E800] =	vst v63  }
0xc6: {  	_ =	swait.ge [sflag:s21], $0x4000  }
0xc7: {  	[sflag:s21] =	ssyncset.done $0x0  }
0xc8: {  	[sflag:s21] =	ssyncadd.s32 $0xFFFFC000  }
0xc9: {  	[tilespmem:s25], [sflag:$0x1] =	stream.indirect.gather [hbm4b:s5+s23], $0x80, s0, s23, $0xb8;
	[tilespmem:$0x1E800] =	vst v63  }
0xca: {  	_ =	swait.ge [sflag:s28], $0x4000  }
0xcb: {  	[sflag:s28] =	ssyncset.done $0x0  }
0xcc: {  	[sflag:s28] =	ssyncadd.s32 $0xFFFFC000  }
0xcd: {  	[spmem:s2] =	stream.indirect.scatter.add.f32 [tilespmem:s24], [sflag:$0x3], $0x80, s1, s23, $0xb8;
	[tilespmem:$0x1E800] =	vst v63  }
0xce: {  	_ =	swait.ge [sflag:s21], $0x4000  }
0xcf: {  	[sflag:s21] =	ssyncset.done $0x0  }
0xd0: {  	[sflag:s21] =	ssyncadd.s32 $0xFFFFC000  }
0xd1: {  	[tilespmem:s24], [sflag:$0x2] =	stream.indirect.gather [hbm4b:s5+s23], $0x80, s0, s23, $0xb8;
	[tilespmem:$0x1E800] =	vst v63  }
0xd2: {  	_ =	swait.ge [sflag:s26], $0x4000  }
0xd3: {  	[sflag:s26] =	ssyncset.done $0x0  }
0xd4: {  	[sflag:s26] =	ssyncadd.s32 $0xFFFFC000  }
0xd5: {  	_ =	swait.ge [sflag:s28], $0x4000  }
0xd6: {  	[sflag:s28] =	ssyncset.done $0x0  }
0xd7: {  	[sflag:s28] =	ssyncadd.s32 $0xFFFFC000  }
0xd8: {  	[bflag:$0x0] =	sbarrier.arrive $0xFFFF  }
0xd9: {  	[tilespmem:s25], [sflag:$0x3] =	stream.linear.gather [spmem:s8], $0x4000, $0x38;
	[tilespmem:$0x1E800] =	vst v63  }
0xda: {  	_ =	swait.ge [sflag:s21], $0x4000  }
0xdb: {  	[sflag:s21] =	ssyncset.done $0x0  }
0xdc: {  	[sflag:s21] =	ssyncadd.s32 $0xFFFFC000  }
0xdd: {  	[hbm4b:s15+s4] =	stream.linear.scatter [tilespmem:s25], [sflag:$0x3], $0x4000, $0x38;
	[tilespmem:$0x1E800] =	vst v63  }
0xde: {  	_ =	swait.ge [sflag:s21], $0x4000  }
0xdf: {  	[sflag:s21] =	ssyncset.done $0x0  }
0xe0: {  	[sflag:s21] =	ssyncadd.s32 $0xFFFFC000  }
0xe1: {  	[tilespmem:s25], [sflag:$0x3] =	stream.linear.gather [spmem:s9], $0x4000, $0x38;
	[tilespmem:$0x1E800] =	vst v63  }
0xe2: {  	_ =	swait.ge [sflag:s21], $0x4000  }
0xe3: {  	[sflag:s21] =	ssyncset.done $0x0  }
0xe4: {  	[sflag:s21] =	ssyncadd.s32 $0xFFFFC000  }
0xe5: {  	[hbm4b:s16+s4] =	stream.linear.scatter [tilespmem:s25], [sflag:$0x3], $0x4000, $0x38;
	[tilespmem:$0x1E800] =	vst v63  }
0xe6: {  	_ =	swait.ge [sflag:s21], $0x4000  }
0xe7: {  	[sflag:s21] =	ssyncset.done $0x0  }
0xe8: {  	[sflag:s21] =	ssyncadd.s32 $0xFFFFC000  }
0xe9: {  	[tilespmem:s25], [sflag:$0x3] =	stream.linear.gather [spmem:s10], $0x4000, $0x38;
	[tilespmem:$0x1E800] =	vst v63  }
0xea: {  	_ =	swait.ge [sflag:s21], $0x4000  }
0xeb: {  	[sflag:s21] =	ssyncset.done $0x0  }
0xec: {  	[sflag:s21] =	ssyncadd.s32 $0xFFFFC000  }
0xed: {  	[hbm4b:s17+s4] =	stream.linear.scatter [tilespmem:s25], [sflag:$0x3], $0x4000, $0x38;
	[tilespmem:$0x1E800] =	vst v63  }
0xee: {  	_ =	swait.ge [sflag:s21], $0x4000  }
0xef: {  	[sflag:s21] =	ssyncset.done $0x0  }
0xf0: {  	[sflag:s21] =	ssyncadd.s32 $0xFFFFC000  }
0xf1: {  	[tilespmem:s25], [sflag:$0x3] =	stream.linear.gather [spmem:s11], $0x4000, $0x38;
	[tilespmem:$0x1E800] =	vst v63  }
0xf2: {  	_ =	swait.ge [sflag:s21], $0x4000  }
0xf3: {  	[sflag:s21] =	ssyncset.done $0x0  }
0xf4: {  	[sflag:s21] =	ssyncadd.s32 $0xFFFFC000  }
0xf5: {  	[hbm4b:s18+s4] =	stream.linear.scatter [tilespmem:s25], [sflag:$0x3], $0x4000, $0x38;
	[tilespmem:$0x1E800] =	vst v63  }
0xf6: {  	_ =	swait.ge [sflag:s21], $0x4000  }
0xf7: {  	[sflag:s21] =	ssyncset.done $0x0  }
0xf8: {  	[sflag:s21] =	ssyncadd.s32 $0xFFFFC000  }
0xf9: {  	[tilespmem:s25], [sflag:$0x3] =	stream.linear.gather [spmem:s12], $0x4000, $0x38;
	[tilespmem:$0x1E800] =	vst v63  }
0xfa: {  	s6 =	sadd.s32 $0x1, s6;
	_ =	swait.ge [sflag:s21], $0x4000  }
0xfb: {  	p0 =	sne.s32 s6, s20;
	[sflag:s21] =	ssyncset.done $0x0  }
.Ltmp2:
0xfc: {  	[sflag:s21] =	ssyncadd.s32 $0xFFFFC000;
	(pc) =	sbr.rel @p0 .LBB2_1-.Ltmp2, $4  }
0xfd: {  	[hbm4b:s19+s4] =	stream.linear.scatter [tilespmem:s25], [sflag:$0x3], $0x4000, $0x38;
	[tilespmem:$0x1E800] =	vst v63  }
0xfe: {  	_ =	swait.ge [sflag:s21], $0x4000  }
0xff: {  	[sflag:s21] =	ssyncset.done $0x0  }
0x100: {  	[sflag:s21] =	ssyncadd.s32 $0xFFFFC000  }
0x101: {  	_ =	sfence.sel $0x180000  }
0x102: {  	[bflag:$0x0] =	sbarrier.arrive $0xFFFF  }
0x103: {  	_ =	strace $0x90000050  }
0x104: {  	s0 =	stileid.u32;
	[bflag:$0x2] =	sbarrier.arrive $0xFFFF  }
0x105: {  	p0 =	sne.s32 s0, $0x0;
	s0 =	rddreg [dreg:$0x3]  }
0x106: {  	s0 =	sadd.s32 @!p0 $0x100000, s0  }
0x107: {  	[sflag:s0] =	ssyncadd.tile.s32 @!p0 $0x1;
	_ =	shalt  }
.Lfunc_end2:
_tile_overlayer_lowered:
.L_overlay_start_2:
0x108: {  	(tag) =	ssettag $0x2  }
0x109: {  	s0 =	rddreg [dreg:$0x0];
	s2 =	stileid.u32  }
0x10a: {  	s1 =	rddreg [dreg:$0x1];
	p0 =	sne.s32 s2, $0x0  }
0x10b: {  	s3 =	rddreg [dreg:$0x2];
	[bflag:$0x3] =	sbarrier.arrive $0xFFFF;
	s2 =	simm.s32 @!p0 $0x1C03  }
0x10c: {  	[timem:s3], [sflag:s2] =	dma.local @!p0 [hbm:s0], s1  }
0x10d: {  	s0 =	simm.s32 @!p0 $0x3  }
0x10e: {  	_ =	swait.ge @!p0 [sflag:s0], s1  }
0x10f: {  	s1 =	ssub.s32 @!p0 $0x0, s1;
	[sflag:s0] =	ssyncset.done @!p0 $0x0  }
0x110: {  	[sflag:s0] =	ssyncadd.s32 @!p0 s1  }
0x111: {  	[bflag:$0x3] =	sbarrier.arrive $0xFFFF  }
0x112: {  	_ =	shalt  }

</sc_bundles>
